<compile_context>
chip_gen: v7x
topology: tpu7x:2x2x1
jax: 0.10.2.dev20260603
libtpu: 0.0.44.dev20260713+nightly
codegen_flags: <defaults>
</compile_context>

<pallas_src>
import functools

import jax
import jax.numpy as jnp
from jax import lax
from jax.experimental import pallas as pl
from jax.experimental.pallas import tpu as pltpu
from jax.experimental.pallas import tpu_sc as plsc

N = 10000
E = 320000
D = 128

NC = 2
NS = 16
NW = NC * NS
EPW = E // NW
CHUNK = 80
NCHUNK = EPW // CHUNK
NBUF = 4
GRP = 8
NPAD = 10240
RPT = NPAD // NS
ZROWS = 32
DEGW = 128

_mesh = plsc.VectorSubcoreMesh(core_axis_name="c", subcore_axis_name="s")


@functools.partial(
    pl.kernel,
    out_type=jax.ShapeDtypeStruct((NC * NPAD, DEGW), jnp.float32),
    mesh=_mesh,
    scratch_types=[
        [pltpu.VMEM((CHUNK,), jnp.int32)] * NBUF,
        pltpu.VMEM((CHUNK, DEGW), jnp.float32),
        pltpu.VMEM((ZROWS, DEGW), jnp.float32),
        pltpu.VMEM_SHARED((NPAD, DEGW), jnp.float32),
        [pltpu.SemaphoreType.DMA] * NBUF,
        [pltpu.SemaphoreType.DMA] * NBUF,
    ],
)
def _sc_degree(dst_hbm, ones_hbm, zeros_hbm, out_hbm, dbufs, ones_v, zbuf,
               acc_sh, isems, ssems):
    c = lax.axis_index("c")
    s = lax.axis_index("s")
    wid = s * NC + c
    ebase = wid * EPW

    pltpu.sync_copy(ones_hbm, ones_v)
    pltpu.sync_copy(zeros_hbm, zbuf)

    base_row = s * RPT
    for j in range(RPT // ZROWS):
        pltpu.sync_copy(zbuf, acc_sh.at[pl.ds(base_row + j * ZROWS, ZROWS)])

    def i_issue(cc, b):
        off = ebase + cc * CHUNK
        return pltpu.async_copy(dst_hbm.at[pl.ds(off, CHUNK)], dbufs[b],
                                isems[b])

    def s_issue(b):
        return pltpu.async_copy(ones_v, acc_sh.at[dbufs[b]], ssems[b],
                                add=True)

    plsc.subcore_barrier()

    def body(g, carry):
        base = g * GRP
        idesc, sdesc = {}, {}
        for b in range(NBUF):
            idesc[b] = i_issue(base + b, b)
        for q in range(GRP // NBUF):
            for b in range(NBUF):
                j = q * NBUF + b
                idesc[j].wait()
                sdesc[j] = s_issue(b)
            for b in range(NBUF):
                j = q * NBUF + b
                sdesc[j].wait()
                if j + NBUF < GRP:
                    idesc[j + NBUF] = i_issue(base + j + NBUF, b)
        return carry

    lax.fori_loop(0, NCHUNK // GRP, body, 0)
    for cc in range(NCHUNK - NCHUNK % GRP, NCHUNK):
        i_issue(cc, 0).wait()
        s_issue(0).wait()
    plsc.subcore_barrier()
    pltpu.sync_copy(acc_sh.at[pl.ds(base_row, RPT)],
                    out_hbm.at[pl.ds(c * NPAD + base_row, RPT)])


@functools.partial(
    pl.kernel,
    out_type=jax.ShapeDtypeStruct((NC * NPAD, D), jnp.float32),
    mesh=_mesh,
    scratch_types=[
        [pltpu.VMEM((CHUNK,), jnp.int32)] * NBUF,
        [pltpu.VMEM((CHUNK,), jnp.int32)] * NBUF,
        [pltpu.VMEM((CHUNK, D), jnp.float32)] * NBUF,
        pltpu.VMEM((ZROWS, D), jnp.float32),
        pltpu.VMEM_SHARED((NPAD, D), jnp.float32),
        [pltpu.SemaphoreType.DMA] * NBUF,
        [pltpu.SemaphoreType.DMA] * NBUF,
        [pltpu.SemaphoreType.DMA] * NBUF,
    ],
)
def _sc_agg(y_hbm, src_hbm, dst_hbm, out_hbm, sbufs, dbufs, rbufs, zbuf,
            acc_sh, isems, gsems, ssems):
    c = lax.axis_index("c")
    s = lax.axis_index("s")
    wid = s * NC + c
    ebase = wid * EPW

    def fill_zeros(r, carry):
        for k in range(D // 16):
            zbuf[r, pl.ds(k * 16, 16)] = jnp.zeros((16,), jnp.float32)
        return carry

    lax.fori_loop(0, ZROWS, fill_zeros, 0)

    base_row = s * RPT
    for j in range(RPT // ZROWS):
        pltpu.sync_copy(zbuf, acc_sh.at[pl.ds(base_row + j * ZROWS, ZROWS)])

    def i_issue(cc, b):
        off = ebase + cc * CHUNK
        return (
            pltpu.async_copy(src_hbm.at[pl.ds(off, CHUNK)], sbufs[b],
                             isems[b]),
            pltpu.async_copy(dst_hbm.at[pl.ds(off, CHUNK)], dbufs[b],
                             isems[b]),
        )

    def g_issue(b):
        return pltpu.async_copy(y_hbm.at[sbufs[b]], rbufs[b], gsems[b])

    def s_issue(b):
        return pltpu.async_copy(rbufs[b], acc_sh.at[dbufs[b]], ssems[b],
                                add=True)

    plsc.subcore_barrier()

    def body(g, carry):
        base = g * GRP
        idesc, gdesc, sdesc = {}, {}, {}
        for b in range(NBUF):
            idesc[b] = i_issue(base + b, b)
        for q in range(GRP // NBUF):
            for b in range(NBUF):
                j = q * NBUF + b
                for d in idesc[j]:
                    d.wait()
                gdesc[j] = g_issue(b)
            for b in range(NBUF):
                j = q * NBUF + b
                gdesc[j].wait()
                sdesc[j] = s_issue(b)
            for b in range(NBUF):
                j = q * NBUF + b
                sdesc[j].wait()
                if j + NBUF < GRP:
                    idesc[j + NBUF] = i_issue(base + j + NBUF, b)
        return carry

    lax.fori_loop(0, NCHUNK // GRP, body, 0)
    for cc in range(NCHUNK - NCHUNK % GRP, NCHUNK):
        for d in i_issue(cc, 0):
            d.wait()
        g_issue(0).wait()
        s_issue(0).wait()
    plsc.subcore_barrier()
    pltpu.sync_copy(acc_sh.at[pl.ds(base_row, RPT)],
                    out_hbm.at[pl.ds(c * NPAD + base_row, RPT)])


_R = 1000


def _tc_mm_body(x_ref, w_ref, h_ref):
    h_ref[...] = jnp.dot(x_ref[...], w_ref[...],
                         preferred_element_type=jnp.float32)


def _tc_mm(x, W1):
    return pl.pallas_call(
        _tc_mm_body,
        grid=(N // _R,),
        in_specs=[
            pl.BlockSpec((_R, D), lambda i: (i, 0)),
            pl.BlockSpec((D, D), lambda i: (0, 0)),
        ],
        out_specs=pl.BlockSpec((_R, D), lambda i: (i, 0)),
        out_shape=jax.ShapeDtypeStruct((N, D), jnp.float32),
    )(x, W1)


def _tc1_body(degp_ref, h_ref, y_ref, dinv_ref):
    deg = degp_ref[0, :, :1] + degp_ref[1, :, :1] + 1.0
    dinv = lax.rsqrt(deg)
    y_ref[...] = h_ref[...] * dinv
    dinv_ref[...] = jnp.broadcast_to(dinv, (_R, DEGW))


def _tc1(degp, h):
    return pl.pallas_call(
        _tc1_body,
        grid=(N // _R,),
        in_specs=[
            pl.BlockSpec((NC, _R, DEGW), lambda i: (0, i, 0)),
            pl.BlockSpec((_R, D), lambda i: (i, 0)),
        ],
        out_specs=[
            pl.BlockSpec((_R, D), lambda i: (i, 0)),
            pl.BlockSpec((_R, DEGW), lambda i: (i, 0)),
        ],
        out_shape=[
            jax.ShapeDtypeStruct((N, D), jnp.float32),
            jax.ShapeDtypeStruct((N, DEGW), jnp.float32),
        ],
    )(degp, h)


def _tc2_body(p_ref, y1_ref, dinv_ref, b1_ref, w2_ref, y2_ref):
    dinv = dinv_ref[...][:, :1]
    agg = p_ref[0] + p_ref[1] + y1_ref[...]
    z = jnp.maximum(agg * dinv + b1_ref[...], 0.0)
    y2_ref[...] = jnp.dot(z, w2_ref[...],
                          preferred_element_type=jnp.float32) * dinv


def _tc2(p1, y1, dinv16, b1, W2):
    return pl.pallas_call(
        _tc2_body,
        grid=(N // _R,),
        in_specs=[
            pl.BlockSpec((NC, _R, D), lambda i: (0, i, 0)),
            pl.BlockSpec((_R, D), lambda i: (i, 0)),
            pl.BlockSpec((_R, DEGW), lambda i: (i, 0)),
            pl.BlockSpec((1, D), lambda i: (0, 0)),
            pl.BlockSpec((D, D), lambda i: (0, 0)),
        ],
        out_specs=pl.BlockSpec((_R, D), lambda i: (i, 0)),
        out_shape=jax.ShapeDtypeStruct((N, D), jnp.float32),
    )(p1, y1, dinv16, b1, W2)


def _tc3_body(p_ref, y2_ref, dinv_ref, b2_ref, out_ref):
    dinv = dinv_ref[...][:, :1]
    out_ref[...] = (p_ref[0] + p_ref[1] + y2_ref[...]) * dinv + b2_ref[...]


def _tc3(p2, y2, dinv16, b2):
    return pl.pallas_call(
        _tc3_body,
        grid=(N // _R,),
        in_specs=[
            pl.BlockSpec((NC, _R, D), lambda i: (0, i, 0)),
            pl.BlockSpec((_R, D), lambda i: (i, 0)),
            pl.BlockSpec((_R, DEGW), lambda i: (i, 0)),
            pl.BlockSpec((1, D), lambda i: (0, 0)),
        ],
        out_specs=pl.BlockSpec((_R, D), lambda i: (i, 0)),
        out_shape=jax.ShapeDtypeStruct((N, D), jnp.float32),
    )(p2, y2, dinv16, b2)


def kernel(x, edge_index, W1, b1, W2, b2):
    src = edge_index[0]
    dst = edge_index[1]
    ones_c = jnp.ones((CHUNK, DEGW), jnp.float32)
    zeros_c = jnp.zeros((ZROWS, DEGW), jnp.float32)
    degp = _sc_degree(dst, ones_c, zeros_c).reshape(NC, NPAD, DEGW)
    h1 = _tc_mm(x, W1)
    y1, dinv16 = _tc1(degp, h1)
    p1 = _sc_agg(y1, src, dst).reshape(NC, NPAD, D)
    y2 = _tc2(p1, y1, dinv16, b1.reshape(1, D), W2)
    p2 = _sc_agg(y2, src, dst).reshape(NC, NPAD, D)
    return _tc3(p2, y2, dinv16, b2.reshape(1, D))

# --- scband reference (transcript-rebuilt; emitter-appended) ---
"""Pipeline reference for scband-gcn-34935263986003 (READ-ONLY COPY).

The authoritative reference and input builder live on the scoring server;
editing this copy changes nothing except your own understanding.
"""

import jax, jax.numpy as jnp
import numpy as np

N_NODES = 10000
N_EDGES = 320000
D_IN = 128
D_HID = 128
D_OUT = 128


def gcn_conv(x, edge_index, W, b):
    # PyG GCNConv: out = D^{-1/2} (A + I) D^{-1/2} X W + b
    n = x.shape[0]
    loop = jnp.arange(n, dtype=edge_index.dtype)
    src = jnp.concatenate([edge_index[0], loop])
    dst = jnp.concatenate([edge_index[1], loop])
    deg = jnp.zeros((n,), dtype=x.dtype).at[dst].add(1.0)
    deg_inv_sqrt = jnp.where(deg > 0, jax.lax.rsqrt(jnp.maximum(deg, 1e-12)), 0.0)
    norm = deg_inv_sqrt[src] * deg_inv_sqrt[dst]
    h = x @ W
    msg = h[src] * norm[:, None]
    out = jnp.zeros((n, W.shape[1]), dtype=x.dtype).at[dst].add(msg)
    return out + b


def setup_inputs(seed: int = 0) -> dict:
    key = jax.random.key(seed)
    k1, k2, k3, k4 = jax.random.split(key, 4)
    x = jax.random.normal(k1, (N_NODES, D_IN), dtype=jnp.float32)
    edge_index = jax.random.randint(k2, (2, N_EDGES), 0, N_NODES, dtype=jnp.int32)
    W1 = jax.random.normal(k3, (D_IN, D_HID), dtype=jnp.float32) * (1.0 / np.sqrt(D_IN))
    b1 = jnp.zeros((D_HID,), dtype=jnp.float32)
    W2 = jax.random.normal(k4, (D_HID, D_OUT), dtype=jnp.float32) * (1.0 / np.sqrt(D_HID))
    b2 = jnp.zeros((D_OUT,), dtype=jnp.float32)
    return {"x": x, "edge_index": edge_index, "W1": W1, "b1": b1, "W2": W2, "b2": b2}


def reference(x, edge_index, W1, b1, W2, b2):
    h = jax.nn.relu(gcn_conv(x, edge_index, W1, b1))
    out = gcn_conv(h, edge_index, W2, b2)
    return out

if __name__ == "__main__":
    import jax
    _d = setup_inputs()
    print(jax.jit(kernel)(*tuple(_d.values())))

</pallas_src>

<mosaic_0001>
#map = affine_map<(d0, d1) -> (0, 0)>
#map1 = affine_map<(d0, d1) -> (0)>
module attributes {stable_mosaic.version = 14 : i64} {
  func.func @_sc_agg(%arg0: i32, %arg1: i32, %arg2: memref<10000x128xf32, #tpu.memory_space<hbm>>, %arg3: memref<320000xi32, #tpu.memory_space<hbm>>, %arg4: memref<320000xi32, #tpu.memory_space<hbm>>, %arg5: memref<20480x128xf32, #tpu.memory_space<hbm>>, %arg6: memref<80xi32, #tpu.memory_space<vmem>>, %arg7: memref<80xi32, #tpu.memory_space<vmem>>, %arg8: memref<80xi32, #tpu.memory_space<vmem>>, %arg9: memref<80xi32, #tpu.memory_space<vmem>>, %arg10: memref<80xi32, #tpu.memory_space<vmem>>, %arg11: memref<80xi32, #tpu.memory_space<vmem>>, %arg12: memref<80xi32, #tpu.memory_space<vmem>>, %arg13: memref<80xi32, #tpu.memory_space<vmem>>, %arg14: memref<80x128xf32, #tpu.memory_space<vmem>>, %arg15: memref<80x128xf32, #tpu.memory_space<vmem>>, %arg16: memref<80x128xf32, #tpu.memory_space<vmem>>, %arg17: memref<80x128xf32, #tpu.memory_space<vmem>>, %arg18: memref<32x128xf32, #tpu.memory_space<vmem>>, %arg19: memref<10240x128xf32, #tpu.memory_space<vmem_shared>>, %arg20: memref<!tpu.dma_semaphore, #tpu.memory_space<semaphore_mem>>, %arg21: memref<!tpu.dma_semaphore, #tpu.memory_space<semaphore_mem>>, %arg22: memref<!tpu.dma_semaphore, #tpu.memory_space<semaphore_mem>>, %arg23: memref<!tpu.dma_semaphore, #tpu.memory_space<semaphore_mem>>, %arg24: memref<!tpu.dma_semaphore, #tpu.memory_space<semaphore_mem>>, %arg25: memref<!tpu.dma_semaphore, #tpu.memory_space<semaphore_mem>>, %arg26: memref<!tpu.dma_semaphore, #tpu.memory_space<semaphore_mem>>, %arg27: memref<!tpu.dma_semaphore, #tpu.memory_space<semaphore_mem>>, %arg28: memref<!tpu.dma_semaphore, #tpu.memory_space<semaphore_mem>>, %arg29: memref<!tpu.dma_semaphore, #tpu.memory_space<semaphore_mem>>, %arg30: memref<!tpu.dma_semaphore, #tpu.memory_space<semaphore_mem>>, %arg31: memref<!tpu.dma_semaphore, #tpu.memory_space<semaphore_mem>>) attributes {dimension_semantics = [#tpu.dimension_semantics<core_parallel>, #tpu.dimension_semantics<subcore_parallel>], iteration_bounds = array<i64: 2, 16>, scalar_prefetch = 0 : i64, scratch_operands = 26 : i64, tpu.core_type = #tpu.core_type<sc_vector_subcore>, window_params = [{transform_indices = #map}, {transform_indices = #map1}, {transform_indices = #map1}, {transform_indices = #map}]} {
    %mul3A = arith.constant 2 : i32
    %mul3A_0 = arith.muli %arg1, %mul3A : i32
    %add3A = arith.addi %mul3A_0, %arg0 : i32
    %mul3A_1 = arith.constant 10000 : i32
    %mul3A_2 = arith.muli %add3A, %mul3A_1 : i32
    %scan3A = arith.constant 0 : i32
    %scan3A_3 = arith.constant 0 : i32
    %scan3A_4 = arith.constant 32 : i32
    %scan3A_5 = arith.addi %scan3A_3, %scan3A_4 : i32
    %scan3A_6 = arith.constant 1 : i32
    scf.for %scan3A_168 = %scan3A_3 to %scan3A_5 step %scan3A_6  : i32 {
      %broadcast_in_dim3A = arith.constant 0.000000e+00 : f32
      %broadcast_in_dim3A_169 = vector.broadcast %broadcast_in_dim3A : f32 to vector<16xf32>
      %swap3A = arith.index_cast %scan3A_168 : i32 to index
      %swap3A_170 = arith.constant 0 : index
      %swap3A_171 = tpu.vector_load %arg18[%swap3A, %swap3A_170] {strides = array<i32>} : memref<32x128xf32, #tpu.memory_space<vmem>>, vector<1x16xf32>,
      %swap3A_172 = vector.shape_cast %swap3A_171 : vector<1x16xf32> to vector<16xf32>
      %swap3A_173 = vector.shape_cast %broadcast_in_dim3A_169 : vector<16xf32> to vector<1x16xf32>
      tpu.vector_store %arg18[%swap3A, %swap3A_170], %swap3A_173 {strides = array<i32>} : memref<32x128xf32, #tpu.memory_space<vmem>>, vector<1x16xf32>,
      %broadcast_in_dim3A_174 = arith.constant 0.000000e+00 : f32
      %broadcast_in_dim3A_175 = vector.broadcast %broadcast_in_dim3A_174 : f32 to vector<16xf32>
      %swap3A_176 = arith.index_cast %scan3A_168 : i32 to index
      %swap3A_177 = arith.constant 16 : index
      %swap3A_178 = tpu.vector_load %arg18[%swap3A_176, %swap3A_177] {strides = array<i32>} : memref<32x128xf32, #tpu.memory_space<vmem>>, vector<1x16xf32>,
      %swap3A_179 = vector.shape_cast %swap3A_178 : vector<1x16xf32> to vector<16xf32>
      %swap3A_180 = vector.shape_cast %broadcast_in_dim3A_175 : vector<16xf32> to vector<1x16xf32>
      tpu.vector_store %arg18[%swap3A_176, %swap3A_177], %swap3A_180 {strides = array<i32>} : memref<32x128xf32, #tpu.memory_space<vmem>>, vector<1x16xf32>,
      %broadcast_in_dim3A_181 = arith.constant 0.000000e+00 : f32
      %broadcast_in_dim3A_182 = vector.broadcast %broadcast_in_dim3A_181 : f32 to vector<16xf32>
      %swap3A_183 = arith.index_cast %scan3A_168 : i32 to index
      %swap3A_184 = arith.constant 32 : index
      %swap3A_185 = tpu.vector_load %arg18[%swap3A_183, %swap3A_184] {strides = array<i32>} : memref<32x128xf32, #tpu.memory_space<vmem>>, vector<1x16xf32>,
      %swap3A_186 = vector.shape_cast %swap3A_185 : vector<1x16xf32> to vector<16xf32>
      %swap3A_187 = vector.shape_cast %broadcast_in_dim3A_182 : vector<16xf32> to vector<1x16xf32>
      tpu.vector_store %arg18[%swap3A_183, %swap3A_184], %swap3A_187 {strides = array<i32>} : memref<32x128xf32, #tpu.memory_space<vmem>>, vector<1x16xf32>,
      %broadcast_in_dim3A_188 = arith.constant 0.000000e+00 : f32
      %broadcast_in_dim3A_189 = vector.broadcast %broadcast_in_dim3A_188 : f32 to vector<16xf32>
      %swap3A_190 = arith.index_cast %scan3A_168 : i32 to index
      %swap3A_191 = arith.constant 48 : index
      %swap3A_192 = tpu.vector_load %arg18[%swap3A_190, %swap3A_191] {strides = array<i32>} : memref<32x128xf32, #tpu.memory_space<vmem>>, vector<1x16xf32>,
      %swap3A_193 = vector.shape_cast %swap3A_192 : vector<1x16xf32> to vector<16xf32>
      %swap3A_194 = vector.shape_cast %broadcast_in_dim3A_189 : vector<16xf32> to vector<1x16xf32>
      tpu.vector_store %arg18[%swap3A_190, %swap3A_191], %swap3A_194 {strides = array<i32>} : memref<32x128xf32, #tpu.memory_space<vmem>>, vector<1x16xf32>,
      %broadcast_in_dim3A_195 = arith.constant 0.000000e+00 : f32
      %broadcast_in_dim3A_196 = vector.broadcast %broadcast_in_dim3A_195 : f32 to vector<16xf32>
      %swap3A_197 = arith.index_cast %scan3A_168 : i32 to index
      %swap3A_198 = arith.constant 64 : index
      %swap3A_199 = tpu.vector_load %arg18[%swap3A_197, %swap3A_198] {strides = array<i32>} : memref<32x128xf32, #tpu.memory_space<vmem>>, vector<1x16xf32>,
      %swap3A_200 = vector.shape_cast %swap3A_199 : vector<1x16xf32> to vector<16xf32>
      %swap3A_201 = vector.shape_cast %broadcast_in_dim3A_196 : vector<16xf32> to vector<1x16xf32>
      tpu.vector_store %arg18[%swap3A_197, %swap3A_198], %swap3A_201 {strides = array<i32>} : memref<32x128xf32, #tpu.memory_space<vmem>>, vector<1x16xf32>,
      %broadcast_in_dim3A_202 = arith.constant 0.000000e+00 : f32
      %broadcast_in_dim3A_203 = vector.broadcast %broadcast_in_dim3A_202 : f32 to vector<16xf32>
      %swap3A_204 = arith.index_cast %scan3A_168 : i32 to index
      %swap3A_205 = arith.constant 80 : index
      %swap3A_206 = tpu.vector_load %arg18[%swap3A_204, %swap3A_205] {strides = array<i32>} : memref<32x128xf32, #tpu.memory_space<vmem>>, vector<1x16xf32>,
      %swap3A_207 = vector.shape_cast %swap3A_206 : vector<1x16xf32> to vector<16xf32>
      %swap3A_208 = vector.shape_cast %broadcast_in_dim3A_203 : vector<16xf32> to vector<1x16xf32>
      tpu.vector_store %arg18[%swap3A_204, %swap3A_205], %swap3A_208 {strides = array<i32>} : memref<32x128xf32, #tpu.memory_space<vmem>>, vector<1x16xf32>,
      %broadcast_in_dim3A_209 = arith.constant 0.000000e+00 : f32
      %broadcast_in_dim3A_210 = vector.broadcast %broadcast_in_dim3A_209 : f32 to vector<16xf32>
      %swap3A_211 = arith.index_cast %scan3A_168 : i32 to index
      %swap3A_212 = arith.constant 96 : index
      %swap3A_213 = tpu.vector_load %arg18[%swap3A_211, %swap3A_212] {strides = array<i32>} : memref<32x128xf32, #tpu.memory_space<vmem>>, vector<1x16xf32>,
      %swap3A_214 = vector.shape_cast %swap3A_213 : vector<1x16xf32> to vector<16xf32>
      %swap3A_215 = vector.shape_cast %broadcast_in_dim3A_210 : vector<16xf32> to vector<1x16xf32>
      tpu.vector_store %arg18[%swap3A_211, %swap3A_212], %swap3A_215 {strides = array<i32>} : memref<32x128xf32, #tpu.memory_space<vmem>>, vector<1x16xf32>,
      %broadcast_in_dim3A_216 = arith.constant 0.000000e+00 : f32
      %broadcast_in_dim3A_217 = vector.broadcast %broadcast_in_dim3A_216 : f32 to vector<16xf32>
      %swap3A_218 = arith.index_cast %scan3A_168 : i32 to index
      %swap3A_219 = arith.constant 112 : index
      %swap3A_220 = tpu.vector_load %arg18[%swap3A_218, %swap3A_219] {strides = array<i32>} : memref<32x128xf32, #tpu.memory_space<vmem>>, vector<1x16xf32>,
      %swap3A_221 = vector.shape_cast %swap3A_220 : vector<1x16xf32> to vector<16xf32>
      %swap3A_222 = vector.shape_cast %broadcast_in_dim3A_217 : vector<16xf32> to vector<1x16xf32>
      tpu.vector_store %arg18[%swap3A_218, %swap3A_219], %swap3A_222 {strides = array<i32>} : memref<32x128xf32, #tpu.memory_space<vmem>>, vector<1x16xf32>,
    }
    %scan3A_7 = arith.constant 32 : i32
    %mul3A_8 = arith.constant 640 : i32
    %mul3A_9 = arith.muli %arg1, %mul3A_8 : i32
    %add3A_10 = arith.constant 0 : i32
    %add3A_11 = arith.addi %mul3A_9, %add3A_10 : i32
    "tpu.region"() ({
      %run_scoped3A = tpu.sem_alloc : memref<!tpu.dma_semaphore, #tpu.memory_space<semaphore_mem>>
      %dma_start3A_168 = arith.constant 0 : i32
      %dma_start3A_169 = tpu.memref_slice %arg19[%add3A_11, %dma_start3A_168] : memref<10240x128xf32, #tpu.memory_space<vmem_shared>> -> memref<32x128xf32, #tpu.memory_space<vmem_shared>>
      %dma_start3A_170 = arith.constant 0 : i32
      %dma_start3A_171 = tpu.memref_slice %arg19[%add3A_11, %dma_start3A_170] : memref<10240x128xf32, #tpu.memory_space<vmem_shared>> -> memref<32x128xf32, #tpu.memory_space<vmem_shared>>
      tpu.enqueue_dma source(%arg18 : memref<32x128xf32, #tpu.memory_space<vmem>>) target(%dma_start3A_171 : memref<32x128xf32, #tpu.memory_space<vmem_shared>>) target_semaphore(%run_scoped3A : memref<!tpu.dma_semaphore, #tpu.memory_space<semaphore_mem>>)
      %dma_wait3A_172 = arith.constant 0 : i32
      %dma_wait3A_173 = tpu.memref_slice %arg19[%add3A_11, %dma_wait3A_172] : memref<10240x128xf32, #tpu.memory_space<vmem_shared>> -> memref<32x128xf32, #tpu.memory_space<vmem_shared>>
      %dma_wait3A_174 = arith.constant 0 : i32
      %dma_wait3A_175 = tpu.memref_slice %arg19[%add3A_11, %dma_wait3A_174] : memref<10240x128xf32, #tpu.memory_space<vmem_shared>> -> memref<32x128xf32, #tpu.memory_space<vmem_shared>>
      tpu.wait_dma2 semaphore(%run_scoped3A : memref<!tpu.dma_semaphore, #tpu.memory_space<semaphore_mem>>) src(%arg18 : memref<32x128xf32, #tpu.memory_space<vmem>>) dst(%dma_wait3A_175 : memref<32x128xf32, #tpu.memory_space<vmem_shared>>)
      tpu.yield
    }) : () -> ()
    %add3A_12 = arith.constant 32 : i32
    %add3A_13 = arith.addi %mul3A_9, %add3A_12 : i32
    "tpu.region"() ({
      %run_scoped3A = tpu.sem_alloc : memref<!tpu.dma_semaphore, #tpu.memory_space<semaphore_mem>>
      %dma_start3A_168 = arith.constant 0 : i32
      %dma_start3A_169 = tpu.memref_slice %arg19[%add3A_13, %dma_start3A_168] : memref<10240x128xf32, #tpu.memory_space<vmem_shared>> -> memref<32x128xf32, #tpu.memory_space<vmem_shared>>
      %dma_start3A_170 = arith.constant 0 : i32
      %dma_start3A_171 = tpu.memref_slice %arg19[%add3A_13, %dma_start3A_170] : memref<10240x128xf32, #tpu.memory_space<vmem_shared>> -> memref<32x128xf32, #tpu.memory_space<vmem_shared>>
      tpu.enqueue_dma source(%arg18 : memref<32x128xf32, #tpu.memory_space<vmem>>) target(%dma_start3A_171 : memref<32x128xf32, #tpu.memory_space<vmem_shared>>) target_semaphore(%run_scoped3A : memref<!tpu.dma_semaphore, #tpu.memory_space<semaphore_mem>>)
      %dma_wait3A_172 = arith.constant 0 : i32
      %dma_wait3A_173 = tpu.memref_slice %arg19[%add3A_13, %dma_wait3A_172] : memref<10240x128xf32, #tpu.memory_space<vmem_shared>> -> memref<32x128xf32, #tpu.memory_space<vmem_shared>>
      %dma_wait3A_174 = arith.constant 0 : i32
      %dma_wait3A_175 = tpu.memref_slice %arg19[%add3A_13, %dma_wait3A_174] : memref<10240x128xf32, #tpu.memory_space<vmem_shared>> -> memref<32x128xf32, #tpu.memory_space<vmem_shared>>
      tpu.wait_dma2 semaphore(%run_scoped3A : memref<!tpu.dma_semaphore, #tpu.memory_space<semaphore_mem>>) src(%arg18 : memref<32x128xf32, #tpu.memory_space<vmem>>) dst(%dma_wait3A_175 : memref<32x128xf32, #tpu.memory_space<vmem_shared>>)
      tpu.yield
    }) : () -> ()
    %add3A_14 = arith.constant 64 : i32
    %add3A_15 = arith.addi %mul3A_9, %add3A_14 : i32
    "tpu.region"() ({
      %run_scoped3A = tpu.sem_alloc : memref<!tpu.dma_semaphore, #tpu.memory_space<semaphore_mem>>
      %dma_start3A_168 = arith.constant 0 : i32
      %dma_start3A_169 = tpu.memref_slice %arg19[%add3A_15, %dma_start3A_168] : memref<10240x128xf32, #tpu.memory_space<vmem_shared>> -> memref<32x128xf32, #tpu.memory_space<vmem_shared>>
      %dma_start3A_170 = arith.constant 0 : i32
      %dma_start3A_171 = tpu.memref_slice %arg19[%add3A_15, %dma_start3A_170] : memref<10240x128xf32, #tpu.memory_space<vmem_shared>> -> memref<32x128xf32, #tpu.memory_space<vmem_shared>>
      tpu.enqueue_dma source(%arg18 : memref<32x128xf32, #tpu.memory_space<vmem>>) target(%dma_start3A_171 : memref<32x128xf32, #tpu.memory_space<vmem_shared>>) target_semaphore(%run_scoped3A : memref<!tpu.dma_semaphore, #tpu.memory_space<semaphore_mem>>)
      %dma_wait3A_172 = arith.constant 0 : i32
      %dma_wait3A_173 = tpu.memref_slice %arg19[%add3A_15, %dma_wait3A_172] : memref<10240x128xf32, #tpu.memory_space<vmem_shared>> -> memref<32x128xf32, #tpu.memory_space<vmem_shared>>
      %dma_wait3A_174 = arith.constant 0 : i32
      %dma_wait3A_175 = tpu.memref_slice %arg19[%add3A_15, %dma_wait3A_174] : memref<10240x128xf32, #tpu.memory_space<vmem_shared>> -> memref<32x128xf32, #tpu.memory_space<vmem_shared>>
      tpu.wait_dma2 semaphore(%run_scoped3A : memref<!tpu.dma_semaphore, #tpu.memory_space<semaphore_mem>>) src(%arg18 : memref<32x128xf32, #tpu.memory_space<vmem>>) dst(%dma_wait3A_175 : memref<32x128xf32, #tpu.memory_space<vmem_shared>>)
      tpu.yield
    }) : () -> ()
    %add3A_16 = arith.constant 96 : i32
    %add3A_17 = arith.addi %mul3A_9, %add3A_16 : i32
    "tpu.region"() ({
      %run_scoped3A = tpu.sem_alloc : memref<!tpu.dma_semaphore, #tpu.memory_space<semaphore_mem>>
      %dma_start3A_168 = arith.constant 0 : i32
      %dma_start3A_169 = tpu.memref_slice %arg19[%add3A_17, %dma_start3A_168] : memref<10240x128xf32, #tpu.memory_space<vmem_shared>> -> memref<32x128xf32, #tpu.memory_space<vmem_shared>>
      %dma_start3A_170 = arith.constant 0 : i32
      %dma_start3A_171 = tpu.memref_slice %arg19[%add3A_17, %dma_start3A_170] : memref<10240x128xf32, #tpu.memory_space<vmem_shared>> -> memref<32x128xf32, #tpu.memory_space<vmem_shared>>
      tpu.enqueue_dma source(%arg18 : memref<32x128xf32, #tpu.memory_space<vmem>>) target(%dma_start3A_171 : memref<32x128xf32, #tpu.memory_space<vmem_shared>>) target_semaphore(%run_scoped3A : memref<!tpu.dma_semaphore, #tpu.memory_space<semaphore_mem>>)
      %dma_wait3A_172 = arith.constant 0 : i32
      %dma_wait3A_173 = tpu.memref_slice %arg19[%add3A_17, %dma_wait3A_172] : memref<10240x128xf32, #tpu.memory_space<vmem_shared>> -> memref<32x128xf32, #tpu.memory_space<vmem_shared>>
      %dma_wait3A_174 = arith.constant 0 : i32
      %dma_wait3A_175 = tpu.memref_slice %arg19[%add3A_17, %dma_wait3A_174] : memref<10240x128xf32, #tpu.memory_space<vmem_shared>> -> memref<32x128xf32, #tpu.memory_space<vmem_shared>>
      tpu.wait_dma2 semaphore(%run_scoped3A : memref<!tpu.dma_semaphore, #tpu.memory_space<semaphore_mem>>) src(%arg18 : memref<32x128xf32, #tpu.memory_space<vmem>>) dst(%dma_wait3A_175 : memref<32x128xf32, #tpu.memory_space<vmem_shared>>)
      tpu.yield
    }) : () -> ()
    %add3A_18 = arith.constant 128 : i32
    %add3A_19 = arith.addi %mul3A_9, %add3A_18 : i32
    "tpu.region"() ({
      %run_scoped3A = tpu.sem_alloc : memref<!tpu.dma_semaphore, #tpu.memory_space<semaphore_mem>>
      %dma_start3A_168 = arith.constant 0 : i32
      %dma_start3A_169 = tpu.memref_slice %arg19[%add3A_19, %dma_start3A_168] : memref<10240x128xf32, #tpu.memory_space<vmem_shared>> -> memref<32x128xf32, #tpu.memory_space<vmem_shared>>
      %dma_start3A_170 = arith.constant 0 : i32
      %dma_start3A_171 = tpu.memref_slice %arg19[%add3A_19, %dma_start3A_170] : memref<10240x128xf32, #tpu.memory_space<vmem_shared>> -> memref<32x128xf32, #tpu.memory_space<vmem_shared>>
      tpu.enqueue_dma source(%arg18 : memref<32x128xf32, #tpu.memory_space<vmem>>) target(%dma_start3A_171 : memref<32x128xf32, #tpu.memory_space<vmem_shared>>) target_semaphore(%run_scoped3A : memref<!tpu.dma_semaphore, #tpu.memory_space<semaphore_mem>>)
      %dma_wait3A_172 = arith.constant 0 : i32
      %dma_wait3A_173 = tpu.memref_slice %arg19[%add3A_19, %dma_wait3A_172] : memref<10240x128xf32, #tpu.memory_space<vmem_shared>> -> memref<32x128xf32, #tpu.memory_space<vmem_shared>>
      %dma_wait3A_174 = arith.constant 0 : i32
      %dma_wait3A_175 = tpu.memref_slice %arg19[%add3A_19, %dma_wait3A_174] : memref<10240x128xf32, #tpu.memory_space<vmem_shared>> -> memref<32x128xf32, #tpu.memory_space<vmem_shared>>
      tpu.wait_dma2 semaphore(%run_scoped3A : memref<!tpu.dma_semaphore, #tpu.memory_space<semaphore_mem>>) src(%arg18 : memref<32x128xf32, #tpu.memory_space<vmem>>) dst(%dma_wait3A_175 : memref<32x128xf32, #tpu.memory_space<vmem_shared>>)
      tpu.yield
    }) : () -> ()
    %add3A_20 = arith.constant 160 : i32
    %add3A_21 = arith.addi %mul3A_9, %add3A_20 : i32
    "tpu.region"() ({
      %run_scoped3A = tpu.sem_alloc : memref<!tpu.dma_semaphore, #tpu.memory_space<semaphore_mem>>
      %dma_start3A_168 = arith.constant 0 : i32
      %dma_start3A_169 = tpu.memref_slice %arg19[%add3A_21, %dma_start3A_168] : memref<10240x128xf32, #tpu.memory_space<vmem_shared>> -> memref<32x128xf32, #tpu.memory_space<vmem_shared>>
      %dma_start3A_170 = arith.constant 0 : i32
      %dma_start3A_171 = tpu.memref_slice %arg19[%add3A_21, %dma_start3A_170] : memref<10240x128xf32, #tpu.memory_space<vmem_shared>> -> memref<32x128xf32, #tpu.memory_space<vmem_shared>>
      tpu.enqueue_dma source(%arg18 : memref<32x128xf32, #tpu.memory_space<vmem>>) target(%dma_start3A_171 : memref<32x128xf32, #tpu.memory_space<vmem_shared>>) target_semaphore(%run_scoped3A : memref<!tpu.dma_semaphore, #tpu.memory_space<semaphore_mem>>)
      %dma_wait3A_172 = arith.constant 0 : i32
      %dma_wait3A_173 = tpu.memref_slice %arg19[%add3A_21, %dma_wait3A_172] : memref<10240x128xf32, #tpu.memory_space<vmem_shared>> -> memref<32x128xf32, #tpu.memory_space<vmem_shared>>
      %dma_wait3A_174 = arith.constant 0 : i32
      %dma_wait3A_175 = tpu.memref_slice %arg19[%add3A_21, %dma_wait3A_174] : memref<10240x128xf32, #tpu.memory_space<vmem_shared>> -> memref<32x128xf32, #tpu.memory_space<vmem_shared>>
      tpu.wait_dma2 semaphore(%run_scoped3A : memref<!tpu.dma_semaphore, #tpu.memory_space<semaphore_mem>>) src(%arg18 : memref<32x128xf32, #tpu.memory_space<vmem>>) dst(%dma_wait3A_175 : memref<32x128xf32, #tpu.memory_space<vmem_shared>>)
      tpu.yield
    }) : () -> ()
    %add3A_22 = arith.constant 192 : i32
    %add3A_23 = arith.addi %mul3A_9, %add3A_22 : i32
    "tpu.region"() ({
      %run_scoped3A = tpu.sem_alloc : memref<!tpu.dma_semaphore, #tpu.memory_space<semaphore_mem>>
      %dma_start3A_168 = arith.constant 0 : i32
      %dma_start3A_169 = tpu.memref_slice %arg19[%add3A_23, %dma_start3A_168] : memref<10240x128xf32, #tpu.memory_space<vmem_shared>> -> memref<32x128xf32, #tpu.memory_space<vmem_shared>>
      %dma_start3A_170 = arith.constant 0 : i32
      %dma_start3A_171 = tpu.memref_slice %arg19[%add3A_23, %dma_start3A_170] : memref<10240x128xf32, #tpu.memory_space<vmem_shared>> -> memref<32x128xf32, #tpu.memory_space<vmem_shared>>
      tpu.enqueue_dma source(%arg18 : memref<32x128xf32, #tpu.memory_space<vmem>>) target(%dma_start3A_171 : memref<32x128xf32, #tpu.memory_space<vmem_shared>>) target_semaphore(%run_scoped3A : memref<!tpu.dma_semaphore, #tpu.memory_space<semaphore_mem>>)
      %dma_wait3A_172 = arith.constant 0 : i32
      %dma_wait3A_173 = tpu.memref_slice %arg19[%add3A_23, %dma_wait3A_172] : memref<10240x128xf32, #tpu.memory_space<vmem_shared>> -> memref<32x128xf32, #tpu.memory_space<vmem_shared>>
      %dma_wait3A_174 = arith.constant 0 : i32
      %dma_wait3A_175 = tpu.memref_slice %arg19[%add3A_23, %dma_wait3A_174] : memref<10240x128xf32, #tpu.memory_space<vmem_shared>> -> memref<32x128xf32, #tpu.memory_space<vmem_shared>>
      tpu.wait_dma2 semaphore(%run_scoped3A : memref<!tpu.dma_semaphore, #tpu.memory_space<semaphore_mem>>) src(%arg18 : memref<32x128xf32, #tpu.memory_space<vmem>>) dst(%dma_wait3A_175 : memref<32x128xf32, #tpu.memory_space<vmem_shared>>)
      tpu.yield
    }) : () -> ()
    %add3A_24 = arith.constant 224 : i32
    %add3A_25 = arith.addi %mul3A_9, %add3A_24 : i32
    "tpu.region"() ({
      %run_scoped3A = tpu.sem_alloc : memref<!tpu.dma_semaphore, #tpu.memory_space<semaphore_mem>>
      %dma_start3A_168 = arith.constant 0 : i32
      %dma_start3A_169 = tpu.memref_slice %arg19[%add3A_25, %dma_start3A_168] : memref<10240x128xf32, #tpu.memory_space<vmem_shared>> -> memref<32x128xf32, #tpu.memory_space<vmem_shared>>
      %dma_start3A_170 = arith.constant 0 : i32
      %dma_start3A_171 = tpu.memref_slice %arg19[%add3A_25, %dma_start3A_170] : memref<10240x128xf32, #tpu.memory_space<vmem_shared>> -> memref<32x128xf32, #tpu.memory_space<vmem_shared>>
      tpu.enqueue_dma source(%arg18 : memref<32x128xf32, #tpu.memory_space<vmem>>) target(%dma_start3A_171 : memref<32x128xf32, #tpu.memory_space<vmem_shared>>) target_semaphore(%run_scoped3A : memref<!tpu.dma_semaphore, #tpu.memory_space<semaphore_mem>>)
      %dma_wait3A_172 = arith.constant 0 : i32
      %dma_wait3A_173 = tpu.memref_slice %arg19[%add3A_25, %dma_wait3A_172] : memref<10240x128xf32, #tpu.memory_space<vmem_shared>> -> memref<32x128xf32, #tpu.memory_space<vmem_shared>>
      %dma_wait3A_174 = arith.constant 0 : i32
      %dma_wait3A_175 = tpu.memref_slice %arg19[%add3A_25, %dma_wait3A_174] : memref<10240x128xf32, #tpu.memory_space<vmem_shared>> -> memref<32x128xf32, #tpu.memory_space<vmem_shared>>
      tpu.wait_dma2 semaphore(%run_scoped3A : memref<!tpu.dma_semaphore, #tpu.memory_space<semaphore_mem>>) src(%arg18 : memref<32x128xf32, #tpu.memory_space<vmem>>) dst(%dma_wait3A_175 : memref<32x128xf32, #tpu.memory_space<vmem_shared>>)
      tpu.yield
    }) : () -> ()
    %add3A_26 = arith.constant 256 : i32
    %add3A_27 = arith.addi %mul3A_9, %add3A_26 : i32
    "tpu.region"() ({
      %run_scoped3A = tpu.sem_alloc : memref<!tpu.dma_semaphore, #tpu.memory_space<semaphore_mem>>
      %dma_start3A_168 = arith.constant 0 : i32
      %dma_start3A_169 = tpu.memref_slice %arg19[%add3A_27, %dma_start3A_168] : memref<10240x128xf32, #tpu.memory_space<vmem_shared>> -> memref<32x128xf32, #tpu.memory_space<vmem_shared>>
      %dma_start3A_170 = arith.constant 0 : i32
      %dma_start3A_171 = tpu.memref_slice %arg19[%add3A_27, %dma_start3A_170] : memref<10240x128xf32, #tpu.memory_space<vmem_shared>> -> memref<32x128xf32, #tpu.memory_space<vmem_shared>>
      tpu.enqueue_dma source(%arg18 : memref<32x128xf32, #tpu.memory_space<vmem>>) target(%dma_start3A_171 : memref<32x128xf32, #tpu.memory_space<vmem_shared>>) target_semaphore(%run_scoped3A : memref<!tpu.dma_semaphore, #tpu.memory_space<semaphore_mem>>)
      %dma_wait3A_172 = arith.constant 0 : i32
      %dma_wait3A_173 = tpu.memref_slice %arg19[%add3A_27, %dma_wait3A_172] : memref<10240x128xf32, #tpu.memory_space<vmem_shared>> -> memref<32x128xf32, #tpu.memory_space<vmem_shared>>
      %dma_wait3A_174 = arith.constant 0 : i32
      %dma_wait3A_175 = tpu.memref_slice %arg19[%add3A_27, %dma_wait3A_174] : memref<10240x128xf32, #tpu.memory_space<vmem_shared>> -> memref<32x128xf32, #tpu.memory_space<vmem_shared>>
      tpu.wait_dma2 semaphore(%run_scoped3A : memref<!tpu.dma_semaphore, #tpu.memory_space<semaphore_mem>>) src(%arg18 : memref<32x128xf32, #tpu.memory_space<vmem>>) dst(%dma_wait3A_175 : memref<32x128xf32, #tpu.memory_space<vmem_shared>>)
      tpu.yield
    }) : () -> ()
    %add3A_28 = arith.constant 288 : i32
    %add3A_29 = arith.addi %mul3A_9, %add3A_28 : i32
    "tpu.region"() ({
      %run_scoped3A = tpu.sem_alloc : memref<!tpu.dma_semaphore, #tpu.memory_space<semaphore_mem>>
      %dma_start3A_168 = arith.constant 0 : i32
      %dma_start3A_169 = tpu.memref_slice %arg19[%add3A_29, %dma_start3A_168] : memref<10240x128xf32, #tpu.memory_space<vmem_shared>> -> memref<32x128xf32, #tpu.memory_space<vmem_shared>>
      %dma_start3A_170 = arith.constant 0 : i32
      %dma_start3A_171 = tpu.memref_slice %arg19[%add3A_29, %dma_start3A_170] : memref<10240x128xf32, #tpu.memory_space<vmem_shared>> -> memref<32x128xf32, #tpu.memory_space<vmem_shared>>
      tpu.enqueue_dma source(%arg18 : memref<32x128xf32, #tpu.memory_space<vmem>>) target(%dma_start3A_171 : memref<32x128xf32, #tpu.memory_space<vmem_shared>>) target_semaphore(%run_scoped3A : memref<!tpu.dma_semaphore, #tpu.memory_space<semaphore_mem>>)
      %dma_wait3A_172 = arith.constant 0 : i32
      %dma_wait3A_173 = tpu.memref_slice %arg19[%add3A_29, %dma_wait3A_172] : memref<10240x128xf32, #tpu.memory_space<vmem_shared>> -> memref<32x128xf32, #tpu.memory_space<vmem_shared>>
      %dma_wait3A_174 = arith.constant 0 : i32
      %dma_wait3A_175 = tpu.memref_slice %arg19[%add3A_29, %dma_wait3A_174] : memref<10240x128xf32, #tpu.memory_space<vmem_shared>> -> memref<32x128xf32, #tpu.memory_space<vmem_shared>>
      tpu.wait_dma2 semaphore(%run_scoped3A : memref<!tpu.dma_semaphore, #tpu.memory_space<semaphore_mem>>) src(%arg18 : memref<32x128xf32, #tpu.memory_space<vmem>>) dst(%dma_wait3A_175 : memref<32x128xf32, #tpu.memory_space<vmem_shared>>)
      tpu.yield
    }) : () -> ()
    %add3A_30 = arith.constant 320 : i32
    %add3A_31 = arith.addi %mul3A_9, %add3A_30 : i32
    "tpu.region"() ({
      %run_scoped3A = tpu.sem_alloc : memref<!tpu.dma_semaphore, #tpu.memory_space<semaphore_mem>>
      %dma_start3A_168 = arith.constant 0 : i32
      %dma_start3A_169 = tpu.memref_slice %arg19[%add3A_31, %dma_start3A_168] : memref<10240x128xf32, #tpu.memory_space<vmem_shared>> -> memref<32x128xf32, #tpu.memory_space<vmem_shared>>
      %dma_start3A_170 = arith.constant 0 : i32
      %dma_start3A_171 = tpu.memref_slice %arg19[%add3A_31, %dma_start3A_170] : memref<10240x128xf32, #tpu.memory_space<vmem_shared>> -> memref<32x128xf32, #tpu.memory_space<vmem_shared>>
      tpu.enqueue_dma source(%arg18 : memref<32x128xf32, #tpu.memory_space<vmem>>) target(%dma_start3A_171 : memref<32x128xf32, #tpu.memory_space<vmem_shared>>) target_semaphore(%run_scoped3A : memref<!tpu.dma_semaphore, #tpu.memory_space<semaphore_mem>>)
      %dma_wait3A_172 = arith.constant 0 : i32
      %dma_wait3A_173 = tpu.memref_slice %arg19[%add3A_31, %dma_wait3A_172] : memref<10240x128xf32, #tpu.memory_space<vmem_shared>> -> memref<32x128xf32, #tpu.memory_space<vmem_shared>>
      %dma_wait3A_174 = arith.constant 0 : i32
      %dma_wait3A_175 = tpu.memref_slice %arg19[%add3A_31, %dma_wait3A_174] : memref<10240x128xf32, #tpu.memory_space<vmem_shared>> -> memref<32x128xf32, #tpu.memory_space<vmem_shared>>
      tpu.wait_dma2 semaphore(%run_scoped3A : memref<!tpu.dma_semaphore, #tpu.memory_space<semaphore_mem>>) src(%arg18 : memref<32x128xf32, #tpu.memory_space<vmem>>) dst(%dma_wait3A_175 : memref<32x128xf32, #tpu.memory_space<vmem_shared>>)
      tpu.yield
    }) : () -> ()
    %add3A_32 = arith.constant 352 : i32
    %add3A_33 = arith.addi %mul3A_9, %add3A_32 : i32
    "tpu.region"() ({
      %run_scoped3A = tpu.sem_alloc : memref<!tpu.dma_semaphore, #tpu.memory_space<semaphore_mem>>
      %dma_start3A_168 = arith.constant 0 : i32
      %dma_start3A_169 = tpu.memref_slice %arg19[%add3A_33, %dma_start3A_168] : memref<10240x128xf32, #tpu.memory_space<vmem_shared>> -> memref<32x128xf32, #tpu.memory_space<vmem_shared>>
      %dma_start3A_170 = arith.constant 0 : i32
      %dma_start3A_171 = tpu.memref_slice %arg19[%add3A_33, %dma_start3A_170] : memref<10240x128xf32, #tpu.memory_space<vmem_shared>> -> memref<32x128xf32, #tpu.memory_space<vmem_shared>>
      tpu.enqueue_dma source(%arg18 : memref<32x128xf32, #tpu.memory_space<vmem>>) target(%dma_start3A_171 : memref<32x128xf32, #tpu.memory_space<vmem_shared>>) target_semaphore(%run_scoped3A : memref<!tpu.dma_semaphore, #tpu.memory_space<semaphore_mem>>)
      %dma_wait3A_172 = arith.constant 0 : i32
      %dma_wait3A_173 = tpu.memref_slice %arg19[%add3A_33, %dma_wait3A_172] : memref<10240x128xf32, #tpu.memory_space<vmem_shared>> -> memref<32x128xf32, #tpu.memory_space<vmem_shared>>
      %dma_wait3A_174 = arith.constant 0 : i32
      %dma_wait3A_175 = tpu.memref_slice %arg19[%add3A_33, %dma_wait3A_174] : memref<10240x128xf32, #tpu.memory_space<vmem_shared>> -> memref<32x128xf32, #tpu.memory_space<vmem_shared>>
      tpu.wait_dma2 semaphore(%run_scoped3A : memref<!tpu.dma_semaphore, #tpu.memory_space<semaphore_mem>>) src(%arg18 : memref<32x128xf32, #tpu.memory_space<vmem>>) dst(%dma_wait3A_175 : memref<32x128xf32, #tpu.memory_space<vmem_shared>>)
      tpu.yield
    }) : () -> ()
    %add3A_34 = arith.constant 384 : i32
    %add3A_35 = arith.addi %mul3A_9, %add3A_34 : i32
    "tpu.region"() ({
      %run_scoped3A = tpu.sem_alloc : memref<!tpu.dma_semaphore, #tpu.memory_space<semaphore_mem>>
      %dma_start3A_168 = arith.constant 0 : i32
      %dma_start3A_169 = tpu.memref_slice %arg19[%add3A_35, %dma_start3A_168] : memref<10240x128xf32, #tpu.memory_space<vmem_shared>> -> memref<32x128xf32, #tpu.memory_space<vmem_shared>>
      %dma_start3A_170 = arith.constant 0 : i32
      %dma_start3A_171 = tpu.memref_slice %arg19[%add3A_35, %dma_start3A_170] : memref<10240x128xf32, #tpu.memory_space<vmem_shared>> -> memref<32x128xf32, #tpu.memory_space<vmem_shared>>
      tpu.enqueue_dma source(%arg18 : memref<32x128xf32, #tpu.memory_space<vmem>>) target(%dma_start3A_171 : memref<32x128xf32, #tpu.memory_space<vmem_shared>>) target_semaphore(%run_scoped3A : memref<!tpu.dma_semaphore, #tpu.memory_space<semaphore_mem>>)
      %dma_wait3A_172 = arith.constant 0 : i32
      %dma_wait3A_173 = tpu.memref_slice %arg19[%add3A_35, %dma_wait3A_172] : memref<10240x128xf32, #tpu.memory_space<vmem_shared>> -> memref<32x128xf32, #tpu.memory_space<vmem_shared>>
      %dma_wait3A_174 = arith.constant 0 : i32
      %dma_wait3A_175 = tpu.memref_slice %arg19[%add3A_35, %dma_wait3A_174] : memref<10240x128xf32, #tpu.memory_space<vmem_shared>> -> memref<32x128xf32, #tpu.memory_space<vmem_shared>>
      tpu.wait_dma2 semaphore(%run_scoped3A : memref<!tpu.dma_semaphore, #tpu.memory_space<semaphore_mem>>) src(%arg18 : memref<32x128xf32, #tpu.memory_space<vmem>>) dst(%dma_wait3A_175 : memref<32x128xf32, #tpu.memory_space<vmem_shared>>)
      tpu.yield
    }) : () -> ()
    %add3A_36 = arith.constant 416 : i32
    %add3A_37 = arith.addi %mul3A_9, %add3A_36 : i32
    "tpu.region"() ({
      %run_scoped3A = tpu.sem_alloc : memref<!tpu.dma_semaphore, #tpu.memory_space<semaphore_mem>>
      %dma_start3A_168 = arith.constant 0 : i32
      %dma_start3A_169 = tpu.memref_slice %arg19[%add3A_37, %dma_start3A_168] : memref<10240x128xf32, #tpu.memory_space<vmem_shared>> -> memref<32x128xf32, #tpu.memory_space<vmem_shared>>
      %dma_start3A_170 = arith.constant 0 : i32
      %dma_start3A_171 = tpu.memref_slice %arg19[%add3A_37, %dma_start3A_170] : memref<10240x128xf32, #tpu.memory_space<vmem_shared>> -> memref<32x128xf32, #tpu.memory_space<vmem_shared>>
      tpu.enqueue_dma source(%arg18 : memref<32x128xf32, #tpu.memory_space<vmem>>) target(%dma_start3A_171 : memref<32x128xf32, #tpu.memory_space<vmem_shared>>) target_semaphore(%run_scoped3A : memref<!tpu.dma_semaphore, #tpu.memory_space<semaphore_mem>>)
      %dma_wait3A_172 = arith.constant 0 : i32
      %dma_wait3A_173 = tpu.memref_slice %arg19[%add3A_37, %dma_wait3A_172] : memref<10240x128xf32, #tpu.memory_space<vmem_shared>> -> memref<32x128xf32, #tpu.memory_space<vmem_shared>>
      %dma_wait3A_174 = arith.constant 0 : i32
      %dma_wait3A_175 = tpu.memref_slice %arg19[%add3A_37, %dma_wait3A_174] : memref<10240x128xf32, #tpu.memory_space<vmem_shared>> -> memref<32x128xf32, #tpu.memory_space<vmem_shared>>
      tpu.wait_dma2 semaphore(%run_scoped3A : memref<!tpu.dma_semaphore, #tpu.memory_space<semaphore_mem>>) src(%arg18 : memref<32x128xf32, #tpu.memory_space<vmem>>) dst(%dma_wait3A_175 : memref<32x128xf32, #tpu.memory_space<vmem_shared>>)
      tpu.yield
    }) : () -> ()
    %add3A_38 = arith.constant 448 : i32
    %add3A_39 = arith.addi %mul3A_9, %add3A_38 : i32
    "tpu.region"() ({
      %run_scoped3A = tpu.sem_alloc : memref<!tpu.dma_semaphore, #tpu.memory_space<semaphore_mem>>
      %dma_start3A_168 = arith.constant 0 : i32
      %dma_start3A_169 = tpu.memref_slice %arg19[%add3A_39, %dma_start3A_168] : memref<10240x128xf32, #tpu.memory_space<vmem_shared>> -> memref<32x128xf32, #tpu.memory_space<vmem_shared>>
      %dma_start3A_170 = arith.constant 0 : i32
      %dma_start3A_171 = tpu.memref_slice %arg19[%add3A_39, %dma_start3A_170] : memref<10240x128xf32, #tpu.memory_space<vmem_shared>> -> memref<32x128xf32, #tpu.memory_space<vmem_shared>>
      tpu.enqueue_dma source(%arg18 : memref<32x128xf32, #tpu.memory_space<vmem>>) target(%dma_start3A_171 : memref<32x128xf32, #tpu.memory_space<vmem_shared>>) target_semaphore(%run_scoped3A : memref<!tpu.dma_semaphore, #tpu.memory_space<semaphore_mem>>)
      %dma_wait3A_172 = arith.constant 0 : i32
      %dma_wait3A_173 = tpu.memref_slice %arg19[%add3A_39, %dma_wait3A_172] : memref<10240x128xf32, #tpu.memory_space<vmem_shared>> -> memref<32x128xf32, #tpu.memory_space<vmem_shared>>
      %dma_wait3A_174 = arith.constant 0 : i32
      %dma_wait3A_175 = tpu.memref_slice %arg19[%add3A_39, %dma_wait3A_174] : memref<10240x128xf32, #tpu.memory_space<vmem_shared>> -> memref<32x128xf32, #tpu.memory_space<vmem_shared>>
      tpu.wait_dma2 semaphore(%run_scoped3A : memref<!tpu.dma_semaphore, #tpu.memory_space<semaphore_mem>>) src(%arg18 : memref<32x128xf32, #tpu.memory_space<vmem>>) dst(%dma_wait3A_175 : memref<32x128xf32, #tpu.memory_space<vmem_shared>>)
      tpu.yield
    }) : () -> ()
    %add3A_40 = arith.constant 480 : i32
    %add3A_41 = arith.addi %mul3A_9, %add3A_40 : i32
    "tpu.region"() ({
      %run_scoped3A = tpu.sem_alloc : memref<!tpu.dma_semaphore, #tpu.memory_space<semaphore_mem>>
      %dma_start3A_168 = arith.constant 0 : i32
      %dma_start3A_169 = tpu.memref_slice %arg19[%add3A_41, %dma_start3A_168] : memref<10240x128xf32, #tpu.memory_space<vmem_shared>> -> memref<32x128xf32, #tpu.memory_space<vmem_shared>>
      %dma_start3A_170 = arith.constant 0 : i32
      %dma_start3A_171 = tpu.memref_slice %arg19[%add3A_41, %dma_start3A_170] : memref<10240x128xf32, #tpu.memory_space<vmem_shared>> -> memref<32x128xf32, #tpu.memory_space<vmem_shared>>
      tpu.enqueue_dma source(%arg18 : memref<32x128xf32, #tpu.memory_space<vmem>>) target(%dma_start3A_171 : memref<32x128xf32, #tpu.memory_space<vmem_shared>>) target_semaphore(%run_scoped3A : memref<!tpu.dma_semaphore, #tpu.memory_space<semaphore_mem>>)
      %dma_wait3A_172 = arith.constant 0 : i32
      %dma_wait3A_173 = tpu.memref_slice %arg19[%add3A_41, %dma_wait3A_172] : memref<10240x128xf32, #tpu.memory_space<vmem_shared>> -> memref<32x128xf32, #tpu.memory_space<vmem_shared>>
      %dma_wait3A_174 = arith.constant 0 : i32
      %dma_wait3A_175 = tpu.memref_slice %arg19[%add3A_41, %dma_wait3A_174] : memref<10240x128xf32, #tpu.memory_space<vmem_shared>> -> memref<32x128xf32, #tpu.memory_space<vmem_shared>>
      tpu.wait_dma2 semaphore(%run_scoped3A : memref<!tpu.dma_semaphore, #tpu.memory_space<semaphore_mem>>) src(%arg18 : memref<32x128xf32, #tpu.memory_space<vmem>>) dst(%dma_wait3A_175 : memref<32x128xf32, #tpu.memory_space<vmem_shared>>)
      tpu.yield
    }) : () -> ()
    %add3A_42 = arith.constant 512 : i32
    %add3A_43 = arith.addi %mul3A_9, %add3A_42 : i32
    "tpu.region"() ({
      %run_scoped3A = tpu.sem_alloc : memref<!tpu.dma_semaphore, #tpu.memory_space<semaphore_mem>>
      %dma_start3A_168 = arith.constant 0 : i32
      %dma_start3A_169 = tpu.memref_slice %arg19[%add3A_43, %dma_start3A_168] : memref<10240x128xf32, #tpu.memory_space<vmem_shared>> -> memref<32x128xf32, #tpu.memory_space<vmem_shared>>
      %dma_start3A_170 = arith.constant 0 : i32
      %dma_start3A_171 = tpu.memref_slice %arg19[%add3A_43, %dma_start3A_170] : memref<10240x128xf32, #tpu.memory_space<vmem_shared>> -> memref<32x128xf32, #tpu.memory_space<vmem_shared>>
      tpu.enqueue_dma source(%arg18 : memref<32x128xf32, #tpu.memory_space<vmem>>) target(%dma_start3A_171 : memref<32x128xf32, #tpu.memory_space<vmem_shared>>) target_semaphore(%run_scoped3A : memref<!tpu.dma_semaphore, #tpu.memory_space<semaphore_mem>>)
      %dma_wait3A_172 = arith.constant 0 : i32
      %dma_wait3A_173 = tpu.memref_slice %arg19[%add3A_43, %dma_wait3A_172] : memref<10240x128xf32, #tpu.memory_space<vmem_shared>> -> memref<32x128xf32, #tpu.memory_space<vmem_shared>>
      %dma_wait3A_174 = arith.constant 0 : i32
      %dma_wait3A_175 = tpu.memref_slice %arg19[%add3A_43, %dma_wait3A_174] : memref<10240x128xf32, #tpu.memory_space<vmem_shared>> -> memref<32x128xf32, #tpu.memory_space<vmem_shared>>
      tpu.wait_dma2 semaphore(%run_scoped3A : memref<!tpu.dma_semaphore, #tpu.memory_space<semaphore_mem>>) src(%arg18 : memref<32x128xf32, #tpu.memory_space<vmem>>) dst(%dma_wait3A_175 : memref<32x128xf32, #tpu.memory_space<vmem_shared>>)
      tpu.yield
    }) : () -> ()
    %add3A_44 = arith.constant 544 : i32
    %add3A_45 = arith.addi %mul3A_9, %add3A_44 : i32
    "tpu.region"() ({
      %run_scoped3A = tpu.sem_alloc : memref<!tpu.dma_semaphore, #tpu.memory_space<semaphore_mem>>
      %dma_start3A_168 = arith.constant 0 : i32
      %dma_start3A_169 = tpu.memref_slice %arg19[%add3A_45, %dma_start3A_168] : memref<10240x128xf32, #tpu.memory_space<vmem_shared>> -> memref<32x128xf32, #tpu.memory_space<vmem_shared>>
      %dma_start3A_170 = arith.constant 0 : i32
      %dma_start3A_171 = tpu.memref_slice %arg19[%add3A_45, %dma_start3A_170] : memref<10240x128xf32, #tpu.memory_space<vmem_shared>> -> memref<32x128xf32, #tpu.memory_space<vmem_shared>>
      tpu.enqueue_dma source(%arg18 : memref<32x128xf32, #tpu.memory_space<vmem>>) target(%dma_start3A_171 : memref<32x128xf32, #tpu.memory_space<vmem_shared>>) target_semaphore(%run_scoped3A : memref<!tpu.dma_semaphore, #tpu.memory_space<semaphore_mem>>)
      %dma_wait3A_172 = arith.constant 0 : i32
      %dma_wait3A_173 = tpu.memref_slice %arg19[%add3A_45, %dma_wait3A_172] : memref<10240x128xf32, #tpu.memory_space<vmem_shared>> -> memref<32x128xf32, #tpu.memory_space<vmem_shared>>
      %dma_wait3A_174 = arith.constant 0 : i32
      %dma_wait3A_175 = tpu.memref_slice %arg19[%add3A_45, %dma_wait3A_174] : memref<10240x128xf32, #tpu.memory_space<vmem_shared>> -> memref<32x128xf32, #tpu.memory_space<vmem_shared>>
      tpu.wait_dma2 semaphore(%run_scoped3A : memref<!tpu.dma_semaphore, #tpu.memory_space<semaphore_mem>>) src(%arg18 : memref<32x128xf32, #tpu.memory_space<vmem>>) dst(%dma_wait3A_175 : memref<32x128xf32, #tpu.memory_space<vmem_shared>>)
      tpu.yield
    }) : () -> ()
    %add3A_46 = arith.constant 576 : i32
    %add3A_47 = arith.addi %mul3A_9, %add3A_46 : i32
    "tpu.region"() ({
      %run_scoped3A = tpu.sem_alloc : memref<!tpu.dma_semaphore, #tpu.memory_space<semaphore_mem>>
      %dma_start3A_168 = arith.constant 0 : i32
      %dma_start3A_169 = tpu.memref_slice %arg19[%add3A_47, %dma_start3A_168] : memref<10240x128xf32, #tpu.memory_space<vmem_shared>> -> memref<32x128xf32, #tpu.memory_space<vmem_shared>>
      %dma_start3A_170 = arith.constant 0 : i32
      %dma_start3A_171 = tpu.memref_slice %arg19[%add3A_47, %dma_start3A_170] : memref<10240x128xf32, #tpu.memory_space<vmem_shared>> -> memref<32x128xf32, #tpu.memory_space<vmem_shared>>
      tpu.enqueue_dma source(%arg18 : memref<32x128xf32, #tpu.memory_space<vmem>>) target(%dma_start3A_171 : memref<32x128xf32, #tpu.memory_space<vmem_shared>>) target_semaphore(%run_scoped3A : memref<!tpu.dma_semaphore, #tpu.memory_space<semaphore_mem>>)
      %dma_wait3A_172 = arith.constant 0 : i32
      %dma_wait3A_173 = tpu.memref_slice %arg19[%add3A_47, %dma_wait3A_172] : memref<10240x128xf32, #tpu.memory_space<vmem_shared>> -> memref<32x128xf32, #tpu.memory_space<vmem_shared>>
      %dma_wait3A_174 = arith.constant 0 : i32
      %dma_wait3A_175 = tpu.memref_slice %arg19[%add3A_47, %dma_wait3A_174] : memref<10240x128xf32, #tpu.memory_space<vmem_shared>> -> memref<32x128xf32, #tpu.memory_space<vmem_shared>>
      tpu.wait_dma2 semaphore(%run_scoped3A : memref<!tpu.dma_semaphore, #tpu.memory_space<semaphore_mem>>) src(%arg18 : memref<32x128xf32, #tpu.memory_space<vmem>>) dst(%dma_wait3A_175 : memref<32x128xf32, #tpu.memory_space<vmem_shared>>)
      tpu.yield
    }) : () -> ()
    %add3A_48 = arith.constant 608 : i32
    %add3A_49 = arith.addi %mul3A_9, %add3A_48 : i32
    "tpu.region"() ({
      %run_scoped3A = tpu.sem_alloc : memref<!tpu.dma_semaphore, #tpu.memory_space<semaphore_mem>>
      %dma_start3A_168 = arith.constant 0 : i32
      %dma_start3A_169 = tpu.memref_slice %arg19[%add3A_49, %dma_start3A_168] : memref<10240x128xf32, #tpu.memory_space<vmem_shared>> -> memref<32x128xf32, #tpu.memory_space<vmem_shared>>
      %dma_start3A_170 = arith.constant 0 : i32
      %dma_start3A_171 = tpu.memref_slice %arg19[%add3A_49, %dma_start3A_170] : memref<10240x128xf32, #tpu.memory_space<vmem_shared>> -> memref<32x128xf32, #tpu.memory_space<vmem_shared>>
      tpu.enqueue_dma source(%arg18 : memref<32x128xf32, #tpu.memory_space<vmem>>) target(%dma_start3A_171 : memref<32x128xf32, #tpu.memory_space<vmem_shared>>) target_semaphore(%run_scoped3A : memref<!tpu.dma_semaphore, #tpu.memory_space<semaphore_mem>>)
      %dma_wait3A_172 = arith.constant 0 : i32
      %dma_wait3A_173 = tpu.memref_slice %arg19[%add3A_49, %dma_wait3A_172] : memref<10240x128xf32, #tpu.memory_space<vmem_shared>> -> memref<32x128xf32, #tpu.memory_space<vmem_shared>>
      %dma_wait3A_174 = arith.constant 0 : i32
      %dma_wait3A_175 = tpu.memref_slice %arg19[%add3A_49, %dma_wait3A_174] : memref<10240x128xf32, #tpu.memory_space<vmem_shared>> -> memref<32x128xf32, #tpu.memory_space<vmem_shared>>
      tpu.wait_dma2 semaphore(%run_scoped3A : memref<!tpu.dma_semaphore, #tpu.memory_space<semaphore_mem>>) src(%arg18 : memref<32x128xf32, #tpu.memory_space<vmem>>) dst(%dma_wait3A_175 : memref<32x128xf32, #tpu.memory_space<vmem_shared>>)
      tpu.yield
    }) : () -> ()
    %barrier3A = arith.constant 0 : index
    tpu.barrier barrier_id(%barrier3A)
    %scan3A_50 = arith.constant 0 : i32
    %scan3A_51 = arith.constant 0 : i32
    %scan3A_52 = arith.constant 15 : i32
    %scan3A_53 = arith.addi %scan3A_51, %scan3A_52 : i32
    %scan3A_54 = arith.constant 1 : i32
    scf.for %scan3A_168 = %scan3A_51 to %scan3A_53 step %scan3A_54  : i32 {
      %mul3A_169 = arith.constant 8 : i32
      %mul3A_170 = arith.muli %scan3A_168, %mul3A_169 : i32
      %add3A_171 = arith.constant 0 : i32
      %add3A_172 = arith.addi %mul3A_170, %add3A_171 : i32
      %mul3A_173 = arith.constant 80 : i32
      %mul3A_174 = arith.muli %add3A_172, %mul3A_173 : i32
      %add3A_175 = arith.addi %mul3A_2, %mul3A_174 : i32
      %dma_start3A_176 = tpu.memref_slice %arg3[%add3A_175] : memref<320000xi32, #tpu.memory_space<hbm>> -> memref<80xi32, #tpu.memory_space<hbm>>
      %dma_start3A_177 = tpu.memref_slice %arg3[%add3A_175] : memref<320000xi32, #tpu.memory_space<hbm>> -> memref<80xi32, #tpu.memory_space<hbm>>
      tpu.enqueue_dma source(%dma_start3A_177 : memref<80xi32, #tpu.memory_space<hbm>>) target(%arg6 : memref<80xi32, #tpu.memory_space<vmem>>) target_semaphore(%arg20 : memref<!tpu.dma_semaphore, #tpu.memory_space<semaphore_mem>>)
      %dma_start3A_178 = tpu.memref_slice %arg4[%add3A_175] : memref<320000xi32, #tpu.memory_space<hbm>> -> memref<80xi32, #tpu.memory_space<hbm>>
      %dma_start3A_179 = tpu.memref_slice %arg4[%add3A_175] : memref<320000xi32, #tpu.memory_space<hbm>> -> memref<80xi32, #tpu.memory_space<hbm>>
      tpu.enqueue_dma source(%dma_start3A_179 : memref<80xi32, #tpu.memory_space<hbm>>) target(%arg10 : memref<80xi32, #tpu.memory_space<vmem>>) target_semaphore(%arg20 : memref<!tpu.dma_semaphore, #tpu.memory_space<semaphore_mem>>)
      %add3A_180 = arith.constant 1 : i32
      %add3A_181 = arith.addi %mul3A_170, %add3A_180 : i32
      %mul3A_182 = arith.constant 80 : i32
      %mul3A_183 = arith.muli %add3A_181, %mul3A_182 : i32
      %add3A_184 = arith.addi %mul3A_2, %mul3A_183 : i32
      %dma_start3A_185 = tpu.memref_slice %arg3[%add3A_184] : memref<320000xi32, #tpu.memory_space<hbm>> -> memref<80xi32, #tpu.memory_space<hbm>>
      %dma_start3A_186 = tpu.memref_slice %arg3[%add3A_184] : memref<320000xi32, #tpu.memory_space<hbm>> -> memref<80xi32, #tpu.memory_space<hbm>>
      tpu.enqueue_dma source(%dma_start3A_186 : memref<80xi32, #tpu.memory_space<hbm>>) target(%arg7 : memref<80xi32, #tpu.memory_space<vmem>>) target_semaphore(%arg21 : memref<!tpu.dma_semaphore, #tpu.memory_space<semaphore_mem>>)
      %dma_start3A_187 = tpu.memref_slice %arg4[%add3A_184] : memref<320000xi32, #tpu.memory_space<hbm>> -> memref<80xi32, #tpu.memory_space<hbm>>
      %dma_start3A_188 = tpu.memref_slice %arg4[%add3A_184] : memref<320000xi32, #tpu.memory_space<hbm>> -> memref<80xi32, #tpu.memory_space<hbm>>
      tpu.enqueue_dma source(%dma_start3A_188 : memref<80xi32, #tpu.memory_space<hbm>>) target(%arg11 : memref<80xi32, #tpu.memory_space<vmem>>) target_semaphore(%arg21 : memref<!tpu.dma_semaphore, #tpu.memory_space<semaphore_mem>>)
      %add3A_189 = arith.constant 2 : i32
      %add3A_190 = arith.addi %mul3A_170, %add3A_189 : i32
      %mul3A_191 = arith.constant 80 : i32
      %mul3A_192 = arith.muli %add3A_190, %mul3A_191 : i32
      %add3A_193 = arith.addi %mul3A_2, %mul3A_192 : i32
      %dma_start3A_194 = tpu.memref_slice %arg3[%add3A_193] : memref<320000xi32, #tpu.memory_space<hbm>> -> memref<80xi32, #tpu.memory_space<hbm>>
      %dma_start3A_195 = tpu.memref_slice %arg3[%add3A_193] : memref<320000xi32, #tpu.memory_space<hbm>> -> memref<80xi32, #tpu.memory_space<hbm>>
      tpu.enqueue_dma source(%dma_start3A_195 : memref<80xi32, #tpu.memory_space<hbm>>) target(%arg8 : memref<80xi32, #tpu.memory_space<vmem>>) target_semaphore(%arg22 : memref<!tpu.dma_semaphore, #tpu.memory_space<semaphore_mem>>)
      %dma_start3A_196 = tpu.memref_slice %arg4[%add3A_193] : memref<320000xi32, #tpu.memory_space<hbm>> -> memref<80xi32, #tpu.memory_space<hbm>>
      %dma_start3A_197 = tpu.memref_slice %arg4[%add3A_193] : memref<320000xi32, #tpu.memory_space<hbm>> -> memref<80xi32, #tpu.memory_space<hbm>>
      tpu.enqueue_dma source(%dma_start3A_197 : memref<80xi32, #tpu.memory_space<hbm>>) target(%arg12 : memref<80xi32, #tpu.memory_space<vmem>>) target_semaphore(%arg22 : memref<!tpu.dma_semaphore, #tpu.memory_space<semaphore_mem>>)
      %add3A_198 = arith.constant 3 : i32
      %add3A_199 = arith.addi %mul3A_170, %add3A_198 : i32
      %mul3A_200 = arith.constant 80 : i32
      %mul3A_201 = arith.muli %add3A_199, %mul3A_200 : i32
      %add3A_202 = arith.addi %mul3A_2, %mul3A_201 : i32
      %dma_start3A_203 = tpu.memref_slice %arg3[%add3A_202] : memref<320000xi32, #tpu.memory_space<hbm>> -> memref<80xi32, #tpu.memory_space<hbm>>
      %dma_start3A_204 = tpu.memref_slice %arg3[%add3A_202] : memref<320000xi32, #tpu.memory_space<hbm>> -> memref<80xi32, #tpu.memory_space<hbm>>
      tpu.enqueue_dma source(%dma_start3A_204 : memref<80xi32, #tpu.memory_space<hbm>>) target(%arg9 : memref<80xi32, #tpu.memory_space<vmem>>) target_semaphore(%arg23 : memref<!tpu.dma_semaphore, #tpu.memory_space<semaphore_mem>>)
      %dma_start3A_205 = tpu.memref_slice %arg4[%add3A_202] : memref<320000xi32, #tpu.memory_space<hbm>> -> memref<80xi32, #tpu.memory_space<hbm>>
      %dma_start3A_206 = tpu.memref_slice %arg4[%add3A_202] : memref<320000xi32, #tpu.memory_space<hbm>> -> memref<80xi32, #tpu.memory_space<hbm>>
      tpu.enqueue_dma source(%dma_start3A_206 : memref<80xi32, #tpu.memory_space<hbm>>) target(%arg13 : memref<80xi32, #tpu.memory_space<vmem>>) target_semaphore(%arg23 : memref<!tpu.dma_semaphore, #tpu.memory_space<semaphore_mem>>)
      %dma_wait3A_207 = tpu.memref_slice %arg3[%add3A_175] : memref<320000xi32, #tpu.memory_space<hbm>> -> memref<80xi32, #tpu.memory_space<hbm>>
      %dma_wait3A_208 = tpu.memref_slice %arg3[%add3A_175] : memref<320000xi32, #tpu.memory_space<hbm>> -> memref<80xi32, #tpu.memory_space<hbm>>
      tpu.wait_dma2 semaphore(%arg20 : memref<!tpu.dma_semaphore, #tpu.memory_space<semaphore_mem>>) src(%dma_wait3A_208 : memref<80xi32, #tpu.memory_space<hbm>>) dst(%arg6 : memref<80xi32, #tpu.memory_space<vmem>>)
      %dma_wait3A_209 = tpu.memref_slice %arg4[%add3A_175] : memref<320000xi32, #tpu.memory_space<hbm>> -> memref<80xi32, #tpu.memory_space<hbm>>
      %dma_wait3A_210 = tpu.memref_slice %arg4[%add3A_175] : memref<320000xi32, #tpu.memory_space<hbm>> -> memref<80xi32, #tpu.memory_space<hbm>>
      tpu.wait_dma2 semaphore(%arg20 : memref<!tpu.dma_semaphore, #tpu.memory_space<semaphore_mem>>) src(%dma_wait3A_210 : memref<80xi32, #tpu.memory_space<hbm>>) dst(%arg10 : memref<80xi32, #tpu.memory_space<vmem>>)
      %dma_start3A_211 = arith.constant 0 : i32
      %dma_start3A_212 = arith.constant 0 : i32
      %dma_start3A_213 = tpu.memref_slice %arg2[%dma_start3A_211, %dma_start3A_212] : memref<10000x128xf32, #tpu.memory_space<hbm>> -> memref<10000x128xf32, #tpu.memory_space<hbm>>
      tpu.enqueue_indirect_dma source(%dma_start3A_213 : memref<10000x128xf32, #tpu.memory_space<hbm>>) target(%arg14 : memref<80x128xf32, #tpu.memory_space<vmem>>) offsets(%arg6 : memref<80xi32, #tpu.memory_space<vmem>>) semaphore(%arg24 : memref<!tpu.dma_semaphore, #tpu.memory_space<semaphore_mem>>)
      %dma_wait3A_214 = tpu.memref_slice %arg3[%add3A_184] : memref<320000xi32, #tpu.memory_space<hbm>> -> memref<80xi32, #tpu.memory_space<hbm>>
      %dma_wait3A_215 = tpu.memref_slice %arg3[%add3A_184] : memref<320000xi32, #tpu.memory_space<hbm>> -> memref<80xi32, #tpu.memory_space<hbm>>
      tpu.wait_dma2 semaphore(%arg21 : memref<!tpu.dma_semaphore, #tpu.memory_space<semaphore_mem>>) src(%dma_wait3A_215 : memref<80xi32, #tpu.memory_space<hbm>>) dst(%arg7 : memref<80xi32, #tpu.memory_space<vmem>>)
      %dma_wait3A_216 = tpu.memref_slice %arg4[%add3A_184] : memref<320000xi32, #tpu.memory_space<hbm>> -> memref<80xi32, #tpu.memory_space<hbm>>
      %dma_wait3A_217 = tpu.memref_slice %arg4[%add3A_184] : memref<320000xi32, #tpu.memory_space<hbm>> -> memref<80xi32, #tpu.memory_space<hbm>>
      tpu.wait_dma2 semaphore(%arg21 : memref<!tpu.dma_semaphore, #tpu.memory_space<semaphore_mem>>) src(%dma_wait3A_217 : memref<80xi32, #tpu.memory_space<hbm>>) dst(%arg11 : memref<80xi32, #tpu.memory_space<vmem>>)
      %dma_start3A_218 = arith.constant 0 : i32
      %dma_start3A_219 = arith.constant 0 : i32
      %dma_start3A_220 = tpu.memref_slice %arg2[%dma_start3A_218, %dma_start3A_219] : memref<10000x128xf32, #tpu.memory_space<hbm>> -> memref<10000x128xf32, #tpu.memory_space<hbm>>
      tpu.enqueue_indirect_dma source(%dma_start3A_220 : memref<10000x128xf32, #tpu.memory_space<hbm>>) target(%arg15 : memref<80x128xf32, #tpu.memory_space<vmem>>) offsets(%arg7 : memref<80xi32, #tpu.memory_space<vmem>>) semaphore(%arg25 : memref<!tpu.dma_semaphore, #tpu.memory_space<semaphore_mem>>)
      %dma_wait3A_221 = tpu.memref_slice %arg3[%add3A_193] : memref<320000xi32, #tpu.memory_space<hbm>> -> memref<80xi32, #tpu.memory_space<hbm>>
      %dma_wait3A_222 = tpu.memref_slice %arg3[%add3A_193] : memref<320000xi32, #tpu.memory_space<hbm>> -> memref<80xi32, #tpu.memory_space<hbm>>
      tpu.wait_dma2 semaphore(%arg22 : memref<!tpu.dma_semaphore, #tpu.memory_space<semaphore_mem>>) src(%dma_wait3A_222 : memref<80xi32, #tpu.memory_space<hbm>>) dst(%arg8 : memref<80xi32, #tpu.memory_space<vmem>>)
      %dma_wait3A_223 = tpu.memref_slice %arg4[%add3A_193] : memref<320000xi32, #tpu.memory_space<hbm>> -> memref<80xi32, #tpu.memory_space<hbm>>
      %dma_wait3A_224 = tpu.memref_slice %arg4[%add3A_193] : memref<320000xi32, #tpu.memory_space<hbm>> -> memref<80xi32, #tpu.memory_space<hbm>>
      tpu.wait_dma2 semaphore(%arg22 : memref<!tpu.dma_semaphore, #tpu.memory_space<semaphore_mem>>) src(%dma_wait3A_224 : memref<80xi32, #tpu.memory_space<hbm>>) dst(%arg12 : memref<80xi32, #tpu.memory_space<vmem>>)
      %dma_start3A_225 = arith.constant 0 : i32
      %dma_start3A_226 = arith.constant 0 : i32
      %dma_start3A_227 = tpu.memref_slice %arg2[%dma_start3A_225, %dma_start3A_226] : memref<10000x128xf32, #tpu.memory_space<hbm>> -> memref<10000x128xf32, #tpu.memory_space<hbm>>
      tpu.enqueue_indirect_dma source(%dma_start3A_227 : memref<10000x128xf32, #tpu.memory_space<hbm>>) target(%arg16 : memref<80x128xf32, #tpu.memory_space<vmem>>) offsets(%arg8 : memref<80xi32, #tpu.memory_space<vmem>>) semaphore(%arg26 : memref<!tpu.dma_semaphore, #tpu.memory_space<semaphore_mem>>)
      %dma_wait3A_228 = tpu.memref_slice %arg3[%add3A_202] : memref<320000xi32, #tpu.memory_space<hbm>> -> memref<80xi32, #tpu.memory_space<hbm>>
      %dma_wait3A_229 = tpu.memref_slice %arg3[%add3A_202] : memref<320000xi32, #tpu.memory_space<hbm>> -> memref<80xi32, #tpu.memory_space<hbm>>
      tpu.wait_dma2 semaphore(%arg23 : memref<!tpu.dma_semaphore, #tpu.memory_space<semaphore_mem>>) src(%dma_wait3A_229 : memref<80xi32, #tpu.memory_space<hbm>>) dst(%arg9 : memref<80xi32, #tpu.memory_space<vmem>>)
      %dma_wait3A_230 = tpu.memref_slice %arg4[%add3A_202] : memref<320000xi32, #tpu.memory_space<hbm>> -> memref<80xi32, #tpu.memory_space<hbm>>
      %dma_wait3A_231 = tpu.memref_slice %arg4[%add3A_202] : memref<320000xi32, #tpu.memory_space<hbm>> -> memref<80xi32, #tpu.memory_space<hbm>>
      tpu.wait_dma2 semaphore(%arg23 : memref<!tpu.dma_semaphore, #tpu.memory_space<semaphore_mem>>) src(%dma_wait3A_231 : memref<80xi32, #tpu.memory_space<hbm>>) dst(%arg13 : memref<80xi32, #tpu.memory_space<vmem>>)
      %dma_start3A_232 = arith.constant 0 : i32
      %dma_start3A_233 = arith.constant 0 : i32
      %dma_start3A_234 = tpu.memref_slice %arg2[%dma_start3A_232, %dma_start3A_233] : memref<10000x128xf32, #tpu.memory_space<hbm>> -> memref<10000x128xf32, #tpu.memory_space<hbm>>
      tpu.enqueue_indirect_dma source(%dma_start3A_234 : memref<10000x128xf32, #tpu.memory_space<hbm>>) target(%arg17 : memref<80x128xf32, #tpu.memory_space<vmem>>) offsets(%arg9 : memref<80xi32, #tpu.memory_space<vmem>>) semaphore(%arg27 : memref<!tpu.dma_semaphore, #tpu.memory_space<semaphore_mem>>)
      %dma_wait3A_235 = arith.constant 0 : i32
      %dma_wait3A_236 = arith.constant 0 : i32
      %dma_wait3A_237 = tpu.memref_slice %arg2[%dma_wait3A_235, %dma_wait3A_236] : memref<10000x128xf32, #tpu.memory_space<hbm>> -> memref<10000x128xf32, #tpu.memory_space<hbm>>
      tpu.wait_indirect_dma semaphore(%arg24 : memref<!tpu.dma_semaphore, #tpu.memory_space<semaphore_mem>>) src(%dma_wait3A_237 : memref<10000x128xf32, #tpu.memory_space<hbm>>) dst(%arg14 : memref<80x128xf32, #tpu.memory_space<vmem>>)
      %dma_start3A_238 = arith.constant 0 : i32
      %dma_start3A_239 = arith.constant 0 : i32
      %dma_start3A_240 = tpu.memref_slice %arg19[%dma_start3A_238, %dma_start3A_239] : memref<10240x128xf32, #tpu.memory_space<vmem_shared>> -> memref<10240x128xf32, #tpu.memory_space<vmem_shared>>
      tpu.enqueue_indirect_dma source(%arg14 : memref<80x128xf32, #tpu.memory_space<vmem>>) target(%dma_start3A_240 : memref<10240x128xf32, #tpu.memory_space<vmem_shared>>) offsets(%arg10 : memref<80xi32, #tpu.memory_space<vmem>>) semaphore(%arg28 : memref<!tpu.dma_semaphore, #tpu.memory_space<semaphore_mem>>) {add = true}
      %dma_wait3A_241 = arith.constant 0 : i32
      %dma_wait3A_242 = arith.constant 0 : i32
      %dma_wait3A_243 = tpu.memref_slice %arg2[%dma_wait3A_241, %dma_wait3A_242] : memref<10000x128xf32, #tpu.memory_space<hbm>> -> memref<10000x128xf32, #tpu.memory_space<hbm>>
      tpu.wait_indirect_dma semaphore(%arg25 : memref<!tpu.dma_semaphore, #tpu.memory_space<semaphore_mem>>) src(%dma_wait3A_243 : memref<10000x128xf32, #tpu.memory_space<hbm>>) dst(%arg15 : memref<80x128xf32, #tpu.memory_space<vmem>>)
      %dma_start3A_244 = arith.constant 0 : i32
      %dma_start3A_245 = arith.constant 0 : i32
      %dma_start3A_246 = tpu.memref_slice %arg19[%dma_start3A_244, %dma_start3A_245] : memref<10240x128xf32, #tpu.memory_space<vmem_shared>> -> memref<10240x128xf32, #tpu.memory_space<vmem_shared>>
      tpu.enqueue_indirect_dma source(%arg15 : memref<80x128xf32, #tpu.memory_space<vmem>>) target(%dma_start3A_246 : memref<10240x128xf32, #tpu.memory_space<vmem_shared>>) offsets(%arg11 : memref<80xi32, #tpu.memory_space<vmem>>) semaphore(%arg29 : memref<!tpu.dma_semaphore, #tpu.memory_space<semaphore_mem>>) {add = true}
      %dma_wait3A_247 = arith.constant 0 : i32
      %dma_wait3A_248 = arith.constant 0 : i32
      %dma_wait3A_249 = tpu.memref_slice %arg2[%dma_wait3A_247, %dma_wait3A_248] : memref<10000x128xf32, #tpu.memory_space<hbm>> -> memref<10000x128xf32, #tpu.memory_space<hbm>>
      tpu.wait_indirect_dma semaphore(%arg26 : memref<!tpu.dma_semaphore, #tpu.memory_space<semaphore_mem>>) src(%dma_wait3A_249 : memref<10000x128xf32, #tpu.memory_space<hbm>>) dst(%arg16 : memref<80x128xf32, #tpu.memory_space<vmem>>)
      %dma_start3A_250 = arith.constant 0 : i32
      %dma_start3A_251 = arith.constant 0 : i32
      %dma_start3A_252 = tpu.memref_slice %arg19[%dma_start3A_250, %dma_start3A_251] : memref<10240x128xf32, #tpu.memory_space<vmem_shared>> -> memref<10240x128xf32, #tpu.memory_space<vmem_shared>>
      tpu.enqueue_indirect_dma source(%arg16 : memref<80x128xf32, #tpu.memory_space<vmem>>) target(%dma_start3A_252 : memref<10240x128xf32, #tpu.memory_space<vmem_shared>>) offsets(%arg12 : memref<80xi32, #tpu.memory_space<vmem>>) semaphore(%arg30 : memref<!tpu.dma_semaphore, #tpu.memory_space<semaphore_mem>>) {add = true}
      %dma_wait3A_253 = arith.constant 0 : i32
      %dma_wait3A_254 = arith.constant 0 : i32
      %dma_wait3A_255 = tpu.memref_slice %arg2[%dma_wait3A_253, %dma_wait3A_254] : memref<10000x128xf32, #tpu.memory_space<hbm>> -> memref<10000x128xf32, #tpu.memory_space<hbm>>
      tpu.wait_indirect_dma semaphore(%arg27 : memref<!tpu.dma_semaphore, #tpu.memory_space<semaphore_mem>>) src(%dma_wait3A_255 : memref<10000x128xf32, #tpu.memory_space<hbm>>) dst(%arg17 : memref<80x128xf32, #tpu.memory_space<vmem>>)
      %dma_start3A_256 = arith.constant 0 : i32
      %dma_start3A_257 = arith.constant 0 : i32
      %dma_start3A_258 = tpu.memref_slice %arg19[%dma_start3A_256, %dma_start3A_257] : memref<10240x128xf32, #tpu.memory_space<vmem_shared>> -> memref<10240x128xf32, #tpu.memory_space<vmem_shared>>
      tpu.enqueue_indirect_dma source(%arg17 : memref<80x128xf32, #tpu.memory_space<vmem>>) target(%dma_start3A_258 : memref<10240x128xf32, #tpu.memory_space<vmem_shared>>) offsets(%arg13 : memref<80xi32, #tpu.memory_space<vmem>>) semaphore(%arg31 : memref<!tpu.dma_semaphore, #tpu.memory_space<semaphore_mem>>) {add = true}
      %dma_wait3A_259 = arith.constant 0 : i32
      %dma_wait3A_260 = arith.constant 0 : i32
      %dma_wait3A_261 = tpu.memref_slice %arg19[%dma_wait3A_259, %dma_wait3A_260] : memref<10240x128xf32, #tpu.memory_space<vmem_shared>> -> memref<10240x128xf32, #tpu.memory_space<vmem_shared>>
      tpu.wait_indirect_dma semaphore(%arg28 : memref<!tpu.dma_semaphore, #tpu.memory_space<semaphore_mem>>) src(%arg14 : memref<80x128xf32, #tpu.memory_space<vmem>>) dst(%dma_wait3A_261 : memref<10240x128xf32, #tpu.memory_space<vmem_shared>>)
      %add3A_262 = arith.constant 0 : i32
      %add3A_263 = arith.addi %mul3A_170, %add3A_262 : i32
      %add3A_264 = arith.constant 4 : i32
      %add3A_265 = arith.addi %add3A_263, %add3A_264 : i32
      %mul3A_266 = arith.constant 80 : i32
      %mul3A_267 = arith.muli %add3A_265, %mul3A_266 : i32
      %add3A_268 = arith.addi %mul3A_2, %mul3A_267 : i32
      %dma_start3A_269 = tpu.memref_slice %arg3[%add3A_268] : memref<320000xi32, #tpu.memory_space<hbm>> -> memref<80xi32, #tpu.memory_space<hbm>>
      %dma_start3A_270 = tpu.memref_slice %arg3[%add3A_268] : memref<320000xi32, #tpu.memory_space<hbm>> -> memref<80xi32, #tpu.memory_space<hbm>>
      tpu.enqueue_dma source(%dma_start3A_270 : memref<80xi32, #tpu.memory_space<hbm>>) target(%arg6 : memref<80xi32, #tpu.memory_space<vmem>>) target_semaphore(%arg20 : memref<!tpu.dma_semaphore, #tpu.memory_space<semaphore_mem>>)
      %dma_start3A_271 = tpu.memref_slice %arg4[%add3A_268] : memref<320000xi32, #tpu.memory_space<hbm>> -> memref<80xi32, #tpu.memory_space<hbm>>
      %dma_start3A_272 = tpu.memref_slice %arg4[%add3A_268] : memref<320000xi32, #tpu.memory_space<hbm>> -> memref<80xi32, #tpu.memory_space<hbm>>
      tpu.enqueue_dma source(%dma_start3A_272 : memref<80xi32, #tpu.memory_space<hbm>>) target(%arg10 : memref<80xi32, #tpu.memory_space<vmem>>) target_semaphore(%arg20 : memref<!tpu.dma_semaphore, #tpu.memory_space<semaphore_mem>>)
      %dma_wait3A_273 = arith.constant 0 : i32
      %dma_wait3A_274 = arith.constant 0 : i32
      %dma_wait3A_275 = tpu.memref_slice %arg19[%dma_wait3A_273, %dma_wait3A_274] : memref<10240x128xf32, #tpu.memory_space<vmem_shared>> -> memref<10240x128xf32, #tpu.memory_space<vmem_shared>>
      tpu.wait_indirect_dma semaphore(%arg29 : memref<!tpu.dma_semaphore, #tpu.memory_space<semaphore_mem>>) src(%arg15 : memref<80x128xf32, #tpu.memory_space<vmem>>) dst(%dma_wait3A_275 : memref<10240x128xf32, #tpu.memory_space<vmem_shared>>)
      %add3A_276 = arith.constant 1 : i32
      %add3A_277 = arith.addi %mul3A_170, %add3A_276 : i32
      %add3A_278 = arith.constant 4 : i32
      %add3A_279 = arith.addi %add3A_277, %add3A_278 : i32
      %mul3A_280 = arith.constant 80 : i32
      %mul3A_281 = arith.muli %add3A_279, %mul3A_280 : i32
      %add3A_282 = arith.addi %mul3A_2, %mul3A_281 : i32
      %dma_start3A_283 = tpu.memref_slice %arg3[%add3A_282] : memref<320000xi32, #tpu.memory_space<hbm>> -> memref<80xi32, #tpu.memory_space<hbm>>
      %dma_start3A_284 = tpu.memref_slice %arg3[%add3A_282] : memref<320000xi32, #tpu.memory_space<hbm>> -> memref<80xi32, #tpu.memory_space<hbm>>
      tpu.enqueue_dma source(%dma_start3A_284 : memref<80xi32, #tpu.memory_space<hbm>>) target(%arg7 : memref<80xi32, #tpu.memory_space<vmem>>) target_semaphore(%arg21 : memref<!tpu.dma_semaphore, #tpu.memory_space<semaphore_mem>>)
      %dma_start3A_285 = tpu.memref_slice %arg4[%add3A_282] : memref<320000xi32, #tpu.memory_space<hbm>> -> memref<80xi32, #tpu.memory_space<hbm>>
      %dma_start3A_286 = tpu.memref_slice %arg4[%add3A_282] : memref<320000xi32, #tpu.memory_space<hbm>> -> memref<80xi32, #tpu.memory_space<hbm>>
      tpu.enqueue_dma source(%dma_start3A_286 : memref<80xi32, #tpu.memory_space<hbm>>) target(%arg11 : memref<80xi32, #tpu.memory_space<vmem>>) target_semaphore(%arg21 : memref<!tpu.dma_semaphore, #tpu.memory_space<semaphore_mem>>)
      %dma_wait3A_287 = arith.constant 0 : i32
      %dma_wait3A_288 = arith.constant 0 : i32
      %dma_wait3A_289 = tpu.memref_slice %arg19[%dma_wait3A_287, %dma_wait3A_288] : memref<10240x128xf32, #tpu.memory_space<vmem_shared>> -> memref<10240x128xf32, #tpu.memory_space<vmem_shared>>
      tpu.wait_indirect_dma semaphore(%arg30 : memref<!tpu.dma_semaphore, #tpu.memory_space<semaphore_mem>>) src(%arg16 : memref<80x128xf32, #tpu.memory_space<vmem>>) dst(%dma_wait3A_289 : memref<10240x128xf32, #tpu.memory_space<vmem_shared>>)
      %add3A_290 = arith.constant 2 : i32
      %add3A_291 = arith.addi %mul3A_170, %add3A_290 : i32
      %add3A_292 = arith.constant 4 : i32
      %add3A_293 = arith.addi %add3A_291, %add3A_292 : i32
      %mul3A_294 = arith.constant 80 : i32
      %mul3A_295 = arith.muli %add3A_293, %mul3A_294 : i32
      %add3A_296 = arith.addi %mul3A_2, %mul3A_295 : i32
      %dma_start3A_297 = tpu.memref_slice %arg3[%add3A_296] : memref<320000xi32, #tpu.memory_space<hbm>> -> memref<80xi32, #tpu.memory_space<hbm>>
      %dma_start3A_298 = tpu.memref_slice %arg3[%add3A_296] : memref<320000xi32, #tpu.memory_space<hbm>> -> memref<80xi32, #tpu.memory_space<hbm>>
      tpu.enqueue_dma source(%dma_start3A_298 : memref<80xi32, #tpu.memory_space<hbm>>) target(%arg8 : memref<80xi32, #tpu.memory_space<vmem>>) target_semaphore(%arg22 : memref<!tpu.dma_semaphore, #tpu.memory_space<semaphore_mem>>)
      %dma_start3A_299 = tpu.memref_slice %arg4[%add3A_296] : memref<320000xi32, #tpu.memory_space<hbm>> -> memref<80xi32, #tpu.memory_space<hbm>>
      %dma_start3A_300 = tpu.memref_slice %arg4[%add3A_296] : memref<320000xi32, #tpu.memory_space<hbm>> -> memref<80xi32, #tpu.memory_space<hbm>>
      tpu.enqueue_dma source(%dma_start3A_300 : memref<80xi32, #tpu.memory_space<hbm>>) target(%arg12 : memref<80xi32, #tpu.memory_space<vmem>>) target_semaphore(%arg22 : memref<!tpu.dma_semaphore, #tpu.memory_space<semaphore_mem>>)
      %dma_wait3A_301 = arith.constant 0 : i32
      %dma_wait3A_302 = arith.constant 0 : i32
      %dma_wait3A_303 = tpu.memref_slice %arg19[%dma_wait3A_301, %dma_wait3A_302] : memref<10240x128xf32, #tpu.memory_space<vmem_shared>> -> memref<10240x128xf32, #tpu.memory_space<vmem_shared>>
      tpu.wait_indirect_dma semaphore(%arg31 : memref<!tpu.dma_semaphore, #tpu.memory_space<semaphore_mem>>) src(%arg17 : memref<80x128xf32, #tpu.memory_space<vmem>>) dst(%dma_wait3A_303 : memref<10240x128xf32, #tpu.memory_space<vmem_shared>>)
      %add3A_304 = arith.constant 3 : i32
      %add3A_305 = arith.addi %mul3A_170, %add3A_304 : i32
      %add3A_306 = arith.constant 4 : i32
      %add3A_307 = arith.addi %add3A_305, %add3A_306 : i32
      %mul3A_308 = arith.constant 80 : i32
      %mul3A_309 = arith.muli %add3A_307, %mul3A_308 : i32
      %add3A_310 = arith.addi %mul3A_2, %mul3A_309 : i32
      %dma_start3A_311 = tpu.memref_slice %arg3[%add3A_310] : memref<320000xi32, #tpu.memory_space<hbm>> -> memref<80xi32, #tpu.memory_space<hbm>>
      %dma_start3A_312 = tpu.memref_slice %arg3[%add3A_310] : memref<320000xi32, #tpu.memory_space<hbm>> -> memref<80xi32, #tpu.memory_space<hbm>>
      tpu.enqueue_dma source(%dma_start3A_312 : memref<80xi32, #tpu.memory_space<hbm>>) target(%arg9 : memref<80xi32, #tpu.memory_space<vmem>>) target_semaphore(%arg23 : memref<!tpu.dma_semaphore, #tpu.memory_space<semaphore_mem>>)
      %dma_start3A_313 = tpu.memref_slice %arg4[%add3A_310] : memref<320000xi32, #tpu.memory_space<hbm>> -> memref<80xi32, #tpu.memory_space<hbm>>
      %dma_start3A_314 = tpu.memref_slice %arg4[%add3A_310] : memref<320000xi32, #tpu.memory_space<hbm>> -> memref<80xi32, #tpu.memory_space<hbm>>
      tpu.enqueue_dma source(%dma_start3A_314 : memref<80xi32, #tpu.memory_space<hbm>>) target(%arg13 : memref<80xi32, #tpu.memory_space<vmem>>) target_semaphore(%arg23 : memref<!tpu.dma_semaphore, #tpu.memory_space<semaphore_mem>>)
      %dma_wait3A_315 = tpu.memref_slice %arg3[%add3A_268] : memref<320000xi32, #tpu.memory_space<hbm>> -> memref<80xi32, #tpu.memory_space<hbm>>
      %dma_wait3A_316 = tpu.memref_slice %arg3[%add3A_268] : memref<320000xi32, #tpu.memory_space<hbm>> -> memref<80xi32, #tpu.memory_space<hbm>>
      tpu.wait_dma2 semaphore(%arg20 : memref<!tpu.dma_semaphore, #tpu.memory_space<semaphore_mem>>) src(%dma_wait3A_316 : memref<80xi32, #tpu.memory_space<hbm>>) dst(%arg6 : memref<80xi32, #tpu.memory_space<vmem>>)
      %dma_wait3A_317 = tpu.memref_slice %arg4[%add3A_268] : memref<320000xi32, #tpu.memory_space<hbm>> -> memref<80xi32, #tpu.memory_space<hbm>>
      %dma_wait3A_318 = tpu.memref_slice %arg4[%add3A_268] : memref<320000xi32, #tpu.memory_space<hbm>> -> memref<80xi32, #tpu.memory_space<hbm>>
      tpu.wait_dma2 semaphore(%arg20 : memref<!tpu.dma_semaphore, #tpu.memory_space<semaphore_mem>>) src(%dma_wait3A_318 : memref<80xi32, #tpu.memory_space<hbm>>) dst(%arg10 : memref<80xi32, #tpu.memory_space<vmem>>)
      %dma_start3A_319 = arith.constant 0 : i32
      %dma_start3A_320 = arith.constant 0 : i32
      %dma_start3A_321 = tpu.memref_slice %arg2[%dma_start3A_319, %dma_start3A_320] : memref<10000x128xf32, #tpu.memory_space<hbm>> -> memref<10000x128xf32, #tpu.memory_space<hbm>>
      tpu.enqueue_indirect_dma source(%dma_start3A_321 : memref<10000x128xf32, #tpu.memory_space<hbm>>) target(%arg14 : memref<80x128xf32, #tpu.memory_space<vmem>>) offsets(%arg6 : memref<80xi32, #tpu.memory_space<vmem>>) semaphore(%arg24 : memref<!tpu.dma_semaphore, #tpu.memory_space<semaphore_mem>>)
      %dma_wait3A_322 = tpu.memref_slice %arg3[%add3A_282] : memref<320000xi32, #tpu.memory_space<hbm>> -> memref<80xi32, #tpu.memory_space<hbm>>
      %dma_wait3A_323 = tpu.memref_slice %arg3[%add3A_282] : memref<320000xi32, #tpu.memory_space<hbm>> -> memref<80xi32, #tpu.memory_space<hbm>>
      tpu.wait_dma2 semaphore(%arg21 : memref<!tpu.dma_semaphore, #tpu.memory_space<semaphore_mem>>) src(%dma_wait3A_323 : memref<80xi32, #tpu.memory_space<hbm>>) dst(%arg7 : memref<80xi32, #tpu.memory_space<vmem>>)
      %dma_wait3A_324 = tpu.memref_slice %arg4[%add3A_282] : memref<320000xi32, #tpu.memory_space<hbm>> -> memref<80xi32, #tpu.memory_space<hbm>>
      %dma_wait3A_325 = tpu.memref_slice %arg4[%add3A_282] : memref<320000xi32, #tpu.memory_space<hbm>> -> memref<80xi32, #tpu.memory_space<hbm>>
      tpu.wait_dma2 semaphore(%arg21 : memref<!tpu.dma_semaphore, #tpu.memory_space<semaphore_mem>>) src(%dma_wait3A_325 : memref<80xi32, #tpu.memory_space<hbm>>) dst(%arg11 : memref<80xi32, #tpu.memory_space<vmem>>)
      %dma_start3A_326 = arith.constant 0 : i32
      %dma_start3A_327 = arith.constant 0 : i32
      %dma_start3A_328 = tpu.memref_slice %arg2[%dma_start3A_326, %dma_start3A_327] : memref<10000x128xf32, #tpu.memory_space<hbm>> -> memref<10000x128xf32, #tpu.memory_space<hbm>>
      tpu.enqueue_indirect_dma source(%dma_start3A_328 : memref<10000x128xf32, #tpu.memory_space<hbm>>) target(%arg15 : memref<80x128xf32, #tpu.memory_space<vmem>>) offsets(%arg7 : memref<80xi32, #tpu.memory_space<vmem>>) semaphore(%arg25 : memref<!tpu.dma_semaphore, #tpu.memory_space<semaphore_mem>>)
      %dma_wait3A_329 = tpu.memref_slice %arg3[%add3A_296] : memref<320000xi32, #tpu.memory_space<hbm>> -> memref<80xi32, #tpu.memory_space<hbm>>
      %dma_wait3A_330 = tpu.memref_slice %arg3[%add3A_296] : memref<320000xi32, #tpu.memory_space<hbm>> -> memref<80xi32, #tpu.memory_space<hbm>>
      tpu.wait_dma2 semaphore(%arg22 : memref<!tpu.dma_semaphore, #tpu.memory_space<semaphore_mem>>) src(%dma_wait3A_330 : memref<80xi32, #tpu.memory_space<hbm>>) dst(%arg8 : memref<80xi32, #tpu.memory_space<vmem>>)
      %dma_wait3A_331 = tpu.memref_slice %arg4[%add3A_296] : memref<320000xi32, #tpu.memory_space<hbm>> -> memref<80xi32, #tpu.memory_space<hbm>>
      %dma_wait3A_332 = tpu.memref_slice %arg4[%add3A_296] : memref<320000xi32, #tpu.memory_space<hbm>> -> memref<80xi32, #tpu.memory_space<hbm>>
      tpu.wait_dma2 semaphore(%arg22 : memref<!tpu.dma_semaphore, #tpu.memory_space<semaphore_mem>>) src(%dma_wait3A_332 : memref<80xi32, #tpu.memory_space<hbm>>) dst(%arg12 : memref<80xi32, #tpu.memory_space<vmem>>)
      %dma_start3A_333 = arith.constant 0 : i32
      %dma_start3A_334 = arith.constant 0 : i32
      %dma_start3A_335 = tpu.memref_slice %arg2[%dma_start3A_333, %dma_start3A_334] : memref<10000x128xf32, #tpu.memory_space<hbm>> -> memref<10000x128xf32, #tpu.memory_space<hbm>>
      tpu.enqueue_indirect_dma source(%dma_start3A_335 : memref<10000x128xf32, #tpu.memory_space<hbm>>) target(%arg16 : memref<80x128xf32, #tpu.memory_space<vmem>>) offsets(%arg8 : memref<80xi32, #tpu.memory_space<vmem>>) semaphore(%arg26 : memref<!tpu.dma_semaphore, #tpu.memory_space<semaphore_mem>>)
      %dma_wait3A_336 = tpu.memref_slice %arg3[%add3A_310] : memref<320000xi32, #tpu.memory_space<hbm>> -> memref<80xi32, #tpu.memory_space<hbm>>
      %dma_wait3A_337 = tpu.memref_slice %arg3[%add3A_310] : memref<320000xi32, #tpu.memory_space<hbm>> -> memref<80xi32, #tpu.memory_space<hbm>>
      tpu.wait_dma2 semaphore(%arg23 : memref<!tpu.dma_semaphore, #tpu.memory_space<semaphore_mem>>) src(%dma_wait3A_337 : memref<80xi32, #tpu.memory_space<hbm>>) dst(%arg9 : memref<80xi32, #tpu.memory_space<vmem>>)
      %dma_wait3A_338 = tpu.memref_slice %arg4[%add3A_310] : memref<320000xi32, #tpu.memory_space<hbm>> -> memref<80xi32, #tpu.memory_space<hbm>>
      %dma_wait3A_339 = tpu.memref_slice %arg4[%add3A_310] : memref<320000xi32, #tpu.memory_space<hbm>> -> memref<80xi32, #tpu.memory_space<hbm>>
      tpu.wait_dma2 semaphore(%arg23 : memref<!tpu.dma_semaphore, #tpu.memory_space<semaphore_mem>>) src(%dma_wait3A_339 : memref<80xi32, #tpu.memory_space<hbm>>) dst(%arg13 : memref<80xi32, #tpu.memory_space<vmem>>)
      %dma_start3A_340 = arith.constant 0 : i32
      %dma_start3A_341 = arith.constant 0 : i32
      %dma_start3A_342 = tpu.memref_slice %arg2[%dma_start3A_340, %dma_start3A_341] : memref<10000x128xf32, #tpu.memory_space<hbm>> -> memref<10000x128xf32, #tpu.memory_space<hbm>>
      tpu.enqueue_indirect_dma source(%dma_start3A_342 : memref<10000x128xf32, #tpu.memory_space<hbm>>) target(%arg17 : memref<80x128xf32, #tpu.memory_space<vmem>>) offsets(%arg9 : memref<80xi32, #tpu.memory_space<vmem>>) semaphore(%arg27 : memref<!tpu.dma_semaphore, #tpu.memory_space<semaphore_mem>>)
      %dma_wait3A_343 = arith.constant 0 : i32
      %dma_wait3A_344 = arith.constant 0 : i32
      %dma_wait3A_345 = tpu.memref_slice %arg2[%dma_wait3A_343, %dma_wait3A_344] : memref<10000x128xf32, #tpu.memory_space<hbm>> -> memref<10000x128xf32, #tpu.memory_space<hbm>>
      tpu.wait_indirect_dma semaphore(%arg24 : memref<!tpu.dma_semaphore, #tpu.memory_space<semaphore_mem>>) src(%dma_wait3A_345 : memref<10000x128xf32, #tpu.memory_space<hbm>>) dst(%arg14 : memref<80x128xf32, #tpu.memory_space<vmem>>)
      %dma_start3A_346 = arith.constant 0 : i32
      %dma_start3A_347 = arith.constant 0 : i32
      %dma_start3A_348 = tpu.memref_slice %arg19[%dma_start3A_346, %dma_start3A_347] : memref<10240x128xf32, #tpu.memory_space<vmem_shared>> -> memref<10240x128xf32, #tpu.memory_space<vmem_shared>>
      tpu.enqueue_indirect_dma source(%arg14 : memref<80x128xf32, #tpu.memory_space<vmem>>) target(%dma_start3A_348 : memref<10240x128xf32, #tpu.memory_space<vmem_shared>>) offsets(%arg10 : memref<80xi32, #tpu.memory_space<vmem>>) semaphore(%arg28 : memref<!tpu.dma_semaphore, #tpu.memory_space<semaphore_mem>>) {add = true}
      %dma_wait3A_349 = arith.constant 0 : i32
      %dma_wait3A_350 = arith.constant 0 : i32
      %dma_wait3A_351 = tpu.memref_slice %arg2[%dma_wait3A_349, %dma_wait3A_350] : memref<10000x128xf32, #tpu.memory_space<hbm>> -> memref<10000x128xf32, #tpu.memory_space<hbm>>
      tpu.wait_indirect_dma semaphore(%arg25 : memref<!tpu.dma_semaphore, #tpu.memory_space<semaphore_mem>>) src(%dma_wait3A_351 : memref<10000x128xf32, #tpu.memory_space<hbm>>) dst(%arg15 : memref<80x128xf32, #tpu.memory_space<vmem>>)
      %dma_start3A_352 = arith.constant 0 : i32
      %dma_start3A_353 = arith.constant 0 : i32
      %dma_start3A_354 = tpu.memref_slice %arg19[%dma_start3A_352, %dma_start3A_353] : memref<10240x128xf32, #tpu.memory_space<vmem_shared>> -> memref<10240x128xf32, #tpu.memory_space<vmem_shared>>
      tpu.enqueue_indirect_dma source(%arg15 : memref<80x128xf32, #tpu.memory_space<vmem>>) target(%dma_start3A_354 : memref<10240x128xf32, #tpu.memory_space<vmem_shared>>) offsets(%arg11 : memref<80xi32, #tpu.memory_space<vmem>>) semaphore(%arg29 : memref<!tpu.dma_semaphore, #tpu.memory_space<semaphore_mem>>) {add = true}
      %dma_wait3A_355 = arith.constant 0 : i32
      %dma_wait3A_356 = arith.constant 0 : i32
      %dma_wait3A_357 = tpu.memref_slice %arg2[%dma_wait3A_355, %dma_wait3A_356] : memref<10000x128xf32, #tpu.memory_space<hbm>> -> memref<10000x128xf32, #tpu.memory_space<hbm>>
      tpu.wait_indirect_dma semaphore(%arg26 : memref<!tpu.dma_semaphore, #tpu.memory_space<semaphore_mem>>) src(%dma_wait3A_357 : memref<10000x128xf32, #tpu.memory_space<hbm>>) dst(%arg16 : memref<80x128xf32, #tpu.memory_space<vmem>>)
      %dma_start3A_358 = arith.constant 0 : i32
      %dma_start3A_359 = arith.constant 0 : i32
      %dma_start3A_360 = tpu.memref_slice %arg19[%dma_start3A_358, %dma_start3A_359] : memref<10240x128xf32, #tpu.memory_space<vmem_shared>> -> memref<10240x128xf32, #tpu.memory_space<vmem_shared>>
      tpu.enqueue_indirect_dma source(%arg16 : memref<80x128xf32, #tpu.memory_space<vmem>>) target(%dma_start3A_360 : memref<10240x128xf32, #tpu.memory_space<vmem_shared>>) offsets(%arg12 : memref<80xi32, #tpu.memory_space<vmem>>) semaphore(%arg30 : memref<!tpu.dma_semaphore, #tpu.memory_space<semaphore_mem>>) {add = true}
      %dma_wait3A_361 = arith.constant 0 : i32
      %dma_wait3A_362 = arith.constant 0 : i32
      %dma_wait3A_363 = tpu.memref_slice %arg2[%dma_wait3A_361, %dma_wait3A_362] : memref<10000x128xf32, #tpu.memory_space<hbm>> -> memref<10000x128xf32, #tpu.memory_space<hbm>>
      tpu.wait_indirect_dma semaphore(%arg27 : memref<!tpu.dma_semaphore, #tpu.memory_space<semaphore_mem>>) src(%dma_wait3A_363 : memref<10000x128xf32, #tpu.memory_space<hbm>>) dst(%arg17 : memref<80x128xf32, #tpu.memory_space<vmem>>)
      %dma_start3A_364 = arith.constant 0 : i32
      %dma_start3A_365 = arith.constant 0 : i32
      %dma_start3A_366 = tpu.memref_slice %arg19[%dma_start3A_364, %dma_start3A_365] : memref<10240x128xf32, #tpu.memory_space<vmem_shared>> -> memref<10240x128xf32, #tpu.memory_space<vmem_shared>>
      tpu.enqueue_indirect_dma source(%arg17 : memref<80x128xf32, #tpu.memory_space<vmem>>) target(%dma_start3A_366 : memref<10240x128xf32, #tpu.memory_space<vmem_shared>>) offsets(%arg13 : memref<80xi32, #tpu.memory_space<vmem>>) semaphore(%arg31 : memref<!tpu.dma_semaphore, #tpu.memory_space<semaphore_mem>>) {add = true}
      %dma_wait3A_367 = arith.constant 0 : i32
      %dma_wait3A_368 = arith.constant 0 : i32
      %dma_wait3A_369 = tpu.memref_slice %arg19[%dma_wait3A_367, %dma_wait3A_368] : memref<10240x128xf32, #tpu.memory_space<vmem_shared>> -> memref<10240x128xf32, #tpu.memory_space<vmem_shared>>
      tpu.wait_indirect_dma semaphore(%arg28 : memref<!tpu.dma_semaphore, #tpu.memory_space<semaphore_mem>>) src(%arg14 : memref<80x128xf32, #tpu.memory_space<vmem>>) dst(%dma_wait3A_369 : memref<10240x128xf32, #tpu.memory_space<vmem_shared>>)
      %dma_wait3A_370 = arith.constant 0 : i32
      %dma_wait3A_371 = arith.constant 0 : i32
      %dma_wait3A_372 = tpu.memref_slice %arg19[%dma_wait3A_370, %dma_wait3A_371] : memref<10240x128xf32, #tpu.memory_space<vmem_shared>> -> memref<10240x128xf32, #tpu.memory_space<vmem_shared>>
      tpu.wait_indirect_dma semaphore(%arg29 : memref<!tpu.dma_semaphore, #tpu.memory_space<semaphore_mem>>) src(%arg15 : memref<80x128xf32, #tpu.memory_space<vmem>>) dst(%dma_wait3A_372 : memref<10240x128xf32, #tpu.memory_space<vmem_shared>>)
      %dma_wait3A_373 = arith.constant 0 : i32
      %dma_wait3A_374 = arith.constant 0 : i32
      %dma_wait3A_375 = tpu.memref_slice %arg19[%dma_wait3A_373, %dma_wait3A_374] : memref<10240x128xf32, #tpu.memory_space<vmem_shared>> -> memref<10240x128xf32, #tpu.memory_space<vmem_shared>>
      tpu.wait_indirect_dma semaphore(%arg30 : memref<!tpu.dma_semaphore, #tpu.memory_space<semaphore_mem>>) src(%arg16 : memref<80x128xf32, #tpu.memory_space<vmem>>) dst(%dma_wait3A_375 : memref<10240x128xf32, #tpu.memory_space<vmem_shared>>)
      %dma_wait3A_376 = arith.constant 0 : i32
      %dma_wait3A_377 = arith.constant 0 : i32
      %dma_wait3A_378 = tpu.memref_slice %arg19[%dma_wait3A_376, %dma_wait3A_377] : memref<10240x128xf32, #tpu.memory_space<vmem_shared>> -> memref<10240x128xf32, #tpu.memory_space<vmem_shared>>
      tpu.wait_indirect_dma semaphore(%arg31 : memref<!tpu.dma_semaphore, #tpu.memory_space<semaphore_mem>>) src(%arg17 : memref<80x128xf32, #tpu.memory_space<vmem>>) dst(%dma_wait3A_378 : memref<10240x128xf32, #tpu.memory_space<vmem_shared>>)
    }
    %scan3A_55 = arith.constant 15 : i32
    %add3A_56 = arith.constant 9600 : i32
    %add3A_57 = arith.addi %mul3A_2, %add3A_56 : i32
    %dma_start3A = tpu.memref_slice %arg3[%add3A_57] : memref<320000xi32, #tpu.memory_space<hbm>> -> memref<80xi32, #tpu.memory_space<hbm>>
    %dma_start3A_58 = tpu.memref_slice %arg3[%add3A_57] : memref<320000xi32, #tpu.memory_space<hbm>> -> memref<80xi32, #tpu.memory_space<hbm>>
    tpu.enqueue_dma source(%dma_start3A_58 : memref<80xi32, #tpu.memory_space<hbm>>) target(%arg6 : memref<80xi32, #tpu.memory_space<vmem>>) target_semaphore(%arg20 : memref<!tpu.dma_semaphore, #tpu.memory_space<semaphore_mem>>)
    %dma_start3A_59 = tpu.memref_slice %arg4[%add3A_57] : memref<320000xi32, #tpu.memory_space<hbm>> -> memref<80xi32, #tpu.memory_space<hbm>>
    %dma_start3A_60 = tpu.memref_slice %arg4[%add3A_57] : memref<320000xi32, #tpu.memory_space<hbm>> -> memref<80xi32, #tpu.memory_space<hbm>>
    tpu.enqueue_dma source(%dma_start3A_60 : memref<80xi32, #tpu.memory_space<hbm>>) target(%arg10 : memref<80xi32, #tpu.memory_space<vmem>>) target_semaphore(%arg20 : memref<!tpu.dma_semaphore, #tpu.memory_space<semaphore_mem>>)
    %dma_wait3A = tpu.memref_slice %arg3[%add3A_57] : memref<320000xi32, #tpu.memory_space<hbm>> -> memref<80xi32, #tpu.memory_space<hbm>>
    %dma_wait3A_61 = tpu.memref_slice %arg3[%add3A_57] : memref<320000xi32, #tpu.memory_space<hbm>> -> memref<80xi32, #tpu.memory_space<hbm>>
    tpu.wait_dma2 semaphore(%arg20 : memref<!tpu.dma_semaphore, #tpu.memory_space<semaphore_mem>>) src(%dma_wait3A_61 : memref<80xi32, #tpu.memory_space<hbm>>) dst(%arg6 : memref<80xi32, #tpu.memory_space<vmem>>)
    %dma_wait3A_62 = tpu.memref_slice %arg4[%add3A_57] : memref<320000xi32, #tpu.memory_space<hbm>> -> memref<80xi32, #tpu.memory_space<hbm>>
    %dma_wait3A_63 = tpu.memref_slice %arg4[%add3A_57] : memref<320000xi32, #tpu.memory_space<hbm>> -> memref<80xi32, #tpu.memory_space<hbm>>
    tpu.wait_dma2 semaphore(%arg20 : memref<!tpu.dma_semaphore, #tpu.memory_space<semaphore_mem>>) src(%dma_wait3A_63 : memref<80xi32, #tpu.memory_space<hbm>>) dst(%arg10 : memref<80xi32, #tpu.memory_space<vmem>>)
    %dma_start3A_64 = arith.constant 0 : i32
    %dma_start3A_65 = arith.constant 0 : i32
    %dma_start3A_66 = tpu.memref_slice %arg2[%dma_start3A_64, %dma_start3A_65] : memref<10000x128xf32, #tpu.memory_space<hbm>> -> memref<10000x128xf32, #tpu.memory_space<hbm>>
    tpu.enqueue_indirect_dma source(%dma_start3A_66 : memref<10000x128xf32, #tpu.memory_space<hbm>>) target(%arg14 : memref<80x128xf32, #tpu.memory_space<vmem>>) offsets(%arg6 : memref<80xi32, #tpu.memory_space<vmem>>) semaphore(%arg24 : memref<!tpu.dma_semaphore, #tpu.memory_space<semaphore_mem>>)
    %dma_wait3A_67 = arith.constant 0 : i32
    %dma_wait3A_68 = arith.constant 0 : i32
    %dma_wait3A_69 = tpu.memref_slice %arg2[%dma_wait3A_67, %dma_wait3A_68] : memref<10000x128xf32, #tpu.memory_space<hbm>> -> memref<10000x128xf32, #tpu.memory_space<hbm>>
    tpu.wait_indirect_dma semaphore(%arg24 : memref<!tpu.dma_semaphore, #tpu.memory_space<semaphore_mem>>) src(%dma_wait3A_69 : memref<10000x128xf32, #tpu.memory_space<hbm>>) dst(%arg14 : memref<80x128xf32, #tpu.memory_space<vmem>>)
    %dma_start3A_70 = arith.constant 0 : i32
    %dma_start3A_71 = arith.constant 0 : i32
    %dma_start3A_72 = tpu.memref_slice %arg19[%dma_start3A_70, %dma_start3A_71] : memref<10240x128xf32, #tpu.memory_space<vmem_shared>> -> memref<10240x128xf32, #tpu.memory_space<vmem_shared>>
    tpu.enqueue_indirect_dma source(%arg14 : memref<80x128xf32, #tpu.memory_space<vmem>>) target(%dma_start3A_72 : memref<10240x128xf32, #tpu.memory_space<vmem_shared>>) offsets(%arg10 : memref<80xi32, #tpu.memory_space<vmem>>) semaphore(%arg28 : memref<!tpu.dma_semaphore, #tpu.memory_space<semaphore_mem>>) {add = true}
    %dma_wait3A_73 = arith.constant 0 : i32
    %dma_wait3A_74 = arith.constant 0 : i32
    %dma_wait3A_75 = tpu.memref_slice %arg19[%dma_wait3A_73, %dma_wait3A_74] : memref<10240x128xf32, #tpu.memory_space<vmem_shared>> -> memref<10240x128xf32, #tpu.memory_space<vmem_shared>>
    tpu.wait_indirect_dma semaphore(%arg28 : memref<!tpu.dma_semaphore, #tpu.memory_space<semaphore_mem>>) src(%arg14 : memref<80x128xf32, #tpu.memory_space<vmem>>) dst(%dma_wait3A_75 : memref<10240x128xf32, #tpu.memory_space<vmem_shared>>)
    %add3A_76 = arith.constant 9680 : i32
    %add3A_77 = arith.addi %mul3A_2, %add3A_76 : i32
    %dma_start3A_78 = tpu.memref_slice %arg3[%add3A_77] : memref<320000xi32, #tpu.memory_space<hbm>> -> memref<80xi32, #tpu.memory_space<hbm>>
    %dma_start3A_79 = tpu.memref_slice %arg3[%add3A_77] : memref<320000xi32, #tpu.memory_space<hbm>> -> memref<80xi32, #tpu.memory_space<hbm>>
    tpu.enqueue_dma source(%dma_start3A_79 : memref<80xi32, #tpu.memory_space<hbm>>) target(%arg6 : memref<80xi32, #tpu.memory_space<vmem>>) target_semaphore(%arg20 : memref<!tpu.dma_semaphore, #tpu.memory_space<semaphore_mem>>)
    %dma_start3A_80 = tpu.memref_slice %arg4[%add3A_77] : memref<320000xi32, #tpu.memory_space<hbm>> -> memref<80xi32, #tpu.memory_space<hbm>>
    %dma_start3A_81 = tpu.memref_slice %arg4[%add3A_77] : memref<320000xi32, #tpu.memory_space<hbm>> -> memref<80xi32, #tpu.memory_space<hbm>>
    tpu.enqueue_dma source(%dma_start3A_81 : memref<80xi32, #tpu.memory_space<hbm>>) target(%arg10 : memref<80xi32, #tpu.memory_space<vmem>>) target_semaphore(%arg20 : memref<!tpu.dma_semaphore, #tpu.memory_space<semaphore_mem>>)
    %dma_wait3A_82 = tpu.memref_slice %arg3[%add3A_77] : memref<320000xi32, #tpu.memory_space<hbm>> -> memref<80xi32, #tpu.memory_space<hbm>>
    %dma_wait3A_83 = tpu.memref_slice %arg3[%add3A_77] : memref<320000xi32, #tpu.memory_space<hbm>> -> memref<80xi32, #tpu.memory_space<hbm>>
    tpu.wait_dma2 semaphore(%arg20 : memref<!tpu.dma_semaphore, #tpu.memory_space<semaphore_mem>>) src(%dma_wait3A_83 : memref<80xi32, #tpu.memory_space<hbm>>) dst(%arg6 : memref<80xi32, #tpu.memory_space<vmem>>)
    %dma_wait3A_84 = tpu.memref_slice %arg4[%add3A_77] : memref<320000xi32, #tpu.memory_space<hbm>> -> memref<80xi32, #tpu.memory_space<hbm>>
    %dma_wait3A_85 = tpu.memref_slice %arg4[%add3A_77] : memref<320000xi32, #tpu.memory_space<hbm>> -> memref<80xi32, #tpu.memory_space<hbm>>
    tpu.wait_dma2 semaphore(%arg20 : memref<!tpu.dma_semaphore, #tpu.memory_space<semaphore_mem>>) src(%dma_wait3A_85 : memref<80xi32, #tpu.memory_space<hbm>>) dst(%arg10 : memref<80xi32, #tpu.memory_space<vmem>>)
    %dma_start3A_86 = arith.constant 0 : i32
    %dma_start3A_87 = arith.constant 0 : i32
    %dma_start3A_88 = tpu.memref_slice %arg2[%dma_start3A_86, %dma_start3A_87] : memref<10000x128xf32, #tpu.memory_space<hbm>> -> memref<10000x128xf32, #tpu.memory_space<hbm>>
    tpu.enqueue_indirect_dma source(%dma_start3A_88 : memref<10000x128xf32, #tpu.memory_space<hbm>>) target(%arg14 : memref<80x128xf32, #tpu.memory_space<vmem>>) offsets(%arg6 : memref<80xi32, #tpu.memory_space<vmem>>) semaphore(%arg24 : memref<!tpu.dma_semaphore, #tpu.memory_space<semaphore_mem>>)
    %dma_wait3A_89 = arith.constant 0 : i32
    %dma_wait3A_90 = arith.constant 0 : i32
    %dma_wait3A_91 = tpu.memref_slice %arg2[%dma_wait3A_89, %dma_wait3A_90] : memref<10000x128xf32, #tpu.memory_space<hbm>> -> memref<10000x128xf32, #tpu.memory_space<hbm>>
    tpu.wait_indirect_dma semaphore(%arg24 : memref<!tpu.dma_semaphore, #tpu.memory_space<semaphore_mem>>) src(%dma_wait3A_91 : memref<10000x128xf32, #tpu.memory_space<hbm>>) dst(%arg14 : memref<80x128xf32, #tpu.memory_space<vmem>>)
    %dma_start3A_92 = arith.constant 0 : i32
    %dma_start3A_93 = arith.constant 0 : i32
    %dma_start3A_94 = tpu.memref_slice %arg19[%dma_start3A_92, %dma_start3A_93] : memref<10240x128xf32, #tpu.memory_space<vmem_shared>> -> memref<10240x128xf32, #tpu.memory_space<vmem_shared>>
    tpu.enqueue_indirect_dma source(%arg14 : memref<80x128xf32, #tpu.memory_space<vmem>>) target(%dma_start3A_94 : memref<10240x128xf32, #tpu.memory_space<vmem_shared>>) offsets(%arg10 : memref<80xi32, #tpu.memory_space<vmem>>) semaphore(%arg28 : memref<!tpu.dma_semaphore, #tpu.memory_space<semaphore_mem>>) {add = true}
    %dma_wait3A_95 = arith.constant 0 : i32
    %dma_wait3A_96 = arith.constant 0 : i32
    %dma_wait3A_97 = tpu.memref_slice %arg19[%dma_wait3A_95, %dma_wait3A_96] : memref<10240x128xf32, #tpu.memory_space<vmem_shared>> -> memref<10240x128xf32, #tpu.memory_space<vmem_shared>>
    tpu.wait_indirect_dma semaphore(%arg28 : memref<!tpu.dma_semaphore, #tpu.memory_space<semaphore_mem>>) src(%arg14 : memref<80x128xf32, #tpu.memory_space<vmem>>) dst(%dma_wait3A_97 : memref<10240x128xf32, #tpu.memory_space<vmem_shared>>)
    %add3A_98 = arith.constant 9760 : i32
    %add3A_99 = arith.addi %mul3A_2, %add3A_98 : i32
    %dma_start3A_100 = tpu.memref_slice %arg3[%add3A_99] : memref<320000xi32, #tpu.memory_space<hbm>> -> memref<80xi32, #tpu.memory_space<hbm>>
    %dma_start3A_101 = tpu.memref_slice %arg3[%add3A_99] : memref<320000xi32, #tpu.memory_space<hbm>> -> memref<80xi32, #tpu.memory_space<hbm>>
    tpu.enqueue_dma source(%dma_start3A_101 : memref<80xi32, #tpu.memory_space<hbm>>) target(%arg6 : memref<80xi32, #tpu.memory_space<vmem>>) target_semaphore(%arg20 : memref<!tpu.dma_semaphore, #tpu.memory_space<semaphore_mem>>)
    %dma_start3A_102 = tpu.memref_slice %arg4[%add3A_99] : memref<320000xi32, #tpu.memory_space<hbm>> -> memref<80xi32, #tpu.memory_space<hbm>>
    %dma_start3A_103 = tpu.memref_slice %arg4[%add3A_99] : memref<320000xi32, #tpu.memory_space<hbm>> -> memref<80xi32, #tpu.memory_space<hbm>>
    tpu.enqueue_dma source(%dma_start3A_103 : memref<80xi32, #tpu.memory_space<hbm>>) target(%arg10 : memref<80xi32, #tpu.memory_space<vmem>>) target_semaphore(%arg20 : memref<!tpu.dma_semaphore, #tpu.memory_space<semaphore_mem>>)
    %dma_wait3A_104 = tpu.memref_slice %arg3[%add3A_99] : memref<320000xi32, #tpu.memory_space<hbm>> -> memref<80xi32, #tpu.memory_space<hbm>>
    %dma_wait3A_105 = tpu.memref_slice %arg3[%add3A_99] : memref<320000xi32, #tpu.memory_space<hbm>> -> memref<80xi32, #tpu.memory_space<hbm>>
    tpu.wait_dma2 semaphore(%arg20 : memref<!tpu.dma_semaphore, #tpu.memory_space<semaphore_mem>>) src(%dma_wait3A_105 : memref<80xi32, #tpu.memory_space<hbm>>) dst(%arg6 : memref<80xi32, #tpu.memory_space<vmem>>)
    %dma_wait3A_106 = tpu.memref_slice %arg4[%add3A_99] : memref<320000xi32, #tpu.memory_space<hbm>> -> memref<80xi32, #tpu.memory_space<hbm>>
    %dma_wait3A_107 = tpu.memref_slice %arg4[%add3A_99] : memref<320000xi32, #tpu.memory_space<hbm>> -> memref<80xi32, #tpu.memory_space<hbm>>
    tpu.wait_dma2 semaphore(%arg20 : memref<!tpu.dma_semaphore, #tpu.memory_space<semaphore_mem>>) src(%dma_wait3A_107 : memref<80xi32, #tpu.memory_space<hbm>>) dst(%arg10 : memref<80xi32, #tpu.memory_space<vmem>>)
    %dma_start3A_108 = arith.constant 0 : i32
    %dma_start3A_109 = arith.constant 0 : i32
    %dma_start3A_110 = tpu.memref_slice %arg2[%dma_start3A_108, %dma_start3A_109] : memref<10000x128xf32, #tpu.memory_space<hbm>> -> memref<10000x128xf32, #tpu.memory_space<hbm>>
    tpu.enqueue_indirect_dma source(%dma_start3A_110 : memref<10000x128xf32, #tpu.memory_space<hbm>>) target(%arg14 : memref<80x128xf32, #tpu.memory_space<vmem>>) offsets(%arg6 : memref<80xi32, #tpu.memory_space<vmem>>) semaphore(%arg24 : memref<!tpu.dma_semaphore, #tpu.memory_space<semaphore_mem>>)
    %dma_wait3A_111 = arith.constant 0 : i32
    %dma_wait3A_112 = arith.constant 0 : i32
    %dma_wait3A_113 = tpu.memref_slice %arg2[%dma_wait3A_111, %dma_wait3A_112] : memref<10000x128xf32, #tpu.memory_space<hbm>> -> memref<10000x128xf32, #tpu.memory_space<hbm>>
    tpu.wait_indirect_dma semaphore(%arg24 : memref<!tpu.dma_semaphore, #tpu.memory_space<semaphore_mem>>) src(%dma_wait3A_113 : memref<10000x128xf32, #tpu.memory_space<hbm>>) dst(%arg14 : memref<80x128xf32, #tpu.memory_space<vmem>>)
    %dma_start3A_114 = arith.constant 0 : i32
    %dma_start3A_115 = arith.constant 0 : i32
    %dma_start3A_116 = tpu.memref_slice %arg19[%dma_start3A_114, %dma_start3A_115] : memref<10240x128xf32, #tpu.memory_space<vmem_shared>> -> memref<10240x128xf32, #tpu.memory_space<vmem_shared>>
    tpu.enqueue_indirect_dma source(%arg14 : memref<80x128xf32, #tpu.memory_space<vmem>>) target(%dma_start3A_116 : memref<10240x128xf32, #tpu.memory_space<vmem_shared>>) offsets(%arg10 : memref<80xi32, #tpu.memory_space<vmem>>) semaphore(%arg28 : memref<!tpu.dma_semaphore, #tpu.memory_space<semaphore_mem>>) {add = true}
    %dma_wait3A_117 = arith.constant 0 : i32
    %dma_wait3A_118 = arith.constant 0 : i32
    %dma_wait3A_119 = tpu.memref_slice %arg19[%dma_wait3A_117, %dma_wait3A_118] : memref<10240x128xf32, #tpu.memory_space<vmem_shared>> -> memref<10240x128xf32, #tpu.memory_space<vmem_shared>>
    tpu.wait_indirect_dma semaphore(%arg28 : memref<!tpu.dma_semaphore, #tpu.memory_space<semaphore_mem>>) src(%arg14 : memref<80x128xf32, #tpu.memory_space<vmem>>) dst(%dma_wait3A_119 : memref<10240x128xf32, #tpu.memory_space<vmem_shared>>)
    %add3A_120 = arith.constant 9840 : i32
    %add3A_121 = arith.addi %mul3A_2, %add3A_120 : i32
    %dma_start3A_122 = tpu.memref_slice %arg3[%add3A_121] : memref<320000xi32, #tpu.memory_space<hbm>> -> memref<80xi32, #tpu.memory_space<hbm>>
    %dma_start3A_123 = tpu.memref_slice %arg3[%add3A_121] : memref<320000xi32, #tpu.memory_space<hbm>> -> memref<80xi32, #tpu.memory_space<hbm>>
    tpu.enqueue_dma source(%dma_start3A_123 : memref<80xi32, #tpu.memory_space<hbm>>) target(%arg6 : memref<80xi32, #tpu.memory_space<vmem>>) target_semaphore(%arg20 : memref<!tpu.dma_semaphore, #tpu.memory_space<semaphore_mem>>)
    %dma_start3A_124 = tpu.memref_slice %arg4[%add3A_121] : memref<320000xi32, #tpu.memory_space<hbm>> -> memref<80xi32, #tpu.memory_space<hbm>>
    %dma_start3A_125 = tpu.memref_slice %arg4[%add3A_121] : memref<320000xi32, #tpu.memory_space<hbm>> -> memref<80xi32, #tpu.memory_space<hbm>>
    tpu.enqueue_dma source(%dma_start3A_125 : memref<80xi32, #tpu.memory_space<hbm>>) target(%arg10 : memref<80xi32, #tpu.memory_space<vmem>>) target_semaphore(%arg20 : memref<!tpu.dma_semaphore, #tpu.memory_space<semaphore_mem>>)
    %dma_wait3A_126 = tpu.memref_slice %arg3[%add3A_121] : memref<320000xi32, #tpu.memory_space<hbm>> -> memref<80xi32, #tpu.memory_space<hbm>>
    %dma_wait3A_127 = tpu.memref_slice %arg3[%add3A_121] : memref<320000xi32, #tpu.memory_space<hbm>> -> memref<80xi32, #tpu.memory_space<hbm>>
    tpu.wait_dma2 semaphore(%arg20 : memref<!tpu.dma_semaphore, #tpu.memory_space<semaphore_mem>>) src(%dma_wait3A_127 : memref<80xi32, #tpu.memory_space<hbm>>) dst(%arg6 : memref<80xi32, #tpu.memory_space<vmem>>)
    %dma_wait3A_128 = tpu.memref_slice %arg4[%add3A_121] : memref<320000xi32, #tpu.memory_space<hbm>> -> memref<80xi32, #tpu.memory_space<hbm>>
    %dma_wait3A_129 = tpu.memref_slice %arg4[%add3A_121] : memref<320000xi32, #tpu.memory_space<hbm>> -> memref<80xi32, #tpu.memory_space<hbm>>
    tpu.wait_dma2 semaphore(%arg20 : memref<!tpu.dma_semaphore, #tpu.memory_space<semaphore_mem>>) src(%dma_wait3A_129 : memref<80xi32, #tpu.memory_space<hbm>>) dst(%arg10 : memref<80xi32, #tpu.memory_space<vmem>>)
    %dma_start3A_130 = arith.constant 0 : i32
    %dma_start3A_131 = arith.constant 0 : i32
    %dma_start3A_132 = tpu.memref_slice %arg2[%dma_start3A_130, %dma_start3A_131] : memref<10000x128xf32, #tpu.memory_space<hbm>> -> memref<10000x128xf32, #tpu.memory_space<hbm>>
    tpu.enqueue_indirect_dma source(%dma_start3A_132 : memref<10000x128xf32, #tpu.memory_space<hbm>>) target(%arg14 : memref<80x128xf32, #tpu.memory_space<vmem>>) offsets(%arg6 : memref<80xi32, #tpu.memory_space<vmem>>) semaphore(%arg24 : memref<!tpu.dma_semaphore, #tpu.memory_space<semaphore_mem>>)
    %dma_wait3A_133 = arith.constant 0 : i32
    %dma_wait3A_134 = arith.constant 0 : i32
    %dma_wait3A_135 = tpu.memref_slice %arg2[%dma_wait3A_133, %dma_wait3A_134] : memref<10000x128xf32, #tpu.memory_space<hbm>> -> memref<10000x128xf32, #tpu.memory_space<hbm>>
    tpu.wait_indirect_dma semaphore(%arg24 : memref<!tpu.dma_semaphore, #tpu.memory_space<semaphore_mem>>) src(%dma_wait3A_135 : memref<10000x128xf32, #tpu.memory_space<hbm>>) dst(%arg14 : memref<80x128xf32, #tpu.memory_space<vmem>>)
    %dma_start3A_136 = arith.constant 0 : i32
    %dma_start3A_137 = arith.constant 0 : i32
    %dma_start3A_138 = tpu.memref_slice %arg19[%dma_start3A_136, %dma_start3A_137] : memref<10240x128xf32, #tpu.memory_space<vmem_shared>> -> memref<10240x128xf32, #tpu.memory_space<vmem_shared>>
    tpu.enqueue_indirect_dma source(%arg14 : memref<80x128xf32, #tpu.memory_space<vmem>>) target(%dma_start3A_138 : memref<10240x128xf32, #tpu.memory_space<vmem_shared>>) offsets(%arg10 : memref<80xi32, #tpu.memory_space<vmem>>) semaphore(%arg28 : memref<!tpu.dma_semaphore, #tpu.memory_space<semaphore_mem>>) {add = true}
    %dma_wait3A_139 = arith.constant 0 : i32
    %dma_wait3A_140 = arith.constant 0 : i32
    %dma_wait3A_141 = tpu.memref_slice %arg19[%dma_wait3A_139, %dma_wait3A_140] : memref<10240x128xf32, #tpu.memory_space<vmem_shared>> -> memref<10240x128xf32, #tpu.memory_space<vmem_shared>>
    tpu.wait_indirect_dma semaphore(%arg28 : memref<!tpu.dma_semaphore, #tpu.memory_space<semaphore_mem>>) src(%arg14 : memref<80x128xf32, #tpu.memory_space<vmem>>) dst(%dma_wait3A_141 : memref<10240x128xf32, #tpu.memory_space<vmem_shared>>)
    %add3A_142 = arith.constant 9920 : i32
    %add3A_143 = arith.addi %mul3A_2, %add3A_142 : i32
    %dma_start3A_144 = tpu.memref_slice %arg3[%add3A_143] : memref<320000xi32, #tpu.memory_space<hbm>> -> memref<80xi32, #tpu.memory_space<hbm>>
    %dma_start3A_145 = tpu.memref_slice %arg3[%add3A_143] : memref<320000xi32, #tpu.memory_space<hbm>> -> memref<80xi32, #tpu.memory_space<hbm>>
    tpu.enqueue_dma source(%dma_start3A_145 : memref<80xi32, #tpu.memory_space<hbm>>) target(%arg6 : memref<80xi32, #tpu.memory_space<vmem>>) target_semaphore(%arg20 : memref<!tpu.dma_semaphore, #tpu.memory_space<semaphore_mem>>)
    %dma_start3A_146 = tpu.memref_slice %arg4[%add3A_143] : memref<320000xi32, #tpu.memory_space<hbm>> -> memref<80xi32, #tpu.memory_space<hbm>>
    %dma_start3A_147 = tpu.memref_slice %arg4[%add3A_143] : memref<320000xi32, #tpu.memory_space<hbm>> -> memref<80xi32, #tpu.memory_space<hbm>>
    tpu.enqueue_dma source(%dma_start3A_147 : memref<80xi32, #tpu.memory_space<hbm>>) target(%arg10 : memref<80xi32, #tpu.memory_space<vmem>>) target_semaphore(%arg20 : memref<!tpu.dma_semaphore, #tpu.memory_space<semaphore_mem>>)
    %dma_wait3A_148 = tpu.memref_slice %arg3[%add3A_143] : memref<320000xi32, #tpu.memory_space<hbm>> -> memref<80xi32, #tpu.memory_space<hbm>>
    %dma_wait3A_149 = tpu.memref_slice %arg3[%add3A_143] : memref<320000xi32, #tpu.memory_space<hbm>> -> memref<80xi32, #tpu.memory_space<hbm>>
    tpu.wait_dma2 semaphore(%arg20 : memref<!tpu.dma_semaphore, #tpu.memory_space<semaphore_mem>>) src(%dma_wait3A_149 : memref<80xi32, #tpu.memory_space<hbm>>) dst(%arg6 : memref<80xi32, #tpu.memory_space<vmem>>)
    %dma_wait3A_150 = tpu.memref_slice %arg4[%add3A_143] : memref<320000xi32, #tpu.memory_space<hbm>> -> memref<80xi32, #tpu.memory_space<hbm>>
    %dma_wait3A_151 = tpu.memref_slice %arg4[%add3A_143] : memref<320000xi32, #tpu.memory_space<hbm>> -> memref<80xi32, #tpu.memory_space<hbm>>
    tpu.wait_dma2 semaphore(%arg20 : memref<!tpu.dma_semaphore, #tpu.memory_space<semaphore_mem>>) src(%dma_wait3A_151 : memref<80xi32, #tpu.memory_space<hbm>>) dst(%arg10 : memref<80xi32, #tpu.memory_space<vmem>>)
    %dma_start3A_152 = arith.constant 0 : i32
    %dma_start3A_153 = arith.constant 0 : i32
    %dma_start3A_154 = tpu.memref_slice %arg2[%dma_start3A_152, %dma_start3A_153] : memref<10000x128xf32, #tpu.memory_space<hbm>> -> memref<10000x128xf32, #tpu.memory_space<hbm>>
    tpu.enqueue_indirect_dma source(%dma_start3A_154 : memref<10000x128xf32, #tpu.memory_space<hbm>>) target(%arg14 : memref<80x128xf32, #tpu.memory_space<vmem>>) offsets(%arg6 : memref<80xi32, #tpu.memory_space<vmem>>) semaphore(%arg24 : memref<!tpu.dma_semaphore, #tpu.memory_space<semaphore_mem>>)
    %dma_wait3A_155 = arith.constant 0 : i32
    %dma_wait3A_156 = arith.constant 0 : i32
    %dma_wait3A_157 = tpu.memref_slice %arg2[%dma_wait3A_155, %dma_wait3A_156] : memref<10000x128xf32, #tpu.memory_space<hbm>> -> memref<10000x128xf32, #tpu.memory_space<hbm>>
    tpu.wait_indirect_dma semaphore(%arg24 : memref<!tpu.dma_semaphore, #tpu.memory_space<semaphore_mem>>) src(%dma_wait3A_157 : memref<10000x128xf32, #tpu.memory_space<hbm>>) dst(%arg14 : memref<80x128xf32, #tpu.memory_space<vmem>>)
    %dma_start3A_158 = arith.constant 0 : i32
    %dma_start3A_159 = arith.constant 0 : i32
    %dma_start3A_160 = tpu.memref_slice %arg19[%dma_start3A_158, %dma_start3A_159] : memref<10240x128xf32, #tpu.memory_space<vmem_shared>> -> memref<10240x128xf32, #tpu.memory_space<vmem_shared>>
    tpu.enqueue_indirect_dma source(%arg14 : memref<80x128xf32, #tpu.memory_space<vmem>>) target(%dma_start3A_160 : memref<10240x128xf32, #tpu.memory_space<vmem_shared>>) offsets(%arg10 : memref<80xi32, #tpu.memory_space<vmem>>) semaphore(%arg28 : memref<!tpu.dma_semaphore, #tpu.memory_space<semaphore_mem>>) {add = true}
    %dma_wait3A_161 = arith.constant 0 : i32
    %dma_wait3A_162 = arith.constant 0 : i32
    %dma_wait3A_163 = tpu.memref_slice %arg19[%dma_wait3A_161, %dma_wait3A_162] : memref<10240x128xf32, #tpu.memory_space<vmem_shared>> -> memref<10240x128xf32, #tpu.memory_space<vmem_shared>>
    tpu.wait_indirect_dma semaphore(%arg28 : memref<!tpu.dma_semaphore, #tpu.memory_space<semaphore_mem>>) src(%arg14 : memref<80x128xf32, #tpu.memory_space<vmem>>) dst(%dma_wait3A_163 : memref<10240x128xf32, #tpu.memory_space<vmem_shared>>)
    %barrier3A_164 = arith.constant 0 : index
    tpu.barrier barrier_id(%barrier3A_164)
    %mul3A_165 = arith.constant 10240 : i32
    %mul3A_166 = arith.muli %arg0, %mul3A_165 : i32
    %add3A_167 = arith.addi %mul3A_166, %mul3A_9 : i32
    "tpu.region"() ({
      %run_scoped3A = tpu.sem_alloc : memref<!tpu.dma_semaphore, #tpu.memory_space<semaphore_mem>>
      %dma_start3A_168 = arith.constant 0 : i32
      %dma_start3A_169 = tpu.memref_slice %arg5[%add3A_167, %dma_start3A_168] : memref<20480x128xf32, #tpu.memory_space<hbm>> -> memref<640x128xf32, #tpu.memory_space<hbm>>
      %dma_start3A_170 = arith.constant 0 : i32
      %dma_start3A_171 = tpu.memref_slice %arg19[%mul3A_9, %dma_start3A_170] : memref<10240x128xf32, #tpu.memory_space<vmem_shared>> -> memref<640x128xf32, #tpu.memory_space<vmem_shared>>
      tpu.enqueue_dma source(%dma_start3A_171 : memref<640x128xf32, #tpu.memory_space<vmem_shared>>) target(%dma_start3A_169 : memref<640x128xf32, #tpu.memory_space<hbm>>) target_semaphore(%run_scoped3A : memref<!tpu.dma_semaphore, #tpu.memory_space<semaphore_mem>>)
      %dma_wait3A_172 = arith.constant 0 : i32
      %dma_wait3A_173 = tpu.memref_slice %arg5[%add3A_167, %dma_wait3A_172] : memref<20480x128xf32, #tpu.memory_space<hbm>> -> memref<640x128xf32, #tpu.memory_space<hbm>>
      %dma_wait3A_174 = arith.constant 0 : i32
      %dma_wait3A_175 = tpu.memref_slice %arg19[%mul3A_9, %dma_wait3A_174] : memref<10240x128xf32, #tpu.memory_space<vmem_shared>> -> memref<640x128xf32, #tpu.memory_space<vmem_shared>>
      tpu.wait_dma2 semaphore(%run_scoped3A : memref<!tpu.dma_semaphore, #tpu.memory_space<semaphore_mem>>) src(%dma_wait3A_175 : memref<640x128xf32, #tpu.memory_space<vmem_shared>>) dst(%dma_wait3A_173 : memref<640x128xf32, #tpu.memory_space<hbm>>)
      tpu.yield
    }) : () -> ()
    return
  }
}

#map = affine_map<(d0, d1) -> (0, 0)>
#map1 = affine_map<(d0, d1) -> (0)>
module attributes {stable_mosaic.version = 14 : i64} {
  func.func @_sc_agg(%arg0: i32, %arg1: i32, %arg2: memref<10000x128xf32, #tpu.memory_space<hbm>>, %arg3: memref<320000xi32, #tpu.memory_space<hbm>>, %arg4: memref<320000xi32, #tpu.memory_space<hbm>>, %arg5: memref<20480x128xf32, #tpu.memory_space<hbm>>, %arg6: memref<80xi32, #tpu.memory_space<vmem>>, %arg7: memref<80xi32, #tpu.memory_space<vmem>>, %arg8: memref<80xi32, #tpu.memory_space<vmem>>, %arg9: memref<80xi32, #tpu.memory_space<vmem>>, %arg10: memref<80xi32, #tpu.memory_space<vmem>>, %arg11: memref<80xi32, #tpu.memory_space<vmem>>, %arg12: memref<80xi32, #tpu.memory_space<vmem>>, %arg13: memref<80xi32, #tpu.memory_space<vmem>>, %arg14: memref<80x128xf32, #tpu.memory_space<vmem>>, %arg15: memref<80x128xf32, #tpu.memory_space<vmem>>, %arg16: memref<80x128xf32, #tpu.memory_space<vmem>>, %arg17: memref<80x128xf32, #tpu.memory_space<vmem>>, %arg18: memref<32x128xf32, #tpu.memory_space<vmem>>, %arg19: memref<10240x128xf32, #tpu.memory_space<vmem_shared>>, %arg20: memref<!tpu.dma_semaphore, #tpu.memory_space<semaphore_mem>>, %arg21: memref<!tpu.dma_semaphore, #tpu.memory_space<semaphore_mem>>, %arg22: memref<!tpu.dma_semaphore, #tpu.memory_space<semaphore_mem>>, %arg23: memref<!tpu.dma_semaphore, #tpu.memory_space<semaphore_mem>>, %arg24: memref<!tpu.dma_semaphore, #tpu.memory_space<semaphore_mem>>, %arg25: memref<!tpu.dma_semaphore, #tpu.memory_space<semaphore_mem>>, %arg26: memref<!tpu.dma_semaphore, #tpu.memory_space<semaphore_mem>>, %arg27: memref<!tpu.dma_semaphore, #tpu.memory_space<semaphore_mem>>, %arg28: memref<!tpu.dma_semaphore, #tpu.memory_space<semaphore_mem>>, %arg29: memref<!tpu.dma_semaphore, #tpu.memory_space<semaphore_mem>>, %arg30: memref<!tpu.dma_semaphore, #tpu.memory_space<semaphore_mem>>, %arg31: memref<!tpu.dma_semaphore, #tpu.memory_space<semaphore_mem>>) attributes {dimension_semantics = [#tpu.dimension_semantics<core_parallel>, #tpu.dimension_semantics<subcore_parallel>], iteration_bounds = array<i64: 2, 16>, scalar_prefetch = 0 : i64, scratch_operands = 26 : i64, tpu.core_type = #tpu.core_type<sc_vector_subcore>, window_params = [{transform_indices = #map}, {transform_indices = #map1}, {transform_indices = #map1}, {transform_indices = #map}]} {
    %mul3A = arith.constant 2 : i32
    %mul3A_0 = arith.muli %arg1, %mul3A : i32
    %add3A = arith.addi %mul3A_0, %arg0 : i32
    %mul3A_1 = arith.constant 10000 : i32
    %mul3A_2 = arith.muli %add3A, %mul3A_1 : i32
    %scan3A = arith.constant 0 : i32
    %scan3A_3 = arith.constant 0 : i32
    %scan3A_4 = arith.constant 32 : i32
    %scan3A_5 = arith.addi %scan3A_3, %scan3A_4 : i32
    %scan3A_6 = arith.constant 1 : i32
    scf.for %scan3A_168 = %scan3A_3 to %scan3A_5 step %scan3A_6  : i32 {
      %broadcast_in_dim3A = arith.constant 0.000000e+00 : f32
      %broadcast_in_dim3A_169 = vector.broadcast %broadcast_in_dim3A : f32 to vector<16xf32>
      %swap3A = arith.index_cast %scan3A_168 : i32 to index
      %swap3A_170 = arith.constant 0 : index
      %swap3A_171 = tpu.vector_load %arg18[%swap3A, %swap3A_170] {strides = array<i32>} : memref<32x128xf32, #tpu.memory_space<vmem>>, vector<1x16xf32>,
      %swap3A_172 = vector.shape_cast %swap3A_171 : vector<1x16xf32> to vector<16xf32>
      %swap3A_173 = vector.shape_cast %broadcast_in_dim3A_169 : vector<16xf32> to vector<1x16xf32>
      tpu.vector_store %arg18[%swap3A, %swap3A_170], %swap3A_173 {strides = array<i32>} : memref<32x128xf32, #tpu.memory_space<vmem>>, vector<1x16xf32>,
      %broadcast_in_dim3A_174 = arith.constant 0.000000e+00 : f32
      %broadcast_in_dim3A_175 = vector.broadcast %broadcast_in_dim3A_174 : f32 to vector<16xf32>
      %swap3A_176 = arith.index_cast %scan3A_168 : i32 to index
      %swap3A_177 = arith.constant 16 : index
      %swap3A_178 = tpu.vector_load %arg18[%swap3A_176, %swap3A_177] {strides = array<i32>} : memref<32x128xf32, #tpu.memory_space<vmem>>, vector<1x16xf32>,
      %swap3A_179 = vector.shape_cast %swap3A_178 : vector<1x16xf32> to vector<16xf32>
      %swap3A_180 = vector.shape_cast %broadcast_in_dim3A_175 : vector<16xf32> to vector<1x16xf32>
      tpu.vector_store %arg18[%swap3A_176, %swap3A_177], %swap3A_180 {strides = array<i32>} : memref<32x128xf32, #tpu.memory_space<vmem>>, vector<1x16xf32>,
      %broadcast_in_dim3A_181 = arith.constant 0.000000e+00 : f32
      %broadcast_in_dim3A_182 = vector.broadcast %broadcast_in_dim3A_181 : f32 to vector<16xf32>
      %swap3A_183 = arith.index_cast %scan3A_168 : i32 to index
      %swap3A_184 = arith.constant 32 : index
      %swap3A_185 = tpu.vector_load %arg18[%swap3A_183, %swap3A_184] {strides = array<i32>} : memref<32x128xf32, #tpu.memory_space<vmem>>, vector<1x16xf32>,
      %swap3A_186 = vector.shape_cast %swap3A_185 : vector<1x16xf32> to vector<16xf32>
      %swap3A_187 = vector.shape_cast %broadcast_in_dim3A_182 : vector<16xf32> to vector<1x16xf32>
      tpu.vector_store %arg18[%swap3A_183, %swap3A_184], %swap3A_187 {strides = array<i32>} : memref<32x128xf32, #tpu.memory_space<vmem>>, vector<1x16xf32>,
      %broadcast_in_dim3A_188 = arith.constant 0.000000e+00 : f32
      %broadcast_in_dim3A_189 = vector.broadcast %broadcast_in_dim3A_188 : f32 to vector<16xf32>
      %swap3A_190 = arith.index_cast %scan3A_168 : i32 to index
      %swap3A_191 = arith.constant 48 : index
      %swap3A_192 = tpu.vector_load %arg18[%swap3A_190, %swap3A_191] {strides = array<i32>} : memref<32x128xf32, #tpu.memory_space<vmem>>, vector<1x16xf32>,
      %swap3A_193 = vector.shape_cast %swap3A_192 : vector<1x16xf32> to vector<16xf32>
      %swap3A_194 = vector.shape_cast %broadcast_in_dim3A_189 : vector<16xf32> to vector<1x16xf32>
      tpu.vector_store %arg18[%swap3A_190, %swap3A_191], %swap3A_194 {strides = array<i32>} : memref<32x128xf32, #tpu.memory_space<vmem>>, vector<1x16xf32>,
      %broadcast_in_dim3A_195 = arith.constant 0.000000e+00 : f32
      %broadcast_in_dim3A_196 = vector.broadcast %broadcast_in_dim3A_195 : f32 to vector<16xf32>
      %swap3A_197 = arith.index_cast %scan3A_168 : i32 to index
      %swap3A_198 = arith.constant 64 : index
      %swap3A_199 = tpu.vector_load %arg18[%swap3A_197, %swap3A_198] {strides = array<i32>} : memref<32x128xf32, #tpu.memory_space<vmem>>, vector<1x16xf32>,
      %swap3A_200 = vector.shape_cast %swap3A_199 : vector<1x16xf32> to vector<16xf32>
      %swap3A_201 = vector.shape_cast %broadcast_in_dim3A_196 : vector<16xf32> to vector<1x16xf32>
      tpu.vector_store %arg18[%swap3A_197, %swap3A_198], %swap3A_201 {strides = array<i32>} : memref<32x128xf32, #tpu.memory_space<vmem>>, vector<1x16xf32>,
      %broadcast_in_dim3A_202 = arith.constant 0.000000e+00 : f32
      %broadcast_in_dim3A_203 = vector.broadcast %broadcast_in_dim3A_202 : f32 to vector<16xf32>
      %swap3A_204 = arith.index_cast %scan3A_168 : i32 to index
      %swap3A_205 = arith.constant 80 : index
      %swap3A_206 = tpu.vector_load %arg18[%swap3A_204, %swap3A_205] {strides = array<i32>} : memref<32x128xf32, #tpu.memory_space<vmem>>, vector<1x16xf32>,
      %swap3A_207 = vector.shape_cast %swap3A_206 : vector<1x16xf32> to vector<16xf32>
      %swap3A_208 = vector.shape_cast %broadcast_in_dim3A_203 : vector<16xf32> to vector<1x16xf32>
      tpu.vector_store %arg18[%swap3A_204, %swap3A_205], %swap3A_208 {strides = array<i32>} : memref<32x128xf32, #tpu.memory_space<vmem>>, vector<1x16xf32>,
      %broadcast_in_dim3A_209 = arith.constant 0.000000e+00 : f32
      %broadcast_in_dim3A_210 = vector.broadcast %broadcast_in_dim3A_209 : f32 to vector<16xf32>
      %swap3A_211 = arith.index_cast %scan3A_168 : i32 to index
      %swap3A_212 = arith.constant 96 : index
      %swap3A_213 = tpu.vector_load %arg18[%swap3A_211, %swap3A_212] {strides = array<i32>} : memref<32x128xf32, #tpu.memory_space<vmem>>, vector<1x16xf32>,
      %swap3A_214 = vector.shape_cast %swap3A_213 : vector<1x16xf32> to vector<16xf32>
      %swap3A_215 = vector.shape_cast %broadcast_in_dim3A_210 : vector<16xf32> to vector<1x16xf32>
      tpu.vector_store %arg18[%swap3A_211, %swap3A_212], %swap3A_215 {strides = array<i32>} : memref<32x128xf32, #tpu.memory_space<vmem>>, vector<1x16xf32>,
      %broadcast_in_dim3A_216 = arith.constant 0.000000e+00 : f32
      %broadcast_in_dim3A_217 = vector.broadcast %broadcast_in_dim3A_216 : f32 to vector<16xf32>
      %swap3A_218 = arith.index_cast %scan3A_168 : i32 to index
      %swap3A_219 = arith.constant 112 : index
      %swap3A_220 = tpu.vector_load %arg18[%swap3A_218, %swap3A_219] {strides = array<i32>} : memref<32x128xf32, #tpu.memory_space<vmem>>, vector<1x16xf32>,
      %swap3A_221 = vector.shape_cast %swap3A_220 : vector<1x16xf32> to vector<16xf32>
      %swap3A_222 = vector.shape_cast %broadcast_in_dim3A_217 : vector<16xf32> to vector<1x16xf32>
      tpu.vector_store %arg18[%swap3A_218, %swap3A_219], %swap3A_222 {strides = array<i32>} : memref<32x128xf32, #tpu.memory_space<vmem>>, vector<1x16xf32>,
    }
    %scan3A_7 = arith.constant 32 : i32
    %mul3A_8 = arith.constant 640 : i32
    %mul3A_9 = arith.muli %arg1, %mul3A_8 : i32
    %add3A_10 = arith.constant 0 : i32
    %add3A_11 = arith.addi %mul3A_9, %add3A_10 : i32
    "tpu.region"() ({
      %run_scoped3A = tpu.sem_alloc : memref<!tpu.dma_semaphore, #tpu.memory_space<semaphore_mem>>
      %dma_start3A_168 = arith.constant 0 : i32
      %dma_start3A_169 = tpu.memref_slice %arg19[%add3A_11, %dma_start3A_168] : memref<10240x128xf32, #tpu.memory_space<vmem_shared>> -> memref<32x128xf32, #tpu.memory_space<vmem_shared>>
      %dma_start3A_170 = arith.constant 0 : i32
      %dma_start3A_171 = tpu.memref_slice %arg19[%add3A_11, %dma_start3A_170] : memref<10240x128xf32, #tpu.memory_space<vmem_shared>> -> memref<32x128xf32, #tpu.memory_space<vmem_shared>>
      tpu.enqueue_dma source(%arg18 : memref<32x128xf32, #tpu.memory_space<vmem>>) target(%dma_start3A_171 : memref<32x128xf32, #tpu.memory_space<vmem_shared>>) target_semaphore(%run_scoped3A : memref<!tpu.dma_semaphore, #tpu.memory_space<semaphore_mem>>)
      %dma_wait3A_172 = arith.constant 0 : i32
      %dma_wait3A_173 = tpu.memref_slice %arg19[%add3A_11, %dma_wait3A_172] : memref<10240x128xf32, #tpu.memory_space<vmem_shared>> -> memref<32x128xf32, #tpu.memory_space<vmem_shared>>
      %dma_wait3A_174 = arith.constant 0 : i32
      %dma_wait3A_175 = tpu.memref_slice %arg19[%add3A_11, %dma_wait3A_174] : memref<10240x128xf32, #tpu.memory_space<vmem_shared>> -> memref<32x128xf32, #tpu.memory_space<vmem_shared>>
      tpu.wait_dma2 semaphore(%run_scoped3A : memref<!tpu.dma_semaphore, #tpu.memory_space<semaphore_mem>>) src(%arg18 : memref<32x128xf32, #tpu.memory_space<vmem>>) dst(%dma_wait3A_175 : memref<32x128xf32, #tpu.memory_space<vmem_shared>>)
      tpu.yield
    }) : () -> ()
    %add3A_12 = arith.constant 32 : i32
    %add3A_13 = arith.addi %mul3A_9, %add3A_12 : i32
    "tpu.region"() ({
      %run_scoped3A = tpu.sem_alloc : memref<!tpu.dma_semaphore, #tpu.memory_space<semaphore_mem>>
      %dma_start3A_168 = arith.constant 0 : i32
      %dma_start3A_169 = tpu.memref_slice %arg19[%add3A_13, %dma_start3A_168] : memref<10240x128xf32, #tpu.memory_space<vmem_shared>> -> memref<32x128xf32, #tpu.memory_space<vmem_shared>>
      %dma_start3A_170 = arith.constant 0 : i32
      %dma_start3A_171 = tpu.memref_slice %arg19[%add3A_13, %dma_start3A_170] : memref<10240x128xf32, #tpu.memory_space<vmem_shared>> -> memref<32x128xf32, #tpu.memory_space<vmem_shared>>
      tpu.enqueue_dma source(%arg18 : memref<32x128xf32, #tpu.memory_space<vmem>>) target(%dma_start3A_171 : memref<32x128xf32, #tpu.memory_space<vmem_shared>>) target_semaphore(%run_scoped3A : memref<!tpu.dma_semaphore, #tpu.memory_space<semaphore_mem>>)
      %dma_wait3A_172 = arith.constant 0 : i32
      %dma_wait3A_173 = tpu.memref_slice %arg19[%add3A_13, %dma_wait3A_172] : memref<10240x128xf32, #tpu.memory_space<vmem_shared>> -> memref<32x128xf32, #tpu.memory_space<vmem_shared>>
      %dma_wait3A_174 = arith.constant 0 : i32
      %dma_wait3A_175 = tpu.memref_slice %arg19[%add3A_13, %dma_wait3A_174] : memref<10240x128xf32, #tpu.memory_space<vmem_shared>> -> memref<32x128xf32, #tpu.memory_space<vmem_shared>>
      tpu.wait_dma2 semaphore(%run_scoped3A : memref<!tpu.dma_semaphore, #tpu.memory_space<semaphore_mem>>) src(%arg18 : memref<32x128xf32, #tpu.memory_space<vmem>>) dst(%dma_wait3A_175 : memref<32x128xf32, #tpu.memory_space<vmem_shared>>)
      tpu.yield
    }) : () -> ()
    %add3A_14 = arith.constant 64 : i32
    %add3A_15 = arith.addi %mul3A_9, %add3A_14 : i32
    "tpu.region"() ({
      %run_scoped3A = tpu.sem_alloc : memref<!tpu.dma_semaphore, #tpu.memory_space<semaphore_mem>>
      %dma_start3A_168 = arith.constant 0 : i32
      %dma_start3A_169 = tpu.memref_slice %arg19[%add3A_15, %dma_start3A_168] : memref<10240x128xf32, #tpu.memory_space<vmem_shared>> -> memref<32x128xf32, #tpu.memory_space<vmem_shared>>
      %dma_start3A_170 = arith.constant 0 : i32
      %dma_start3A_171 = tpu.memref_slice %arg19[%add3A_15, %dma_start3A_170] : memref<10240x128xf32, #tpu.memory_space<vmem_shared>> -> memref<32x128xf32, #tpu.memory_space<vmem_shared>>
      tpu.enqueue_dma source(%arg18 : memref<32x128xf32, #tpu.memory_space<vmem>>) target(%dma_start3A_171 : memref<32x128xf32, #tpu.memory_space<vmem_shared>>) target_semaphore(%run_scoped3A : memref<!tpu.dma_semaphore, #tpu.memory_space<semaphore_mem>>)
      %dma_wait3A_172 = arith.constant 0 : i32
      %dma_wait3A_173 = tpu.memref_slice %arg19[%add3A_15, %dma_wait3A_172] : memref<10240x128xf32, #tpu.memory_space<vmem_shared>> -> memref<32x128xf32, #tpu.memory_space<vmem_shared>>
      %dma_wait3A_174 = arith.constant 0 : i32
      %dma_wait3A_175 = tpu.memref_slice %arg19[%add3A_15, %dma_wait3A_174] : memref<10240x128xf32, #tpu.memory_space<vmem_shared>> -> memref<32x128xf32, #tpu.memory_space<vmem_shared>>
      tpu.wait_dma2 semaphore(%run_scoped3A : memref<!tpu.dma_semaphore, #tpu.memory_space<semaphore_mem>>) src(%arg18 : memref<32x128xf32, #tpu.memory_space<vmem>>) dst(%dma_wait3A_175 : memref<32x128xf32, #tpu.memory_space<vmem_shared>>)
      tpu.yield
    }) : () -> ()
    %add3A_16 = arith.constant 96 : i32
    %add3A_17 = arith.addi %mul3A_9, %add3A_16 : i32
    "tpu.region"() ({
      %run_scoped3A = tpu.sem_alloc : memref<!tpu.dma_semaphore, #tpu.memory_space<semaphore_mem>>
      %dma_start3A_168 = arith.constant 0 : i32
      %dma_start3A_169 = tpu.memref_slice %arg19[%add3A_17, %dma_start3A_168] : memref<10240x128xf32, #tpu.memory_space<vmem_shared>> -> memref<32x128xf32, #tpu.memory_space<vmem_shared>>
      %dma_start3A_170 = arith.constant 0 : i32
      %dma_start3A_171 = tpu.memref_slice %arg19[%add3A_17, %dma_start3A_170] : memref<10240x128xf32, #tpu.memory_space<vmem_shared>> -> memref<32x128xf32, #tpu.memory_space<vmem_shared>>
      tpu.enqueue_dma source(%arg18 : memref<32x128xf32, #tpu.memory_space<vmem>>) target(%dma_start3A_171 : memref<32x128xf32, #tpu.memory_space<vmem_shared>>) target_semaphore(%run_scoped3A : memref<!tpu.dma_semaphore, #tpu.memory_space<semaphore_mem>>)
      %dma_wait3A_172 = arith.constant 0 : i32
      %dma_wait3A_173 = tpu.memref_slice %arg19[%add3A_17, %dma_wait3A_172] : memref<10240x128xf32, #tpu.memory_space<vmem_shared>> -> memref<32x128xf32, #tpu.memory_space<vmem_shared>>
      %dma_wait3A_174 = arith.constant 0 : i32
      %dma_wait3A_175 = tpu.memref_slice %arg19[%add3A_17, %dma_wait3A_174] : memref<10240x128xf32, #tpu.memory_space<vmem_shared>> -> memref<32x128xf32, #tpu.memory_space<vmem_shared>>
      tpu.wait_dma2 semaphore(%run_scoped3A : memref<!tpu.dma_semaphore, #tpu.memory_space<semaphore_mem>>) src(%arg18 : memref<32x128xf32, #tpu.memory_space<vmem>>) dst(%dma_wait3A_175 : memref<32x128xf32, #tpu.memory_space<vmem_shared>>)
      tpu.yield
    }) : () -> ()
    %add3A_18 = arith.constant 128 : i32
    %add3A_19 = arith.addi %mul3A_9, %add3A_18 : i32
    "tpu.region"() ({
      %run_scoped3A = tpu.sem_alloc : memref<!tpu.dma_semaphore, #tpu.memory_space<semaphore_mem>>
      %dma_start3A_168 = arith.constant 0 : i32
      %dma_start3A_169 = tpu.memref_slice %arg19[%add3A_19, %dma_start3A_168] : memref<10240x128xf32, #tpu.memory_space<vmem_shared>> -> memref<32x128xf32, #tpu.memory_space<vmem_shared>>
      %dma_start3A_170 = arith.constant 0 : i32
      %dma_start3A_171 = tpu.memref_slice %arg19[%add3A_19, %dma_start3A_170] : memref<10240x128xf32, #tpu.memory_space<vmem_shared>> -> memref<32x128xf32, #tpu.memory_space<vmem_shared>>
      tpu.enqueue_dma source(%arg18 : memref<32x128xf32, #tpu.memory_space<vmem>>) target(%dma_start3A_171 : memref<32x128xf32, #tpu.memory_space<vmem_shared>>) target_semaphore(%run_scoped3A : memref<!tpu.dma_semaphore, #tpu.memory_space<semaphore_mem>>)
      %dma_wait3A_172 = arith.constant 0 : i32
      %dma_wait3A_173 = tpu.memref_slice %arg19[%add3A_19, %dma_wait3A_172] : memref<10240x128xf32, #tpu.memory_space<vmem_shared>> -> memref<32x128xf32, #tpu.memory_space<vmem_shared>>
      %dma_wait3A_174 = arith.constant 0 : i32
      %dma_wait3A_175 = tpu.memref_slice %arg19[%add3A_19, %dma_wait3A_174] : memref<10240x128xf32, #tpu.memory_space<vmem_shared>> -> memref<32x128xf32, #tpu.memory_space<vmem_shared>>
      tpu.wait_dma2 semaphore(%run_scoped3A : memref<!tpu.dma_semaphore, #tpu.memory_space<semaphore_mem>>) src(%arg18 : memref<32x128xf32, #tpu.memory_space<vmem>>) dst(%dma_wait3A_175 : memref<32x128xf32, #tpu.memory_space<vmem_shared>>)
      tpu.yield
    }) : () -> ()
    %add3A_20 = arith.constant 160 : i32
    %add3A_21 = arith.addi %mul3A_9, %add3A_20 : i32
    "tpu.region"() ({
      %run_scoped3A = tpu.sem_alloc : memref<!tpu.dma_semaphore, #tpu.memory_space<semaphore_mem>>
      %dma_start3A_168 = arith.constant 0 : i32
      %dma_start3A_169 = tpu.memref_slice %arg19[%add3A_21, %dma_start3A_168] : memref<10240x128xf32, #tpu.memory_space<vmem_shared>> -> memref<32x128xf32, #tpu.memory_space<vmem_shared>>
      %dma_start3A_170 = arith.constant 0 : i32
      %dma_start3A_171 = tpu.memref_slice %arg19[%add3A_21, %dma_start3A_170] : memref<10240x128xf32, #tpu.memory_space<vmem_shared>> -> memref<32x128xf32, #tpu.memory_space<vmem_shared>>
      tpu.enqueue_dma source(%arg18 : memref<32x128xf32, #tpu.memory_space<vmem>>) target(%dma_start3A_171 : memref<32x128xf32, #tpu.memory_space<vmem_shared>>) target_semaphore(%run_scoped3A : memref<!tpu.dma_semaphore, #tpu.memory_space<semaphore_mem>>)
      %dma_wait3A_172 = arith.constant 0 : i32
      %dma_wait3A_173 = tpu.memref_slice %arg19[%add3A_21, %dma_wait3A_172] : memref<10240x128xf32, #tpu.memory_space<vmem_shared>> -> memref<32x128xf32, #tpu.memory_space<vmem_shared>>
      %dma_wait3A_174 = arith.constant 0 : i32
      %dma_wait3A_175 = tpu.memref_slice %arg19[%add3A_21, %dma_wait3A_174] : memref<10240x128xf32, #tpu.memory_space<vmem_shared>> -> memref<32x128xf32, #tpu.memory_space<vmem_shared>>
      tpu.wait_dma2 semaphore(%run_scoped3A : memref<!tpu.dma_semaphore, #tpu.memory_space<semaphore_mem>>) src(%arg18 : memref<32x128xf32, #tpu.memory_space<vmem>>) dst(%dma_wait3A_175 : memref<32x128xf32, #tpu.memory_space<vmem_shared>>)
      tpu.yield
    }) : () -> ()
    %add3A_22 = arith.constant 192 : i32
    %add3A_23 = arith.addi %mul3A_9, %add3A_22 : i32
    "tpu.region"() ({
      %run_scoped3A = tpu.sem_alloc : memref<!tpu.dma_semaphore, #tpu.memory_space<semaphore_mem>>
      %dma_start3A_168 = arith.constant 0 : i32
      %dma_start3A_169 = tpu.memref_slice %arg19[%add3A_23, %dma_start3A_168] : memref<10240x128xf32, #tpu.memory_space<vmem_shared>> -> memref<32x128xf32, #tpu.memory_space<vmem_shared>>
      %dma_start3A_170 = arith.constant 0 : i32
      %dma_start3A_171 = tpu.memref_slice %arg19[%add3A_23, %dma_start3A_170] : memref<10240x128xf32, #tpu.memory_space<vmem_shared>> -> memref<32x128xf32, #tpu.memory_space<vmem_shared>>
      tpu.enqueue_dma source(%arg18 : memref<32x128xf32, #tpu.memory_space<vmem>>) target(%dma_start3A_171 : memref<32x128xf32, #tpu.memory_space<vmem_shared>>) target_semaphore(%run_scoped3A : memref<!tpu.dma_semaphore, #tpu.memory_space<semaphore_mem>>)
      %dma_wait3A_172 = arith.constant 0 : i32
      %dma_wait3A_173 = tpu.memref_slice %arg19[%add3A_23, %dma_wait3A_172] : memref<10240x128xf32, #tpu.memory_space<vmem_shared>> -> memref<32x128xf32, #tpu.memory_space<vmem_shared>>
      %dma_wait3A_174 = arith.constant 0 : i32
      %dma_wait3A_175 = tpu.memref_slice %arg19[%add3A_23, %dma_wait3A_174] : memref<10240x128xf32, #tpu.memory_space<vmem_shared>> -> memref<32x128xf32, #tpu.memory_space<vmem_shared>>
      tpu.wait_dma2 semaphore(%run_scoped3A : memref<!tpu.dma_semaphore, #tpu.memory_space<semaphore_mem>>) src(%arg18 : memref<32x128xf32, #tpu.memory_space<vmem>>) dst(%dma_wait3A_175 : memref<32x128xf32, #tpu.memory_space<vmem_shared>>)
      tpu.yield
    }) : () -> ()
    %add3A_24 = arith.constant 224 : i32
    %add3A_25 = arith.addi %mul3A_9, %add3A_24 : i32
    "tpu.region"() ({
      %run_scoped3A = tpu.sem_alloc : memref<!tpu.dma_semaphore, #tpu.memory_space<semaphore_mem>>
      %dma_start3A_168 = arith.constant 0 : i32
      %dma_start3A_169 = tpu.memref_slice %arg19[%add3A_25, %dma_start3A_168] : memref<10240x128xf32, #tpu.memory_space<vmem_shared>> -> memref<32x128xf32, #tpu.memory_space<vmem_shared>>
      %dma_start3A_170 = arith.constant 0 : i32
      %dma_start3A_171 = tpu.memref_slice %arg19[%add3A_25, %dma_start3A_170] : memref<10240x128xf32, #tpu.memory_space<vmem_shared>> -> memref<32x128xf32, #tpu.memory_space<vmem_shared>>
      tpu.enqueue_dma source(%arg18 : memref<32x128xf32, #tpu.memory_space<vmem>>) target(%dma_start3A_171 : memref<32x128xf32, #tpu.memory_space<vmem_shared>>) target_semaphore(%run_scoped3A : memref<!tpu.dma_semaphore, #tpu.memory_space<semaphore_mem>>)
      %dma_wait3A_172 = arith.constant 0 : i32
      %dma_wait3A_173 = tpu.memref_slice %arg19[%add3A_25, %dma_wait3A_172] : memref<10240x128xf32, #tpu.memory_space<vmem_shared>> -> memref<32x128xf32, #tpu.memory_space<vmem_shared>>
      %dma_wait3A_174 = arith.constant 0 : i32
      %dma_wait3A_175 = tpu.memref_slice %arg19[%add3A_25, %dma_wait3A_174] : memref<10240x128xf32, #tpu.memory_space<vmem_shared>> -> memref<32x128xf32, #tpu.memory_space<vmem_shared>>
      tpu.wait_dma2 semaphore(%run_scoped3A : memref<!tpu.dma_semaphore, #tpu.memory_space<semaphore_mem>>) src(%arg18 : memref<32x128xf32, #tpu.memory_space<vmem>>) dst(%dma_wait3A_175 : memref<32x128xf32, #tpu.memory_space<vmem_shared>>)
      tpu.yield
    }) : () -> ()
    %add3A_26 = arith.constant 256 : i32
    %add3A_27 = arith.addi %mul3A_9, %add3A_26 : i32
    "tpu.region"() ({
      %run_scoped3A = tpu.sem_alloc : memref<!tpu.dma_semaphore, #tpu.memory_space<semaphore_mem>>
      %dma_start3A_168 = arith.constant 0 : i32
      %dma_start3A_169 = tpu.memref_slice %arg19[%add3A_27, %dma_start3A_168] : memref<10240x128xf32, #tpu.memory_space<vmem_shared>> -> memref<32x128xf32, #tpu.memory_space<vmem_shared>>
      %dma_start3A_170 = arith.constant 0 : i32
      %dma_start3A_171 = tpu.memref_slice %arg19[%add3A_27, %dma_start3A_170] : memref<10240x128xf32, #tpu.memory_space<vmem_shared>> -> memref<32x128xf32, #tpu.memory_space<vmem_shared>>
      tpu.enqueue_dma source(%arg18 : memref<32x128xf32, #tpu.memory_space<vmem>>) target(%dma_start3A_171 : memref<32x128xf32, #tpu.memory_space<vmem_shared>>) target_semaphore(%run_scoped3A : memref<!tpu.dma_semaphore, #tpu.memory_space<semaphore_mem>>)
      %dma_wait3A_172 = arith.constant 0 : i32
      %dma_wait3A_173 = tpu.memref_slice %arg19[%add3A_27, %dma_wait3A_172] : memref<10240x128xf32, #tpu.memory_space<vmem_shared>> -> memref<32x128xf32, #tpu.memory_space<vmem_shared>>
      %dma_wait3A_174 = arith.constant 0 : i32
      %dma_wait3A_175 = tpu.memref_slice %arg19[%add3A_27, %dma_wait3A_174] : memref<10240x128xf32, #tpu.memory_space<vmem_shared>> -> memref<32x128xf32, #tpu.memory_space<vmem_shared>>
      tpu.wait_dma2 semaphore(%run_scoped3A : memref<!tpu.dma_semaphore, #tpu.memory_space<semaphore_mem>>) src(%arg18 : memref<32x128xf32, #tpu.memory_space<vmem>>) dst(%dma_wait3A_175 : memref<32x128xf32, #tpu.memory_space<vmem_shared>>)
      tpu.yield
    }) : () -> ()
    %add3A_28 = arith.constant 288 : i32
    %add3A_29 = arith.addi %mul3A_9, %add3A_28 : i32
    "tpu.region"() ({
      %run_scoped3A = tpu.sem_alloc : memref<!tpu.dma_semaphore, #tpu.memory_space<semaphore_mem>>
      %dma_start3A_168 = arith.constant 0 : i32
      %dma_start3A_169 = tpu.memref_slice %arg19[%add3A_29, %dma_start3A_168] : memref<10240x128xf32, #tpu.memory_space<vmem_shared>> -> memref<32x128xf32, #tpu.memory_space<vmem_shared>>
      %dma_start3A_170 = arith.constant 0 : i32
      %dma_start3A_171 = tpu.memref_slice %arg19[%add3A_29, %dma_start3A_170] : memref<10240x128xf32, #tpu.memory_space<vmem_shared>> -> memref<32x128xf32, #tpu.memory_space<vmem_shared>>
      tpu.enqueue_dma source(%arg18 : memref<32x128xf32, #tpu.memory_space<vmem>>) target(%dma_start3A_171 : memref<32x128xf32, #tpu.memory_space<vmem_shared>>) target_semaphore(%run_scoped3A : memref<!tpu.dma_semaphore, #tpu.memory_space<semaphore_mem>>)
      %dma_wait3A_172 = arith.constant 0 : i32
      %dma_wait3A_173 = tpu.memref_slice %arg19[%add3A_29, %dma_wait3A_172] : memref<10240x128xf32, #tpu.memory_space<vmem_shared>> -> memref<32x128xf32, #tpu.memory_space<vmem_shared>>
      %dma_wait3A_174 = arith.constant 0 : i32
      %dma_wait3A_175 = tpu.memref_slice %arg19[%add3A_29, %dma_wait3A_174] : memref<10240x128xf32, #tpu.memory_space<vmem_shared>> -> memref<32x128xf32, #tpu.memory_space<vmem_shared>>
      tpu.wait_dma2 semaphore(%run_scoped3A : memref<!tpu.dma_semaphore, #tpu.memory_space<semaphore_mem>>) src(%arg18 : memref<32x128xf32, #tpu.memory_space<vmem>>) dst(%dma_wait3A_175 : memref<32x128xf32, #tpu.memory_space<vmem_shared>>)
      tpu.yield
    }) : () -> ()
    %add3A_30 = arith.constant 320 : i32
    %add3A_31 = arith.addi %mul3A_9, %add3A_30 : i32
    "tpu.region"() ({
      %run_scoped3A = tpu.sem_alloc : memref<!tpu.dma_semaphore, #tpu.memory_space<semaphore_mem>>
      %dma_start3A_168 = arith.constant 0 : i32
      %dma_start3A_169 = tpu.memref_slice %arg19[%add3A_31, %dma_start3A_168] : memref<10240x128xf32, #tpu.memory_space<vmem_shared>> -> memref<32x128xf32, #tpu.memory_space<vmem_shared>>
      %dma_start3A_170 = arith.constant 0 : i32
      %dma_start3A_171 = tpu.memref_slice %arg19[%add3A_31, %dma_start3A_170] : memref<10240x128xf32, #tpu.memory_space<vmem_shared>> -> memref<32x128xf32, #tpu.memory_space<vmem_shared>>
      tpu.enqueue_dma source(%arg18 : memref<32x128xf32, #tpu.memory_space<vmem>>) target(%dma_start3A_171 : memref<32x128xf32, #tpu.memory_space<vmem_shared>>) target_semaphore(%run_scoped3A : memref<!tpu.dma_semaphore, #tpu.memory_space<semaphore_mem>>)
      %dma_wait3A_172 = arith.constant 0 : i32
      %dma_wait3A_173 = tpu.memref_slice %arg19[%add3A_31, %dma_wait3A_172] : memref<10240x128xf32, #tpu.memory_space<vmem_shared>> -> memref<32x128xf32, #tpu.memory_space<vmem_shared>>
      %dma_wait3A_174 = arith.constant 0 : i32
      %dma_wait3A_175 = tpu.memref_slice %arg19[%add3A_31, %dma_wait3A_174] : memref<10240x128xf32, #tpu.memory_space<vmem_shared>> -> memref<32x128xf32, #tpu.memory_space<vmem_shared>>
      tpu.wait_dma2 semaphore(%run_scoped3A : memref<!tpu.dma_semaphore, #tpu.memory_space<semaphore_mem>>) src(%arg18 : memref<32x128xf32, #tpu.memory_space<vmem>>) dst(%dma_wait3A_175 : memref<32x128xf32, #tpu.memory_space<vmem_shared>>)
      tpu.yield
    }) : () -> ()
    %add3A_32 = arith.constant 352 : i32
    %add3A_33 = arith.addi %mul3A_9, %add3A_32 : i32
    "tpu.region"() ({
      %run_scoped3A = tpu.sem_alloc : memref<!tpu.dma_semaphore, #tpu.memory_space<semaphore_mem>>
      %dma_start3A_168 = arith.constant 0 : i32
      %dma_start3A_169 = tpu.memref_slice %arg19[%add3A_33, %dma_start3A_168] : memref<10240x128xf32, #tpu.memory_space<vmem_shared>> -> memref<32x128xf32, #tpu.memory_space<vmem_shared>>
      %dma_start3A_170 = arith.constant 0 : i32
      %dma_start3A_171 = tpu.memref_slice %arg19[%add3A_33, %dma_start3A_170] : memref<10240x128xf32, #tpu.memory_space<vmem_shared>> -> memref<32x128xf32, #tpu.memory_space<vmem_shared>>
      tpu.enqueue_dma source(%arg18 : memref<32x128xf32, #tpu.memory_space<vmem>>) target(%dma_start3A_171 : memref<32x128xf32, #tpu.memory_space<vmem_shared>>) target_semaphore(%run_scoped3A : memref<!tpu.dma_semaphore, #tpu.memory_space<semaphore_mem>>)
      %dma_wait3A_172 = arith.constant 0 : i32
      %dma_wait3A_173 = tpu.memref_slice %arg19[%add3A_33, %dma_wait3A_172] : memref<10240x128xf32, #tpu.memory_space<vmem_shared>> -> memref<32x128xf32, #tpu.memory_space<vmem_shared>>
      %dma_wait3A_174 = arith.constant 0 : i32
      %dma_wait3A_175 = tpu.memref_slice %arg19[%add3A_33, %dma_wait3A_174] : memref<10240x128xf32, #tpu.memory_space<vmem_shared>> -> memref<32x128xf32, #tpu.memory_space<vmem_shared>>
      tpu.wait_dma2 semaphore(%run_scoped3A : memref<!tpu.dma_semaphore, #tpu.memory_space<semaphore_mem>>) src(%arg18 : memref<32x128xf32, #tpu.memory_space<vmem>>) dst(%dma_wait3A_175 : memref<32x128xf32, #tpu.memory_space<vmem_shared>>)
      tpu.yield
    }) : () -> ()
    %add3A_34 = arith.constant 384 : i32
    %add3A_35 = arith.addi %mul3A_9, %add3A_34 : i32
    "tpu.region"() ({
      %run_scoped3A = tpu.sem_alloc : memref<!tpu.dma_semaphore, #tpu.memory_space<semaphore_mem>>
      %dma_start3A_168 = arith.constant 0 : i32
      %dma_start3A_169 = tpu.memref_slice %arg19[%add3A_35, %dma_start3A_168] : memref<10240x128xf32, #tpu.memory_space<vmem_shared>> -> memref<32x128xf32, #tpu.memory_space<vmem_shared>>
      %dma_start3A_170 = arith.constant 0 : i32
      %dma_start3A_171 = tpu.memref_slice %arg19[%add3A_35, %dma_start3A_170] : memref<10240x128xf32, #tpu.memory_space<vmem_shared>> -> memref<32x128xf32, #tpu.memory_space<vmem_shared>>
      tpu.enqueue_dma source(%arg18 : memref<32x128xf32, #tpu.memory_space<vmem>>) target(%dma_start3A_171 : memref<32x128xf32, #tpu.memory_space<vmem_shared>>) target_semaphore(%run_scoped3A : memref<!tpu.dma_semaphore, #tpu.memory_space<semaphore_mem>>)
      %dma_wait3A_172 = arith.constant 0 : i32
      %dma_wait3A_173 = tpu.memref_slice %arg19[%add3A_35, %dma_wait3A_172] : memref<10240x128xf32, #tpu.memory_space<vmem_shared>> -> memref<32x128xf32, #tpu.memory_space<vmem_shared>>
      %dma_wait3A_174 = arith.constant 0 : i32
      %dma_wait3A_175 = tpu.memref_slice %arg19[%add3A_35, %dma_wait3A_174] : memref<10240x128xf32, #tpu.memory_space<vmem_shared>> -> memref<32x128xf32, #tpu.memory_space<vmem_shared>>
      tpu.wait_dma2 semaphore(%run_scoped3A : memref<!tpu.dma_semaphore, #tpu.memory_space<semaphore_mem>>) src(%arg18 : memref<32x128xf32, #tpu.memory_space<vmem>>) dst(%dma_wait3A_175 : memref<32x128xf32, #tpu.memory_space<vmem_shared>>)
      tpu.yield
    }) : () -> ()
    %add3A_36 = arith.constant 416 : i32
    %add3A_37 = arith.addi %mul3A_9, %add3A_36 : i32
    "tpu.region"() ({
      %run_scoped3A = tpu.sem_alloc : memref<!tpu.dma_semaphore, #tpu.memory_space<semaphore_mem>>
      %dma_start3A_168 = arith.constant 0 : i32
      %dma_start3A_169 = tpu.memref_slice %arg19[%add3A_37, %dma_start3A_168] : memref<10240x128xf32, #tpu.memory_space<vmem_shared>> -> memref<32x128xf32, #tpu.memory_space<vmem_shared>>
      %dma_start3A_170 = arith.constant 0 : i32
      %dma_start3A_171 = tpu.memref_slice %arg19[%add3A_37, %dma_start3A_170] : memref<10240x128xf32, #tpu.memory_space<vmem_shared>> -> memref<32x128xf32, #tpu.memory_space<vmem_shared>>
      tpu.enqueue_dma source(%arg18 : memref<32x128xf32, #tpu.memory_space<vmem>>) target(%dma_start3A_171 : memref<32x128xf32, #tpu.memory_space<vmem_shared>>) target_semaphore(%run_scoped3A : memref<!tpu.dma_semaphore, #tpu.memory_space<semaphore_mem>>)
      %dma_wait3A_172 = arith.constant 0 : i32
      %dma_wait3A_173 = tpu.memref_slice %arg19[%add3A_37, %dma_wait3A_172] : memref<10240x128xf32, #tpu.memory_space<vmem_shared>> -> memref<32x128xf32, #tpu.memory_space<vmem_shared>>
      %dma_wait3A_174 = arith.constant 0 : i32
      %dma_wait3A_175 = tpu.memref_slice %arg19[%add3A_37, %dma_wait3A_174] : memref<10240x128xf32, #tpu.memory_space<vmem_shared>> -> memref<32x128xf32, #tpu.memory_space<vmem_shared>>
      tpu.wait_dma2 semaphore(%run_scoped3A : memref<!tpu.dma_semaphore, #tpu.memory_space<semaphore_mem>>) src(%arg18 : memref<32x128xf32, #tpu.memory_space<vmem>>) dst(%dma_wait3A_175 : memref<32x128xf32, #tpu.memory_space<vmem_shared>>)
      tpu.yield
    }) : () -> ()
    %add3A_38 = arith.constant 448 : i32
    %add3A_39 = arith.addi %mul3A_9, %add3A_38 : i32
    "tpu.region"() ({
      %run_scoped3A = tpu.sem_alloc : memref<!tpu.dma_semaphore, #tpu.memory_space<semaphore_mem>>
      %dma_start3A_168 = arith.constant 0 : i32
      %dma_start3A_169 = tpu.memref_slice %arg19[%add3A_39, %dma_start3A_168] : memref<10240x128xf32, #tpu.memory_space<vmem_shared>> -> memref<32x128xf32, #tpu.memory_space<vmem_shared>>
      %dma_start3A_170 = arith.constant 0 : i32
      %dma_start3A_171 = tpu.memref_slice %arg19[%add3A_39, %dma_start3A_170] : memref<10240x128xf32, #tpu.memory_space<vmem_shared>> -> memref<32x128xf32, #tpu.memory_space<vmem_shared>>
      tpu.enqueue_dma source(%arg18 : memref<32x128xf32, #tpu.memory_space<vmem>>) target(%dma_start3A_171 : memref<32x128xf32, #tpu.memory_space<vmem_shared>>) target_semaphore(%run_scoped3A : memref<!tpu.dma_semaphore, #tpu.memory_space<semaphore_mem>>)
      %dma_wait3A_172 = arith.constant 0 : i32
      %dma_wait3A_173 = tpu.memref_slice %arg19[%add3A_39, %dma_wait3A_172] : memref<10240x128xf32, #tpu.memory_space<vmem_shared>> -> memref<32x128xf32, #tpu.memory_space<vmem_shared>>
      %dma_wait3A_174 = arith.constant 0 : i32
      %dma_wait3A_175 = tpu.memref_slice %arg19[%add3A_39, %dma_wait3A_174] : memref<10240x128xf32, #tpu.memory_space<vmem_shared>> -> memref<32x128xf32, #tpu.memory_space<vmem_shared>>
      tpu.wait_dma2 semaphore(%run_scoped3A : memref<!tpu.dma_semaphore, #tpu.memory_space<semaphore_mem>>) src(%arg18 : memref<32x128xf32, #tpu.memory_space<vmem>>) dst(%dma_wait3A_175 : memref<32x128xf32, #tpu.memory_space<vmem_shared>>)
      tpu.yield
    }) : () -> ()
    %add3A_40 = arith.constant 480 : i32
    %add3A_41 = arith.addi %mul3A_9, %add3A_40 : i32
    "tpu.region"() ({
      %run_scoped3A = tpu.sem_alloc : memref<!tpu.dma_semaphore, #tpu.memory_space<semaphore_mem>>
      %dma_start3A_168 = arith.constant 0 : i32
      %dma_start3A_169 = tpu.memref_slice %arg19[%add3A_41, %dma_start3A_168] : memref<10240x128xf32, #tpu.memory_space<vmem_shared>> -> memref<32x128xf32, #tpu.memory_space<vmem_shared>>
      %dma_start3A_170 = arith.constant 0 : i32
      %dma_start3A_171 = tpu.memref_slice %arg19[%add3A_41, %dma_start3A_170] : memref<10240x128xf32, #tpu.memory_space<vmem_shared>> -> memref<32x128xf32, #tpu.memory_space<vmem_shared>>
      tpu.enqueue_dma source(%arg18 : memref<32x128xf32, #tpu.memory_space<vmem>>) target(%dma_start3A_171 : memref<32x128xf32, #tpu.memory_space<vmem_shared>>) target_semaphore(%run_scoped3A : memref<!tpu.dma_semaphore, #tpu.memory_space<semaphore_mem>>)
      %dma_wait3A_172 = arith.constant 0 : i32
      %dma_wait3A_173 = tpu.memref_slice %arg19[%add3A_41, %dma_wait3A_172] : memref<10240x128xf32, #tpu.memory_space<vmem_shared>> -> memref<32x128xf32, #tpu.memory_space<vmem_shared>>
      %dma_wait3A_174 = arith.constant 0 : i32
      %dma_wait3A_175 = tpu.memref_slice %arg19[%add3A_41, %dma_wait3A_174] : memref<10240x128xf32, #tpu.memory_space<vmem_shared>> -> memref<32x128xf32, #tpu.memory_space<vmem_shared>>
      tpu.wait_dma2 semaphore(%run_scoped3A : memref<!tpu.dma_semaphore, #tpu.memory_space<semaphore_mem>>) src(%arg18 : memref<32x128xf32, #tpu.memory_space<vmem>>) dst(%dma_wait3A_175 : memref<32x128xf32, #tpu.memory_space<vmem_shared>>)
      tpu.yield
    }) : () -> ()
    %add3A_42 = arith.constant 512 : i32
    %add3A_43 = arith.addi %mul3A_9, %add3A_42 : i32
    "tpu.region"() ({
      %run_scoped3A = tpu.sem_alloc : memref<!tpu.dma_semaphore, #tpu.memory_space<semaphore_mem>>
      %dma_start3A_168 = arith.constant 0 : i32
      %dma_start3A_169 = tpu.memref_slice %arg19[%add3A_43, %dma_start3A_168] : memref<10240x128xf32, #tpu.memory_space<vmem_shared>> -> memref<32x128xf32, #tpu.memory_space<vmem_shared>>
      %dma_start3A_170 = arith.constant 0 : i32
      %dma_start3A_171 = tpu.memref_slice %arg19[%add3A_43, %dma_start3A_170] : memref<10240x128xf32, #tpu.memory_space<vmem_shared>> -> memref<32x128xf32, #tpu.memory_space<vmem_shared>>
      tpu.enqueue_dma source(%arg18 : memref<32x128xf32, #tpu.memory_space<vmem>>) target(%dma_start3A_171 : memref<32x128xf32, #tpu.memory_space<vmem_shared>>) target_semaphore(%run_scoped3A : memref<!tpu.dma_semaphore, #tpu.memory_space<semaphore_mem>>)
      %dma_wait3A_172 = arith.constant 0 : i32
      %dma_wait3A_173 = tpu.memref_slice %arg19[%add3A_43, %dma_wait3A_172] : memref<10240x128xf32, #tpu.memory_space<vmem_shared>> -> memref<32x128xf32, #tpu.memory_space<vmem_shared>>
      %dma_wait3A_174 = arith.constant 0 : i32
      %dma_wait3A_175 = tpu.memref_slice %arg19[%add3A_43, %dma_wait3A_174] : memref<10240x128xf32, #tpu.memory_space<vmem_shared>> -> memref<32x128xf32, #tpu.memory_space<vmem_shared>>
      tpu.wait_dma2 semaphore(%run_scoped3A : memref<!tpu.dma_semaphore, #tpu.memory_space<semaphore_mem>>) src(%arg18 : memref<32x128xf32, #tpu.memory_space<vmem>>) dst(%dma_wait3A_175 : memref<32x128xf32, #tpu.memory_space<vmem_shared>>)
      tpu.yield
    }) : () -> ()
    %add3A_44 = arith.constant 544 : i32
    %add3A_45 = arith.addi %mul3A_9, %add3A_44 : i32
    "tpu.region"() ({
      %run_scoped3A = tpu.sem_alloc : memref<!tpu.dma_semaphore, #tpu.memory_space<semaphore_mem>>
      %dma_start3A_168 = arith.constant 0 : i32
      %dma_start3A_169 = tpu.memref_slice %arg19[%add3A_45, %dma_start3A_168] : memref<10240x128xf32, #tpu.memory_space<vmem_shared>> -> memref<32x128xf32, #tpu.memory_space<vmem_shared>>
      %dma_start3A_170 = arith.constant 0 : i32
      %dma_start3A_171 = tpu.memref_slice %arg19[%add3A_45, %dma_start3A_170] : memref<10240x128xf32, #tpu.memory_space<vmem_shared>> -> memref<32x128xf32, #tpu.memory_space<vmem_shared>>
      tpu.enqueue_dma source(%arg18 : memref<32x128xf32, #tpu.memory_space<vmem>>) target(%dma_start3A_171 : memref<32x128xf32, #tpu.memory_space<vmem_shared>>) target_semaphore(%run_scoped3A : memref<!tpu.dma_semaphore, #tpu.memory_space<semaphore_mem>>)
      %dma_wait3A_172 = arith.constant 0 : i32
      %dma_wait3A_173 = tpu.memref_slice %arg19[%add3A_45, %dma_wait3A_172] : memref<10240x128xf32, #tpu.memory_space<vmem_shared>> -> memref<32x128xf32, #tpu.memory_space<vmem_shared>>
      %dma_wait3A_174 = arith.constant 0 : i32
      %dma_wait3A_175 = tpu.memref_slice %arg19[%add3A_45, %dma_wait3A_174] : memref<10240x128xf32, #tpu.memory_space<vmem_shared>> -> memref<32x128xf32, #tpu.memory_space<vmem_shared>>
      tpu.wait_dma2 semaphore(%run_scoped3A : memref<!tpu.dma_semaphore, #tpu.memory_space<semaphore_mem>>) src(%arg18 : memref<32x128xf32, #tpu.memory_space<vmem>>) dst(%dma_wait3A_175 : memref<32x128xf32, #tpu.memory_space<vmem_shared>>)
      tpu.yield
    }) : () -> ()
    %add3A_46 = arith.constant 576 : i32
    %add3A_47 = arith.addi %mul3A_9, %add3A_46 : i32
    "tpu.region"() ({
      %run_scoped3A = tpu.sem_alloc : memref<!tpu.dma_semaphore, #tpu.memory_space<semaphore_mem>>
      %dma_start3A_168 = arith.constant 0 : i32
      %dma_start3A_169 = tpu.memref_slice %arg19[%add3A_47, %dma_start3A_168] : memref<10240x128xf32, #tpu.memory_space<vmem_shared>> -> memref<32x128xf32, #tpu.memory_space<vmem_shared>>
      %dma_start3A_170 = arith.constant 0 : i32
      %dma_start3A_171 = tpu.memref_slice %arg19[%add3A_47, %dma_start3A_170] : memref<10240x128xf32, #tpu.memory_space<vmem_shared>> -> memref<32x128xf32, #tpu.memory_space<vmem_shared>>
      tpu.enqueue_dma source(%arg18 : memref<32x128xf32, #tpu.memory_space<vmem>>) target(%dma_start3A_171 : memref<32x128xf32, #tpu.memory_space<vmem_shared>>) target_semaphore(%run_scoped3A : memref<!tpu.dma_semaphore, #tpu.memory_space<semaphore_mem>>)
      %dma_wait3A_172 = arith.constant 0 : i32
      %dma_wait3A_173 = tpu.memref_slice %arg19[%add3A_47, %dma_wait3A_172] : memref<10240x128xf32, #tpu.memory_space<vmem_shared>> -> memref<32x128xf32, #tpu.memory_space<vmem_shared>>
      %dma_wait3A_174 = arith.constant 0 : i32
      %dma_wait3A_175 = tpu.memref_slice %arg19[%add3A_47, %dma_wait3A_174] : memref<10240x128xf32, #tpu.memory_space<vmem_shared>> -> memref<32x128xf32, #tpu.memory_space<vmem_shared>>
      tpu.wait_dma2 semaphore(%run_scoped3A : memref<!tpu.dma_semaphore, #tpu.memory_space<semaphore_mem>>) src(%arg18 : memref<32x128xf32, #tpu.memory_space<vmem>>) dst(%dma_wait3A_175 : memref<32x128xf32, #tpu.memory_space<vmem_shared>>)
      tpu.yield
    }) : () -> ()
    %add3A_48 = arith.constant 608 : i32
    %add3A_49 = arith.addi %mul3A_9, %add3A_48 : i32
    "tpu.region"() ({
      %run_scoped3A = tpu.sem_alloc : memref<!tpu.dma_semaphore, #tpu.memory_space<semaphore_mem>>
      %dma_start3A_168 = arith.constant 0 : i32
      %dma_start3A_169 = tpu.memref_slice %arg19[%add3A_49, %dma_start3A_168] : memref<10240x128xf32, #tpu.memory_space<vmem_shared>> -> memref<32x128xf32, #tpu.memory_space<vmem_shared>>
      %dma_start3A_170 = arith.constant 0 : i32
      %dma_start3A_171 = tpu.memref_slice %arg19[%add3A_49, %dma_start3A_170] : memref<10240x128xf32, #tpu.memory_space<vmem_shared>> -> memref<32x128xf32, #tpu.memory_space<vmem_shared>>
      tpu.enqueue_dma source(%arg18 : memref<32x128xf32, #tpu.memory_space<vmem>>) target(%dma_start3A_171 : memref<32x128xf32, #tpu.memory_space<vmem_shared>>) target_semaphore(%run_scoped3A : memref<!tpu.dma_semaphore, #tpu.memory_space<semaphore_mem>>)
      %dma_wait3A_172 = arith.constant 0 : i32
      %dma_wait3A_173 = tpu.memref_slice %arg19[%add3A_49, %dma_wait3A_172] : memref<10240x128xf32, #tpu.memory_space<vmem_shared>> -> memref<32x128xf32, #tpu.memory_space<vmem_shared>>
      %dma_wait3A_174 = arith.constant 0 : i32
      %dma_wait3A_175 = tpu.memref_slice %arg19[%add3A_49, %dma_wait3A_174] : memref<10240x128xf32, #tpu.memory_space<vmem_shared>> -> memref<32x128xf32, #tpu.memory_space<vmem_shared>>
      tpu.wait_dma2 semaphore(%run_scoped3A : memref<!tpu.dma_semaphore, #tpu.memory_space<semaphore_mem>>) src(%arg18 : memref<32x128xf32, #tpu.memory_space<vmem>>) dst(%dma_wait3A_175 : memref<32x128xf32, #tpu.memory_space<vmem_shared>>)
      tpu.yield
    }) : () -> ()
    %barrier3A = arith.constant 0 : index
    tpu.barrier barrier_id(%barrier3A)
    %scan3A_50 = arith.constant 0 : i32
    %scan3A_51 = arith.constant 0 : i32
    %scan3A_52 = arith.constant 15 : i32
    %scan3A_53 = arith.addi %scan3A_51, %scan3A_52 : i32
    %scan3A_54 = arith.constant 1 : i32
    scf.for %scan3A_168 = %scan3A_51 to %scan3A_53 step %scan3A_54  : i32 {
      %mul3A_169 = arith.constant 8 : i32
      %mul3A_170 = arith.muli %scan3A_168, %mul3A_169 : i32
      %add3A_171 = arith.constant 0 : i32
      %add3A_172 = arith.addi %mul3A_170, %add3A_171 : i32
      %mul3A_173 = arith.constant 80 : i32
      %mul3A_174 = arith.muli %add3A_172, %mul3A_173 : i32
      %add3A_175 = arith.addi %mul3A_2, %mul3A_174 : i32
      %dma_start3A_176 = tpu.memref_slice %arg3[%add3A_175] : memref<320000xi32, #tpu.memory_space<hbm>> -> memref<80xi32, #tpu.memory_space<hbm>>
      %dma_start3A_177 = tpu.memref_slice %arg3[%add3A_175] : memref<320000xi32, #tpu.memory_space<hbm>> -> memref<80xi32, #tpu.memory_space<hbm>>
      tpu.enqueue_dma source(%dma_start3A_177 : memref<80xi32, #tpu.memory_space<hbm>>) target(%arg6 : memref<80xi32, #tpu.memory_space<vmem>>) target_semaphore(%arg20 : memref<!tpu.dma_semaphore, #tpu.memory_space<semaphore_mem>>)
      %dma_start3A_178 = tpu.memref_slice %arg4[%add3A_175] : memref<320000xi32, #tpu.memory_space<hbm>> -> memref<80xi32, #tpu.memory_space<hbm>>
      %dma_start3A_179 = tpu.memref_slice %arg4[%add3A_175] : memref<320000xi32, #tpu.memory_space<hbm>> -> memref<80xi32, #tpu.memory_space<hbm>>
      tpu.enqueue_dma source(%dma_start3A_179 : memref<80xi32, #tpu.memory_space<hbm>>) target(%arg10 : memref<80xi32, #tpu.memory_space<vmem>>) target_semaphore(%arg20 : memref<!tpu.dma_semaphore, #tpu.memory_space<semaphore_mem>>)
      %add3A_180 = arith.constant 1 : i32
      %add3A_181 = arith.addi %mul3A_170, %add3A_180 : i32
      %mul3A_182 = arith.constant 80 : i32
      %mul3A_183 = arith.muli %add3A_181, %mul3A_182 : i32
      %add3A_184 = arith.addi %mul3A_2, %mul3A_183 : i32
      %dma_start3A_185 = tpu.memref_slice %arg3[%add3A_184] : memref<320000xi32, #tpu.memory_space<hbm>> -> memref<80xi32, #tpu.memory_space<hbm>>
      %dma_start3A_186 = tpu.memref_slice %arg3[%add3A_184] : memref<320000xi32, #tpu.memory_space<hbm>> -> memref<80xi32, #tpu.memory_space<hbm>>
      tpu.enqueue_dma source(%dma_start3A_186 : memref<80xi32, #tpu.memory_space<hbm>>) target(%arg7 : memref<80xi32, #tpu.memory_space<vmem>>) target_semaphore(%arg21 : memref<!tpu.dma_semaphore, #tpu.memory_space<semaphore_mem>>)
      %dma_start3A_187 = tpu.memref_slice %arg4[%add3A_184] : memref<320000xi32, #tpu.memory_space<hbm>> -> memref<80xi32, #tpu.memory_space<hbm>>
      %dma_start3A_188 = tpu.memref_slice %arg4[%add3A_184] : memref<320000xi32, #tpu.memory_space<hbm>> -> memref<80xi32, #tpu.memory_space<hbm>>
      tpu.enqueue_dma source(%dma_start3A_188 : memref<80xi32, #tpu.memory_space<hbm>>) target(%arg11 : memref<80xi32, #tpu.memory_space<vmem>>) target_semaphore(%arg21 : memref<!tpu.dma_semaphore, #tpu.memory_space<semaphore_mem>>)
      %add3A_189 = arith.constant 2 : i32
      %add3A_190 = arith.addi %mul3A_170, %add3A_189 : i32
      %mul3A_191 = arith.constant 80 : i32
      %mul3A_192 = arith.muli %add3A_190, %mul3A_191 : i32
      %add3A_193 = arith.addi %mul3A_2, %mul3A_192 : i32
      %dma_start3A_194 = tpu.memref_slice %arg3[%add3A_193] : memref<320000xi32, #tpu.memory_space<hbm>> -> memref<80xi32, #tpu.memory_space<hbm>>
      %dma_start3A_195 = tpu.memref_slice %arg3[%add3A_193] : memref<320000xi32, #tpu.memory_space<hbm>> -> memref<80xi32, #tpu.memory_space<hbm>>
      tpu.enqueue_dma source(%dma_start3A_195 : memref<80xi32, #tpu.memory_space<hbm>>) target(%arg8 : memref<80xi32, #tpu.memory_space<vmem>>) target_semaphore(%arg22 : memref<!tpu.dma_semaphore, #tpu.memory_space<semaphore_mem>>)
      %dma_start3A_196 = tpu.memref_slice %arg4[%add3A_193] : memref<320000xi32, #tpu.memory_space<hbm>> -> memref<80xi32, #tpu.memory_space<hbm>>
      %dma_start3A_197 = tpu.memref_slice %arg4[%add3A_193] : memref<320000xi32, #tpu.memory_space<hbm>> -> memref<80xi32, #tpu.memory_space<hbm>>
      tpu.enqueue_dma source(%dma_start3A_197 : memref<80xi32, #tpu.memory_space<hbm>>) target(%arg12 : memref<80xi32, #tpu.memory_space<vmem>>) target_semaphore(%arg22 : memref<!tpu.dma_semaphore, #tpu.memory_space<semaphore_mem>>)
      %add3A_198 = arith.constant 3 : i32
      %add3A_199 = arith.addi %mul3A_170, %add3A_198 : i32
      %mul3A_200 = arith.constant 80 : i32
      %mul3A_201 = arith.muli %add3A_199, %mul3A_200 : i32
      %add3A_202 = arith.addi %mul3A_2, %mul3A_201 : i32
      %dma_start3A_203 = tpu.memref_slice %arg3[%add3A_202] : memref<320000xi32, #tpu.memory_space<hbm>> -> memref<80xi32, #tpu.memory_space<hbm>>
      %dma_start3A_204 = tpu.memref_slice %arg3[%add3A_202] : memref<320000xi32, #tpu.memory_space<hbm>> -> memref<80xi32, #tpu.memory_space<hbm>>
      tpu.enqueue_dma source(%dma_start3A_204 : memref<80xi32, #tpu.memory_space<hbm>>) target(%arg9 : memref<80xi32, #tpu.memory_space<vmem>>) target_semaphore(%arg23 : memref<!tpu.dma_semaphore, #tpu.memory_space<semaphore_mem>>)
      %dma_start3A_205 = tpu.memref_slice %arg4[%add3A_202] : memref<320000xi32, #tpu.memory_space<hbm>> -> memref<80xi32, #tpu.memory_space<hbm>>
      %dma_start3A_206 = tpu.memref_slice %arg4[%add3A_202] : memref<320000xi32, #tpu.memory_space<hbm>> -> memref<80xi32, #tpu.memory_space<hbm>>
      tpu.enqueue_dma source(%dma_start3A_206 : memref<80xi32, #tpu.memory_space<hbm>>) target(%arg13 : memref<80xi32, #tpu.memory_space<vmem>>) target_semaphore(%arg23 : memref<!tpu.dma_semaphore, #tpu.memory_space<semaphore_mem>>)
      %dma_wait3A_207 = tpu.memref_slice %arg3[%add3A_175] : memref<320000xi32, #tpu.memory_space<hbm>> -> memref<80xi32, #tpu.memory_space<hbm>>
      %dma_wait3A_208 = tpu.memref_slice %arg3[%add3A_175] : memref<320000xi32, #tpu.memory_space<hbm>> -> memref<80xi32, #tpu.memory_space<hbm>>
      tpu.wait_dma2 semaphore(%arg20 : memref<!tpu.dma_semaphore, #tpu.memory_space<semaphore_mem>>) src(%dma_wait3A_208 : memref<80xi32, #tpu.memory_space<hbm>>) dst(%arg6 : memref<80xi32, #tpu.memory_space<vmem>>)
      %dma_wait3A_209 = tpu.memref_slice %arg4[%add3A_175] : memref<320000xi32, #tpu.memory_space<hbm>> -> memref<80xi32, #tpu.memory_space<hbm>>
      %dma_wait3A_210 = tpu.memref_slice %arg4[%add3A_175] : memref<320000xi32, #tpu.memory_space<hbm>> -> memref<80xi32, #tpu.memory_space<hbm>>
      tpu.wait_dma2 semaphore(%arg20 : memref<!tpu.dma_semaphore, #tpu.memory_space<semaphore_mem>>) src(%dma_wait3A_210 : memref<80xi32, #tpu.memory_space<hbm>>) dst(%arg10 : memref<80xi32, #tpu.memory_space<vmem>>)
      %dma_start3A_211 = arith.constant 0 : i32
      %dma_start3A_212 = arith.constant 0 : i32
      %dma_start3A_213 = tpu.memref_slice %arg2[%dma_start3A_211, %dma_start3A_212] : memref<10000x128xf32, #tpu.memory_space<hbm>> -> memref<10000x128xf32, #tpu.memory_space<hbm>>
      tpu.enqueue_indirect_dma source(%dma_start3A_213 : memref<10000x128xf32, #tpu.memory_space<hbm>>) target(%arg14 : memref<80x128xf32, #tpu.memory_space<vmem>>) offsets(%arg6 : memref<80xi32, #tpu.memory_space<vmem>>) semaphore(%arg24 : memref<!tpu.dma_semaphore, #tpu.memory_space<semaphore_mem>>)
      %dma_wait3A_214 = tpu.memref_slice %arg3[%add3A_184] : memref<320000xi32, #tpu.memory_space<hbm>> -> memref<80xi32, #tpu.memory_space<hbm>>
      %dma_wait3A_215 = tpu.memref_slice %arg3[%add3A_184] : memref<320000xi32, #tpu.memory_space<hbm>> -> memref<80xi32, #tpu.memory_space<hbm>>
      tpu.wait_dma2 semaphore(%arg21 : memref<!tpu.dma_semaphore, #tpu.memory_space<semaphore_mem>>) src(%dma_wait3A_215 : memref<80xi32, #tpu.memory_space<hbm>>) dst(%arg7 : memref<80xi32, #tpu.memory_space<vmem>>)
      %dma_wait3A_216 = tpu.memref_slice %arg4[%add3A_184] : memref<320000xi32, #tpu.memory_space<hbm>> -> memref<80xi32, #tpu.memory_space<hbm>>
      %dma_wait3A_217 = tpu.memref_slice %arg4[%add3A_184] : memref<320000xi32, #tpu.memory_space<hbm>> -> memref<80xi32, #tpu.memory_space<hbm>>
      tpu.wait_dma2 semaphore(%arg21 : memref<!tpu.dma_semaphore, #tpu.memory_space<semaphore_mem>>) src(%dma_wait3A_217 : memref<80xi32, #tpu.memory_space<hbm>>) dst(%arg11 : memref<80xi32, #tpu.memory_space<vmem>>)
      %dma_start3A_218 = arith.constant 0 : i32
      %dma_start3A_219 = arith.constant 0 : i32
      %dma_start3A_220 = tpu.memref_slice %arg2[%dma_start3A_218, %dma_start3A_219] : memref<10000x128xf32, #tpu.memory_space<hbm>> -> memref<10000x128xf32, #tpu.memory_space<hbm>>
      tpu.enqueue_indirect_dma source(%dma_start3A_220 : memref<10000x128xf32, #tpu.memory_space<hbm>>) target(%arg15 : memref<80x128xf32, #tpu.memory_space<vmem>>) offsets(%arg7 : memref<80xi32, #tpu.memory_space<vmem>>) semaphore(%arg25 : memref<!tpu.dma_semaphore, #tpu.memory_space<semaphore_mem>>)
      %dma_wait3A_221 = tpu.memref_slice %arg3[%add3A_193] : memref<320000xi32, #tpu.memory_space<hbm>> -> memref<80xi32, #tpu.memory_space<hbm>>
      %dma_wait3A_222 = tpu.memref_slice %arg3[%add3A_193] : memref<320000xi32, #tpu.memory_space<hbm>> -> memref<80xi32, #tpu.memory_space<hbm>>
      tpu.wait_dma2 semaphore(%arg22 : memref<!tpu.dma_semaphore, #tpu.memory_space<semaphore_mem>>) src(%dma_wait3A_222 : memref<80xi32, #tpu.memory_space<hbm>>) dst(%arg8 : memref<80xi32, #tpu.memory_space<vmem>>)
      %dma_wait3A_223 = tpu.memref_slice %arg4[%add3A_193] : memref<320000xi32, #tpu.memory_space<hbm>> -> memref<80xi32, #tpu.memory_space<hbm>>
      %dma_wait3A_224 = tpu.memref_slice %arg4[%add3A_193] : memref<320000xi32, #tpu.memory_space<hbm>> -> memref<80xi32, #tpu.memory_space<hbm>>
      tpu.wait_dma2 semaphore(%arg22 : memref<!tpu.dma_semaphore, #tpu.memory_space<semaphore_mem>>) src(%dma_wait3A_224 : memref<80xi32, #tpu.memory_space<hbm>>) dst(%arg12 : memref<80xi32, #tpu.memory_space<vmem>>)
      %dma_start3A_225 = arith.constant 0 : i32
      %dma_start3A_226 = arith.constant 0 : i32
      %dma_start3A_227 = tpu.memref_slice %arg2[%dma_start3A_225, %dma_start3A_226] : memref<10000x128xf32, #tpu.memory_space<hbm>> -> memref<10000x128xf32, #tpu.memory_space<hbm>>
      tpu.enqueue_indirect_dma source(%dma_start3A_227 : memref<10000x128xf32, #tpu.memory_space<hbm>>) target(%arg16 : memref<80x128xf32, #tpu.memory_space<vmem>>) offsets(%arg8 : memref<80xi32, #tpu.memory_space<vmem>>) semaphore(%arg26 : memref<!tpu.dma_semaphore, #tpu.memory_space<semaphore_mem>>)
      %dma_wait3A_228 = tpu.memref_slice %arg3[%add3A_202] : memref<320000xi32, #tpu.memory_space<hbm>> -> memref<80xi32, #tpu.memory_space<hbm>>
      %dma_wait3A_229 = tpu.memref_slice %arg3[%add3A_202] : memref<320000xi32, #tpu.memory_space<hbm>> -> memref<80xi32, #tpu.memory_space<hbm>>
      tpu.wait_dma2 semaphore(%arg23 : memref<!tpu.dma_semaphore, #tpu.memory_space<semaphore_mem>>) src(%dma_wait3A_229 : memref<80xi32, #tpu.memory_space<hbm>>) dst(%arg9 : memref<80xi32, #tpu.memory_space<vmem>>)
      %dma_wait3A_230 = tpu.memref_slice %arg4[%add3A_202] : memref<320000xi32, #tpu.memory_space<hbm>> -> memref<80xi32, #tpu.memory_space<hbm>>
      %dma_wait3A_231 = tpu.memref_slice %arg4[%add3A_202] : memref<320000xi32, #tpu.memory_space<hbm>> -> memref<80xi32, #tpu.memory_space<hbm>>
      tpu.wait_dma2 semaphore(%arg23 : memref<!tpu.dma_semaphore, #tpu.memory_space<semaphore_mem>>) src(%dma_wait3A_231 : memref<80xi32, #tpu.memory_space<hbm>>) dst(%arg13 : memref<80xi32, #tpu.memory_space<vmem>>)
      %dma_start3A_232 = arith.constant 0 : i32
      %dma_start3A_233 = arith.constant 0 : i32
      %dma_start3A_234 = tpu.memref_slice %arg2[%dma_start3A_232, %dma_start3A_233] : memref<10000x128xf32, #tpu.memory_space<hbm>> -> memref<10000x128xf32, #tpu.memory_space<hbm>>
      tpu.enqueue_indirect_dma source(%dma_start3A_234 : memref<10000x128xf32, #tpu.memory_space<hbm>>) target(%arg17 : memref<80x128xf32, #tpu.memory_space<vmem>>) offsets(%arg9 : memref<80xi32, #tpu.memory_space<vmem>>) semaphore(%arg27 : memref<!tpu.dma_semaphore, #tpu.memory_space<semaphore_mem>>)
      %dma_wait3A_235 = arith.constant 0 : i32
      %dma_wait3A_236 = arith.constant 0 : i32
      %dma_wait3A_237 = tpu.memref_slice %arg2[%dma_wait3A_235, %dma_wait3A_236] : memref<10000x128xf32, #tpu.memory_space<hbm>> -> memref<10000x128xf32, #tpu.memory_space<hbm>>
      tpu.wait_indirect_dma semaphore(%arg24 : memref<!tpu.dma_semaphore, #tpu.memory_space<semaphore_mem>>) src(%dma_wait3A_237 : memref<10000x128xf32, #tpu.memory_space<hbm>>) dst(%arg14 : memref<80x128xf32, #tpu.memory_space<vmem>>)
      %dma_start3A_238 = arith.constant 0 : i32
      %dma_start3A_239 = arith.constant 0 : i32
      %dma_start3A_240 = tpu.memref_slice %arg19[%dma_start3A_238, %dma_start3A_239] : memref<10240x128xf32, #tpu.memory_space<vmem_shared>> -> memref<10240x128xf32, #tpu.memory_space<vmem_shared>>
      tpu.enqueue_indirect_dma source(%arg14 : memref<80x128xf32, #tpu.memory_space<vmem>>) target(%dma_start3A_240 : memref<10240x128xf32, #tpu.memory_space<vmem_shared>>) offsets(%arg10 : memref<80xi32, #tpu.memory_space<vmem>>) semaphore(%arg28 : memref<!tpu.dma_semaphore, #tpu.memory_space<semaphore_mem>>) {add = true}
      %dma_wait3A_241 = arith.constant 0 : i32
      %dma_wait3A_242 = arith.constant 0 : i32
      %dma_wait3A_243 = tpu.memref_slice %arg2[%dma_wait3A_241, %dma_wait3A_242] : memref<10000x128xf32, #tpu.memory_space<hbm>> -> memref<10000x128xf32, #tpu.memory_space<hbm>>
      tpu.wait_indirect_dma semaphore(%arg25 : memref<!tpu.dma_semaphore, #tpu.memory_space<semaphore_mem>>) src(%dma_wait3A_243 : memref<10000x128xf32, #tpu.memory_space<hbm>>) dst(%arg15 : memref<80x128xf32, #tpu.memory_space<vmem>>)
      %dma_start3A_244 = arith.constant 0 : i32
      %dma_start3A_245 = arith.constant 0 : i32
      %dma_start3A_246 = tpu.memref_slice %arg19[%dma_start3A_244, %dma_start3A_245] : memref<10240x128xf32, #tpu.memory_space<vmem_shared>> -> memref<10240x128xf32, #tpu.memory_space<vmem_shared>>
      tpu.enqueue_indirect_dma source(%arg15 : memref<80x128xf32, #tpu.memory_space<vmem>>) target(%dma_start3A_246 : memref<10240x128xf32, #tpu.memory_space<vmem_shared>>) offsets(%arg11 : memref<80xi32, #tpu.memory_space<vmem>>) semaphore(%arg29 : memref<!tpu.dma_semaphore, #tpu.memory_space<semaphore_mem>>) {add = true}
      %dma_wait3A_247 = arith.constant 0 : i32
      %dma_wait3A_248 = arith.constant 0 : i32
      %dma_wait3A_249 = tpu.memref_slice %arg2[%dma_wait3A_247, %dma_wait3A_248] : memref<10000x128xf32, #tpu.memory_space<hbm>> -> memref<10000x128xf32, #tpu.memory_space<hbm>>
      tpu.wait_indirect_dma semaphore(%arg26 : memref<!tpu.dma_semaphore, #tpu.memory_space<semaphore_mem>>) src(%dma_wait3A_249 : memref<10000x128xf32, #tpu.memory_space<hbm>>) dst(%arg16 : memref<80x128xf32, #tpu.memory_space<vmem>>)
      %dma_start3A_250 = arith.constant 0 : i32
      %dma_start3A_251 = arith.constant 0 : i32
      %dma_start3A_252 = tpu.memref_slice %arg19[%dma_start3A_250, %dma_start3A_251] : memref<10240x128xf32, #tpu.memory_space<vmem_shared>> -> memref<10240x128xf32, #tpu.memory_space<vmem_shared>>
      tpu.enqueue_indirect_dma source(%arg16 : memref<80x128xf32, #tpu.memory_space<vmem>>) target(%dma_start3A_252 : memref<10240x128xf32, #tpu.memory_space<vmem_shared>>) offsets(%arg12 : memref<80xi32, #tpu.memory_space<vmem>>) semaphore(%arg30 : memref<!tpu.dma_semaphore, #tpu.memory_space<semaphore_mem>>) {add = true}
      %dma_wait3A_253 = arith.constant 0 : i32
      %dma_wait3A_254 = arith.constant 0 : i32
      %dma_wait3A_255 = tpu.memref_slice %arg2[%dma_wait3A_253, %dma_wait3A_254] : memref<10000x128xf32, #tpu.memory_space<hbm>> -> memref<10000x128xf32, #tpu.memory_space<hbm>>
      tpu.wait_indirect_dma semaphore(%arg27 : memref<!tpu.dma_semaphore, #tpu.memory_space<semaphore_mem>>) src(%dma_wait3A_255 : memref<10000x128xf32, #tpu.memory_space<hbm>>) dst(%arg17 : memref<80x128xf32, #tpu.memory_space<vmem>>)
      %dma_start3A_256 = arith.constant 0 : i32
      %dma_start3A_257 = arith.constant 0 : i32
      %dma_start3A_258 = tpu.memref_slice %arg19[%dma_start3A_256, %dma_start3A_257] : memref<10240x128xf32, #tpu.memory_space<vmem_shared>> -> memref<10240x128xf32, #tpu.memory_space<vmem_shared>>
      tpu.enqueue_indirect_dma source(%arg17 : memref<80x128xf32, #tpu.memory_space<vmem>>) target(%dma_start3A_258 : memref<10240x128xf32, #tpu.memory_space<vmem_shared>>) offsets(%arg13 : memref<80xi32, #tpu.memory_space<vmem>>) semaphore(%arg31 : memref<!tpu.dma_semaphore, #tpu.memory_space<semaphore_mem>>) {add = true}
      %dma_wait3A_259 = arith.constant 0 : i32
      %dma_wait3A_260 = arith.constant 0 : i32
      %dma_wait3A_261 = tpu.memref_slice %arg19[%dma_wait3A_259, %dma_wait3A_260] : memref<10240x128xf32, #tpu.memory_space<vmem_shared>> -> memref<10240x128xf32, #tpu.memory_space<vmem_shared>>
      tpu.wait_indirect_dma semaphore(%arg28 : memref<!tpu.dma_semaphore, #tpu.memory_space<semaphore_mem>>) src(%arg14 : memref<80x128xf32, #tpu.memory_space<vmem>>) dst(%dma_wait3A_261 : memref<10240x128xf32, #tpu.memory_space<vmem_shared>>)
      %add3A_262 = arith.constant 0 : i32
      %add3A_263 = arith.addi %mul3A_170, %add3A_262 : i32
      %add3A_264 = arith.constant 4 : i32
      %add3A_265 = arith.addi %add3A_263, %add3A_264 : i32
      %mul3A_266 = arith.constant 80 : i32
      %mul3A_267 = arith.muli %add3A_265, %mul3A_266 : i32
      %add3A_268 = arith.addi %mul3A_2, %mul3A_267 : i32
      %dma_start3A_269 = tpu.memref_slice %arg3[%add3A_268] : memref<320000xi32, #tpu.memory_space<hbm>> -> memref<80xi32, #tpu.memory_space<hbm>>
      %dma_start3A_270 = tpu.memref_slice %arg3[%add3A_268] : memref<320000xi32, #tpu.memory_space<hbm>> -> memref<80xi32, #tpu.memory_space<hbm>>
      tpu.enqueue_dma source(%dma_start3A_270 : memref<80xi32, #tpu.memory_space<hbm>>) target(%arg6 : memref<80xi32, #tpu.memory_space<vmem>>) target_semaphore(%arg20 : memref<!tpu.dma_semaphore, #tpu.memory_space<semaphore_mem>>)
      %dma_start3A_271 = tpu.memref_slice %arg4[%add3A_268] : memref<320000xi32, #tpu.memory_space<hbm>> -> memref<80xi32, #tpu.memory_space<hbm>>
      %dma_start3A_272 = tpu.memref_slice %arg4[%add3A_268] : memref<320000xi32, #tpu.memory_space<hbm>> -> memref<80xi32, #tpu.memory_space<hbm>>
      tpu.enqueue_dma source(%dma_start3A_272 : memref<80xi32, #tpu.memory_space<hbm>>) target(%arg10 : memref<80xi32, #tpu.memory_space<vmem>>) target_semaphore(%arg20 : memref<!tpu.dma_semaphore, #tpu.memory_space<semaphore_mem>>)
      %dma_wait3A_273 = arith.constant 0 : i32
      %dma_wait3A_274 = arith.constant 0 : i32
      %dma_wait3A_275 = tpu.memref_slice %arg19[%dma_wait3A_273, %dma_wait3A_274] : memref<10240x128xf32, #tpu.memory_space<vmem_shared>> -> memref<10240x128xf32, #tpu.memory_space<vmem_shared>>
      tpu.wait_indirect_dma semaphore(%arg29 : memref<!tpu.dma_semaphore, #tpu.memory_space<semaphore_mem>>) src(%arg15 : memref<80x128xf32, #tpu.memory_space<vmem>>) dst(%dma_wait3A_275 : memref<10240x128xf32, #tpu.memory_space<vmem_shared>>)
      %add3A_276 = arith.constant 1 : i32
      %add3A_277 = arith.addi %mul3A_170, %add3A_276 : i32
      %add3A_278 = arith.constant 4 : i32
      %add3A_279 = arith.addi %add3A_277, %add3A_278 : i32
      %mul3A_280 = arith.constant 80 : i32
      %mul3A_281 = arith.muli %add3A_279, %mul3A_280 : i32
      %add3A_282 = arith.addi %mul3A_2, %mul3A_281 : i32
      %dma_start3A_283 = tpu.memref_slice %arg3[%add3A_282] : memref<320000xi32, #tpu.memory_space<hbm>> -> memref<80xi32, #tpu.memory_space<hbm>>
      %dma_start3A_284 = tpu.memref_slice %arg3[%add3A_282] : memref<320000xi32, #tpu.memory_space<hbm>> -> memref<80xi32, #tpu.memory_space<hbm>>
      tpu.enqueue_dma source(%dma_start3A_284 : memref<80xi32, #tpu.memory_space<hbm>>) target(%arg7 : memref<80xi32, #tpu.memory_space<vmem>>) target_semaphore(%arg21 : memref<!tpu.dma_semaphore, #tpu.memory_space<semaphore_mem>>)
      %dma_start3A_285 = tpu.memref_slice %arg4[%add3A_282] : memref<320000xi32, #tpu.memory_space<hbm>> -> memref<80xi32, #tpu.memory_space<hbm>>
      %dma_start3A_286 = tpu.memref_slice %arg4[%add3A_282] : memref<320000xi32, #tpu.memory_space<hbm>> -> memref<80xi32, #tpu.memory_space<hbm>>
      tpu.enqueue_dma source(%dma_start3A_286 : memref<80xi32, #tpu.memory_space<hbm>>) target(%arg11 : memref<80xi32, #tpu.memory_space<vmem>>) target_semaphore(%arg21 : memref<!tpu.dma_semaphore, #tpu.memory_space<semaphore_mem>>)
      %dma_wait3A_287 = arith.constant 0 : i32
      %dma_wait3A_288 = arith.constant 0 : i32
      %dma_wait3A_289 = tpu.memref_slice %arg19[%dma_wait3A_287, %dma_wait3A_288] : memref<10240x128xf32, #tpu.memory_space<vmem_shared>> -> memref<10240x128xf32, #tpu.memory_space<vmem_shared>>
      tpu.wait_indirect_dma semaphore(%arg30 : memref<!tpu.dma_semaphore, #tpu.memory_space<semaphore_mem>>) src(%arg16 : memref<80x128xf32, #tpu.memory_space<vmem>>) dst(%dma_wait3A_289 : memref<10240x128xf32, #tpu.memory_space<vmem_shared>>)
      %add3A_290 = arith.constant 2 : i32
      %add3A_291 = arith.addi %mul3A_170, %add3A_290 : i32
      %add3A_292 = arith.constant 4 : i32
      %add3A_293 = arith.addi %add3A_291, %add3A_292 : i32
      %mul3A_294 = arith.constant 80 : i32
      %mul3A_295 = arith.muli %add3A_293, %mul3A_294 : i32
      %add3A_296 = arith.addi %mul3A_2, %mul3A_295 : i32
      %dma_start3A_297 = tpu.memref_slice %arg3[%add3A_296] : memref<320000xi32, #tpu.memory_space<hbm>> -> memref<80xi32, #tpu.memory_space<hbm>>
      %dma_start3A_298 = tpu.memref_slice %arg3[%add3A_296] : memref<320000xi32, #tpu.memory_space<hbm>> -> memref<80xi32, #tpu.memory_space<hbm>>
      tpu.enqueue_dma source(%dma_start3A_298 : memref<80xi32, #tpu.memory_space<hbm>>) target(%arg8 : memref<80xi32, #tpu.memory_space<vmem>>) target_semaphore(%arg22 : memref<!tpu.dma_semaphore, #tpu.memory_space<semaphore_mem>>)
      %dma_start3A_299 = tpu.memref_slice %arg4[%add3A_296] : memref<320000xi32, #tpu.memory_space<hbm>> -> memref<80xi32, #tpu.memory_space<hbm>>
      %dma_start3A_300 = tpu.memref_slice %arg4[%add3A_296] : memref<320000xi32, #tpu.memory_space<hbm>> -> memref<80xi32, #tpu.memory_space<hbm>>
      tpu.enqueue_dma source(%dma_start3A_300 : memref<80xi32, #tpu.memory_space<hbm>>) target(%arg12 : memref<80xi32, #tpu.memory_space<vmem>>) target_semaphore(%arg22 : memref<!tpu.dma_semaphore, #tpu.memory_space<semaphore_mem>>)
      %dma_wait3A_301 = arith.constant 0 : i32
      %dma_wait3A_302 = arith.constant 0 : i32
      %dma_wait3A_303 = tpu.memref_slice %arg19[%dma_wait3A_301, %dma_wait3A_302] : memref<10240x128xf32, #tpu.memory_space<vmem_shared>> -> memref<10240x128xf32, #tpu.memory_space<vmem_shared>>
      tpu.wait_indirect_dma semaphore(%arg31 : memref<!tpu.dma_semaphore, #tpu.memory_space<semaphore_mem>>) src(%arg17 : memref<80x128xf32, #tpu.memory_space<vmem>>) dst(%dma_wait3A_303 : memref<10240x128xf32, #tpu.memory_space<vmem_shared>>)
      %add3A_304 = arith.constant 3 : i32
      %add3A_305 = arith.addi %mul3A_170, %add3A_304 : i32
      %add3A_306 = arith.constant 4 : i32
      %add3A_307 = arith.addi %add3A_305, %add3A_306 : i32
      %mul3A_308 = arith.constant 80 : i32
      %mul3A_309 = arith.muli %add3A_307, %mul3A_308 : i32
      %add3A_310 = arith.addi %mul3A_2, %mul3A_309 : i32
      %dma_start3A_311 = tpu.memref_slice %arg3[%add3A_310] : memref<320000xi32, #tpu.memory_space<hbm>> -> memref<80xi32, #tpu.memory_space<hbm>>
      %dma_start3A_312 = tpu.memref_slice %arg3[%add3A_310] : memref<320000xi32, #tpu.memory_space<hbm>> -> memref<80xi32, #tpu.memory_space<hbm>>
      tpu.enqueue_dma source(%dma_start3A_312 : memref<80xi32, #tpu.memory_space<hbm>>) target(%arg9 : memref<80xi32, #tpu.memory_space<vmem>>) target_semaphore(%arg23 : memref<!tpu.dma_semaphore, #tpu.memory_space<semaphore_mem>>)
      %dma_start3A_313 = tpu.memref_slice %arg4[%add3A_310] : memref<320000xi32, #tpu.memory_space<hbm>> -> memref<80xi32, #tpu.memory_space<hbm>>
      %dma_start3A_314 = tpu.memref_slice %arg4[%add3A_310] : memref<320000xi32, #tpu.memory_space<hbm>> -> memref<80xi32, #tpu.memory_space<hbm>>
      tpu.enqueue_dma source(%dma_start3A_314 : memref<80xi32, #tpu.memory_space<hbm>>) target(%arg13 : memref<80xi32, #tpu.memory_space<vmem>>) target_semaphore(%arg23 : memref<!tpu.dma_semaphore, #tpu.memory_space<semaphore_mem>>)
      %dma_wait3A_315 = tpu.memref_slice %arg3[%add3A_268] : memref<320000xi32, #tpu.memory_space<hbm>> -> memref<80xi32, #tpu.memory_space<hbm>>
      %dma_wait3A_316 = tpu.memref_slice %arg3[%add3A_268] : memref<320000xi32, #tpu.memory_space<hbm>> -> memref<80xi32, #tpu.memory_space<hbm>>
      tpu.wait_dma2 semaphore(%arg20 : memref<!tpu.dma_semaphore, #tpu.memory_space<semaphore_mem>>) src(%dma_wait3A_316 : memref<80xi32, #tpu.memory_space<hbm>>) dst(%arg6 : memref<80xi32, #tpu.memory_space<vmem>>)
      %dma_wait3A_317 = tpu.memref_slice %arg4[%add3A_268] : memref<320000xi32, #tpu.memory_space<hbm>> -> memref<80xi32, #tpu.memory_space<hbm>>
      %dma_wait3A_318 = tpu.memref_slice %arg4[%add3A_268] : memref<320000xi32, #tpu.memory_space<hbm>> -> memref<80xi32, #tpu.memory_space<hbm>>
      tpu.wait_dma2 semaphore(%arg20 : memref<!tpu.dma_semaphore, #tpu.memory_space<semaphore_mem>>) src(%dma_wait3A_318 : memref<80xi32, #tpu.memory_space<hbm>>) dst(%arg10 : memref<80xi32, #tpu.memory_space<vmem>>)
      %dma_start3A_319 = arith.constant 0 : i32
      %dma_start3A_320 = arith.constant 0 : i32
      %dma_start3A_321 = tpu.memref_slice %arg2[%dma_start3A_319, %dma_start3A_320] : memref<10000x128xf32, #tpu.memory_space<hbm>> -> memref<10000x128xf32, #tpu.memory_space<hbm>>
      tpu.enqueue_indirect_dma source(%dma_start3A_321 : memref<10000x128xf32, #tpu.memory_space<hbm>>) target(%arg14 : memref<80x128xf32, #tpu.memory_space<vmem>>) offsets(%arg6 : memref<80xi32, #tpu.memory_space<vmem>>) semaphore(%arg24 : memref<!tpu.dma_semaphore, #tpu.memory_space<semaphore_mem>>)
      %dma_wait3A_322 = tpu.memref_slice %arg3[%add3A_282] : memref<320000xi32, #tpu.memory_space<hbm>> -> memref<80xi32, #tpu.memory_space<hbm>>
      %dma_wait3A_323 = tpu.memref_slice %arg3[%add3A_282] : memref<320000xi32, #tpu.memory_space<hbm>> -> memref<80xi32, #tpu.memory_space<hbm>>
      tpu.wait_dma2 semaphore(%arg21 : memref<!tpu.dma_semaphore, #tpu.memory_space<semaphore_mem>>) src(%dma_wait3A_323 : memref<80xi32, #tpu.memory_space<hbm>>) dst(%arg7 : memref<80xi32, #tpu.memory_space<vmem>>)
      %dma_wait3A_324 = tpu.memref_slice %arg4[%add3A_282] : memref<320000xi32, #tpu.memory_space<hbm>> -> memref<80xi32, #tpu.memory_space<hbm>>
      %dma_wait3A_325 = tpu.memref_slice %arg4[%add3A_282] : memref<320000xi32, #tpu.memory_space<hbm>> -> memref<80xi32, #tpu.memory_space<hbm>>
      tpu.wait_dma2 semaphore(%arg21 : memref<!tpu.dma_semaphore, #tpu.memory_space<semaphore_mem>>) src(%dma_wait3A_325 : memref<80xi32, #tpu.memory_space<hbm>>) dst(%arg11 : memref<80xi32, #tpu.memory_space<vmem>>)
      %dma_start3A_326 = arith.constant 0 : i32
      %dma_start3A_327 = arith.constant 0 : i32
      %dma_start3A_328 = tpu.memref_slice %arg2[%dma_start3A_326, %dma_start3A_327] : memref<10000x128xf32, #tpu.memory_space<hbm>> -> memref<10000x128xf32, #tpu.memory_space<hbm>>
      tpu.enqueue_indirect_dma source(%dma_start3A_328 : memref<10000x128xf32, #tpu.memory_space<hbm>>) target(%arg15 : memref<80x128xf32, #tpu.memory_space<vmem>>) offsets(%arg7 : memref<80xi32, #tpu.memory_space<vmem>>) semaphore(%arg25 : memref<!tpu.dma_semaphore, #tpu.memory_space<semaphore_mem>>)
      %dma_wait3A_329 = tpu.memref_slice %arg3[%add3A_296] : memref<320000xi32, #tpu.memory_space<hbm>> -> memref<80xi32, #tpu.memory_space<hbm>>
      %dma_wait3A_330 = tpu.memref_slice %arg3[%add3A_296] : memref<320000xi32, #tpu.memory_space<hbm>> -> memref<80xi32, #tpu.memory_space<hbm>>
      tpu.wait_dma2 semaphore(%arg22 : memref<!tpu.dma_semaphore, #tpu.memory_space<semaphore_mem>>) src(%dma_wait3A_330 : memref<80xi32, #tpu.memory_space<hbm>>) dst(%arg8 : memref<80xi32, #tpu.memory_space<vmem>>)
      %dma_wait3A_331 = tpu.memref_slice %arg4[%add3A_296] : memref<320000xi32, #tpu.memory_space<hbm>> -> memref<80xi32, #tpu.memory_space<hbm>>
      %dma_wait3A_332 = tpu.memref_slice %arg4[%add3A_296] : memref<320000xi32, #tpu.memory_space<hbm>> -> memref<80xi32, #tpu.memory_space<hbm>>
      tpu.wait_dma2 semaphore(%arg22 : memref<!tpu.dma_semaphore, #tpu.memory_space<semaphore_mem>>) src(%dma_wait3A_332 : memref<80xi32, #tpu.memory_space<hbm>>) dst(%arg12 : memref<80xi32, #tpu.memory_space<vmem>>)
      %dma_start3A_333 = arith.constant 0 : i32
      %dma_start3A_334 = arith.constant 0 : i32
      %dma_start3A_335 = tpu.memref_slice %arg2[%dma_start3A_333, %dma_start3A_334] : memref<10000x128xf32, #tpu.memory_space<hbm>> -> memref<10000x128xf32, #tpu.memory_space<hbm>>
      tpu.enqueue_indirect_dma source(%dma_start3A_335 : memref<10000x128xf32, #tpu.memory_space<hbm>>) target(%arg16 : memref<80x128xf32, #tpu.memory_space<vmem>>) offsets(%arg8 : memref<80xi32, #tpu.memory_space<vmem>>) semaphore(%arg26 : memref<!tpu.dma_semaphore, #tpu.memory_space<semaphore_mem>>)
      %dma_wait3A_336 = tpu.memref_slice %arg3[%add3A_310] : memref<320000xi32, #tpu.memory_space<hbm>> -> memref<80xi32, #tpu.memory_space<hbm>>
      %dma_wait3A_337 = tpu.memref_slice %arg3[%add3A_310] : memref<320000xi32, #tpu.memory_space<hbm>> -> memref<80xi32, #tpu.memory_space<hbm>>
      tpu.wait_dma2 semaphore(%arg23 : memref<!tpu.dma_semaphore, #tpu.memory_space<semaphore_mem>>) src(%dma_wait3A_337 : memref<80xi32, #tpu.memory_space<hbm>>) dst(%arg9 : memref<80xi32, #tpu.memory_space<vmem>>)
      %dma_wait3A_338 = tpu.memref_slice %arg4[%add3A_310] : memref<320000xi32, #tpu.memory_space<hbm>> -> memref<80xi32, #tpu.memory_space<hbm>>
      %dma_wait3A_339 = tpu.memref_slice %arg4[%add3A_310] : memref<320000xi32, #tpu.memory_space<hbm>> -> memref<80xi32, #tpu.memory_space<hbm>>
      tpu.wait_dma2 semaphore(%arg23 : memref<!tpu.dma_semaphore, #tpu.memory_space<semaphore_mem>>) src(%dma_wait3A_339 : memref<80xi32, #tpu.memory_space<hbm>>) dst(%arg13 : memref<80xi32, #tpu.memory_space<vmem>>)
      %dma_start3A_340 = arith.constant 0 : i32
      %dma_start3A_341 = arith.constant 0 : i32
      %dma_start3A_342 = tpu.memref_slice %arg2[%dma_start3A_340, %dma_start3A_341] : memref<10000x128xf32, #tpu.memory_space<hbm>> -> memref<10000x128xf32, #tpu.memory_space<hbm>>
      tpu.enqueue_indirect_dma source(%dma_start3A_342 : memref<10000x128xf32, #tpu.memory_space<hbm>>) target(%arg17 : memref<80x128xf32, #tpu.memory_space<vmem>>) offsets(%arg9 : memref<80xi32, #tpu.memory_space<vmem>>) semaphore(%arg27 : memref<!tpu.dma_semaphore, #tpu.memory_space<semaphore_mem>>)
      %dma_wait3A_343 = arith.constant 0 : i32
      %dma_wait3A_344 = arith.constant 0 : i32
      %dma_wait3A_345 = tpu.memref_slice %arg2[%dma_wait3A_343, %dma_wait3A_344] : memref<10000x128xf32, #tpu.memory_space<hbm>> -> memref<10000x128xf32, #tpu.memory_space<hbm>>
      tpu.wait_indirect_dma semaphore(%arg24 : memref<!tpu.dma_semaphore, #tpu.memory_space<semaphore_mem>>) src(%dma_wait3A_345 : memref<10000x128xf32, #tpu.memory_space<hbm>>) dst(%arg14 : memref<80x128xf32, #tpu.memory_space<vmem>>)
      %dma_start3A_346 = arith.constant 0 : i32
      %dma_start3A_347 = arith.constant 0 : i32
      %dma_start3A_348 = tpu.memref_slice %arg19[%dma_start3A_346, %dma_start3A_347] : memref<10240x128xf32, #tpu.memory_space<vmem_shared>> -> memref<10240x128xf32, #tpu.memory_space<vmem_shared>>
      tpu.enqueue_indirect_dma source(%arg14 : memref<80x128xf32, #tpu.memory_space<vmem>>) target(%dma_start3A_348 : memref<10240x128xf32, #tpu.memory_space<vmem_shared>>) offsets(%arg10 : memref<80xi32, #tpu.memory_space<vmem>>) semaphore(%arg28 : memref<!tpu.dma_semaphore, #tpu.memory_space<semaphore_mem>>) {add = true}
      %dma_wait3A_349 = arith.constant 0 : i32
      %dma_wait3A_350 = arith.constant 0 : i32
      %dma_wait3A_351 = tpu.memref_slice %arg2[%dma_wait3A_349, %dma_wait3A_350] : memref<10000x128xf32, #tpu.memory_space<hbm>> -> memref<10000x128xf32, #tpu.memory_space<hbm>>
      tpu.wait_indirect_dma semaphore(%arg25 : memref<!tpu.dma_semaphore, #tpu.memory_space<semaphore_mem>>) src(%dma_wait3A_351 : memref<10000x128xf32, #tpu.memory_space<hbm>>) dst(%arg15 : memref<80x128xf32, #tpu.memory_space<vmem>>)
      %dma_start3A_352 = arith.constant 0 : i32
      %dma_start3A_353 = arith.constant 0 : i32
      %dma_start3A_354 = tpu.memref_slice %arg19[%dma_start3A_352, %dma_start3A_353] : memref<10240x128xf32, #tpu.memory_space<vmem_shared>> -> memref<10240x128xf32, #tpu.memory_space<vmem_shared>>
      tpu.enqueue_indirect_dma source(%arg15 : memref<80x128xf32, #tpu.memory_space<vmem>>) target(%dma_start3A_354 : memref<10240x128xf32, #tpu.memory_space<vmem_shared>>) offsets(%arg11 : memref<80xi32, #tpu.memory_space<vmem>>) semaphore(%arg29 : memref<!tpu.dma_semaphore, #tpu.memory_space<semaphore_mem>>) {add = true}
      %dma_wait3A_355 = arith.constant 0 : i32
      %dma_wait3A_356 = arith.constant 0 : i32
      %dma_wait3A_357 = tpu.memref_slice %arg2[%dma_wait3A_355, %dma_wait3A_356] : memref<10000x128xf32, #tpu.memory_space<hbm>> -> memref<10000x128xf32, #tpu.memory_space<hbm>>
      tpu.wait_indirect_dma semaphore(%arg26 : memref<!tpu.dma_semaphore, #tpu.memory_space<semaphore_mem>>) src(%dma_wait3A_357 : memref<10000x128xf32, #tpu.memory_space<hbm>>) dst(%arg16 : memref<80x128xf32, #tpu.memory_space<vmem>>)
      %dma_start3A_358 = arith.constant 0 : i32
      %dma_start3A_359 = arith.constant 0 : i32
      %dma_start3A_360 = tpu.memref_slice %arg19[%dma_start3A_358, %dma_start3A_359] : memref<10240x128xf32, #tpu.memory_space<vmem_shared>> -> memref<10240x128xf32, #tpu.memory_space<vmem_shared>>
      tpu.enqueue_indirect_dma source(%arg16 : memref<80x128xf32, #tpu.memory_space<vmem>>) target(%dma_start3A_360 : memref<10240x128xf32, #tpu.memory_space<vmem_shared>>) offsets(%arg12 : memref<80xi32, #tpu.memory_space<vmem>>) semaphore(%arg30 : memref<!tpu.dma_semaphore, #tpu.memory_space<semaphore_mem>>) {add = true}
      %dma_wait3A_361 = arith.constant 0 : i32
      %dma_wait3A_362 = arith.constant 0 : i32
      %dma_wait3A_363 = tpu.memref_slice %arg2[%dma_wait3A_361, %dma_wait3A_362] : memref<10000x128xf32, #tpu.memory_space<hbm>> -> memref<10000x128xf32, #tpu.memory_space<hbm>>
      tpu.wait_indirect_dma semaphore(%arg27 : memref<!tpu.dma_semaphore, #tpu.memory_space<semaphore_mem>>) src(%dma_wait3A_363 : memref<10000x128xf32, #tpu.memory_space<hbm>>) dst(%arg17 : memref<80x128xf32, #tpu.memory_space<vmem>>)
      %dma_start3A_364 = arith.constant 0 : i32
      %dma_start3A_365 = arith.constant 0 : i32
      %dma_start3A_366 = tpu.memref_slice %arg19[%dma_start3A_364, %dma_start3A_365] : memref<10240x128xf32, #tpu.memory_space<vmem_shared>> -> memref<10240x128xf32, #tpu.memory_space<vmem_shared>>
      tpu.enqueue_indirect_dma source(%arg17 : memref<80x128xf32, #tpu.memory_space<vmem>>) target(%dma_start3A_366 : memref<10240x128xf32, #tpu.memory_space<vmem_shared>>) offsets(%arg13 : memref<80xi32, #tpu.memory_space<vmem>>) semaphore(%arg31 : memref<!tpu.dma_semaphore, #tpu.memory_space<semaphore_mem>>) {add = true}
      %dma_wait3A_367 = arith.constant 0 : i32
      %dma_wait3A_368 = arith.constant 0 : i32
      %dma_wait3A_369 = tpu.memref_slice %arg19[%dma_wait3A_367, %dma_wait3A_368] : memref<10240x128xf32, #tpu.memory_space<vmem_shared>> -> memref<10240x128xf32, #tpu.memory_space<vmem_shared>>
      tpu.wait_indirect_dma semaphore(%arg28 : memref<!tpu.dma_semaphore, #tpu.memory_space<semaphore_mem>>) src(%arg14 : memref<80x128xf32, #tpu.memory_space<vmem>>) dst(%dma_wait3A_369 : memref<10240x128xf32, #tpu.memory_space<vmem_shared>>)
      %dma_wait3A_370 = arith.constant 0 : i32
      %dma_wait3A_371 = arith.constant 0 : i32
      %dma_wait3A_372 = tpu.memref_slice %arg19[%dma_wait3A_370, %dma_wait3A_371] : memref<10240x128xf32, #tpu.memory_space<vmem_shared>> -> memref<10240x128xf32, #tpu.memory_space<vmem_shared>>
      tpu.wait_indirect_dma semaphore(%arg29 : memref<!tpu.dma_semaphore, #tpu.memory_space<semaphore_mem>>) src(%arg15 : memref<80x128xf32, #tpu.memory_space<vmem>>) dst(%dma_wait3A_372 : memref<10240x128xf32, #tpu.memory_space<vmem_shared>>)
      %dma_wait3A_373 = arith.constant 0 : i32
      %dma_wait3A_374 = arith.constant 0 : i32
      %dma_wait3A_375 = tpu.memref_slice %arg19[%dma_wait3A_373, %dma_wait3A_374] : memref<10240x128xf32, #tpu.memory_space<vmem_shared>> -> memref<10240x128xf32, #tpu.memory_space<vmem_shared>>
      tpu.wait_indirect_dma semaphore(%arg30 : memref<!tpu.dma_semaphore, #tpu.memory_space<semaphore_mem>>) src(%arg16 : memref<80x128xf32, #tpu.memory_space<vmem>>) dst(%dma_wait3A_375 : memref<10240x128xf32, #tpu.memory_space<vmem_shared>>)
      %dma_wait3A_376 = arith.constant 0 : i32
      %dma_wait3A_377 = arith.constant 0 : i32
      %dma_wait3A_378 = tpu.memref_slice %arg19[%dma_wait3A_376, %dma_wait3A_377] : memref<10240x128xf32, #tpu.memory_space<vmem_shared>> -> memref<10240x128xf32, #tpu.memory_space<vmem_shared>>
      tpu.wait_indirect_dma semaphore(%arg31 : memref<!tpu.dma_semaphore, #tpu.memory_space<semaphore_mem>>) src(%arg17 : memref<80x128xf32, #tpu.memory_space<vmem>>) dst(%dma_wait3A_378 : memref<10240x128xf32, #tpu.memory_space<vmem_shared>>)
    }
    %scan3A_55 = arith.constant 15 : i32
    %add3A_56 = arith.constant 9600 : i32
    %add3A_57 = arith.addi %mul3A_2, %add3A_56 : i32
    %dma_start3A = tpu.memref_slice %arg3[%add3A_57] : memref<320000xi32, #tpu.memory_space<hbm>> -> memref<80xi32, #tpu.memory_space<hbm>>
    %dma_start3A_58 = tpu.memref_slice %arg3[%add3A_57] : memref<320000xi32, #tpu.memory_space<hbm>> -> memref<80xi32, #tpu.memory_space<hbm>>
    tpu.enqueue_dma source(%dma_start3A_58 : memref<80xi32, #tpu.memory_space<hbm>>) target(%arg6 : memref<80xi32, #tpu.memory_space<vmem>>) target_semaphore(%arg20 : memref<!tpu.dma_semaphore, #tpu.memory_space<semaphore_mem>>)
    %dma_start3A_59 = tpu.memref_slice %arg4[%add3A_57] : memref<320000xi32, #tpu.memory_space<hbm>> -> memref<80xi32, #tpu.memory_space<hbm>>
    %dma_start3A_60 = tpu.memref_slice %arg4[%add3A_57] : memref<320000xi32, #tpu.memory_space<hbm>> -> memref<80xi32, #tpu.memory_space<hbm>>
    tpu.enqueue_dma source(%dma_start3A_60 : memref<80xi32, #tpu.memory_space<hbm>>) target(%arg10 : memref<80xi32, #tpu.memory_space<vmem>>) target_semaphore(%arg20 : memref<!tpu.dma_semaphore, #tpu.memory_space<semaphore_mem>>)
    %dma_wait3A = tpu.memref_slice %arg3[%add3A_57] : memref<320000xi32, #tpu.memory_space<hbm>> -> memref<80xi32, #tpu.memory_space<hbm>>
    %dma_wait3A_61 = tpu.memref_slice %arg3[%add3A_57] : memref<320000xi32, #tpu.memory_space<hbm>> -> memref<80xi32, #tpu.memory_space<hbm>>
    tpu.wait_dma2 semaphore(%arg20 : memref<!tpu.dma_semaphore, #tpu.memory_space<semaphore_mem>>) src(%dma_wait3A_61 : memref<80xi32, #tpu.memory_space<hbm>>) dst(%arg6 : memref<80xi32, #tpu.memory_space<vmem>>)
    %dma_wait3A_62 = tpu.memref_slice %arg4[%add3A_57] : memref<320000xi32, #tpu.memory_space<hbm>> -> memref<80xi32, #tpu.memory_space<hbm>>
    %dma_wait3A_63 = tpu.memref_slice %arg4[%add3A_57] : memref<320000xi32, #tpu.memory_space<hbm>> -> memref<80xi32, #tpu.memory_space<hbm>>
    tpu.wait_dma2 semaphore(%arg20 : memref<!tpu.dma_semaphore, #tpu.memory_space<semaphore_mem>>) src(%dma_wait3A_63 : memref<80xi32, #tpu.memory_space<hbm>>) dst(%arg10 : memref<80xi32, #tpu.memory_space<vmem>>)
    %dma_start3A_64 = arith.constant 0 : i32
    %dma_start3A_65 = arith.constant 0 : i32
    %dma_start3A_66 = tpu.memref_slice %arg2[%dma_start3A_64, %dma_start3A_65] : memref<10000x128xf32, #tpu.memory_space<hbm>> -> memref<10000x128xf32, #tpu.memory_space<hbm>>
    tpu.enqueue_indirect_dma source(%dma_start3A_66 : memref<10000x128xf32, #tpu.memory_space<hbm>>) target(%arg14 : memref<80x128xf32, #tpu.memory_space<vmem>>) offsets(%arg6 : memref<80xi32, #tpu.memory_space<vmem>>) semaphore(%arg24 : memref<!tpu.dma_semaphore, #tpu.memory_space<semaphore_mem>>)
    %dma_wait3A_67 = arith.constant 0 : i32
    %dma_wait3A_68 = arith.constant 0 : i32
    %dma_wait3A_69 = tpu.memref_slice %arg2[%dma_wait3A_67, %dma_wait3A_68] : memref<10000x128xf32, #tpu.memory_space<hbm>> -> memref<10000x128xf32, #tpu.memory_space<hbm>>
    tpu.wait_indirect_dma semaphore(%arg24 : memref<!tpu.dma_semaphore, #tpu.memory_space<semaphore_mem>>) src(%dma_wait3A_69 : memref<10000x128xf32, #tpu.memory_space<hbm>>) dst(%arg14 : memref<80x128xf32, #tpu.memory_space<vmem>>)
    %dma_start3A_70 = arith.constant 0 : i32
    %dma_start3A_71 = arith.constant 0 : i32
    %dma_start3A_72 = tpu.memref_slice %arg19[%dma_start3A_70, %dma_start3A_71] : memref<10240x128xf32, #tpu.memory_space<vmem_shared>> -> memref<10240x128xf32, #tpu.memory_space<vmem_shared>>
    tpu.enqueue_indirect_dma source(%arg14 : memref<80x128xf32, #tpu.memory_space<vmem>>) target(%dma_start3A_72 : memref<10240x128xf32, #tpu.memory_space<vmem_shared>>) offsets(%arg10 : memref<80xi32, #tpu.memory_space<vmem>>) semaphore(%arg28 : memref<!tpu.dma_semaphore, #tpu.memory_space<semaphore_mem>>) {add = true}
    %dma_wait3A_73 = arith.constant 0 : i32
    %dma_wait3A_74 = arith.constant 0 : i32
    %dma_wait3A_75 = tpu.memref_slice %arg19[%dma_wait3A_73, %dma_wait3A_74] : memref<10240x128xf32, #tpu.memory_space<vmem_shared>> -> memref<10240x128xf32, #tpu.memory_space<vmem_shared>>
    tpu.wait_indirect_dma semaphore(%arg28 : memref<!tpu.dma_semaphore, #tpu.memory_space<semaphore_mem>>) src(%arg14 : memref<80x128xf32, #tpu.memory_space<vmem>>) dst(%dma_wait3A_75 : memref<10240x128xf32, #tpu.memory_space<vmem_shared>>)
    %add3A_76 = arith.constant 9680 : i32
    %add3A_77 = arith.addi %mul3A_2, %add3A_76 : i32
    %dma_start3A_78 = tpu.memref_slice %arg3[%add3A_77] : memref<320000xi32, #tpu.memory_space<hbm>> -> memref<80xi32, #tpu.memory_space<hbm>>
    %dma_start3A_79 = tpu.memref_slice %arg3[%add3A_77] : memref<320000xi32, #tpu.memory_space<hbm>> -> memref<80xi32, #tpu.memory_space<hbm>>
    tpu.enqueue_dma source(%dma_start3A_79 : memref<80xi32, #tpu.memory_space<hbm>>) target(%arg6 : memref<80xi32, #tpu.memory_space<vmem>>) target_semaphore(%arg20 : memref<!tpu.dma_semaphore, #tpu.memory_space<semaphore_mem>>)
    %dma_start3A_80 = tpu.memref_slice %arg4[%add3A_77] : memref<320000xi32, #tpu.memory_space<hbm>> -> memref<80xi32, #tpu.memory_space<hbm>>
    %dma_start3A_81 = tpu.memref_slice %arg4[%add3A_77] : memref<320000xi32, #tpu.memory_space<hbm>> -> memref<80xi32, #tpu.memory_space<hbm>>
    tpu.enqueue_dma source(%dma_start3A_81 : memref<80xi32, #tpu.memory_space<hbm>>) target(%arg10 : memref<80xi32, #tpu.memory_space<vmem>>) target_semaphore(%arg20 : memref<!tpu.dma_semaphore, #tpu.memory_space<semaphore_mem>>)
    %dma_wait3A_82 = tpu.memref_slice %arg3[%add3A_77] : memref<320000xi32, #tpu.memory_space<hbm>> -> memref<80xi32, #tpu.memory_space<hbm>>
    %dma_wait3A_83 = tpu.memref_slice %arg3[%add3A_77] : memref<320000xi32, #tpu.memory_space<hbm>> -> memref<80xi32, #tpu.memory_space<hbm>>
    tpu.wait_dma2 semaphore(%arg20 : memref<!tpu.dma_semaphore, #tpu.memory_space<semaphore_mem>>) src(%dma_wait3A_83 : memref<80xi32, #tpu.memory_space<hbm>>) dst(%arg6 : memref<80xi32, #tpu.memory_space<vmem>>)
    %dma_wait3A_84 = tpu.memref_slice %arg4[%add3A_77] : memref<320000xi32, #tpu.memory_space<hbm>> -> memref<80xi32, #tpu.memory_space<hbm>>
    %dma_wait3A_85 = tpu.memref_slice %arg4[%add3A_77] : memref<320000xi32, #tpu.memory_space<hbm>> -> memref<80xi32, #tpu.memory_space<hbm>>
    tpu.wait_dma2 semaphore(%arg20 : memref<!tpu.dma_semaphore, #tpu.memory_space<semaphore_mem>>) src(%dma_wait3A_85 : memref<80xi32, #tpu.memory_space<hbm>>) dst(%arg10 : memref<80xi32, #tpu.memory_space<vmem>>)
    %dma_start3A_86 = arith.constant 0 : i32
    %dma_start3A_87 = arith.constant 0 : i32
    %dma_start3A_88 = tpu.memref_slice %arg2[%dma_start3A_86, %dma_start3A_87] : memref<10000x128xf32, #tpu.memory_space<hbm>> -> memref<10000x128xf32, #tpu.memory_space<hbm>>
    tpu.enqueue_indirect_dma source(%dma_start3A_88 : memref<10000x128xf32, #tpu.memory_space<hbm>>) target(%arg14 : memref<80x128xf32, #tpu.memory_space<vmem>>) offsets(%arg6 : memref<80xi32, #tpu.memory_space<vmem>>) semaphore(%arg24 : memref<!tpu.dma_semaphore, #tpu.memory_space<semaphore_mem>>)
    %dma_wait3A_89 = arith.constant 0 : i32
    %dma_wait3A_90 = arith.constant 0 : i32
    %dma_wait3A_91 = tpu.memref_slice %arg2[%dma_wait3A_89, %dma_wait3A_90] : memref<10000x128xf32, #tpu.memory_space<hbm>> -> memref<10000x128xf32, #tpu.memory_space<hbm>>
    tpu.wait_indirect_dma semaphore(%arg24 : memref<!tpu.dma_semaphore, #tpu.memory_space<semaphore_mem>>) src(%dma_wait3A_91 : memref<10000x128xf32, #tpu.memory_space<hbm>>) dst(%arg14 : memref<80x128xf32, #tpu.memory_space<vmem>>)
    %dma_start3A_92 = arith.constant 0 : i32
    %dma_start3A_93 = arith.constant 0 : i32
    %dma_start3A_94 = tpu.memref_slice %arg19[%dma_start3A_92, %dma_start3A_93] : memref<10240x128xf32, #tpu.memory_space<vmem_shared>> -> memref<10240x128xf32, #tpu.memory_space<vmem_shared>>
    tpu.enqueue_indirect_dma source(%arg14 : memref<80x128xf32, #tpu.memory_space<vmem>>) target(%dma_start3A_94 : memref<10240x128xf32, #tpu.memory_space<vmem_shared>>) offsets(%arg10 : memref<80xi32, #tpu.memory_space<vmem>>) semaphore(%arg28 : memref<!tpu.dma_semaphore, #tpu.memory_space<semaphore_mem>>) {add = true}
    %dma_wait3A_95 = arith.constant 0 : i32
    %dma_wait3A_96 = arith.constant 0 : i32
    %dma_wait3A_97 = tpu.memref_slice %arg19[%dma_wait3A_95, %dma_wait3A_96] : memref<10240x128xf32, #tpu.memory_space<vmem_shared>> -> memref<10240x128xf32, #tpu.memory_space<vmem_shared>>
    tpu.wait_indirect_dma semaphore(%arg28 : memref<!tpu.dma_semaphore, #tpu.memory_space<semaphore_mem>>) src(%arg14 : memref<80x128xf32, #tpu.memory_space<vmem>>) dst(%dma_wait3A_97 : memref<10240x128xf32, #tpu.memory_space<vmem_shared>>)
    %add3A_98 = arith.constant 9760 : i32
    %add3A_99 = arith.addi %mul3A_2, %add3A_98 : i32
    %dma_start3A_100 = tpu.memref_slice %arg3[%add3A_99] : memref<320000xi32, #tpu.memory_space<hbm>> -> memref<80xi32, #tpu.memory_space<hbm>>
    %dma_start3A_101 = tpu.memref_slice %arg3[%add3A_99] : memref<320000xi32, #tpu.memory_space<hbm>> -> memref<80xi32, #tpu.memory_space<hbm>>
    tpu.enqueue_dma source(%dma_start3A_101 : memref<80xi32, #tpu.memory_space<hbm>>) target(%arg6 : memref<80xi32, #tpu.memory_space<vmem>>) target_semaphore(%arg20 : memref<!tpu.dma_semaphore, #tpu.memory_space<semaphore_mem>>)
    %dma_start3A_102 = tpu.memref_slice %arg4[%add3A_99] : memref<320000xi32, #tpu.memory_space<hbm>> -> memref<80xi32, #tpu.memory_space<hbm>>
    %dma_start3A_103 = tpu.memref_slice %arg4[%add3A_99] : memref<320000xi32, #tpu.memory_space<hbm>> -> memref<80xi32, #tpu.memory_space<hbm>>
    tpu.enqueue_dma source(%dma_start3A_103 : memref<80xi32, #tpu.memory_space<hbm>>) target(%arg10 : memref<80xi32, #tpu.memory_space<vmem>>) target_semaphore(%arg20 : memref<!tpu.dma_semaphore, #tpu.memory_space<semaphore_mem>>)
    %dma_wait3A_104 = tpu.memref_slice %arg3[%add3A_99] : memref<320000xi32, #tpu.memory_space<hbm>> -> memref<80xi32, #tpu.memory_space<hbm>>
    %dma_wait3A_105 = tpu.memref_slice %arg3[%add3A_99] : memref<320000xi32, #tpu.memory_space<hbm>> -> memref<80xi32, #tpu.memory_space<hbm>>
    tpu.wait_dma2 semaphore(%arg20 : memref<!tpu.dma_semaphore, #tpu.memory_space<semaphore_mem>>) src(%dma_wait3A_105 : memref<80xi32, #tpu.memory_space<hbm>>) dst(%arg6 : memref<80xi32, #tpu.memory_space<vmem>>)
    %dma_wait3A_106 = tpu.memref_slice %arg4[%add3A_99] : memref<320000xi32, #tpu.memory_space<hbm>> -> memref<80xi32, #tpu.memory_space<hbm>>
    %dma_wait3A_107 = tpu.memref_slice %arg4[%add3A_99] : memref<320000xi32, #tpu.memory_space<hbm>> -> memref<80xi32, #tpu.memory_space<hbm>>
    tpu.wait_dma2 semaphore(%arg20 : memref<!tpu.dma_semaphore, #tpu.memory_space<semaphore_mem>>) src(%dma_wait3A_107 : memref<80xi32, #tpu.memory_space<hbm>>) dst(%arg10 : memref<80xi32, #tpu.memory_space<vmem>>)
    %dma_start3A_108 = arith.constant 0 : i32
    %dma_start3A_109 = arith.constant 0 : i32
    %dma_start3A_110 = tpu.memref_slice %arg2[%dma_start3A_108, %dma_start3A_109] : memref<10000x128xf32, #tpu.memory_space<hbm>> -> memref<10000x128xf32, #tpu.memory_space<hbm>>
    tpu.enqueue_indirect_dma source(%dma_start3A_110 : memref<10000x128xf32, #tpu.memory_space<hbm>>) target(%arg14 : memref<80x128xf32, #tpu.memory_space<vmem>>) offsets(%arg6 : memref<80xi32, #tpu.memory_space<vmem>>) semaphore(%arg24 : memref<!tpu.dma_semaphore, #tpu.memory_space<semaphore_mem>>)
    %dma_wait3A_111 = arith.constant 0 : i32
    %dma_wait3A_112 = arith.constant 0 : i32
    %dma_wait3A_113 = tpu.memref_slice %arg2[%dma_wait3A_111, %dma_wait3A_112] : memref<10000x128xf32, #tpu.memory_space<hbm>> -> memref<10000x128xf32, #tpu.memory_space<hbm>>
    tpu.wait_indirect_dma semaphore(%arg24 : memref<!tpu.dma_semaphore, #tpu.memory_space<semaphore_mem>>) src(%dma_wait3A_113 : memref<10000x128xf32, #tpu.memory_space<hbm>>) dst(%arg14 : memref<80x128xf32, #tpu.memory_space<vmem>>)
    %dma_start3A_114 = arith.constant 0 : i32
    %dma_start3A_115 = arith.constant 0 : i32
    %dma_start3A_116 = tpu.memref_slice %arg19[%dma_start3A_114, %dma_start3A_115] : memref<10240x128xf32, #tpu.memory_space<vmem_shared>> -> memref<10240x128xf32, #tpu.memory_space<vmem_shared>>
    tpu.enqueue_indirect_dma source(%arg14 : memref<80x128xf32, #tpu.memory_space<vmem>>) target(%dma_start3A_116 : memref<10240x128xf32, #tpu.memory_space<vmem_shared>>) offsets(%arg10 : memref<80xi32, #tpu.memory_space<vmem>>) semaphore(%arg28 : memref<!tpu.dma_semaphore, #tpu.memory_space<semaphore_mem>>) {add = true}
    %dma_wait3A_117 = arith.constant 0 : i32
    %dma_wait3A_118 = arith.constant 0 : i32
    %dma_wait3A_119 = tpu.memref_slice %arg19[%dma_wait3A_117, %dma_wait3A_118] : memref<10240x128xf32, #tpu.memory_space<vmem_shared>> -> memref<10240x128xf32, #tpu.memory_space<vmem_shared>>
    tpu.wait_indirect_dma semaphore(%arg28 : memref<!tpu.dma_semaphore, #tpu.memory_space<semaphore_mem>>) src(%arg14 : memref<80x128xf32, #tpu.memory_space<vmem>>) dst(%dma_wait3A_119 : memref<10240x128xf32, #tpu.memory_space<vmem_shared>>)
    %add3A_120 = arith.constant 9840 : i32
    %add3A_121 = arith.addi %mul3A_2, %add3A_120 : i32
    %dma_start3A_122 = tpu.memref_slice %arg3[%add3A_121] : memref<320000xi32, #tpu.memory_space<hbm>> -> memref<80xi32, #tpu.memory_space<hbm>>
    %dma_start3A_123 = tpu.memref_slice %arg3[%add3A_121] : memref<320000xi32, #tpu.memory_space<hbm>> -> memref<80xi32, #tpu.memory_space<hbm>>
    tpu.enqueue_dma source(%dma_start3A_123 : memref<80xi32, #tpu.memory_space<hbm>>) target(%arg6 : memref<80xi32, #tpu.memory_space<vmem>>) target_semaphore(%arg20 : memref<!tpu.dma_semaphore, #tpu.memory_space<semaphore_mem>>)
    %dma_start3A_124 = tpu.memref_slice %arg4[%add3A_121] : memref<320000xi32, #tpu.memory_space<hbm>> -> memref<80xi32, #tpu.memory_space<hbm>>
    %dma_start3A_125 = tpu.memref_slice %arg4[%add3A_121] : memref<320000xi32, #tpu.memory_space<hbm>> -> memref<80xi32, #tpu.memory_space<hbm>>
    tpu.enqueue_dma source(%dma_start3A_125 : memref<80xi32, #tpu.memory_space<hbm>>) target(%arg10 : memref<80xi32, #tpu.memory_space<vmem>>) target_semaphore(%arg20 : memref<!tpu.dma_semaphore, #tpu.memory_space<semaphore_mem>>)
    %dma_wait3A_126 = tpu.memref_slice %arg3[%add3A_121] : memref<320000xi32, #tpu.memory_space<hbm>> -> memref<80xi32, #tpu.memory_space<hbm>>
    %dma_wait3A_127 = tpu.memref_slice %arg3[%add3A_121] : memref<320000xi32, #tpu.memory_space<hbm>> -> memref<80xi32, #tpu.memory_space<hbm>>
    tpu.wait_dma2 semaphore(%arg20 : memref<!tpu.dma_semaphore, #tpu.memory_space<semaphore_mem>>) src(%dma_wait3A_127 : memref<80xi32, #tpu.memory_space<hbm>>) dst(%arg6 : memref<80xi32, #tpu.memory_space<vmem>>)
    %dma_wait3A_128 = tpu.memref_slice %arg4[%add3A_121] : memref<320000xi32, #tpu.memory_space<hbm>> -> memref<80xi32, #tpu.memory_space<hbm>>
    %dma_wait3A_129 = tpu.memref_slice %arg4[%add3A_121] : memref<320000xi32, #tpu.memory_space<hbm>> -> memref<80xi32, #tpu.memory_space<hbm>>
    tpu.wait_dma2 semaphore(%arg20 : memref<!tpu.dma_semaphore, #tpu.memory_space<semaphore_mem>>) src(%dma_wait3A_129 : memref<80xi32, #tpu.memory_space<hbm>>) dst(%arg10 : memref<80xi32, #tpu.memory_space<vmem>>)
    %dma_start3A_130 = arith.constant 0 : i32
    %dma_start3A_131 = arith.constant 0 : i32
    %dma_start3A_132 = tpu.memref_slice %arg2[%dma_start3A_130, %dma_start3A_131] : memref<10000x128xf32, #tpu.memory_space<hbm>> -> memref<10000x128xf32, #tpu.memory_space<hbm>>
    tpu.enqueue_indirect_dma source(%dma_start3A_132 : memref<10000x128xf32, #tpu.memory_space<hbm>>) target(%arg14 : memref<80x128xf32, #tpu.memory_space<vmem>>) offsets(%arg6 : memref<80xi32, #tpu.memory_space<vmem>>) semaphore(%arg24 : memref<!tpu.dma_semaphore, #tpu.memory_space<semaphore_mem>>)
    %dma_wait3A_133 = arith.constant 0 : i32
    %dma_wait3A_134 = arith.constant 0 : i32
    %dma_wait3A_135 = tpu.memref_slice %arg2[%dma_wait3A_133, %dma_wait3A_134] : memref<10000x128xf32, #tpu.memory_space<hbm>> -> memref<10000x128xf32, #tpu.memory_space<hbm>>
    tpu.wait_indirect_dma semaphore(%arg24 : memref<!tpu.dma_semaphore, #tpu.memory_space<semaphore_mem>>) src(%dma_wait3A_135 : memref<10000x128xf32, #tpu.memory_space<hbm>>) dst(%arg14 : memref<80x128xf32, #tpu.memory_space<vmem>>)
    %dma_start3A_136 = arith.constant 0 : i32
    %dma_start3A_137 = arith.constant 0 : i32
    %dma_start3A_138 = tpu.memref_slice %arg19[%dma_start3A_136, %dma_start3A_137] : memref<10240x128xf32, #tpu.memory_space<vmem_shared>> -> memref<10240x128xf32, #tpu.memory_space<vmem_shared>>
    tpu.enqueue_indirect_dma source(%arg14 : memref<80x128xf32, #tpu.memory_space<vmem>>) target(%dma_start3A_138 : memref<10240x128xf32, #tpu.memory_space<vmem_shared>>) offsets(%arg10 : memref<80xi32, #tpu.memory_space<vmem>>) semaphore(%arg28 : memref<!tpu.dma_semaphore, #tpu.memory_space<semaphore_mem>>) {add = true}
    %dma_wait3A_139 = arith.constant 0 : i32
    %dma_wait3A_140 = arith.constant 0 : i32
    %dma_wait3A_141 = tpu.memref_slice %arg19[%dma_wait3A_139, %dma_wait3A_140] : memref<10240x128xf32, #tpu.memory_space<vmem_shared>> -> memref<10240x128xf32, #tpu.memory_space<vmem_shared>>
    tpu.wait_indirect_dma semaphore(%arg28 : memref<!tpu.dma_semaphore, #tpu.memory_space<semaphore_mem>>) src(%arg14 : memref<80x128xf32, #tpu.memory_space<vmem>>) dst(%dma_wait3A_141 : memref<10240x128xf32, #tpu.memory_space<vmem_shared>>)
    %add3A_142 = arith.constant 9920 : i32
    %add3A_143 = arith.addi %mul3A_2, %add3A_142 : i32
    %dma_start3A_144 = tpu.memref_slice %arg3[%add3A_143] : memref<320000xi32, #tpu.memory_space<hbm>> -> memref<80xi32, #tpu.memory_space<hbm>>
    %dma_start3A_145 = tpu.memref_slice %arg3[%add3A_143] : memref<320000xi32, #tpu.memory_space<hbm>> -> memref<80xi32, #tpu.memory_space<hbm>>
    tpu.enqueue_dma source(%dma_start3A_145 : memref<80xi32, #tpu.memory_space<hbm>>) target(%arg6 : memref<80xi32, #tpu.memory_space<vmem>>) target_semaphore(%arg20 : memref<!tpu.dma_semaphore, #tpu.memory_space<semaphore_mem>>)
    %dma_start3A_146 = tpu.memref_slice %arg4[%add3A_143] : memref<320000xi32, #tpu.memory_space<hbm>> -> memref<80xi32, #tpu.memory_space<hbm>>
    %dma_start3A_147 = tpu.memref_slice %arg4[%add3A_143] : memref<320000xi32, #tpu.memory_space<hbm>> -> memref<80xi32, #tpu.memory_space<hbm>>
    tpu.enqueue_dma source(%dma_start3A_147 : memref<80xi32, #tpu.memory_space<hbm>>) target(%arg10 : memref<80xi32, #tpu.memory_space<vmem>>) target_semaphore(%arg20 : memref<!tpu.dma_semaphore, #tpu.memory_space<semaphore_mem>>)
    %dma_wait3A_148 = tpu.memref_slice %arg3[%add3A_143] : memref<320000xi32, #tpu.memory_space<hbm>> -> memref<80xi32, #tpu.memory_space<hbm>>
    %dma_wait3A_149 = tpu.memref_slice %arg3[%add3A_143] : memref<320000xi32, #tpu.memory_space<hbm>> -> memref<80xi32, #tpu.memory_space<hbm>>
    tpu.wait_dma2 semaphore(%arg20 : memref<!tpu.dma_semaphore, #tpu.memory_space<semaphore_mem>>) src(%dma_wait3A_149 : memref<80xi32, #tpu.memory_space<hbm>>) dst(%arg6 : memref<80xi32, #tpu.memory_space<vmem>>)
    %dma_wait3A_150 = tpu.memref_slice %arg4[%add3A_143] : memref<320000xi32, #tpu.memory_space<hbm>> -> memref<80xi32, #tpu.memory_space<hbm>>
    %dma_wait3A_151 = tpu.memref_slice %arg4[%add3A_143] : memref<320000xi32, #tpu.memory_space<hbm>> -> memref<80xi32, #tpu.memory_space<hbm>>
    tpu.wait_dma2 semaphore(%arg20 : memref<!tpu.dma_semaphore, #tpu.memory_space<semaphore_mem>>) src(%dma_wait3A_151 : memref<80xi32, #tpu.memory_space<hbm>>) dst(%arg10 : memref<80xi32, #tpu.memory_space<vmem>>)
    %dma_start3A_152 = arith.constant 0 : i32
    %dma_start3A_153 = arith.constant 0 : i32
    %dma_start3A_154 = tpu.memref_slice %arg2[%dma_start3A_152, %dma_start3A_153] : memref<10000x128xf32, #tpu.memory_space<hbm>> -> memref<10000x128xf32, #tpu.memory_space<hbm>>
    tpu.enqueue_indirect_dma source(%dma_start3A_154 : memref<10000x128xf32, #tpu.memory_space<hbm>>) target(%arg14 : memref<80x128xf32, #tpu.memory_space<vmem>>) offsets(%arg6 : memref<80xi32, #tpu.memory_space<vmem>>) semaphore(%arg24 : memref<!tpu.dma_semaphore, #tpu.memory_space<semaphore_mem>>)
    %dma_wait3A_155 = arith.constant 0 : i32
    %dma_wait3A_156 = arith.constant 0 : i32
    %dma_wait3A_157 = tpu.memref_slice %arg2[%dma_wait3A_155, %dma_wait3A_156] : memref<10000x128xf32, #tpu.memory_space<hbm>> -> memref<10000x128xf32, #tpu.memory_space<hbm>>
    tpu.wait_indirect_dma semaphore(%arg24 : memref<!tpu.dma_semaphore, #tpu.memory_space<semaphore_mem>>) src(%dma_wait3A_157 : memref<10000x128xf32, #tpu.memory_space<hbm>>) dst(%arg14 : memref<80x128xf32, #tpu.memory_space<vmem>>)
    %dma_start3A_158 = arith.constant 0 : i32
    %dma_start3A_159 = arith.constant 0 : i32
    %dma_start3A_160 = tpu.memref_slice %arg19[%dma_start3A_158, %dma_start3A_159] : memref<10240x128xf32, #tpu.memory_space<vmem_shared>> -> memref<10240x128xf32, #tpu.memory_space<vmem_shared>>
    tpu.enqueue_indirect_dma source(%arg14 : memref<80x128xf32, #tpu.memory_space<vmem>>) target(%dma_start3A_160 : memref<10240x128xf32, #tpu.memory_space<vmem_shared>>) offsets(%arg10 : memref<80xi32, #tpu.memory_space<vmem>>) semaphore(%arg28 : memref<!tpu.dma_semaphore, #tpu.memory_space<semaphore_mem>>) {add = true}
    %dma_wait3A_161 = arith.constant 0 : i32
    %dma_wait3A_162 = arith.constant 0 : i32
    %dma_wait3A_163 = tpu.memref_slice %arg19[%dma_wait3A_161, %dma_wait3A_162] : memref<10240x128xf32, #tpu.memory_space<vmem_shared>> -> memref<10240x128xf32, #tpu.memory_space<vmem_shared>>
    tpu.wait_indirect_dma semaphore(%arg28 : memref<!tpu.dma_semaphore, #tpu.memory_space<semaphore_mem>>) src(%arg14 : memref<80x128xf32, #tpu.memory_space<vmem>>) dst(%dma_wait3A_163 : memref<10240x128xf32, #tpu.memory_space<vmem_shared>>)
    %barrier3A_164 = arith.constant 0 : index
    tpu.barrier barrier_id(%barrier3A_164)
    %mul3A_165 = arith.constant 10240 : i32
    %mul3A_166 = arith.muli %arg0, %mul3A_165 : i32
    %add3A_167 = arith.addi %mul3A_166, %mul3A_9 : i32
    "tpu.region"() ({
      %run_scoped3A = tpu.sem_alloc : memref<!tpu.dma_semaphore, #tpu.memory_space<semaphore_mem>>
      %dma_start3A_168 = arith.constant 0 : i32
      %dma_start3A_169 = tpu.memref_slice %arg5[%add3A_167, %dma_start3A_168] : memref<20480x128xf32, #tpu.memory_space<hbm>> -> memref<640x128xf32, #tpu.memory_space<hbm>>
      %dma_start3A_170 = arith.constant 0 : i32
      %dma_start3A_171 = tpu.memref_slice %arg19[%mul3A_9, %dma_start3A_170] : memref<10240x128xf32, #tpu.memory_space<vmem_shared>> -> memref<640x128xf32, #tpu.memory_space<vmem_shared>>
      tpu.enqueue_dma source(%dma_start3A_171 : memref<640x128xf32, #tpu.memory_space<vmem_shared>>) target(%dma_start3A_169 : memref<640x128xf32, #tpu.memory_space<hbm>>) target_semaphore(%run_scoped3A : memref<!tpu.dma_semaphore, #tpu.memory_space<semaphore_mem>>)
      %dma_wait3A_172 = arith.constant 0 : i32
      %dma_wait3A_173 = tpu.memref_slice %arg5[%add3A_167, %dma_wait3A_172] : memref<20480x128xf32, #tpu.memory_space<hbm>> -> memref<640x128xf32, #tpu.memory_space<hbm>>
      %dma_wait3A_174 = arith.constant 0 : i32
      %dma_wait3A_175 = tpu.memref_slice %arg19[%mul3A_9, %dma_wait3A_174] : memref<10240x128xf32, #tpu.memory_space<vmem_shared>> -> memref<640x128xf32, #tpu.memory_space<vmem_shared>>
      tpu.wait_dma2 semaphore(%run_scoped3A : memref<!tpu.dma_semaphore, #tpu.memory_space<semaphore_mem>>) src(%dma_wait3A_175 : memref<640x128xf32, #tpu.memory_space<vmem_shared>>) dst(%dma_wait3A_173 : memref<640x128xf32, #tpu.memory_space<hbm>>)
      tpu.yield
    }) : () -> ()
    return
  }
}

#map = affine_map<(d0, d1) -> (0)>
#map1 = affine_map<(d0, d1) -> (0, 0)>
module attributes {stable_mosaic.version = 14 : i64} {
  func.func @_sc_degree(%arg0: i32, %arg1: i32, %arg2: memref<320000xi32, #tpu.memory_space<hbm>>, %arg3: memref<80x128xf32, #tpu.memory_space<hbm>>, %arg4: memref<32x128xf32, #tpu.memory_space<hbm>>, %arg5: memref<20480x128xf32, #tpu.memory_space<hbm>>, %arg6: memref<80xi32, #tpu.memory_space<vmem>>, %arg7: memref<80xi32, #tpu.memory_space<vmem>>, %arg8: memref<80xi32, #tpu.memory_space<vmem>>, %arg9: memref<80xi32, #tpu.memory_space<vmem>>, %arg10: memref<80x128xf32, #tpu.memory_space<vmem>>, %arg11: memref<32x128xf32, #tpu.memory_space<vmem>>, %arg12: memref<10240x128xf32, #tpu.memory_space<vmem_shared>>, %arg13: memref<!tpu.dma_semaphore, #tpu.memory_space<semaphore_mem>>, %arg14: memref<!tpu.dma_semaphore, #tpu.memory_space<semaphore_mem>>, %arg15: memref<!tpu.dma_semaphore, #tpu.memory_space<semaphore_mem>>, %arg16: memref<!tpu.dma_semaphore, #tpu.memory_space<semaphore_mem>>, %arg17: memref<!tpu.dma_semaphore, #tpu.memory_space<semaphore_mem>>, %arg18: memref<!tpu.dma_semaphore, #tpu.memory_space<semaphore_mem>>, %arg19: memref<!tpu.dma_semaphore, #tpu.memory_space<semaphore_mem>>, %arg20: memref<!tpu.dma_semaphore, #tpu.memory_space<semaphore_mem>>) attributes {dimension_semantics = [#tpu.dimension_semantics<core_parallel>, #tpu.dimension_semantics<subcore_parallel>], iteration_bounds = array<i64: 2, 16>, scalar_prefetch = 0 : i64, scratch_operands = 15 : i64, tpu.core_type = #tpu.core_type<sc_vector_subcore>, window_params = [{transform_indices = #map}, {transform_indices = #map1}, {transform_indices = #map1}, {transform_indices = #map1}]} {
    %mul3A = arith.constant 2 : i32
    %mul3A_0 = arith.muli %arg1, %mul3A : i32
    %add3A = arith.addi %mul3A_0, %arg0 : i32
    %mul3A_1 = arith.constant 10000 : i32
    %mul3A_2 = arith.muli %add3A, %mul3A_1 : i32
    "tpu.region"() ({
      %run_scoped3A = tpu.sem_alloc : memref<!tpu.dma_semaphore, #tpu.memory_space<semaphore_mem>>
      tpu.enqueue_dma source(%arg3 : memref<80x128xf32, #tpu.memory_space<hbm>>) target(%arg10 : memref<80x128xf32, #tpu.memory_space<vmem>>) target_semaphore(%run_scoped3A : memref<!tpu.dma_semaphore, #tpu.memory_space<semaphore_mem>>)
      tpu.wait_dma2 semaphore(%run_scoped3A : memref<!tpu.dma_semaphore, #tpu.memory_space<semaphore_mem>>) src(%arg3 : memref<80x128xf32, #tpu.memory_space<hbm>>) dst(%arg10 : memref<80x128xf32, #tpu.memory_space<vmem>>)
      tpu.yield
    }) : () -> ()
    "tpu.region"() ({
      %run_scoped3A = tpu.sem_alloc : memref<!tpu.dma_semaphore, #tpu.memory_space<semaphore_mem>>
      tpu.enqueue_dma source(%arg4 : memref<32x128xf32, #tpu.memory_space<hbm>>) target(%arg11 : memref<32x128xf32, #tpu.memory_space<vmem>>) target_semaphore(%run_scoped3A : memref<!tpu.dma_semaphore, #tpu.memory_space<semaphore_mem>>)
      tpu.wait_dma2 semaphore(%run_scoped3A : memref<!tpu.dma_semaphore, #tpu.memory_space<semaphore_mem>>) src(%arg4 : memref<32x128xf32, #tpu.memory_space<hbm>>) dst(%arg11 : memref<32x128xf32, #tpu.memory_space<vmem>>)
      tpu.yield
    }) : () -> ()
    %mul3A_3 = arith.constant 640 : i32
    %mul3A_4 = arith.muli %arg1, %mul3A_3 : i32
    %add3A_5 = arith.constant 0 : i32
    %add3A_6 = arith.addi %mul3A_4, %add3A_5 : i32
    "tpu.region"() ({
      %run_scoped3A = tpu.sem_alloc : memref<!tpu.dma_semaphore, #tpu.memory_space<semaphore_mem>>
      %dma_start3A_112 = arith.constant 0 : i32
      %dma_start3A_113 = tpu.memref_slice %arg12[%add3A_6, %dma_start3A_112] : memref<10240x128xf32, #tpu.memory_space<vmem_shared>> -> memref<32x128xf32, #tpu.memory_space<vmem_shared>>
      %dma_start3A_114 = arith.constant 0 : i32
      %dma_start3A_115 = tpu.memref_slice %arg12[%add3A_6, %dma_start3A_114] : memref<10240x128xf32, #tpu.memory_space<vmem_shared>> -> memref<32x128xf32, #tpu.memory_space<vmem_shared>>
      tpu.enqueue_dma source(%arg11 : memref<32x128xf32, #tpu.memory_space<vmem>>) target(%dma_start3A_115 : memref<32x128xf32, #tpu.memory_space<vmem_shared>>) target_semaphore(%run_scoped3A : memref<!tpu.dma_semaphore, #tpu.memory_space<semaphore_mem>>)
      %dma_wait3A_116 = arith.constant 0 : i32
      %dma_wait3A_117 = tpu.memref_slice %arg12[%add3A_6, %dma_wait3A_116] : memref<10240x128xf32, #tpu.memory_space<vmem_shared>> -> memref<32x128xf32, #tpu.memory_space<vmem_shared>>
      %dma_wait3A_118 = arith.constant 0 : i32
      %dma_wait3A_119 = tpu.memref_slice %arg12[%add3A_6, %dma_wait3A_118] : memref<10240x128xf32, #tpu.memory_space<vmem_shared>> -> memref<32x128xf32, #tpu.memory_space<vmem_shared>>
      tpu.wait_dma2 semaphore(%run_scoped3A : memref<!tpu.dma_semaphore, #tpu.memory_space<semaphore_mem>>) src(%arg11 : memref<32x128xf32, #tpu.memory_space<vmem>>) dst(%dma_wait3A_119 : memref<32x128xf32, #tpu.memory_space<vmem_shared>>)
      tpu.yield
    }) : () -> ()
    %add3A_7 = arith.constant 32 : i32
    %add3A_8 = arith.addi %mul3A_4, %add3A_7 : i32
    "tpu.region"() ({
      %run_scoped3A = tpu.sem_alloc : memref<!tpu.dma_semaphore, #tpu.memory_space<semaphore_mem>>
      %dma_start3A_112 = arith.constant 0 : i32
      %dma_start3A_113 = tpu.memref_slice %arg12[%add3A_8, %dma_start3A_112] : memref<10240x128xf32, #tpu.memory_space<vmem_shared>> -> memref<32x128xf32, #tpu.memory_space<vmem_shared>>
      %dma_start3A_114 = arith.constant 0 : i32
      %dma_start3A_115 = tpu.memref_slice %arg12[%add3A_8, %dma_start3A_114] : memref<10240x128xf32, #tpu.memory_space<vmem_shared>> -> memref<32x128xf32, #tpu.memory_space<vmem_shared>>
      tpu.enqueue_dma source(%arg11 : memref<32x128xf32, #tpu.memory_space<vmem>>) target(%dma_start3A_115 : memref<32x128xf32, #tpu.memory_space<vmem_shared>>) target_semaphore(%run_scoped3A : memref<!tpu.dma_semaphore, #tpu.memory_space<semaphore_mem>>)
      %dma_wait3A_116 = arith.constant 0 : i32
      %dma_wait3A_117 = tpu.memref_slice %arg12[%add3A_8, %dma_wait3A_116] : memref<10240x128xf32, #tpu.memory_space<vmem_shared>> -> memref<32x128xf32, #tpu.memory_space<vmem_shared>>
      %dma_wait3A_118 = arith.constant 0 : i32
      %dma_wait3A_119 = tpu.memref_slice %arg12[%add3A_8, %dma_wait3A_118] : memref<10240x128xf32, #tpu.memory_space<vmem_shared>> -> memref<32x128xf32, #tpu.memory_space<vmem_shared>>
      tpu.wait_dma2 semaphore(%run_scoped3A : memref<!tpu.dma_semaphore, #tpu.memory_space<semaphore_mem>>) src(%arg11 : memref<32x128xf32, #tpu.memory_space<vmem>>) dst(%dma_wait3A_119 : memref<32x128xf32, #tpu.memory_space<vmem_shared>>)
      tpu.yield
    }) : () -> ()
    %add3A_9 = arith.constant 64 : i32
    %add3A_10 = arith.addi %mul3A_4, %add3A_9 : i32
    "tpu.region"() ({
      %run_scoped3A = tpu.sem_alloc : memref<!tpu.dma_semaphore, #tpu.memory_space<semaphore_mem>>
      %dma_start3A_112 = arith.constant 0 : i32
      %dma_start3A_113 = tpu.memref_slice %arg12[%add3A_10, %dma_start3A_112] : memref<10240x128xf32, #tpu.memory_space<vmem_shared>> -> memref<32x128xf32, #tpu.memory_space<vmem_shared>>
      %dma_start3A_114 = arith.constant 0 : i32
      %dma_start3A_115 = tpu.memref_slice %arg12[%add3A_10, %dma_start3A_114] : memref<10240x128xf32, #tpu.memory_space<vmem_shared>> -> memref<32x128xf32, #tpu.memory_space<vmem_shared>>
      tpu.enqueue_dma source(%arg11 : memref<32x128xf32, #tpu.memory_space<vmem>>) target(%dma_start3A_115 : memref<32x128xf32, #tpu.memory_space<vmem_shared>>) target_semaphore(%run_scoped3A : memref<!tpu.dma_semaphore, #tpu.memory_space<semaphore_mem>>)
      %dma_wait3A_116 = arith.constant 0 : i32
      %dma_wait3A_117 = tpu.memref_slice %arg12[%add3A_10, %dma_wait3A_116] : memref<10240x128xf32, #tpu.memory_space<vmem_shared>> -> memref<32x128xf32, #tpu.memory_space<vmem_shared>>
      %dma_wait3A_118 = arith.constant 0 : i32
      %dma_wait3A_119 = tpu.memref_slice %arg12[%add3A_10, %dma_wait3A_118] : memref<10240x128xf32, #tpu.memory_space<vmem_shared>> -> memref<32x128xf32, #tpu.memory_space<vmem_shared>>
      tpu.wait_dma2 semaphore(%run_scoped3A : memref<!tpu.dma_semaphore, #tpu.memory_space<semaphore_mem>>) src(%arg11 : memref<32x128xf32, #tpu.memory_space<vmem>>) dst(%dma_wait3A_119 : memref<32x128xf32, #tpu.memory_space<vmem_shared>>)
      tpu.yield
    }) : () -> ()
    %add3A_11 = arith.constant 96 : i32
    %add3A_12 = arith.addi %mul3A_4, %add3A_11 : i32
    "tpu.region"() ({
      %run_scoped3A = tpu.sem_alloc : memref<!tpu.dma_semaphore, #tpu.memory_space<semaphore_mem>>
      %dma_start3A_112 = arith.constant 0 : i32
      %dma_start3A_113 = tpu.memref_slice %arg12[%add3A_12, %dma_start3A_112] : memref<10240x128xf32, #tpu.memory_space<vmem_shared>> -> memref<32x128xf32, #tpu.memory_space<vmem_shared>>
      %dma_start3A_114 = arith.constant 0 : i32
      %dma_start3A_115 = tpu.memref_slice %arg12[%add3A_12, %dma_start3A_114] : memref<10240x128xf32, #tpu.memory_space<vmem_shared>> -> memref<32x128xf32, #tpu.memory_space<vmem_shared>>
      tpu.enqueue_dma source(%arg11 : memref<32x128xf32, #tpu.memory_space<vmem>>) target(%dma_start3A_115 : memref<32x128xf32, #tpu.memory_space<vmem_shared>>) target_semaphore(%run_scoped3A : memref<!tpu.dma_semaphore, #tpu.memory_space<semaphore_mem>>)
      %dma_wait3A_116 = arith.constant 0 : i32
      %dma_wait3A_117 = tpu.memref_slice %arg12[%add3A_12, %dma_wait3A_116] : memref<10240x128xf32, #tpu.memory_space<vmem_shared>> -> memref<32x128xf32, #tpu.memory_space<vmem_shared>>
      %dma_wait3A_118 = arith.constant 0 : i32
      %dma_wait3A_119 = tpu.memref_slice %arg12[%add3A_12, %dma_wait3A_118] : memref<10240x128xf32, #tpu.memory_space<vmem_shared>> -> memref<32x128xf32, #tpu.memory_space<vmem_shared>>
      tpu.wait_dma2 semaphore(%run_scoped3A : memref<!tpu.dma_semaphore, #tpu.memory_space<semaphore_mem>>) src(%arg11 : memref<32x128xf32, #tpu.memory_space<vmem>>) dst(%dma_wait3A_119 : memref<32x128xf32, #tpu.memory_space<vmem_shared>>)
      tpu.yield
    }) : () -> ()
    %add3A_13 = arith.constant 128 : i32
    %add3A_14 = arith.addi %mul3A_4, %add3A_13 : i32
    "tpu.region"() ({
      %run_scoped3A = tpu.sem_alloc : memref<!tpu.dma_semaphore, #tpu.memory_space<semaphore_mem>>
      %dma_start3A_112 = arith.constant 0 : i32
      %dma_start3A_113 = tpu.memref_slice %arg12[%add3A_14, %dma_start3A_112] : memref<10240x128xf32, #tpu.memory_space<vmem_shared>> -> memref<32x128xf32, #tpu.memory_space<vmem_shared>>
      %dma_start3A_114 = arith.constant 0 : i32
      %dma_start3A_115 = tpu.memref_slice %arg12[%add3A_14, %dma_start3A_114] : memref<10240x128xf32, #tpu.memory_space<vmem_shared>> -> memref<32x128xf32, #tpu.memory_space<vmem_shared>>
      tpu.enqueue_dma source(%arg11 : memref<32x128xf32, #tpu.memory_space<vmem>>) target(%dma_start3A_115 : memref<32x128xf32, #tpu.memory_space<vmem_shared>>) target_semaphore(%run_scoped3A : memref<!tpu.dma_semaphore, #tpu.memory_space<semaphore_mem>>)
      %dma_wait3A_116 = arith.constant 0 : i32
      %dma_wait3A_117 = tpu.memref_slice %arg12[%add3A_14, %dma_wait3A_116] : memref<10240x128xf32, #tpu.memory_space<vmem_shared>> -> memref<32x128xf32, #tpu.memory_space<vmem_shared>>
      %dma_wait3A_118 = arith.constant 0 : i32
      %dma_wait3A_119 = tpu.memref_slice %arg12[%add3A_14, %dma_wait3A_118] : memref<10240x128xf32, #tpu.memory_space<vmem_shared>> -> memref<32x128xf32, #tpu.memory_space<vmem_shared>>
      tpu.wait_dma2 semaphore(%run_scoped3A : memref<!tpu.dma_semaphore, #tpu.memory_space<semaphore_mem>>) src(%arg11 : memref<32x128xf32, #tpu.memory_space<vmem>>) dst(%dma_wait3A_119 : memref<32x128xf32, #tpu.memory_space<vmem_shared>>)
      tpu.yield
    }) : () -> ()
    %add3A_15 = arith.constant 160 : i32
    %add3A_16 = arith.addi %mul3A_4, %add3A_15 : i32
    "tpu.region"() ({
      %run_scoped3A = tpu.sem_alloc : memref<!tpu.dma_semaphore, #tpu.memory_space<semaphore_mem>>
      %dma_start3A_112 = arith.constant 0 : i32
      %dma_start3A_113 = tpu.memref_slice %arg12[%add3A_16, %dma_start3A_112] : memref<10240x128xf32, #tpu.memory_space<vmem_shared>> -> memref<32x128xf32, #tpu.memory_space<vmem_shared>>
      %dma_start3A_114 = arith.constant 0 : i32
      %dma_start3A_115 = tpu.memref_slice %arg12[%add3A_16, %dma_start3A_114] : memref<10240x128xf32, #tpu.memory_space<vmem_shared>> -> memref<32x128xf32, #tpu.memory_space<vmem_shared>>
      tpu.enqueue_dma source(%arg11 : memref<32x128xf32, #tpu.memory_space<vmem>>) target(%dma_start3A_115 : memref<32x128xf32, #tpu.memory_space<vmem_shared>>) target_semaphore(%run_scoped3A : memref<!tpu.dma_semaphore, #tpu.memory_space<semaphore_mem>>)
      %dma_wait3A_116 = arith.constant 0 : i32
      %dma_wait3A_117 = tpu.memref_slice %arg12[%add3A_16, %dma_wait3A_116] : memref<10240x128xf32, #tpu.memory_space<vmem_shared>> -> memref<32x128xf32, #tpu.memory_space<vmem_shared>>
      %dma_wait3A_118 = arith.constant 0 : i32
      %dma_wait3A_119 = tpu.memref_slice %arg12[%add3A_16, %dma_wait3A_118] : memref<10240x128xf32, #tpu.memory_space<vmem_shared>> -> memref<32x128xf32, #tpu.memory_space<vmem_shared>>
      tpu.wait_dma2 semaphore(%run_scoped3A : memref<!tpu.dma_semaphore, #tpu.memory_space<semaphore_mem>>) src(%arg11 : memref<32x128xf32, #tpu.memory_space<vmem>>) dst(%dma_wait3A_119 : memref<32x128xf32, #tpu.memory_space<vmem_shared>>)
      tpu.yield
    }) : () -> ()
    %add3A_17 = arith.constant 192 : i32
    %add3A_18 = arith.addi %mul3A_4, %add3A_17 : i32
    "tpu.region"() ({
      %run_scoped3A = tpu.sem_alloc : memref<!tpu.dma_semaphore, #tpu.memory_space<semaphore_mem>>
      %dma_start3A_112 = arith.constant 0 : i32
      %dma_start3A_113 = tpu.memref_slice %arg12[%add3A_18, %dma_start3A_112] : memref<10240x128xf32, #tpu.memory_space<vmem_shared>> -> memref<32x128xf32, #tpu.memory_space<vmem_shared>>
      %dma_start3A_114 = arith.constant 0 : i32
      %dma_start3A_115 = tpu.memref_slice %arg12[%add3A_18, %dma_start3A_114] : memref<10240x128xf32, #tpu.memory_space<vmem_shared>> -> memref<32x128xf32, #tpu.memory_space<vmem_shared>>
      tpu.enqueue_dma source(%arg11 : memref<32x128xf32, #tpu.memory_space<vmem>>) target(%dma_start3A_115 : memref<32x128xf32, #tpu.memory_space<vmem_shared>>) target_semaphore(%run_scoped3A : memref<!tpu.dma_semaphore, #tpu.memory_space<semaphore_mem>>)
      %dma_wait3A_116 = arith.constant 0 : i32
      %dma_wait3A_117 = tpu.memref_slice %arg12[%add3A_18, %dma_wait3A_116] : memref<10240x128xf32, #tpu.memory_space<vmem_shared>> -> memref<32x128xf32, #tpu.memory_space<vmem_shared>>
      %dma_wait3A_118 = arith.constant 0 : i32
      %dma_wait3A_119 = tpu.memref_slice %arg12[%add3A_18, %dma_wait3A_118] : memref<10240x128xf32, #tpu.memory_space<vmem_shared>> -> memref<32x128xf32, #tpu.memory_space<vmem_shared>>
      tpu.wait_dma2 semaphore(%run_scoped3A : memref<!tpu.dma_semaphore, #tpu.memory_space<semaphore_mem>>) src(%arg11 : memref<32x128xf32, #tpu.memory_space<vmem>>) dst(%dma_wait3A_119 : memref<32x128xf32, #tpu.memory_space<vmem_shared>>)
      tpu.yield
    }) : () -> ()
    %add3A_19 = arith.constant 224 : i32
    %add3A_20 = arith.addi %mul3A_4, %add3A_19 : i32
    "tpu.region"() ({
      %run_scoped3A = tpu.sem_alloc : memref<!tpu.dma_semaphore, #tpu.memory_space<semaphore_mem>>
      %dma_start3A_112 = arith.constant 0 : i32
      %dma_start3A_113 = tpu.memref_slice %arg12[%add3A_20, %dma_start3A_112] : memref<10240x128xf32, #tpu.memory_space<vmem_shared>> -> memref<32x128xf32, #tpu.memory_space<vmem_shared>>
      %dma_start3A_114 = arith.constant 0 : i32
      %dma_start3A_115 = tpu.memref_slice %arg12[%add3A_20, %dma_start3A_114] : memref<10240x128xf32, #tpu.memory_space<vmem_shared>> -> memref<32x128xf32, #tpu.memory_space<vmem_shared>>
      tpu.enqueue_dma source(%arg11 : memref<32x128xf32, #tpu.memory_space<vmem>>) target(%dma_start3A_115 : memref<32x128xf32, #tpu.memory_space<vmem_shared>>) target_semaphore(%run_scoped3A : memref<!tpu.dma_semaphore, #tpu.memory_space<semaphore_mem>>)
      %dma_wait3A_116 = arith.constant 0 : i32
      %dma_wait3A_117 = tpu.memref_slice %arg12[%add3A_20, %dma_wait3A_116] : memref<10240x128xf32, #tpu.memory_space<vmem_shared>> -> memref<32x128xf32, #tpu.memory_space<vmem_shared>>
      %dma_wait3A_118 = arith.constant 0 : i32
      %dma_wait3A_119 = tpu.memref_slice %arg12[%add3A_20, %dma_wait3A_118] : memref<10240x128xf32, #tpu.memory_space<vmem_shared>> -> memref<32x128xf32, #tpu.memory_space<vmem_shared>>
      tpu.wait_dma2 semaphore(%run_scoped3A : memref<!tpu.dma_semaphore, #tpu.memory_space<semaphore_mem>>) src(%arg11 : memref<32x128xf32, #tpu.memory_space<vmem>>) dst(%dma_wait3A_119 : memref<32x128xf32, #tpu.memory_space<vmem_shared>>)
      tpu.yield
    }) : () -> ()
    %add3A_21 = arith.constant 256 : i32
    %add3A_22 = arith.addi %mul3A_4, %add3A_21 : i32
    "tpu.region"() ({
      %run_scoped3A = tpu.sem_alloc : memref<!tpu.dma_semaphore, #tpu.memory_space<semaphore_mem>>
      %dma_start3A_112 = arith.constant 0 : i32
      %dma_start3A_113 = tpu.memref_slice %arg12[%add3A_22, %dma_start3A_112] : memref<10240x128xf32, #tpu.memory_space<vmem_shared>> -> memref<32x128xf32, #tpu.memory_space<vmem_shared>>
      %dma_start3A_114 = arith.constant 0 : i32
      %dma_start3A_115 = tpu.memref_slice %arg12[%add3A_22, %dma_start3A_114] : memref<10240x128xf32, #tpu.memory_space<vmem_shared>> -> memref<32x128xf32, #tpu.memory_space<vmem_shared>>
      tpu.enqueue_dma source(%arg11 : memref<32x128xf32, #tpu.memory_space<vmem>>) target(%dma_start3A_115 : memref<32x128xf32, #tpu.memory_space<vmem_shared>>) target_semaphore(%run_scoped3A : memref<!tpu.dma_semaphore, #tpu.memory_space<semaphore_mem>>)
      %dma_wait3A_116 = arith.constant 0 : i32
      %dma_wait3A_117 = tpu.memref_slice %arg12[%add3A_22, %dma_wait3A_116] : memref<10240x128xf32, #tpu.memory_space<vmem_shared>> -> memref<32x128xf32, #tpu.memory_space<vmem_shared>>
      %dma_wait3A_118 = arith.constant 0 : i32
      %dma_wait3A_119 = tpu.memref_slice %arg12[%add3A_22, %dma_wait3A_118] : memref<10240x128xf32, #tpu.memory_space<vmem_shared>> -> memref<32x128xf32, #tpu.memory_space<vmem_shared>>
      tpu.wait_dma2 semaphore(%run_scoped3A : memref<!tpu.dma_semaphore, #tpu.memory_space<semaphore_mem>>) src(%arg11 : memref<32x128xf32, #tpu.memory_space<vmem>>) dst(%dma_wait3A_119 : memref<32x128xf32, #tpu.memory_space<vmem_shared>>)
      tpu.yield
    }) : () -> ()
    %add3A_23 = arith.constant 288 : i32
    %add3A_24 = arith.addi %mul3A_4, %add3A_23 : i32
    "tpu.region"() ({
      %run_scoped3A = tpu.sem_alloc : memref<!tpu.dma_semaphore, #tpu.memory_space<semaphore_mem>>
      %dma_start3A_112 = arith.constant 0 : i32
      %dma_start3A_113 = tpu.memref_slice %arg12[%add3A_24, %dma_start3A_112] : memref<10240x128xf32, #tpu.memory_space<vmem_shared>> -> memref<32x128xf32, #tpu.memory_space<vmem_shared>>
      %dma_start3A_114 = arith.constant 0 : i32
      %dma_start3A_115 = tpu.memref_slice %arg12[%add3A_24, %dma_start3A_114] : memref<10240x128xf32, #tpu.memory_space<vmem_shared>> -> memref<32x128xf32, #tpu.memory_space<vmem_shared>>
      tpu.enqueue_dma source(%arg11 : memref<32x128xf32, #tpu.memory_space<vmem>>) target(%dma_start3A_115 : memref<32x128xf32, #tpu.memory_space<vmem_shared>>) target_semaphore(%run_scoped3A : memref<!tpu.dma_semaphore, #tpu.memory_space<semaphore_mem>>)
      %dma_wait3A_116 = arith.constant 0 : i32
      %dma_wait3A_117 = tpu.memref_slice %arg12[%add3A_24, %dma_wait3A_116] : memref<10240x128xf32, #tpu.memory_space<vmem_shared>> -> memref<32x128xf32, #tpu.memory_space<vmem_shared>>
      %dma_wait3A_118 = arith.constant 0 : i32
      %dma_wait3A_119 = tpu.memref_slice %arg12[%add3A_24, %dma_wait3A_118] : memref<10240x128xf32, #tpu.memory_space<vmem_shared>> -> memref<32x128xf32, #tpu.memory_space<vmem_shared>>
      tpu.wait_dma2 semaphore(%run_scoped3A : memref<!tpu.dma_semaphore, #tpu.memory_space<semaphore_mem>>) src(%arg11 : memref<32x128xf32, #tpu.memory_space<vmem>>) dst(%dma_wait3A_119 : memref<32x128xf32, #tpu.memory_space<vmem_shared>>)
      tpu.yield
    }) : () -> ()
    %add3A_25 = arith.constant 320 : i32
    %add3A_26 = arith.addi %mul3A_4, %add3A_25 : i32
    "tpu.region"() ({
      %run_scoped3A = tpu.sem_alloc : memref<!tpu.dma_semaphore, #tpu.memory_space<semaphore_mem>>
      %dma_start3A_112 = arith.constant 0 : i32
      %dma_start3A_113 = tpu.memref_slice %arg12[%add3A_26, %dma_start3A_112] : memref<10240x128xf32, #tpu.memory_space<vmem_shared>> -> memref<32x128xf32, #tpu.memory_space<vmem_shared>>
      %dma_start3A_114 = arith.constant 0 : i32
      %dma_start3A_115 = tpu.memref_slice %arg12[%add3A_26, %dma_start3A_114] : memref<10240x128xf32, #tpu.memory_space<vmem_shared>> -> memref<32x128xf32, #tpu.memory_space<vmem_shared>>
      tpu.enqueue_dma source(%arg11 : memref<32x128xf32, #tpu.memory_space<vmem>>) target(%dma_start3A_115 : memref<32x128xf32, #tpu.memory_space<vmem_shared>>) target_semaphore(%run_scoped3A : memref<!tpu.dma_semaphore, #tpu.memory_space<semaphore_mem>>)
      %dma_wait3A_116 = arith.constant 0 : i32
      %dma_wait3A_117 = tpu.memref_slice %arg12[%add3A_26, %dma_wait3A_116] : memref<10240x128xf32, #tpu.memory_space<vmem_shared>> -> memref<32x128xf32, #tpu.memory_space<vmem_shared>>
      %dma_wait3A_118 = arith.constant 0 : i32
      %dma_wait3A_119 = tpu.memref_slice %arg12[%add3A_26, %dma_wait3A_118] : memref<10240x128xf32, #tpu.memory_space<vmem_shared>> -> memref<32x128xf32, #tpu.memory_space<vmem_shared>>
      tpu.wait_dma2 semaphore(%run_scoped3A : memref<!tpu.dma_semaphore, #tpu.memory_space<semaphore_mem>>) src(%arg11 : memref<32x128xf32, #tpu.memory_space<vmem>>) dst(%dma_wait3A_119 : memref<32x128xf32, #tpu.memory_space<vmem_shared>>)
      tpu.yield
    }) : () -> ()
    %add3A_27 = arith.constant 352 : i32
    %add3A_28 = arith.addi %mul3A_4, %add3A_27 : i32
    "tpu.region"() ({
      %run_scoped3A = tpu.sem_alloc : memref<!tpu.dma_semaphore, #tpu.memory_space<semaphore_mem>>
      %dma_start3A_112 = arith.constant 0 : i32
      %dma_start3A_113 = tpu.memref_slice %arg12[%add3A_28, %dma_start3A_112] : memref<10240x128xf32, #tpu.memory_space<vmem_shared>> -> memref<32x128xf32, #tpu.memory_space<vmem_shared>>
      %dma_start3A_114 = arith.constant 0 : i32
      %dma_start3A_115 = tpu.memref_slice %arg12[%add3A_28, %dma_start3A_114] : memref<10240x128xf32, #tpu.memory_space<vmem_shared>> -> memref<32x128xf32, #tpu.memory_space<vmem_shared>>
      tpu.enqueue_dma source(%arg11 : memref<32x128xf32, #tpu.memory_space<vmem>>) target(%dma_start3A_115 : memref<32x128xf32, #tpu.memory_space<vmem_shared>>) target_semaphore(%run_scoped3A : memref<!tpu.dma_semaphore, #tpu.memory_space<semaphore_mem>>)
      %dma_wait3A_116 = arith.constant 0 : i32
      %dma_wait3A_117 = tpu.memref_slice %arg12[%add3A_28, %dma_wait3A_116] : memref<10240x128xf32, #tpu.memory_space<vmem_shared>> -> memref<32x128xf32, #tpu.memory_space<vmem_shared>>
      %dma_wait3A_118 = arith.constant 0 : i32
      %dma_wait3A_119 = tpu.memref_slice %arg12[%add3A_28, %dma_wait3A_118] : memref<10240x128xf32, #tpu.memory_space<vmem_shared>> -> memref<32x128xf32, #tpu.memory_space<vmem_shared>>
      tpu.wait_dma2 semaphore(%run_scoped3A : memref<!tpu.dma_semaphore, #tpu.memory_space<semaphore_mem>>) src(%arg11 : memref<32x128xf32, #tpu.memory_space<vmem>>) dst(%dma_wait3A_119 : memref<32x128xf32, #tpu.memory_space<vmem_shared>>)
      tpu.yield
    }) : () -> ()
    %add3A_29 = arith.constant 384 : i32
    %add3A_30 = arith.addi %mul3A_4, %add3A_29 : i32
    "tpu.region"() ({
      %run_scoped3A = tpu.sem_alloc : memref<!tpu.dma_semaphore, #tpu.memory_space<semaphore_mem>>
      %dma_start3A_112 = arith.constant 0 : i32
      %dma_start3A_113 = tpu.memref_slice %arg12[%add3A_30, %dma_start3A_112] : memref<10240x128xf32, #tpu.memory_space<vmem_shared>> -> memref<32x128xf32, #tpu.memory_space<vmem_shared>>
      %dma_start3A_114 = arith.constant 0 : i32
      %dma_start3A_115 = tpu.memref_slice %arg12[%add3A_30, %dma_start3A_114] : memref<10240x128xf32, #tpu.memory_space<vmem_shared>> -> memref<32x128xf32, #tpu.memory_space<vmem_shared>>
      tpu.enqueue_dma source(%arg11 : memref<32x128xf32, #tpu.memory_space<vmem>>) target(%dma_start3A_115 : memref<32x128xf32, #tpu.memory_space<vmem_shared>>) target_semaphore(%run_scoped3A : memref<!tpu.dma_semaphore, #tpu.memory_space<semaphore_mem>>)
      %dma_wait3A_116 = arith.constant 0 : i32
      %dma_wait3A_117 = tpu.memref_slice %arg12[%add3A_30, %dma_wait3A_116] : memref<10240x128xf32, #tpu.memory_space<vmem_shared>> -> memref<32x128xf32, #tpu.memory_space<vmem_shared>>
      %dma_wait3A_118 = arith.constant 0 : i32
      %dma_wait3A_119 = tpu.memref_slice %arg12[%add3A_30, %dma_wait3A_118] : memref<10240x128xf32, #tpu.memory_space<vmem_shared>> -> memref<32x128xf32, #tpu.memory_space<vmem_shared>>
      tpu.wait_dma2 semaphore(%run_scoped3A : memref<!tpu.dma_semaphore, #tpu.memory_space<semaphore_mem>>) src(%arg11 : memref<32x128xf32, #tpu.memory_space<vmem>>) dst(%dma_wait3A_119 : memref<32x128xf32, #tpu.memory_space<vmem_shared>>)
      tpu.yield
    }) : () -> ()
    %add3A_31 = arith.constant 416 : i32
    %add3A_32 = arith.addi %mul3A_4, %add3A_31 : i32
    "tpu.region"() ({
      %run_scoped3A = tpu.sem_alloc : memref<!tpu.dma_semaphore, #tpu.memory_space<semaphore_mem>>
      %dma_start3A_112 = arith.constant 0 : i32
      %dma_start3A_113 = tpu.memref_slice %arg12[%add3A_32, %dma_start3A_112] : memref<10240x128xf32, #tpu.memory_space<vmem_shared>> -> memref<32x128xf32, #tpu.memory_space<vmem_shared>>
      %dma_start3A_114 = arith.constant 0 : i32
      %dma_start3A_115 = tpu.memref_slice %arg12[%add3A_32, %dma_start3A_114] : memref<10240x128xf32, #tpu.memory_space<vmem_shared>> -> memref<32x128xf32, #tpu.memory_space<vmem_shared>>
      tpu.enqueue_dma source(%arg11 : memref<32x128xf32, #tpu.memory_space<vmem>>) target(%dma_start3A_115 : memref<32x128xf32, #tpu.memory_space<vmem_shared>>) target_semaphore(%run_scoped3A : memref<!tpu.dma_semaphore, #tpu.memory_space<semaphore_mem>>)
      %dma_wait3A_116 = arith.constant 0 : i32
      %dma_wait3A_117 = tpu.memref_slice %arg12[%add3A_32, %dma_wait3A_116] : memref<10240x128xf32, #tpu.memory_space<vmem_shared>> -> memref<32x128xf32, #tpu.memory_space<vmem_shared>>
      %dma_wait3A_118 = arith.constant 0 : i32
      %dma_wait3A_119 = tpu.memref_slice %arg12[%add3A_32, %dma_wait3A_118] : memref<10240x128xf32, #tpu.memory_space<vmem_shared>> -> memref<32x128xf32, #tpu.memory_space<vmem_shared>>
      tpu.wait_dma2 semaphore(%run_scoped3A : memref<!tpu.dma_semaphore, #tpu.memory_space<semaphore_mem>>) src(%arg11 : memref<32x128xf32, #tpu.memory_space<vmem>>) dst(%dma_wait3A_119 : memref<32x128xf32, #tpu.memory_space<vmem_shared>>)
      tpu.yield
    }) : () -> ()
    %add3A_33 = arith.constant 448 : i32
    %add3A_34 = arith.addi %mul3A_4, %add3A_33 : i32
    "tpu.region"() ({
      %run_scoped3A = tpu.sem_alloc : memref<!tpu.dma_semaphore, #tpu.memory_space<semaphore_mem>>
      %dma_start3A_112 = arith.constant 0 : i32
      %dma_start3A_113 = tpu.memref_slice %arg12[%add3A_34, %dma_start3A_112] : memref<10240x128xf32, #tpu.memory_space<vmem_shared>> -> memref<32x128xf32, #tpu.memory_space<vmem_shared>>
      %dma_start3A_114 = arith.constant 0 : i32
      %dma_start3A_115 = tpu.memref_slice %arg12[%add3A_34, %dma_start3A_114] : memref<10240x128xf32, #tpu.memory_space<vmem_shared>> -> memref<32x128xf32, #tpu.memory_space<vmem_shared>>
      tpu.enqueue_dma source(%arg11 : memref<32x128xf32, #tpu.memory_space<vmem>>) target(%dma_start3A_115 : memref<32x128xf32, #tpu.memory_space<vmem_shared>>) target_semaphore(%run_scoped3A : memref<!tpu.dma_semaphore, #tpu.memory_space<semaphore_mem>>)
      %dma_wait3A_116 = arith.constant 0 : i32
      %dma_wait3A_117 = tpu.memref_slice %arg12[%add3A_34, %dma_wait3A_116] : memref<10240x128xf32, #tpu.memory_space<vmem_shared>> -> memref<32x128xf32, #tpu.memory_space<vmem_shared>>
      %dma_wait3A_118 = arith.constant 0 : i32
      %dma_wait3A_119 = tpu.memref_slice %arg12[%add3A_34, %dma_wait3A_118] : memref<10240x128xf32, #tpu.memory_space<vmem_shared>> -> memref<32x128xf32, #tpu.memory_space<vmem_shared>>
      tpu.wait_dma2 semaphore(%run_scoped3A : memref<!tpu.dma_semaphore, #tpu.memory_space<semaphore_mem>>) src(%arg11 : memref<32x128xf32, #tpu.memory_space<vmem>>) dst(%dma_wait3A_119 : memref<32x128xf32, #tpu.memory_space<vmem_shared>>)
      tpu.yield
    }) : () -> ()
    %add3A_35 = arith.constant 480 : i32
    %add3A_36 = arith.addi %mul3A_4, %add3A_35 : i32
    "tpu.region"() ({
      %run_scoped3A = tpu.sem_alloc : memref<!tpu.dma_semaphore, #tpu.memory_space<semaphore_mem>>
      %dma_start3A_112 = arith.constant 0 : i32
      %dma_start3A_113 = tpu.memref_slice %arg12[%add3A_36, %dma_start3A_112] : memref<10240x128xf32, #tpu.memory_space<vmem_shared>> -> memref<32x128xf32, #tpu.memory_space<vmem_shared>>
      %dma_start3A_114 = arith.constant 0 : i32
      %dma_start3A_115 = tpu.memref_slice %arg12[%add3A_36, %dma_start3A_114] : memref<10240x128xf32, #tpu.memory_space<vmem_shared>> -> memref<32x128xf32, #tpu.memory_space<vmem_shared>>
      tpu.enqueue_dma source(%arg11 : memref<32x128xf32, #tpu.memory_space<vmem>>) target(%dma_start3A_115 : memref<32x128xf32, #tpu.memory_space<vmem_shared>>) target_semaphore(%run_scoped3A : memref<!tpu.dma_semaphore, #tpu.memory_space<semaphore_mem>>)
      %dma_wait3A_116 = arith.constant 0 : i32
      %dma_wait3A_117 = tpu.memref_slice %arg12[%add3A_36, %dma_wait3A_116] : memref<10240x128xf32, #tpu.memory_space<vmem_shared>> -> memref<32x128xf32, #tpu.memory_space<vmem_shared>>
      %dma_wait3A_118 = arith.constant 0 : i32
      %dma_wait3A_119 = tpu.memref_slice %arg12[%add3A_36, %dma_wait3A_118] : memref<10240x128xf32, #tpu.memory_space<vmem_shared>> -> memref<32x128xf32, #tpu.memory_space<vmem_shared>>
      tpu.wait_dma2 semaphore(%run_scoped3A : memref<!tpu.dma_semaphore, #tpu.memory_space<semaphore_mem>>) src(%arg11 : memref<32x128xf32, #tpu.memory_space<vmem>>) dst(%dma_wait3A_119 : memref<32x128xf32, #tpu.memory_space<vmem_shared>>)
      tpu.yield
    }) : () -> ()
    %add3A_37 = arith.constant 512 : i32
    %add3A_38 = arith.addi %mul3A_4, %add3A_37 : i32
    "tpu.region"() ({
      %run_scoped3A = tpu.sem_alloc : memref<!tpu.dma_semaphore, #tpu.memory_space<semaphore_mem>>
      %dma_start3A_112 = arith.constant 0 : i32
      %dma_start3A_113 = tpu.memref_slice %arg12[%add3A_38, %dma_start3A_112] : memref<10240x128xf32, #tpu.memory_space<vmem_shared>> -> memref<32x128xf32, #tpu.memory_space<vmem_shared>>
      %dma_start3A_114 = arith.constant 0 : i32
      %dma_start3A_115 = tpu.memref_slice %arg12[%add3A_38, %dma_start3A_114] : memref<10240x128xf32, #tpu.memory_space<vmem_shared>> -> memref<32x128xf32, #tpu.memory_space<vmem_shared>>
      tpu.enqueue_dma source(%arg11 : memref<32x128xf32, #tpu.memory_space<vmem>>) target(%dma_start3A_115 : memref<32x128xf32, #tpu.memory_space<vmem_shared>>) target_semaphore(%run_scoped3A : memref<!tpu.dma_semaphore, #tpu.memory_space<semaphore_mem>>)
      %dma_wait3A_116 = arith.constant 0 : i32
      %dma_wait3A_117 = tpu.memref_slice %arg12[%add3A_38, %dma_wait3A_116] : memref<10240x128xf32, #tpu.memory_space<vmem_shared>> -> memref<32x128xf32, #tpu.memory_space<vmem_shared>>
      %dma_wait3A_118 = arith.constant 0 : i32
      %dma_wait3A_119 = tpu.memref_slice %arg12[%add3A_38, %dma_wait3A_118] : memref<10240x128xf32, #tpu.memory_space<vmem_shared>> -> memref<32x128xf32, #tpu.memory_space<vmem_shared>>
      tpu.wait_dma2 semaphore(%run_scoped3A : memref<!tpu.dma_semaphore, #tpu.memory_space<semaphore_mem>>) src(%arg11 : memref<32x128xf32, #tpu.memory_space<vmem>>) dst(%dma_wait3A_119 : memref<32x128xf32, #tpu.memory_space<vmem_shared>>)
      tpu.yield
    }) : () -> ()
    %add3A_39 = arith.constant 544 : i32
    %add3A_40 = arith.addi %mul3A_4, %add3A_39 : i32
    "tpu.region"() ({
      %run_scoped3A = tpu.sem_alloc : memref<!tpu.dma_semaphore, #tpu.memory_space<semaphore_mem>>
      %dma_start3A_112 = arith.constant 0 : i32
      %dma_start3A_113 = tpu.memref_slice %arg12[%add3A_40, %dma_start3A_112] : memref<10240x128xf32, #tpu.memory_space<vmem_shared>> -> memref<32x128xf32, #tpu.memory_space<vmem_shared>>
      %dma_start3A_114 = arith.constant 0 : i32
      %dma_start3A_115 = tpu.memref_slice %arg12[%add3A_40, %dma_start3A_114] : memref<10240x128xf32, #tpu.memory_space<vmem_shared>> -> memref<32x128xf32, #tpu.memory_space<vmem_shared>>
      tpu.enqueue_dma source(%arg11 : memref<32x128xf32, #tpu.memory_space<vmem>>) target(%dma_start3A_115 : memref<32x128xf32, #tpu.memory_space<vmem_shared>>) target_semaphore(%run_scoped3A : memref<!tpu.dma_semaphore, #tpu.memory_space<semaphore_mem>>)
      %dma_wait3A_116 = arith.constant 0 : i32
      %dma_wait3A_117 = tpu.memref_slice %arg12[%add3A_40, %dma_wait3A_116] : memref<10240x128xf32, #tpu.memory_space<vmem_shared>> -> memref<32x128xf32, #tpu.memory_space<vmem_shared>>
      %dma_wait3A_118 = arith.constant 0 : i32
      %dma_wait3A_119 = tpu.memref_slice %arg12[%add3A_40, %dma_wait3A_118] : memref<10240x128xf32, #tpu.memory_space<vmem_shared>> -> memref<32x128xf32, #tpu.memory_space<vmem_shared>>
      tpu.wait_dma2 semaphore(%run_scoped3A : memref<!tpu.dma_semaphore, #tpu.memory_space<semaphore_mem>>) src(%arg11 : memref<32x128xf32, #tpu.memory_space<vmem>>) dst(%dma_wait3A_119 : memref<32x128xf32, #tpu.memory_space<vmem_shared>>)
      tpu.yield
    }) : () -> ()
    %add3A_41 = arith.constant 576 : i32
    %add3A_42 = arith.addi %mul3A_4, %add3A_41 : i32
    "tpu.region"() ({
      %run_scoped3A = tpu.sem_alloc : memref<!tpu.dma_semaphore, #tpu.memory_space<semaphore_mem>>
      %dma_start3A_112 = arith.constant 0 : i32
      %dma_start3A_113 = tpu.memref_slice %arg12[%add3A_42, %dma_start3A_112] : memref<10240x128xf32, #tpu.memory_space<vmem_shared>> -> memref<32x128xf32, #tpu.memory_space<vmem_shared>>
      %dma_start3A_114 = arith.constant 0 : i32
      %dma_start3A_115 = tpu.memref_slice %arg12[%add3A_42, %dma_start3A_114] : memref<10240x128xf32, #tpu.memory_space<vmem_shared>> -> memref<32x128xf32, #tpu.memory_space<vmem_shared>>
      tpu.enqueue_dma source(%arg11 : memref<32x128xf32, #tpu.memory_space<vmem>>) target(%dma_start3A_115 : memref<32x128xf32, #tpu.memory_space<vmem_shared>>) target_semaphore(%run_scoped3A : memref<!tpu.dma_semaphore, #tpu.memory_space<semaphore_mem>>)
      %dma_wait3A_116 = arith.constant 0 : i32
      %dma_wait3A_117 = tpu.memref_slice %arg12[%add3A_42, %dma_wait3A_116] : memref<10240x128xf32, #tpu.memory_space<vmem_shared>> -> memref<32x128xf32, #tpu.memory_space<vmem_shared>>
      %dma_wait3A_118 = arith.constant 0 : i32
      %dma_wait3A_119 = tpu.memref_slice %arg12[%add3A_42, %dma_wait3A_118] : memref<10240x128xf32, #tpu.memory_space<vmem_shared>> -> memref<32x128xf32, #tpu.memory_space<vmem_shared>>
      tpu.wait_dma2 semaphore(%run_scoped3A : memref<!tpu.dma_semaphore, #tpu.memory_space<semaphore_mem>>) src(%arg11 : memref<32x128xf32, #tpu.memory_space<vmem>>) dst(%dma_wait3A_119 : memref<32x128xf32, #tpu.memory_space<vmem_shared>>)
      tpu.yield
    }) : () -> ()
    %add3A_43 = arith.constant 608 : i32
    %add3A_44 = arith.addi %mul3A_4, %add3A_43 : i32
    "tpu.region"() ({
      %run_scoped3A = tpu.sem_alloc : memref<!tpu.dma_semaphore, #tpu.memory_space<semaphore_mem>>
      %dma_start3A_112 = arith.constant 0 : i32
      %dma_start3A_113 = tpu.memref_slice %arg12[%add3A_44, %dma_start3A_112] : memref<10240x128xf32, #tpu.memory_space<vmem_shared>> -> memref<32x128xf32, #tpu.memory_space<vmem_shared>>
      %dma_start3A_114 = arith.constant 0 : i32
      %dma_start3A_115 = tpu.memref_slice %arg12[%add3A_44, %dma_start3A_114] : memref<10240x128xf32, #tpu.memory_space<vmem_shared>> -> memref<32x128xf32, #tpu.memory_space<vmem_shared>>
      tpu.enqueue_dma source(%arg11 : memref<32x128xf32, #tpu.memory_space<vmem>>) target(%dma_start3A_115 : memref<32x128xf32, #tpu.memory_space<vmem_shared>>) target_semaphore(%run_scoped3A : memref<!tpu.dma_semaphore, #tpu.memory_space<semaphore_mem>>)
      %dma_wait3A_116 = arith.constant 0 : i32
      %dma_wait3A_117 = tpu.memref_slice %arg12[%add3A_44, %dma_wait3A_116] : memref<10240x128xf32, #tpu.memory_space<vmem_shared>> -> memref<32x128xf32, #tpu.memory_space<vmem_shared>>
      %dma_wait3A_118 = arith.constant 0 : i32
      %dma_wait3A_119 = tpu.memref_slice %arg12[%add3A_44, %dma_wait3A_118] : memref<10240x128xf32, #tpu.memory_space<vmem_shared>> -> memref<32x128xf32, #tpu.memory_space<vmem_shared>>
      tpu.wait_dma2 semaphore(%run_scoped3A : memref<!tpu.dma_semaphore, #tpu.memory_space<semaphore_mem>>) src(%arg11 : memref<32x128xf32, #tpu.memory_space<vmem>>) dst(%dma_wait3A_119 : memref<32x128xf32, #tpu.memory_space<vmem_shared>>)
      tpu.yield
    }) : () -> ()
    %barrier3A = arith.constant 0 : index
    tpu.barrier barrier_id(%barrier3A)
    %scan3A = arith.constant 0 : i32
    %scan3A_45 = arith.constant 0 : i32
    %scan3A_46 = arith.constant 15 : i32
    %scan3A_47 = arith.addi %scan3A_45, %scan3A_46 : i32
    %scan3A_48 = arith.constant 1 : i32
    scf.for %scan3A_112 = %scan3A_45 to %scan3A_47 step %scan3A_48  : i32 {
      %mul3A_113 = arith.constant 8 : i32
      %mul3A_114 = arith.muli %scan3A_112, %mul3A_113 : i32
      %add3A_115 = arith.constant 0 : i32
      %add3A_116 = arith.addi %mul3A_114, %add3A_115 : i32
      %mul3A_117 = arith.constant 80 : i32
      %mul3A_118 = arith.muli %add3A_116, %mul3A_117 : i32
      %add3A_119 = arith.addi %mul3A_2, %mul3A_118 : i32
      %dma_start3A_120 = tpu.memref_slice %arg2[%add3A_119] : memref<320000xi32, #tpu.memory_space<hbm>> -> memref<80xi32, #tpu.memory_space<hbm>>
      %dma_start3A_121 = tpu.memref_slice %arg2[%add3A_119] : memref<320000xi32, #tpu.memory_space<hbm>> -> memref<80xi32, #tpu.memory_space<hbm>>
      tpu.enqueue_dma source(%dma_start3A_121 : memref<80xi32, #tpu.memory_space<hbm>>) target(%arg6 : memref<80xi32, #tpu.memory_space<vmem>>) target_semaphore(%arg13 : memref<!tpu.dma_semaphore, #tpu.memory_space<semaphore_mem>>)
      %add3A_122 = arith.constant 1 : i32
      %add3A_123 = arith.addi %mul3A_114, %add3A_122 : i32
      %mul3A_124 = arith.constant 80 : i32
      %mul3A_125 = arith.muli %add3A_123, %mul3A_124 : i32
      %add3A_126 = arith.addi %mul3A_2, %mul3A_125 : i32
      %dma_start3A_127 = tpu.memref_slice %arg2[%add3A_126] : memref<320000xi32, #tpu.memory_space<hbm>> -> memref<80xi32, #tpu.memory_space<hbm>>
      %dma_start3A_128 = tpu.memref_slice %arg2[%add3A_126] : memref<320000xi32, #tpu.memory_space<hbm>> -> memref<80xi32, #tpu.memory_space<hbm>>
      tpu.enqueue_dma source(%dma_start3A_128 : memref<80xi32, #tpu.memory_space<hbm>>) target(%arg7 : memref<80xi32, #tpu.memory_space<vmem>>) target_semaphore(%arg14 : memref<!tpu.dma_semaphore, #tpu.memory_space<semaphore_mem>>)
      %add3A_129 = arith.constant 2 : i32
      %add3A_130 = arith.addi %mul3A_114, %add3A_129 : i32
      %mul3A_131 = arith.constant 80 : i32
      %mul3A_132 = arith.muli %add3A_130, %mul3A_131 : i32
      %add3A_133 = arith.addi %mul3A_2, %mul3A_132 : i32
      %dma_start3A_134 = tpu.memref_slice %arg2[%add3A_133] : memref<320000xi32, #tpu.memory_space<hbm>> -> memref<80xi32, #tpu.memory_space<hbm>>
      %dma_start3A_135 = tpu.memref_slice %arg2[%add3A_133] : memref<320000xi32, #tpu.memory_space<hbm>> -> memref<80xi32, #tpu.memory_space<hbm>>
      tpu.enqueue_dma source(%dma_start3A_135 : memref<80xi32, #tpu.memory_space<hbm>>) target(%arg8 : memref<80xi32, #tpu.memory_space<vmem>>) target_semaphore(%arg15 : memref<!tpu.dma_semaphore, #tpu.memory_space<semaphore_mem>>)
      %add3A_136 = arith.constant 3 : i32
      %add3A_137 = arith.addi %mul3A_114, %add3A_136 : i32
      %mul3A_138 = arith.constant 80 : i32
      %mul3A_139 = arith.muli %add3A_137, %mul3A_138 : i32
      %add3A_140 = arith.addi %mul3A_2, %mul3A_139 : i32
      %dma_start3A_141 = tpu.memref_slice %arg2[%add3A_140] : memref<320000xi32, #tpu.memory_space<hbm>> -> memref<80xi32, #tpu.memory_space<hbm>>
      %dma_start3A_142 = tpu.memref_slice %arg2[%add3A_140] : memref<320000xi32, #tpu.memory_space<hbm>> -> memref<80xi32, #tpu.memory_space<hbm>>
      tpu.enqueue_dma source(%dma_start3A_142 : memref<80xi32, #tpu.memory_space<hbm>>) target(%arg9 : memref<80xi32, #tpu.memory_space<vmem>>) target_semaphore(%arg16 : memref<!tpu.dma_semaphore, #tpu.memory_space<semaphore_mem>>)
      %dma_wait3A_143 = tpu.memref_slice %arg2[%add3A_119] : memref<320000xi32, #tpu.memory_space<hbm>> -> memref<80xi32, #tpu.memory_space<hbm>>
      %dma_wait3A_144 = tpu.memref_slice %arg2[%add3A_119] : memref<320000xi32, #tpu.memory_space<hbm>> -> memref<80xi32, #tpu.memory_space<hbm>>
      tpu.wait_dma2 semaphore(%arg13 : memref<!tpu.dma_semaphore, #tpu.memory_space<semaphore_mem>>) src(%dma_wait3A_144 : memref<80xi32, #tpu.memory_space<hbm>>) dst(%arg6 : memref<80xi32, #tpu.memory_space<vmem>>)
      %dma_start3A_145 = arith.constant 0 : i32
      %dma_start3A_146 = arith.constant 0 : i32
      %dma_start3A_147 = tpu.memref_slice %arg12[%dma_start3A_145, %dma_start3A_146] : memref<10240x128xf32, #tpu.memory_space<vmem_shared>> -> memref<10240x128xf32, #tpu.memory_space<vmem_shared>>
      tpu.enqueue_indirect_dma source(%arg10 : memref<80x128xf32, #tpu.memory_space<vmem>>) target(%dma_start3A_147 : memref<10240x128xf32, #tpu.memory_space<vmem_shared>>) offsets(%arg6 : memref<80xi32, #tpu.memory_space<vmem>>) semaphore(%arg17 : memref<!tpu.dma_semaphore, #tpu.memory_space<semaphore_mem>>) {add = true}
      %dma_wait3A_148 = tpu.memref_slice %arg2[%add3A_126] : memref<320000xi32, #tpu.memory_space<hbm>> -> memref<80xi32, #tpu.memory_space<hbm>>
      %dma_wait3A_149 = tpu.memref_slice %arg2[%add3A_126] : memref<320000xi32, #tpu.memory_space<hbm>> -> memref<80xi32, #tpu.memory_space<hbm>>
      tpu.wait_dma2 semaphore(%arg14 : memref<!tpu.dma_semaphore, #tpu.memory_space<semaphore_mem>>) src(%dma_wait3A_149 : memref<80xi32, #tpu.memory_space<hbm>>) dst(%arg7 : memref<80xi32, #tpu.memory_space<vmem>>)
      %dma_start3A_150 = arith.constant 0 : i32
      %dma_start3A_151 = arith.constant 0 : i32
      %dma_start3A_152 = tpu.memref_slice %arg12[%dma_start3A_150, %dma_start3A_151] : memref<10240x128xf32, #tpu.memory_space<vmem_shared>> -> memref<10240x128xf32, #tpu.memory_space<vmem_shared>>
      tpu.enqueue_indirect_dma source(%arg10 : memref<80x128xf32, #tpu.memory_space<vmem>>) target(%dma_start3A_152 : memref<10240x128xf32, #tpu.memory_space<vmem_shared>>) offsets(%arg7 : memref<80xi32, #tpu.memory_space<vmem>>) semaphore(%arg18 : memref<!tpu.dma_semaphore, #tpu.memory_space<semaphore_mem>>) {add = true}
      %dma_wait3A_153 = tpu.memref_slice %arg2[%add3A_133] : memref<320000xi32, #tpu.memory_space<hbm>> -> memref<80xi32, #tpu.memory_space<hbm>>
      %dma_wait3A_154 = tpu.memref_slice %arg2[%add3A_133] : memref<320000xi32, #tpu.memory_space<hbm>> -> memref<80xi32, #tpu.memory_space<hbm>>
      tpu.wait_dma2 semaphore(%arg15 : memref<!tpu.dma_semaphore, #tpu.memory_space<semaphore_mem>>) src(%dma_wait3A_154 : memref<80xi32, #tpu.memory_space<hbm>>) dst(%arg8 : memref<80xi32, #tpu.memory_space<vmem>>)
      %dma_start3A_155 = arith.constant 0 : i32
      %dma_start3A_156 = arith.constant 0 : i32
      %dma_start3A_157 = tpu.memref_slice %arg12[%dma_start3A_155, %dma_start3A_156] : memref<10240x128xf32, #tpu.memory_space<vmem_shared>> -> memref<10240x128xf32, #tpu.memory_space<vmem_shared>>
      tpu.enqueue_indirect_dma source(%arg10 : memref<80x128xf32, #tpu.memory_space<vmem>>) target(%dma_start3A_157 : memref<10240x128xf32, #tpu.memory_space<vmem_shared>>) offsets(%arg8 : memref<80xi32, #tpu.memory_space<vmem>>) semaphore(%arg19 : memref<!tpu.dma_semaphore, #tpu.memory_space<semaphore_mem>>) {add = true}
      %dma_wait3A_158 = tpu.memref_slice %arg2[%add3A_140] : memref<320000xi32, #tpu.memory_space<hbm>> -> memref<80xi32, #tpu.memory_space<hbm>>
      %dma_wait3A_159 = tpu.memref_slice %arg2[%add3A_140] : memref<320000xi32, #tpu.memory_space<hbm>> -> memref<80xi32, #tpu.memory_space<hbm>>
      tpu.wait_dma2 semaphore(%arg16 : memref<!tpu.dma_semaphore, #tpu.memory_space<semaphore_mem>>) src(%dma_wait3A_159 : memref<80xi32, #tpu.memory_space<hbm>>) dst(%arg9 : memref<80xi32, #tpu.memory_space<vmem>>)
      %dma_start3A_160 = arith.constant 0 : i32
      %dma_start3A_161 = arith.constant 0 : i32
      %dma_start3A_162 = tpu.memref_slice %arg12[%dma_start3A_160, %dma_start3A_161] : memref<10240x128xf32, #tpu.memory_space<vmem_shared>> -> memref<10240x128xf32, #tpu.memory_space<vmem_shared>>
      tpu.enqueue_indirect_dma source(%arg10 : memref<80x128xf32, #tpu.memory_space<vmem>>) target(%dma_start3A_162 : memref<10240x128xf32, #tpu.memory_space<vmem_shared>>) offsets(%arg9 : memref<80xi32, #tpu.memory_space<vmem>>) semaphore(%arg20 : memref<!tpu.dma_semaphore, #tpu.memory_space<semaphore_mem>>) {add = true}
      %dma_wait3A_163 = arith.constant 0 : i32
      %dma_wait3A_164 = arith.constant 0 : i32
      %dma_wait3A_165 = tpu.memref_slice %arg12[%dma_wait3A_163, %dma_wait3A_164] : memref<10240x128xf32, #tpu.memory_space<vmem_shared>> -> memref<10240x128xf32, #tpu.memory_space<vmem_shared>>
      tpu.wait_indirect_dma semaphore(%arg17 : memref<!tpu.dma_semaphore, #tpu.memory_space<semaphore_mem>>) src(%arg10 : memref<80x128xf32, #tpu.memory_space<vmem>>) dst(%dma_wait3A_165 : memref<10240x128xf32, #tpu.memory_space<vmem_shared>>)
      %add3A_166 = arith.constant 0 : i32
      %add3A_167 = arith.addi %mul3A_114, %add3A_166 : i32
      %add3A_168 = arith.constant 4 : i32
      %add3A_169 = arith.addi %add3A_167, %add3A_168 : i32
      %mul3A_170 = arith.constant 80 : i32
      %mul3A_171 = arith.muli %add3A_169, %mul3A_170 : i32
      %add3A_172 = arith.addi %mul3A_2, %mul3A_171 : i32
      %dma_start3A_173 = tpu.memref_slice %arg2[%add3A_172] : memref<320000xi32, #tpu.memory_space<hbm>> -> memref<80xi32, #tpu.memory_space<hbm>>
      %dma_start3A_174 = tpu.memref_slice %arg2[%add3A_172] : memref<320000xi32, #tpu.memory_space<hbm>> -> memref<80xi32, #tpu.memory_space<hbm>>
      tpu.enqueue_dma source(%dma_start3A_174 : memref<80xi32, #tpu.memory_space<hbm>>) target(%arg6 : memref<80xi32, #tpu.memory_space<vmem>>) target_semaphore(%arg13 : memref<!tpu.dma_semaphore, #tpu.memory_space<semaphore_mem>>)
      %dma_wait3A_175 = arith.constant 0 : i32
      %dma_wait3A_176 = arith.constant 0 : i32
      %dma_wait3A_177 = tpu.memref_slice %arg12[%dma_wait3A_175, %dma_wait3A_176] : memref<10240x128xf32, #tpu.memory_space<vmem_shared>> -> memref<10240x128xf32, #tpu.memory_space<vmem_shared>>
      tpu.wait_indirect_dma semaphore(%arg18 : memref<!tpu.dma_semaphore, #tpu.memory_space<semaphore_mem>>) src(%arg10 : memref<80x128xf32, #tpu.memory_space<vmem>>) dst(%dma_wait3A_177 : memref<10240x128xf32, #tpu.memory_space<vmem_shared>>)
      %add3A_178 = arith.constant 1 : i32
      %add3A_179 = arith.addi %mul3A_114, %add3A_178 : i32
      %add3A_180 = arith.constant 4 : i32
      %add3A_181 = arith.addi %add3A_179, %add3A_180 : i32
      %mul3A_182 = arith.constant 80 : i32
      %mul3A_183 = arith.muli %add3A_181, %mul3A_182 : i32
      %add3A_184 = arith.addi %mul3A_2, %mul3A_183 : i32
      %dma_start3A_185 = tpu.memref_slice %arg2[%add3A_184] : memref<320000xi32, #tpu.memory_space<hbm>> -> memref<80xi32, #tpu.memory_space<hbm>>
      %dma_start3A_186 = tpu.memref_slice %arg2[%add3A_184] : memref<320000xi32, #tpu.memory_space<hbm>> -> memref<80xi32, #tpu.memory_space<hbm>>
      tpu.enqueue_dma source(%dma_start3A_186 : memref<80xi32, #tpu.memory_space<hbm>>) target(%arg7 : memref<80xi32, #tpu.memory_space<vmem>>) target_semaphore(%arg14 : memref<!tpu.dma_semaphore, #tpu.memory_space<semaphore_mem>>)
      %dma_wait3A_187 = arith.constant 0 : i32
      %dma_wait3A_188 = arith.constant 0 : i32
      %dma_wait3A_189 = tpu.memref_slice %arg12[%dma_wait3A_187, %dma_wait3A_188] : memref<10240x128xf32, #tpu.memory_space<vmem_shared>> -> memref<10240x128xf32, #tpu.memory_space<vmem_shared>>
      tpu.wait_indirect_dma semaphore(%arg19 : memref<!tpu.dma_semaphore, #tpu.memory_space<semaphore_mem>>) src(%arg10 : memref<80x128xf32, #tpu.memory_space<vmem>>) dst(%dma_wait3A_189 : memref<10240x128xf32, #tpu.memory_space<vmem_shared>>)
      %add3A_190 = arith.constant 2 : i32
      %add3A_191 = arith.addi %mul3A_114, %add3A_190 : i32
      %add3A_192 = arith.constant 4 : i32
      %add3A_193 = arith.addi %add3A_191, %add3A_192 : i32
      %mul3A_194 = arith.constant 80 : i32
      %mul3A_195 = arith.muli %add3A_193, %mul3A_194 : i32
      %add3A_196 = arith.addi %mul3A_2, %mul3A_195 : i32
      %dma_start3A_197 = tpu.memref_slice %arg2[%add3A_196] : memref<320000xi32, #tpu.memory_space<hbm>> -> memref<80xi32, #tpu.memory_space<hbm>>
      %dma_start3A_198 = tpu.memref_slice %arg2[%add3A_196] : memref<320000xi32, #tpu.memory_space<hbm>> -> memref<80xi32, #tpu.memory_space<hbm>>
      tpu.enqueue_dma source(%dma_start3A_198 : memref<80xi32, #tpu.memory_space<hbm>>) target(%arg8 : memref<80xi32, #tpu.memory_space<vmem>>) target_semaphore(%arg15 : memref<!tpu.dma_semaphore, #tpu.memory_space<semaphore_mem>>)
      %dma_wait3A_199 = arith.constant 0 : i32
      %dma_wait3A_200 = arith.constant 0 : i32
      %dma_wait3A_201 = tpu.memref_slice %arg12[%dma_wait3A_199, %dma_wait3A_200] : memref<10240x128xf32, #tpu.memory_space<vmem_shared>> -> memref<10240x128xf32, #tpu.memory_space<vmem_shared>>
      tpu.wait_indirect_dma semaphore(%arg20 : memref<!tpu.dma_semaphore, #tpu.memory_space<semaphore_mem>>) src(%arg10 : memref<80x128xf32, #tpu.memory_space<vmem>>) dst(%dma_wait3A_201 : memref<10240x128xf32, #tpu.memory_space<vmem_shared>>)
      %add3A_202 = arith.constant 3 : i32
      %add3A_203 = arith.addi %mul3A_114, %add3A_202 : i32
      %add3A_204 = arith.constant 4 : i32
      %add3A_205 = arith.addi %add3A_203, %add3A_204 : i32
      %mul3A_206 = arith.constant 80 : i32
      %mul3A_207 = arith.muli %add3A_205, %mul3A_206 : i32
      %add3A_208 = arith.addi %mul3A_2, %mul3A_207 : i32
      %dma_start3A_209 = tpu.memref_slice %arg2[%add3A_208] : memref<320000xi32, #tpu.memory_space<hbm>> -> memref<80xi32, #tpu.memory_space<hbm>>
      %dma_start3A_210 = tpu.memref_slice %arg2[%add3A_208] : memref<320000xi32, #tpu.memory_space<hbm>> -> memref<80xi32, #tpu.memory_space<hbm>>
      tpu.enqueue_dma source(%dma_start3A_210 : memref<80xi32, #tpu.memory_space<hbm>>) target(%arg9 : memref<80xi32, #tpu.memory_space<vmem>>) target_semaphore(%arg16 : memref<!tpu.dma_semaphore, #tpu.memory_space<semaphore_mem>>)
      %dma_wait3A_211 = tpu.memref_slice %arg2[%add3A_172] : memref<320000xi32, #tpu.memory_space<hbm>> -> memref<80xi32, #tpu.memory_space<hbm>>
      %dma_wait3A_212 = tpu.memref_slice %arg2[%add3A_172] : memref<320000xi32, #tpu.memory_space<hbm>> -> memref<80xi32, #tpu.memory_space<hbm>>
      tpu.wait_dma2 semaphore(%arg13 : memref<!tpu.dma_semaphore, #tpu.memory_space<semaphore_mem>>) src(%dma_wait3A_212 : memref<80xi32, #tpu.memory_space<hbm>>) dst(%arg6 : memref<80xi32, #tpu.memory_space<vmem>>)
      %dma_start3A_213 = arith.constant 0 : i32
      %dma_start3A_214 = arith.constant 0 : i32
      %dma_start3A_215 = tpu.memref_slice %arg12[%dma_start3A_213, %dma_start3A_214] : memref<10240x128xf32, #tpu.memory_space<vmem_shared>> -> memref<10240x128xf32, #tpu.memory_space<vmem_shared>>
      tpu.enqueue_indirect_dma source(%arg10 : memref<80x128xf32, #tpu.memory_space<vmem>>) target(%dma_start3A_215 : memref<10240x128xf32, #tpu.memory_space<vmem_shared>>) offsets(%arg6 : memref<80xi32, #tpu.memory_space<vmem>>) semaphore(%arg17 : memref<!tpu.dma_semaphore, #tpu.memory_space<semaphore_mem>>) {add = true}
      %dma_wait3A_216 = tpu.memref_slice %arg2[%add3A_184] : memref<320000xi32, #tpu.memory_space<hbm>> -> memref<80xi32, #tpu.memory_space<hbm>>
      %dma_wait3A_217 = tpu.memref_slice %arg2[%add3A_184] : memref<320000xi32, #tpu.memory_space<hbm>> -> memref<80xi32, #tpu.memory_space<hbm>>
      tpu.wait_dma2 semaphore(%arg14 : memref<!tpu.dma_semaphore, #tpu.memory_space<semaphore_mem>>) src(%dma_wait3A_217 : memref<80xi32, #tpu.memory_space<hbm>>) dst(%arg7 : memref<80xi32, #tpu.memory_space<vmem>>)
      %dma_start3A_218 = arith.constant 0 : i32
      %dma_start3A_219 = arith.constant 0 : i32
      %dma_start3A_220 = tpu.memref_slice %arg12[%dma_start3A_218, %dma_start3A_219] : memref<10240x128xf32, #tpu.memory_space<vmem_shared>> -> memref<10240x128xf32, #tpu.memory_space<vmem_shared>>
      tpu.enqueue_indirect_dma source(%arg10 : memref<80x128xf32, #tpu.memory_space<vmem>>) target(%dma_start3A_220 : memref<10240x128xf32, #tpu.memory_space<vmem_shared>>) offsets(%arg7 : memref<80xi32, #tpu.memory_space<vmem>>) semaphore(%arg18 : memref<!tpu.dma_semaphore, #tpu.memory_space<semaphore_mem>>) {add = true}
      %dma_wait3A_221 = tpu.memref_slice %arg2[%add3A_196] : memref<320000xi32, #tpu.memory_space<hbm>> -> memref<80xi32, #tpu.memory_space<hbm>>
      %dma_wait3A_222 = tpu.memref_slice %arg2[%add3A_196] : memref<320000xi32, #tpu.memory_space<hbm>> -> memref<80xi32, #tpu.memory_space<hbm>>
      tpu.wait_dma2 semaphore(%arg15 : memref<!tpu.dma_semaphore, #tpu.memory_space<semaphore_mem>>) src(%dma_wait3A_222 : memref<80xi32, #tpu.memory_space<hbm>>) dst(%arg8 : memref<80xi32, #tpu.memory_space<vmem>>)
      %dma_start3A_223 = arith.constant 0 : i32
      %dma_start3A_224 = arith.constant 0 : i32
      %dma_start3A_225 = tpu.memref_slice %arg12[%dma_start3A_223, %dma_start3A_224] : memref<10240x128xf32, #tpu.memory_space<vmem_shared>> -> memref<10240x128xf32, #tpu.memory_space<vmem_shared>>
      tpu.enqueue_indirect_dma source(%arg10 : memref<80x128xf32, #tpu.memory_space<vmem>>) target(%dma_start3A_225 : memref<10240x128xf32, #tpu.memory_space<vmem_shared>>) offsets(%arg8 : memref<80xi32, #tpu.memory_space<vmem>>) semaphore(%arg19 : memref<!tpu.dma_semaphore, #tpu.memory_space<semaphore_mem>>) {add = true}
      %dma_wait3A_226 = tpu.memref_slice %arg2[%add3A_208] : memref<320000xi32, #tpu.memory_space<hbm>> -> memref<80xi32, #tpu.memory_space<hbm>>
      %dma_wait3A_227 = tpu.memref_slice %arg2[%add3A_208] : memref<320000xi32, #tpu.memory_space<hbm>> -> memref<80xi32, #tpu.memory_space<hbm>>
      tpu.wait_dma2 semaphore(%arg16 : memref<!tpu.dma_semaphore, #tpu.memory_space<semaphore_mem>>) src(%dma_wait3A_227 : memref<80xi32, #tpu.memory_space<hbm>>) dst(%arg9 : memref<80xi32, #tpu.memory_space<vmem>>)
      %dma_start3A_228 = arith.constant 0 : i32
      %dma_start3A_229 = arith.constant 0 : i32
      %dma_start3A_230 = tpu.memref_slice %arg12[%dma_start3A_228, %dma_start3A_229] : memref<10240x128xf32, #tpu.memory_space<vmem_shared>> -> memref<10240x128xf32, #tpu.memory_space<vmem_shared>>
      tpu.enqueue_indirect_dma source(%arg10 : memref<80x128xf32, #tpu.memory_space<vmem>>) target(%dma_start3A_230 : memref<10240x128xf32, #tpu.memory_space<vmem_shared>>) offsets(%arg9 : memref<80xi32, #tpu.memory_space<vmem>>) semaphore(%arg20 : memref<!tpu.dma_semaphore, #tpu.memory_space<semaphore_mem>>) {add = true}
      %dma_wait3A_231 = arith.constant 0 : i32
      %dma_wait3A_232 = arith.constant 0 : i32
      %dma_wait3A_233 = tpu.memref_slice %arg12[%dma_wait3A_231, %dma_wait3A_232] : memref<10240x128xf32, #tpu.memory_space<vmem_shared>> -> memref<10240x128xf32, #tpu.memory_space<vmem_shared>>
      tpu.wait_indirect_dma semaphore(%arg17 : memref<!tpu.dma_semaphore, #tpu.memory_space<semaphore_mem>>) src(%arg10 : memref<80x128xf32, #tpu.memory_space<vmem>>) dst(%dma_wait3A_233 : memref<10240x128xf32, #tpu.memory_space<vmem_shared>>)
      %dma_wait3A_234 = arith.constant 0 : i32
      %dma_wait3A_235 = arith.constant 0 : i32
      %dma_wait3A_236 = tpu.memref_slice %arg12[%dma_wait3A_234, %dma_wait3A_235] : memref<10240x128xf32, #tpu.memory_space<vmem_shared>> -> memref<10240x128xf32, #tpu.memory_space<vmem_shared>>
      tpu.wait_indirect_dma semaphore(%arg18 : memref<!tpu.dma_semaphore, #tpu.memory_space<semaphore_mem>>) src(%arg10 : memref<80x128xf32, #tpu.memory_space<vmem>>) dst(%dma_wait3A_236 : memref<10240x128xf32, #tpu.memory_space<vmem_shared>>)
      %dma_wait3A_237 = arith.constant 0 : i32
      %dma_wait3A_238 = arith.constant 0 : i32
      %dma_wait3A_239 = tpu.memref_slice %arg12[%dma_wait3A_237, %dma_wait3A_238] : memref<10240x128xf32, #tpu.memory_space<vmem_shared>> -> memref<10240x128xf32, #tpu.memory_space<vmem_shared>>
      tpu.wait_indirect_dma semaphore(%arg19 : memref<!tpu.dma_semaphore, #tpu.memory_space<semaphore_mem>>) src(%arg10 : memref<80x128xf32, #tpu.memory_space<vmem>>) dst(%dma_wait3A_239 : memref<10240x128xf32, #tpu.memory_space<vmem_shared>>)
      %dma_wait3A_240 = arith.constant 0 : i32
      %dma_wait3A_241 = arith.constant 0 : i32
      %dma_wait3A_242 = tpu.memref_slice %arg12[%dma_wait3A_240, %dma_wait3A_241] : memref<10240x128xf32, #tpu.memory_space<vmem_shared>> -> memref<10240x128xf32, #tpu.memory_space<vmem_shared>>
      tpu.wait_indirect_dma semaphore(%arg20 : memref<!tpu.dma_semaphore, #tpu.memory_space<semaphore_mem>>) src(%arg10 : memref<80x128xf32, #tpu.memory_space<vmem>>) dst(%dma_wait3A_242 : memref<10240x128xf32, #tpu.memory_space<vmem_shared>>)
    }
    %scan3A_49 = arith.constant 15 : i32
    %add3A_50 = arith.constant 9600 : i32
    %add3A_51 = arith.addi %mul3A_2, %add3A_50 : i32
    %dma_start3A = tpu.memref_slice %arg2[%add3A_51] : memref<320000xi32, #tpu.memory_space<hbm>> -> memref<80xi32, #tpu.memory_space<hbm>>
    %dma_start3A_52 = tpu.memref_slice %arg2[%add3A_51] : memref<320000xi32, #tpu.memory_space<hbm>> -> memref<80xi32, #tpu.memory_space<hbm>>
    tpu.enqueue_dma source(%dma_start3A_52 : memref<80xi32, #tpu.memory_space<hbm>>) target(%arg6 : memref<80xi32, #tpu.memory_space<vmem>>) target_semaphore(%arg13 : memref<!tpu.dma_semaphore, #tpu.memory_space<semaphore_mem>>)
    %dma_wait3A = tpu.memref_slice %arg2[%add3A_51] : memref<320000xi32, #tpu.memory_space<hbm>> -> memref<80xi32, #tpu.memory_space<hbm>>
    %dma_wait3A_53 = tpu.memref_slice %arg2[%add3A_51] : memref<320000xi32, #tpu.memory_space<hbm>> -> memref<80xi32, #tpu.memory_space<hbm>>
    tpu.wait_dma2 semaphore(%arg13 : memref<!tpu.dma_semaphore, #tpu.memory_space<semaphore_mem>>) src(%dma_wait3A_53 : memref<80xi32, #tpu.memory_space<hbm>>) dst(%arg6 : memref<80xi32, #tpu.memory_space<vmem>>)
    %dma_start3A_54 = arith.constant 0 : i32
    %dma_start3A_55 = arith.constant 0 : i32
    %dma_start3A_56 = tpu.memref_slice %arg12[%dma_start3A_54, %dma_start3A_55] : memref<10240x128xf32, #tpu.memory_space<vmem_shared>> -> memref<10240x128xf32, #tpu.memory_space<vmem_shared>>
    tpu.enqueue_indirect_dma source(%arg10 : memref<80x128xf32, #tpu.memory_space<vmem>>) target(%dma_start3A_56 : memref<10240x128xf32, #tpu.memory_space<vmem_shared>>) offsets(%arg6 : memref<80xi32, #tpu.memory_space<vmem>>) semaphore(%arg17 : memref<!tpu.dma_semaphore, #tpu.memory_space<semaphore_mem>>) {add = true}
    %dma_wait3A_57 = arith.constant 0 : i32
    %dma_wait3A_58 = arith.constant 0 : i32
    %dma_wait3A_59 = tpu.memref_slice %arg12[%dma_wait3A_57, %dma_wait3A_58] : memref<10240x128xf32, #tpu.memory_space<vmem_shared>> -> memref<10240x128xf32, #tpu.memory_space<vmem_shared>>
    tpu.wait_indirect_dma semaphore(%arg17 : memref<!tpu.dma_semaphore, #tpu.memory_space<semaphore_mem>>) src(%arg10 : memref<80x128xf32, #tpu.memory_space<vmem>>) dst(%dma_wait3A_59 : memref<10240x128xf32, #tpu.memory_space<vmem_shared>>)
    %add3A_60 = arith.constant 9680 : i32
    %add3A_61 = arith.addi %mul3A_2, %add3A_60 : i32
    %dma_start3A_62 = tpu.memref_slice %arg2[%add3A_61] : memref<320000xi32, #tpu.memory_space<hbm>> -> memref<80xi32, #tpu.memory_space<hbm>>
    %dma_start3A_63 = tpu.memref_slice %arg2[%add3A_61] : memref<320000xi32, #tpu.memory_space<hbm>> -> memref<80xi32, #tpu.memory_space<hbm>>
    tpu.enqueue_dma source(%dma_start3A_63 : memref<80xi32, #tpu.memory_space<hbm>>) target(%arg6 : memref<80xi32, #tpu.memory_space<vmem>>) target_semaphore(%arg13 : memref<!tpu.dma_semaphore, #tpu.memory_space<semaphore_mem>>)
    %dma_wait3A_64 = tpu.memref_slice %arg2[%add3A_61] : memref<320000xi32, #tpu.memory_space<hbm>> -> memref<80xi32, #tpu.memory_space<hbm>>
    %dma_wait3A_65 = tpu.memref_slice %arg2[%add3A_61] : memref<320000xi32, #tpu.memory_space<hbm>> -> memref<80xi32, #tpu.memory_space<hbm>>
    tpu.wait_dma2 semaphore(%arg13 : memref<!tpu.dma_semaphore, #tpu.memory_space<semaphore_mem>>) src(%dma_wait3A_65 : memref<80xi32, #tpu.memory_space<hbm>>) dst(%arg6 : memref<80xi32, #tpu.memory_space<vmem>>)
    %dma_start3A_66 = arith.constant 0 : i32
    %dma_start3A_67 = arith.constant 0 : i32
    %dma_start3A_68 = tpu.memref_slice %arg12[%dma_start3A_66, %dma_start3A_67] : memref<10240x128xf32, #tpu.memory_space<vmem_shared>> -> memref<10240x128xf32, #tpu.memory_space<vmem_shared>>
    tpu.enqueue_indirect_dma source(%arg10 : memref<80x128xf32, #tpu.memory_space<vmem>>) target(%dma_start3A_68 : memref<10240x128xf32, #tpu.memory_space<vmem_shared>>) offsets(%arg6 : memref<80xi32, #tpu.memory_space<vmem>>) semaphore(%arg17 : memref<!tpu.dma_semaphore, #tpu.memory_space<semaphore_mem>>) {add = true}
    %dma_wait3A_69 = arith.constant 0 : i32
    %dma_wait3A_70 = arith.constant 0 : i32
    %dma_wait3A_71 = tpu.memref_slice %arg12[%dma_wait3A_69, %dma_wait3A_70] : memref<10240x128xf32, #tpu.memory_space<vmem_shared>> -> memref<10240x128xf32, #tpu.memory_space<vmem_shared>>
    tpu.wait_indirect_dma semaphore(%arg17 : memref<!tpu.dma_semaphore, #tpu.memory_space<semaphore_mem>>) src(%arg10 : memref<80x128xf32, #tpu.memory_space<vmem>>) dst(%dma_wait3A_71 : memref<10240x128xf32, #tpu.memory_space<vmem_shared>>)
    %add3A_72 = arith.constant 9760 : i32
    %add3A_73 = arith.addi %mul3A_2, %add3A_72 : i32
    %dma_start3A_74 = tpu.memref_slice %arg2[%add3A_73] : memref<320000xi32, #tpu.memory_space<hbm>> -> memref<80xi32, #tpu.memory_space<hbm>>
    %dma_start3A_75 = tpu.memref_slice %arg2[%add3A_73] : memref<320000xi32, #tpu.memory_space<hbm>> -> memref<80xi32, #tpu.memory_space<hbm>>
    tpu.enqueue_dma source(%dma_start3A_75 : memref<80xi32, #tpu.memory_space<hbm>>) target(%arg6 : memref<80xi32, #tpu.memory_space<vmem>>) target_semaphore(%arg13 : memref<!tpu.dma_semaphore, #tpu.memory_space<semaphore_mem>>)
    %dma_wait3A_76 = tpu.memref_slice %arg2[%add3A_73] : memref<320000xi32, #tpu.memory_space<hbm>> -> memref<80xi32, #tpu.memory_space<hbm>>
    %dma_wait3A_77 = tpu.memref_slice %arg2[%add3A_73] : memref<320000xi32, #tpu.memory_space<hbm>> -> memref<80xi32, #tpu.memory_space<hbm>>
    tpu.wait_dma2 semaphore(%arg13 : memref<!tpu.dma_semaphore, #tpu.memory_space<semaphore_mem>>) src(%dma_wait3A_77 : memref<80xi32, #tpu.memory_space<hbm>>) dst(%arg6 : memref<80xi32, #tpu.memory_space<vmem>>)
    %dma_start3A_78 = arith.constant 0 : i32
    %dma_start3A_79 = arith.constant 0 : i32
    %dma_start3A_80 = tpu.memref_slice %arg12[%dma_start3A_78, %dma_start3A_79] : memref<10240x128xf32, #tpu.memory_space<vmem_shared>> -> memref<10240x128xf32, #tpu.memory_space<vmem_shared>>
    tpu.enqueue_indirect_dma source(%arg10 : memref<80x128xf32, #tpu.memory_space<vmem>>) target(%dma_start3A_80 : memref<10240x128xf32, #tpu.memory_space<vmem_shared>>) offsets(%arg6 : memref<80xi32, #tpu.memory_space<vmem>>) semaphore(%arg17 : memref<!tpu.dma_semaphore, #tpu.memory_space<semaphore_mem>>) {add = true}
    %dma_wait3A_81 = arith.constant 0 : i32
    %dma_wait3A_82 = arith.constant 0 : i32
    %dma_wait3A_83 = tpu.memref_slice %arg12[%dma_wait3A_81, %dma_wait3A_82] : memref<10240x128xf32, #tpu.memory_space<vmem_shared>> -> memref<10240x128xf32, #tpu.memory_space<vmem_shared>>
    tpu.wait_indirect_dma semaphore(%arg17 : memref<!tpu.dma_semaphore, #tpu.memory_space<semaphore_mem>>) src(%arg10 : memref<80x128xf32, #tpu.memory_space<vmem>>) dst(%dma_wait3A_83 : memref<10240x128xf32, #tpu.memory_space<vmem_shared>>)
    %add3A_84 = arith.constant 9840 : i32
    %add3A_85 = arith.addi %mul3A_2, %add3A_84 : i32
    %dma_start3A_86 = tpu.memref_slice %arg2[%add3A_85] : memref<320000xi32, #tpu.memory_space<hbm>> -> memref<80xi32, #tpu.memory_space<hbm>>
    %dma_start3A_87 = tpu.memref_slice %arg2[%add3A_85] : memref<320000xi32, #tpu.memory_space<hbm>> -> memref<80xi32, #tpu.memory_space<hbm>>
    tpu.enqueue_dma source(%dma_start3A_87 : memref<80xi32, #tpu.memory_space<hbm>>) target(%arg6 : memref<80xi32, #tpu.memory_space<vmem>>) target_semaphore(%arg13 : memref<!tpu.dma_semaphore, #tpu.memory_space<semaphore_mem>>)
    %dma_wait3A_88 = tpu.memref_slice %arg2[%add3A_85] : memref<320000xi32, #tpu.memory_space<hbm>> -> memref<80xi32, #tpu.memory_space<hbm>>
    %dma_wait3A_89 = tpu.memref_slice %arg2[%add3A_85] : memref<320000xi32, #tpu.memory_space<hbm>> -> memref<80xi32, #tpu.memory_space<hbm>>
    tpu.wait_dma2 semaphore(%arg13 : memref<!tpu.dma_semaphore, #tpu.memory_space<semaphore_mem>>) src(%dma_wait3A_89 : memref<80xi32, #tpu.memory_space<hbm>>) dst(%arg6 : memref<80xi32, #tpu.memory_space<vmem>>)
    %dma_start3A_90 = arith.constant 0 : i32
    %dma_start3A_91 = arith.constant 0 : i32
    %dma_start3A_92 = tpu.memref_slice %arg12[%dma_start3A_90, %dma_start3A_91] : memref<10240x128xf32, #tpu.memory_space<vmem_shared>> -> memref<10240x128xf32, #tpu.memory_space<vmem_shared>>
    tpu.enqueue_indirect_dma source(%arg10 : memref<80x128xf32, #tpu.memory_space<vmem>>) target(%dma_start3A_92 : memref<10240x128xf32, #tpu.memory_space<vmem_shared>>) offsets(%arg6 : memref<80xi32, #tpu.memory_space<vmem>>) semaphore(%arg17 : memref<!tpu.dma_semaphore, #tpu.memory_space<semaphore_mem>>) {add = true}
    %dma_wait3A_93 = arith.constant 0 : i32
    %dma_wait3A_94 = arith.constant 0 : i32
    %dma_wait3A_95 = tpu.memref_slice %arg12[%dma_wait3A_93, %dma_wait3A_94] : memref<10240x128xf32, #tpu.memory_space<vmem_shared>> -> memref<10240x128xf32, #tpu.memory_space<vmem_shared>>
    tpu.wait_indirect_dma semaphore(%arg17 : memref<!tpu.dma_semaphore, #tpu.memory_space<semaphore_mem>>) src(%arg10 : memref<80x128xf32, #tpu.memory_space<vmem>>) dst(%dma_wait3A_95 : memref<10240x128xf32, #tpu.memory_space<vmem_shared>>)
    %add3A_96 = arith.constant 9920 : i32
    %add3A_97 = arith.addi %mul3A_2, %add3A_96 : i32
    %dma_start3A_98 = tpu.memref_slice %arg2[%add3A_97] : memref<320000xi32, #tpu.memory_space<hbm>> -> memref<80xi32, #tpu.memory_space<hbm>>
    %dma_start3A_99 = tpu.memref_slice %arg2[%add3A_97] : memref<320000xi32, #tpu.memory_space<hbm>> -> memref<80xi32, #tpu.memory_space<hbm>>
    tpu.enqueue_dma source(%dma_start3A_99 : memref<80xi32, #tpu.memory_space<hbm>>) target(%arg6 : memref<80xi32, #tpu.memory_space<vmem>>) target_semaphore(%arg13 : memref<!tpu.dma_semaphore, #tpu.memory_space<semaphore_mem>>)
    %dma_wait3A_100 = tpu.memref_slice %arg2[%add3A_97] : memref<320000xi32, #tpu.memory_space<hbm>> -> memref<80xi32, #tpu.memory_space<hbm>>
    %dma_wait3A_101 = tpu.memref_slice %arg2[%add3A_97] : memref<320000xi32, #tpu.memory_space<hbm>> -> memref<80xi32, #tpu.memory_space<hbm>>
    tpu.wait_dma2 semaphore(%arg13 : memref<!tpu.dma_semaphore, #tpu.memory_space<semaphore_mem>>) src(%dma_wait3A_101 : memref<80xi32, #tpu.memory_space<hbm>>) dst(%arg6 : memref<80xi32, #tpu.memory_space<vmem>>)
    %dma_start3A_102 = arith.constant 0 : i32
    %dma_start3A_103 = arith.constant 0 : i32
    %dma_start3A_104 = tpu.memref_slice %arg12[%dma_start3A_102, %dma_start3A_103] : memref<10240x128xf32, #tpu.memory_space<vmem_shared>> -> memref<10240x128xf32, #tpu.memory_space<vmem_shared>>
    tpu.enqueue_indirect_dma source(%arg10 : memref<80x128xf32, #tpu.memory_space<vmem>>) target(%dma_start3A_104 : memref<10240x128xf32, #tpu.memory_space<vmem_shared>>) offsets(%arg6 : memref<80xi32, #tpu.memory_space<vmem>>) semaphore(%arg17 : memref<!tpu.dma_semaphore, #tpu.memory_space<semaphore_mem>>) {add = true}
    %dma_wait3A_105 = arith.constant 0 : i32
    %dma_wait3A_106 = arith.constant 0 : i32
    %dma_wait3A_107 = tpu.memref_slice %arg12[%dma_wait3A_105, %dma_wait3A_106] : memref<10240x128xf32, #tpu.memory_space<vmem_shared>> -> memref<10240x128xf32, #tpu.memory_space<vmem_shared>>
    tpu.wait_indirect_dma semaphore(%arg17 : memref<!tpu.dma_semaphore, #tpu.memory_space<semaphore_mem>>) src(%arg10 : memref<80x128xf32, #tpu.memory_space<vmem>>) dst(%dma_wait3A_107 : memref<10240x128xf32, #tpu.memory_space<vmem_shared>>)
    %barrier3A_108 = arith.constant 0 : index
    tpu.barrier barrier_id(%barrier3A_108)
    %mul3A_109 = arith.constant 10240 : i32
    %mul3A_110 = arith.muli %arg0, %mul3A_109 : i32
    %add3A_111 = arith.addi %mul3A_110, %mul3A_4 : i32
    "tpu.region"() ({
      %run_scoped3A = tpu.sem_alloc : memref<!tpu.dma_semaphore, #tpu.memory_space<semaphore_mem>>
      %dma_start3A_112 = arith.constant 0 : i32
      %dma_start3A_113 = tpu.memref_slice %arg5[%add3A_111, %dma_start3A_112] : memref<20480x128xf32, #tpu.memory_space<hbm>> -> memref<640x128xf32, #tpu.memory_space<hbm>>
      %dma_start3A_114 = arith.constant 0 : i32
      %dma_start3A_115 = tpu.memref_slice %arg12[%mul3A_4, %dma_start3A_114] : memref<10240x128xf32, #tpu.memory_space<vmem_shared>> -> memref<640x128xf32, #tpu.memory_space<vmem_shared>>
      tpu.enqueue_dma source(%dma_start3A_115 : memref<640x128xf32, #tpu.memory_space<vmem_shared>>) target(%dma_start3A_113 : memref<640x128xf32, #tpu.memory_space<hbm>>) target_semaphore(%run_scoped3A : memref<!tpu.dma_semaphore, #tpu.memory_space<semaphore_mem>>)
      %dma_wait3A_116 = arith.constant 0 : i32
      %dma_wait3A_117 = tpu.memref_slice %arg5[%add3A_111, %dma_wait3A_116] : memref<20480x128xf32, #tpu.memory_space<hbm>> -> memref<640x128xf32, #tpu.memory_space<hbm>>
      %dma_wait3A_118 = arith.constant 0 : i32
      %dma_wait3A_119 = tpu.memref_slice %arg12[%mul3A_4, %dma_wait3A_118] : memref<10240x128xf32, #tpu.memory_space<vmem_shared>> -> memref<640x128xf32, #tpu.memory_space<vmem_shared>>
      tpu.wait_dma2 semaphore(%run_scoped3A : memref<!tpu.dma_semaphore, #tpu.memory_space<semaphore_mem>>) src(%dma_wait3A_119 : memref<640x128xf32, #tpu.memory_space<vmem_shared>>) dst(%dma_wait3A_117 : memref<640x128xf32, #tpu.memory_space<hbm>>)
      tpu.yield
    }) : () -> ()
    return
  }
}

module attributes {stable_mosaic.version = 14 : i64} {
  func.func @_tc2_body(%arg0: i32, %arg1: memref<2x1000x128xf32, #tpu.memory_space<vmem>>, %arg2: memref<1000x128xf32, #tpu.memory_space<vmem>>, %arg3: memref<1000x128xf32, #tpu.memory_space<vmem>>, %arg4: memref<1x128xf32, #tpu.memory_space<vmem>>, %arg5: memref<128x128xf32, #tpu.memory_space<vmem>>, %arg6: memref<1000x128xf32, #tpu.memory_space<vmem>>) attributes {dimension_semantics = [#tpu.dimension_semantics<arbitrary>], iteration_bounds = array<i64: 10>, scalar_prefetch = 0 : i64, scratch_operands = 0 : i64, tpu.core_type = #tpu.core_type<tc>, window_params = [{transform_indices = @transform_0, window_bounds = array<i64: 2, 1000, 128>}, {transform_indices = @transform_1, window_bounds = array<i64: 1000, 128>}, {transform_indices = @transform_2, window_bounds = array<i64: 1000, 128>}, {pipeline_mode = #tpu.pipeline_mode<synchronous>, transform_indices = @transform_3, window_bounds = array<i64: 1, 128>}, {pipeline_mode = #tpu.pipeline_mode<synchronous>, transform_indices = @transform_4, window_bounds = array<i64: 128, 128>}, {transform_indices = @transform_5, window_bounds = array<i64: 1000, 128>}]} {
    %get3A = arith.constant 0 : index
    %get3A_0 = arith.constant 0 : index
    %get3A_1 = vector.load %arg3[%get3A, %get3A_0] : memref<1000x128xf32, #tpu.memory_space<vmem>>, vector<1000x128xf32>
    %slice3A = vector.extract_strided_slice %get3A_1 {offsets = [0, 0], sizes = [1000, 1], strides = [1, 1]} : vector<1000x128xf32> to vector<1000x1xf32>
    %get3A_2 = arith.constant 0 : index
    %get3A_3 = arith.constant 0 : index
    %get3A_4 = arith.constant 0 : index
    %get3A_5 = vector.load %arg1[%get3A_2, %get3A_3, %get3A_4] : memref<2x1000x128xf32, #tpu.memory_space<vmem>>, vector<1x1000x128xf32>
    %get3A_6 = vector.shape_cast %get3A_5 : vector<1x1000x128xf32> to vector<1000x128xf32>
    %get3A_7 = arith.constant 1 : index
    %get3A_8 = arith.constant 0 : index
    %get3A_9 = arith.constant 0 : index
    %get3A_10 = vector.load %arg1[%get3A_7, %get3A_8, %get3A_9] : memref<2x1000x128xf32, #tpu.memory_space<vmem>>, vector<1x1000x128xf32>
    %get3A_11 = vector.shape_cast %get3A_10 : vector<1x1000x128xf32> to vector<1000x128xf32>
    %add3A = arith.addf %get3A_6, %get3A_11 : vector<1000x128xf32>
    %get3A_12 = arith.constant 0 : index
    %get3A_13 = arith.constant 0 : index
    %get3A_14 = vector.load %arg2[%get3A_12, %get3A_13] : memref<1000x128xf32, #tpu.memory_space<vmem>>, vector<1000x128xf32>
    %add3A_15 = arith.addf %add3A, %get3A_14 : vector<1000x128xf32>
    %mul3A = vector.broadcast %slice3A : vector<1000x1xf32> to vector<1000x128xf32>
    %mul3A_16 = arith.mulf %add3A_15, %mul3A : vector<1000x128xf32>
    %get3A_17 = arith.constant 0 : index
    %get3A_18 = arith.constant 0 : index
    %get3A_19 = vector.load %arg4[%get3A_17, %get3A_18] : memref<1x128xf32, #tpu.memory_space<vmem>>, vector<1x128xf32>
    %add3A_20 = vector.broadcast %get3A_19 : vector<1x128xf32> to vector<1000x128xf32>
    %add3A_21 = arith.addf %mul3A_16, %add3A_20 : vector<1000x128xf32>
    %max3A = arith.constant 0.000000e+00 : f32
    %max3A_22 = vector.broadcast %max3A : f32 to vector<1000x128xf32>
    %max3A_23 = arith.maximumf %add3A_21, %max3A_22 : vector<1000x128xf32>
    %get3A_24 = arith.constant 0 : index
    %get3A_25 = arith.constant 0 : index
    %get3A_26 = vector.load %arg5[%get3A_24, %get3A_25] : memref<128x128xf32, #tpu.memory_space<vmem>>, vector<128x128xf32>
    %dot_general3A = arith.constant dense<0.000000e+00> : vector<1000x128xf32>
    %dot_general3A_27 = tpu.matmul %max3A_23, %get3A_26, %dot_general3A {dimension_numbers = #tpu.dot_dimension_numbers<[1], [0], [0], [1], [0, 0, 1, 1], [], []>, transpose_lhs_hint = false} : vector<1000x128xf32>, vector<128x128xf32>, vector<1000x128xf32> -> vector<1000x128xf32>
    %mul3A_28 = vector.broadcast %slice3A : vector<1000x1xf32> to vector<1000x128xf32>
    %mul3A_29 = arith.mulf %dot_general3A_27, %mul3A_28 : vector<1000x128xf32>
    %swap3A = arith.constant 0 : index
    %swap3A_30 = arith.constant 0 : index
    %swap3A_31 = vector.load %arg6[%swap3A, %swap3A_30] : memref<1000x128xf32, #tpu.memory_space<vmem>>, vector<1000x128xf32>
    tpu.vector_store %arg6[%swap3A, %swap3A_30], %mul3A_29 {strides = array<i32>} : memref<1000x128xf32, #tpu.memory_space<vmem>>, vector<1000x128xf32>,
    return
  }
  func.func @transform_0(%arg0: i32) -> (i32, i32, i32) {
    %c0_i32 = arith.constant 0 : i32
    %c0_i32_0 = arith.constant 0 : i32
    %c0_i32_1 = arith.constant 0 : i32
    return %c0_i32, %arg0, %c0_i32_0 : i32, i32, i32
  }
  func.func @transform_1(%arg0: i32) -> (i32, i32) {
    %c0_i32 = arith.constant 0 : i32
    %c0_i32_0 = arith.constant 0 : i32
    return %arg0, %c0_i32 : i32, i32
  }
  func.func @transform_2(%arg0: i32) -> (i32, i32) {
    %c0_i32 = arith.constant 0 : i32
    %c0_i32_0 = arith.constant 0 : i32
    return %arg0, %c0_i32 : i32, i32
  }
  func.func @transform_3(%arg0: i32) -> (i32, i32) {
    %c0_i32 = arith.constant 0 : i32
    %c0_i32_0 = arith.constant 0 : i32
    %c0_i32_1 = arith.constant 0 : i32
    return %c0_i32, %c0_i32_0 : i32, i32
  }
  func.func @transform_4(%arg0: i32) -> (i32, i32) {
    %c0_i32 = arith.constant 0 : i32
    %c0_i32_0 = arith.constant 0 : i32
    %c0_i32_1 = arith.constant 0 : i32
    return %c0_i32, %c0_i32_0 : i32, i32
  }
  func.func @transform_5(%arg0: i32) -> (i32, i32) {
    %c0_i32 = arith.constant 0 : i32
    %c0_i32_0 = arith.constant 0 : i32
    return %arg0, %c0_i32 : i32, i32
  }
}

module attributes {stable_mosaic.version = 14 : i64} {
  func.func @_tc1_body(%arg0: i32, %arg1: memref<2x1000x128xf32, #tpu.memory_space<vmem>>, %arg2: memref<1000x128xf32, #tpu.memory_space<vmem>>, %arg3: memref<1000x128xf32, #tpu.memory_space<vmem>>, %arg4: memref<1000x128xf32, #tpu.memory_space<vmem>>) attributes {dimension_semantics = [#tpu.dimension_semantics<arbitrary>], iteration_bounds = array<i64: 10>, scalar_prefetch = 0 : i64, scratch_operands = 0 : i64, tpu.core_type = #tpu.core_type<tc>, window_params = [{transform_indices = @transform_0, window_bounds = array<i64: 2, 1000, 128>}, {transform_indices = @transform_1, window_bounds = array<i64: 1000, 128>}, {transform_indices = @transform_2, window_bounds = array<i64: 1000, 128>}, {transform_indices = @transform_3, window_bounds = array<i64: 1000, 128>}]} {
    %get3A = arith.constant 0 : index
    %get3A_0 = arith.constant 0 : index
    %get3A_1 = arith.constant 0 : index
    %get3A_2 = vector.load %arg1[%get3A, %get3A_0, %get3A_1] : memref<2x1000x128xf32, #tpu.memory_space<vmem>>, vector<1x1000x1xf32>
    %get3A_3 = vector.shape_cast %get3A_2 : vector<1x1000x1xf32> to vector<1000x1xf32>
    %get3A_4 = arith.constant 1 : index
    %get3A_5 = arith.constant 0 : index
    %get3A_6 = arith.constant 0 : index
    %get3A_7 = vector.load %arg1[%get3A_4, %get3A_5, %get3A_6] : memref<2x1000x128xf32, #tpu.memory_space<vmem>>, vector<1x1000x1xf32>
    %get3A_8 = vector.shape_cast %get3A_7 : vector<1x1000x1xf32> to vector<1000x1xf32>
    %add3A = arith.addf %get3A_3, %get3A_8 : vector<1000x1xf32>
    %add3A_9 = arith.constant 1.000000e+00 : f32
    %add3A_10 = vector.broadcast %add3A_9 : f32 to vector<1000x1xf32>
    %add3A_11 = arith.addf %add3A, %add3A_10 : vector<1000x1xf32>
    %rsqrt3A = math.rsqrt %add3A_11 : vector<1000x1xf32>
    %get3A_12 = arith.constant 0 : index
    %get3A_13 = arith.constant 0 : index
    %get3A_14 = vector.load %arg2[%get3A_12, %get3A_13] : memref<1000x128xf32, #tpu.memory_space<vmem>>, vector<1000x128xf32>
    %mul3A = vector.broadcast %rsqrt3A : vector<1000x1xf32> to vector<1000x128xf32>
    %mul3A_15 = arith.mulf %get3A_14, %mul3A : vector<1000x128xf32>
    %swap3A = arith.constant 0 : index
    %swap3A_16 = arith.constant 0 : index
    %swap3A_17 = vector.load %arg3[%swap3A, %swap3A_16] : memref<1000x128xf32, #tpu.memory_space<vmem>>, vector<1000x128xf32>
    tpu.vector_store %arg3[%swap3A, %swap3A_16], %mul3A_15 {strides = array<i32>} : memref<1000x128xf32, #tpu.memory_space<vmem>>, vector<1000x128xf32>,
    %broadcast_in_dim3A = vector.shape_cast %rsqrt3A : vector<1000x1xf32> to vector<1000x1xf32>
    %broadcast_in_dim3A_18 = vector.broadcast %broadcast_in_dim3A : vector<1000x1xf32> to vector<1000x128xf32>
    %swap3A_19 = arith.constant 0 : index
    %swap3A_20 = arith.constant 0 : index
    %swap3A_21 = vector.load %arg4[%swap3A_19, %swap3A_20] : memref<1000x128xf32, #tpu.memory_space<vmem>>, vector<1000x128xf32>
    tpu.vector_store %arg4[%swap3A_19, %swap3A_20], %broadcast_in_dim3A_18 {strides = array<i32>} : memref<1000x128xf32, #tpu.memory_space<vmem>>, vector<1000x128xf32>,
    return
  }
  func.func @transform_0(%arg0: i32) -> (i32, i32, i32) {
    %c0_i32 = arith.constant 0 : i32
    %c0_i32_0 = arith.constant 0 : i32
    %c0_i32_1 = arith.constant 0 : i32
    return %c0_i32, %arg0, %c0_i32_0 : i32, i32, i32
  }
  func.func @transform_1(%arg0: i32) -> (i32, i32) {
    %c0_i32 = arith.constant 0 : i32
    %c0_i32_0 = arith.constant 0 : i32
    return %arg0, %c0_i32 : i32, i32
  }
  func.func @transform_2(%arg0: i32) -> (i32, i32) {
    %c0_i32 = arith.constant 0 : i32
    %c0_i32_0 = arith.constant 0 : i32
    return %arg0, %c0_i32 : i32, i32
  }
  func.func @transform_3(%arg0: i32) -> (i32, i32) {
    %c0_i32 = arith.constant 0 : i32
    %c0_i32_0 = arith.constant 0 : i32
    return %arg0, %c0_i32 : i32, i32
  }
}

module attributes {stable_mosaic.version = 14 : i64} {
  func.func @_tc_mm_body(%arg0: i32, %arg1: memref<1000x128xf32, #tpu.memory_space<vmem>>, %arg2: memref<128x128xf32, #tpu.memory_space<vmem>>, %arg3: memref<1000x128xf32, #tpu.memory_space<vmem>>) attributes {dimension_semantics = [#tpu.dimension_semantics<arbitrary>], iteration_bounds = array<i64: 10>, scalar_prefetch = 0 : i64, scratch_operands = 0 : i64, tpu.core_type = #tpu.core_type<tc>, window_params = [{transform_indices = @transform_0, window_bounds = array<i64: 1000, 128>}, {pipeline_mode = #tpu.pipeline_mode<synchronous>, transform_indices = @transform_1, window_bounds = array<i64: 128, 128>}, {transform_indices = @transform_2, window_bounds = array<i64: 1000, 128>}]} {
    %get3A = arith.constant 0 : index
    %get3A_0 = arith.constant 0 : index
    %get3A_1 = vector.load %arg1[%get3A, %get3A_0] : memref<1000x128xf32, #tpu.memory_space<vmem>>, vector<1000x128xf32>
    %get3A_2 = arith.constant 0 : index
    %get3A_3 = arith.constant 0 : index
    %get3A_4 = vector.load %arg2[%get3A_2, %get3A_3] : memref<128x128xf32, #tpu.memory_space<vmem>>, vector<128x128xf32>
    %dot_general3A = arith.constant dense<0.000000e+00> : vector<1000x128xf32>
    %dot_general3A_5 = tpu.matmul %get3A_1, %get3A_4, %dot_general3A {dimension_numbers = #tpu.dot_dimension_numbers<[1], [0], [0], [1], [0, 0, 1, 1], [], []>, transpose_lhs_hint = false} : vector<1000x128xf32>, vector<128x128xf32>, vector<1000x128xf32> -> vector<1000x128xf32>
    %swap3A = arith.constant 0 : index
    %swap3A_6 = arith.constant 0 : index
    %swap3A_7 = vector.load %arg3[%swap3A, %swap3A_6] : memref<1000x128xf32, #tpu.memory_space<vmem>>, vector<1000x128xf32>
    tpu.vector_store %arg3[%swap3A, %swap3A_6], %dot_general3A_5 {strides = array<i32>} : memref<1000x128xf32, #tpu.memory_space<vmem>>, vector<1000x128xf32>,
    return
  }
  func.func @transform_0(%arg0: i32) -> (i32, i32) {
    %c0_i32 = arith.constant 0 : i32
    %c0_i32_0 = arith.constant 0 : i32
    return %arg0, %c0_i32 : i32, i32
  }
  func.func @transform_1(%arg0: i32) -> (i32, i32) {
    %c0_i32 = arith.constant 0 : i32
    %c0_i32_0 = arith.constant 0 : i32
    %c0_i32_1 = arith.constant 0 : i32
    return %c0_i32, %c0_i32_0 : i32, i32
  }
  func.func @transform_2(%arg0: i32) -> (i32, i32) {
    %c0_i32 = arith.constant 0 : i32
    %c0_i32_0 = arith.constant 0 : i32
    return %arg0, %c0_i32 : i32, i32
  }
}

module attributes {stable_mosaic.version = 14 : i64} {
  func.func @_tc3_body(%arg0: i32, %arg1: memref<2x1000x128xf32, #tpu.memory_space<vmem>>, %arg2: memref<1000x128xf32, #tpu.memory_space<vmem>>, %arg3: memref<1000x128xf32, #tpu.memory_space<vmem>>, %arg4: memref<1x128xf32, #tpu.memory_space<vmem>>, %arg5: memref<1000x128xf32, #tpu.memory_space<vmem>>) attributes {dimension_semantics = [#tpu.dimension_semantics<arbitrary>], iteration_bounds = array<i64: 10>, scalar_prefetch = 0 : i64, scratch_operands = 0 : i64, tpu.core_type = #tpu.core_type<tc>, window_params = [{transform_indices = @transform_0, window_bounds = array<i64: 2, 1000, 128>}, {transform_indices = @transform_1, window_bounds = array<i64: 1000, 128>}, {transform_indices = @transform_2, window_bounds = array<i64: 1000, 128>}, {pipeline_mode = #tpu.pipeline_mode<synchronous>, transform_indices = @transform_3, window_bounds = array<i64: 1, 128>}, {transform_indices = @transform_4, window_bounds = array<i64: 1000, 128>}]} {
    %get3A = arith.constant 0 : index
    %get3A_0 = arith.constant 0 : index
    %get3A_1 = vector.load %arg3[%get3A, %get3A_0] : memref<1000x128xf32, #tpu.memory_space<vmem>>, vector<1000x128xf32>
    %slice3A = vector.extract_strided_slice %get3A_1 {offsets = [0, 0], sizes = [1000, 1], strides = [1, 1]} : vector<1000x128xf32> to vector<1000x1xf32>
    %get3A_2 = arith.constant 0 : index
    %get3A_3 = arith.constant 0 : index
    %get3A_4 = arith.constant 0 : index
    %get3A_5 = vector.load %arg1[%get3A_2, %get3A_3, %get3A_4] : memref<2x1000x128xf32, #tpu.memory_space<vmem>>, vector<1x1000x128xf32>
    %get3A_6 = vector.shape_cast %get3A_5 : vector<1x1000x128xf32> to vector<1000x128xf32>
    %get3A_7 = arith.constant 1 : index
    %get3A_8 = arith.constant 0 : index
    %get3A_9 = arith.constant 0 : index
    %get3A_10 = vector.load %arg1[%get3A_7, %get3A_8, %get3A_9] : memref<2x1000x128xf32, #tpu.memory_space<vmem>>, vector<1x1000x128xf32>
    %get3A_11 = vector.shape_cast %get3A_10 : vector<1x1000x128xf32> to vector<1000x128xf32>
    %add3A = arith.addf %get3A_6, %get3A_11 : vector<1000x128xf32>
    %get3A_12 = arith.constant 0 : index
    %get3A_13 = arith.constant 0 : index
    %get3A_14 = vector.load %arg2[%get3A_12, %get3A_13] : memref<1000x128xf32, #tpu.memory_space<vmem>>, vector<1000x128xf32>
    %add3A_15 = arith.addf %add3A, %get3A_14 : vector<1000x128xf32>
    %mul3A = vector.broadcast %slice3A : vector<1000x1xf32> to vector<1000x128xf32>
    %mul3A_16 = arith.mulf %add3A_15, %mul3A : vector<1000x128xf32>
    %get3A_17 = arith.constant 0 : index
    %get3A_18 = arith.constant 0 : index
    %get3A_19 = vector.load %arg4[%get3A_17, %get3A_18] : memref<1x128xf32, #tpu.memory_space<vmem>>, vector<1x128xf32>
    %add3A_20 = vector.broadcast %get3A_19 : vector<1x128xf32> to vector<1000x128xf32>
    %add3A_21 = arith.addf %mul3A_16, %add3A_20 : vector<1000x128xf32>
    %swap3A = arith.constant 0 : index
    %swap3A_22 = arith.constant 0 : index
    %swap3A_23 = vector.load %arg5[%swap3A, %swap3A_22] : memref<1000x128xf32, #tpu.memory_space<vmem>>, vector<1000x128xf32>
    tpu.vector_store %arg5[%swap3A, %swap3A_22], %add3A_21 {strides = array<i32>} : memref<1000x128xf32, #tpu.memory_space<vmem>>, vector<1000x128xf32>,
    return
  }
  func.func @transform_0(%arg0: i32) -> (i32, i32, i32) {
    %c0_i32 = arith.constant 0 : i32
    %c0_i32_0 = arith.constant 0 : i32
    %c0_i32_1 = arith.constant 0 : i32
    return %c0_i32, %arg0, %c0_i32_0 : i32, i32, i32
  }
  func.func @transform_1(%arg0: i32) -> (i32, i32) {
    %c0_i32 = arith.constant 0 : i32
    %c0_i32_0 = arith.constant 0 : i32
    return %arg0, %c0_i32 : i32, i32
  }
  func.func @transform_2(%arg0: i32) -> (i32, i32) {
    %c0_i32 = arith.constant 0 : i32
    %c0_i32_0 = arith.constant 0 : i32
    return %arg0, %c0_i32 : i32, i32
  }
  func.func @transform_3(%arg0: i32) -> (i32, i32) {
    %c0_i32 = arith.constant 0 : i32
    %c0_i32_0 = arith.constant 0 : i32
    %c0_i32_1 = arith.constant 0 : i32
    return %c0_i32, %c0_i32_0 : i32, i32
  }
  func.func @transform_4(%arg0: i32) -> (i32, i32) {
    %c0_i32 = arith.constant 0 : i32
    %c0_i32_0 = arith.constant 0 : i32
    return %arg0, %c0_i32 : i32, i32
  }
}

</mosaic_0001>

<sc_bundles>
// kernel: kernel.12.cloned.1.call-start
scs
__scs_entry_jumppad:
0x0: {  	(pc) =	sbr.rel $0x88, $3  }
0x1: {  	(tag) =	ssettag $0x0;
	lr =	simm.s32 $0x1  }
0x2: {  	[smem:$0x3F9B] =	sst lr;
	_ =	strace $0xD0000000  }
0x3: {  	_ = 	snop  }
0x4: {  	_ = 	snop  }
0x5: {  	_ = 	snop  }
0x6: {  	_ = 	snop  }
0x7: {  	_ = 	snop  }
__scs_overlays_trampoline_lowered:
0x8: {  	[smem:$0x3FAA] =	sst s0  }
0x9: {  	[smem:$0x3FAB] =	sst s1  }
0xa: {  	[smem:$0x3FAC] =	sst s2  }
0xb: {  	[smem:$0x3FAD] =	sst s3  }
0xc: {  	[smem:$0x3FAE] =	sst s4  }
0xd: {  	[smem:$0x3FAF] =	sst s5  }
0xe: {  	[smem:$0x3FB0] =	sst s6  }
0xf: {  	[smem:$0x3FB1] =	sst s7  }
0x10: {  	[smem:$0x3FB2] =	sst s8  }
0x11: {  	[smem:$0x3FB3] =	sst s9;
	s0 =	simm.s32 @!p0 $0x0  }
0x12: {  	s1 =	sld [smem:$0x3F99];
	s0 =	simm.s32 @p0 $0x1  }
0x13: {  	[smem:$0x3FB4] =	sst s0;
	s0 =	simm.s32 @!p1 $0x0  }
0x14: {  	s2 =	sld [smem:$0x3F98];
	s0 =	simm.s32 @p1 $0x1  }
0x15: {  	[smem:$0x3FB5] =	sst s0;
	s0 =	simm.s32 @!p2 $0x0  }
0x16: {  	s3 =	sld [smem:$0x3FDB];
	s0 =	simm.s32 @p2 $0x1  }
0x17: {  	s4 =	simm.s32 $0x1BF5;
	[smem:$0x3FB7] =	sst s0  }
0x18: {  	s0 =	sld [smem:$0x3F9A];
	_ =	swait.ge [sflag:s4], $0x0  }
0x19: {  	s7 =	sld [smem:$0x3F9B]  }
0x1a: {  	s8 =	sadd.s32 $0xFFFFE003, lr  }
0x1b: {  	s9 =	sadd.s32 $0xFFFFFEF7, lr;
	s5 =	simm.s32 $0xFFFFFFFF;
	p2 =	slt.u32 s8, $0xFFFFF086  }
0x1c: {  	p1 =	slt.u32 s9, $0xF7A;
	s5 =	simm.s32 @!p2 $0x0  }
0x1d: {  	s5 =	simm.s32 @p1 $0x1;
	p0 =	seq.s32 s7, s2  }
0x1e: {  	s7 =	smul.u32 @!p0 $0xF7A, s2;
	p2 =	seq.s32 @!p0 s5, $0x0  }
0x1f: {  	s9 =	smul.u32 $0xF7A, s1;
	s8 =	simm.s32 @!p0 $0x1BF5;
	p2 =	por !p2, p0  }
0x20: {  	[sflag:s8] =	ssyncset.s32 @!p0 $0xFFFFF086;
	s6 =	sadd.s32 @!p0 s3, s7;
	s7 =	simm.s32 @!p0 $0x108  }
0x21: {  	s3 =	sadd.s32 s3, s9;
	s6 =	sadd.s32 @!p0 $0x88, s6;
	s7 =	simm.s32 @p2 $0x1082  }
0x22: {  	[simem:s7], [sflag:s8] =	dma.local @!p0 [hbm:s6], $0xF7A  }
0x23: {  	s9 =	sor.u32 $0xD0000000, s2;
	s6 =	simm.s32 $0x108;
	_ =	swait.ge @!p0 [sflag:s8], $0x0  }
0x24: {  	s3 =	sadd.s32 $0x88, s3;
	s6 =	simm.s32 @!p1 $0x1082;
	[sflag:s4] =	ssyncset.s32 $0xFFFFF086  }
0x25: {  	[simem:s6], [sflag:s4] =	dma.local [hbm:s3], $0xF7A  }
0x26: {  	[smem:$0x3F9B] =	sst s1;
	(tag) =	ssettag s2;
	_ =	strace s9  }
0x27: {  	s1 =	sld [smem:$0x3FAB]  }
0x28: {  	s2 =	sld [smem:$0x3FAC]  }
0x29: {  	s4 =	sld [smem:$0x3FAE]  }
0x2a: {  	p0 =	seq.s32 s5, $0x0;
	s5 =	sld [smem:$0x3FAF]  }
0x2b: {  	s6 =	sld [smem:$0x3FB0]  }
0x2c: {  	s7 =	sld [smem:$0x3FB1]  }
0x2d: {  	s3 =	simm.s32 $0x108;
	s8 =	sld [smem:$0x3FB2]  }
0x2e: {  	s3 =	simm.s32 @!p0 $0x1082;
	s9 =	sld [smem:$0x3FB3]  }
0x2f: {  	lr =	sadd.s32 s0, s3;
	s0 =	sld [smem:$0x3FAA]  }
0x30: {  	s3 =	sld [smem:$0x3FAD]  }
0x31: {  	[smem:$0x3FB6] =	sst s10  }
0x32: {  	s10 =	sld [smem:$0x3FB4];
	_ =	sdelay $0x3  }
0x33: {  	p0 =	seq.s32 s10, $0x1;
	s10 =	sld [smem:$0x3FB6];
	_ =	sdelay $0x3  }
0x34: {  	[smem:$0x3FB6] =	sst s10  }
0x35: {  	s10 =	sld [smem:$0x3FB5];
	_ =	sdelay $0x3  }
0x36: {  	p1 =	seq.s32 s10, $0x1;
	s10 =	sld [smem:$0x3FB6];
	_ =	sdelay $0x3  }
0x37: {  	[smem:$0x3FB6] =	sst s10  }
0x38: {  	s10 =	sld [smem:$0x3FB7]  }
0x39: {  	_ = 	snop;
	(pc) =	sbr.ind lr, $3  }
0x3a: {  	_ = 	snop  }
0x3b: {  	_ = 	snop  }
0x3c: {  	p2 =	seq.s32 s10, $0x1;
	s10 =	sld [smem:$0x3FB6]  }
0x3d: {  	_ =	shalt  }
0x3e: {  	_ =	shalt  }
0x3f: {  	_ =	shalt  }
0x40: {  	_ =	shalt  }
0x41: {  	_ =	shalt  }
0x42: {  	_ =	shalt  }
0x43: {  	_ =	shalt  }
0x44: {  	_ =	shalt  }
0x45: {  	_ =	shalt  }
0x46: {  	_ =	shalt  }
0x47: {  	_ =	shalt  }
0x48: {  	_ =	shalt  }
0x49: {  	_ =	shalt  }
0x4a: {  	_ =	shalt  }
0x4b: {  	_ =	shalt  }
0x4c: {  	_ =	shalt  }
0x4d: {  	_ =	shalt  }
0x4e: {  	_ =	shalt  }
0x4f: {  	_ =	shalt  }
0x50: {  	_ =	shalt  }
0x51: {  	_ =	shalt  }
0x52: {  	_ =	shalt  }
0x53: {  	_ =	shalt  }
0x54: {  	_ =	shalt  }
0x55: {  	_ =	shalt  }
0x56: {  	_ =	shalt  }
0x57: {  	_ =	shalt  }
0x58: {  	_ =	shalt  }
0x59: {  	_ =	shalt  }
0x5a: {  	_ =	shalt  }
0x5b: {  	_ =	shalt  }
0x5c: {  	_ =	shalt  }
0x5d: {  	_ =	shalt  }
0x5e: {  	_ =	shalt  }
0x5f: {  	_ =	shalt  }
0x60: {  	_ =	shalt  }
0x61: {  	_ =	shalt  }
0x62: {  	_ =	shalt  }
0x63: {  	_ =	shalt  }
0x64: {  	_ =	shalt  }
0x65: {  	_ =	shalt  }
0x66: {  	_ =	shalt  }
0x67: {  	_ =	shalt  }
0x68: {  	_ =	shalt  }
0x69: {  	_ =	shalt  }
0x6a: {  	_ =	shalt  }
0x6b: {  	_ =	shalt  }
0x6c: {  	_ =	shalt  }
0x6d: {  	_ =	shalt  }
0x6e: {  	_ =	shalt  }
0x6f: {  	_ =	shalt  }
0x70: {  	_ =	shalt  }
0x71: {  	_ =	shalt  }
0x72: {  	_ =	shalt  }
0x73: {  	_ =	shalt  }
0x74: {  	_ =	shalt  }
0x75: {  	_ =	shalt  }
0x76: {  	_ =	shalt  }
0x77: {  	_ =	shalt  }
0x78: {  	_ =	shalt  }
0x79: {  	_ =	shalt  }
0x7a: {  	_ =	shalt  }
0x7b: {  	_ =	shalt  }
0x7c: {  	_ =	shalt  }
0x7d: {  	_ =	shalt  }
0x7e: {  	_ =	shalt  }
0x7f: {  	_ =	shalt  }
0x80: {  	_ =	shalt  }
0x81: {  	_ =	shalt  }
0x82: {  	_ =	shalt  }
0x83: {  	_ =	shalt  }
0x84: {  	_ =	shalt  }
0x85: {  	_ =	shalt  }
0x86: {  	_ =	shalt  }
0x87: {  	_ =	shalt  }
.Lfunc_end0:
.L_simem_size_0:
called_computation.1_lowered:
.L_overlay_start_0:
0x88: {  	s2 =	sld [smem:$0x3FD9]  }
0x89: {  	s3 =	sld [smem:$0x3FFE];
	_ =	sdelay $0x1  }
0x8a: {  	s1 =	srdreg.scid  }
0x8b: {  	s0 =	sand.u32 $0x1, s1  }
0x8c: {  	s17 =	sshll.u32 s0, $0xA;
	s2 =	sadd.s32 s3, s2  }
0x8d: {  	s2 =	sadd.s32 s2, s17  }
0x8e: {  	[smem:$0x3FC2] =	sst s2  }
0x8f: {  	_ = 	snop  }
0x90: {  	s2 =	sld [smem:$0x3FD0];
	(tm) =	ssettm $0x1  }
0x91: {  	s18 =	sld [smem:$0x3FFB];
	_ =	sdelay $0x3  }
0x92: {  	_ =	strace s18  }
0x93: {  	s3 =	sld [smem:$0x3FFC];
	_ =	sdelay $0x3  }
0x94: {  	_ =	strace s3  }
0x95: {  	s3 =	sld [smem:$0x3FFD];
	_ =	sdelay $0x3  }
0x96: {  	_ =	strace s3  }
0x97: {  	_ =	strace $0x8FFFFFFF  }
0x98: {  	s19 =	sld [smem:$0x3FDB];
	_ =	sdelay $0x1  }
0x99: {  	s4 =	simm.s32 $_scs_section_size  }
0x9a: {  	s5 =	simm.s32 $_size__tile_overlayer_lowered;
	s6 =	simm.s32 $_tile_overlayer_lowered  }
0x9b: {  	s22 =	simm.s32 $0x1BFF;
	s21 =	sshll.u32 s6, $0x1;
	s3 =	sadd.s32 s4, s19  }
0x9c: {  	s7 =	simm.s32 $0x0;
	s20 =	sshll.u32 s5, $0x1;
	s5 =	sadd.s32 s21, s3  }
0x9d: {  	[timem:s7], [sflag:s22] =	dma.local [hbm:s5], s20  }
0x9e: {  	_ =	swait.ge [sflag:s22], s20  }
0x9f: {  	s4 =	ssub.s32 $0x0, s20;
	[sflag:s22] =	ssyncset.done $0x0  }
0xa0: {  	[sflag:s22] =	ssyncadd.s32 s4;
	_ =	sdelay $0x1  }
0xa1: {  	s23 =	simm.s32 $0x1B8B  }
0xa2: {  	_ =	swait.ge [sflag:s23], $0x1  }
0xa3: {  	[sflag:s23] =	ssyncset.done $0x0  }
0xa4: {  	s25 =	simm.s32 $0x1B8E;
	s24 =	sld [smem:$0x3FFE];
	[sflag:s23] =	ssyncadd.s32 $0xFFFFFFFF  }
0xa5: {  	s26 =	simm.s32 $execute0_lowered;
	[smem:$0x3FD2] =	sst s25  }
0xa6: {  	s5 =	sshll.u32 s26, $0x1;
	_ =	strace $0x80000049;
	[dreg:$0x1] =	wrdreg $0xFFFFFFFF  }
0xa7: {  	s28 =	simm.s32 $_size_execute0_lowered;
	s3 =	sadd.s32 s3, s5;
	[dreg:$0x0] =	wrdreg $0x0  }
0xa8: {  	s5 =	sshll.u32 s28, $0x1;
	[dreg:$0x2] =	wrdreg s3  }
0xa9: {  	[dreg:$0x3] =	wrdreg s5  }
0xaa: {  	[dreg:$0x4] =	wrdreg $0xC0  }
0xab: {  	_ =	task [dreg:s7], $0x5FFFF  }
0xac: {  	[dreg:$0x1] =	wrdreg $0xFFFFFFFF  }
0xad: {  	[dreg:$0x0] =	wrdreg $0x60  }
0xae: {  	[dreg:$0x2] =	wrdreg s2  }
0xaf: {  	[dreg:$0x3] =	wrdreg s24  }
0xb0: {  	[dreg:$0x4] =	wrdreg $0xB4000  }
0xb1: {  	[dreg:$0x5] =	wrdreg $0x9  }
0xb2: {  	_ =	task.clear_ibuf [dreg:s7], $0x6FFFF;
	_ =	strace $0x90000049  }
0xb3: {  	s29 =	simm.s32 $0x9;
	_ =	strace $0x8000004B  }
0xb4: {  	_ =	swait.ge [sflag:s29], $0x1  }
0xb5: {  	[sflag:s29] =	ssyncadd.s32 $0xFFFFFFFF  }
0xb6: {  	_ =	strace $0x9000004B  }
0xb7: {  	_ =	sfence  }
0xb8: {  	s30 =	sld [smem:$0x0];
	_ =	sdelay $0x2  }
0xb9: {  	s31 =	sshll.u32 s1, $0xD;
	s1 =	sshrl.u32 s1, $0x2  }
0xba: {  	s3 =	sand.u32 $0x4000, s31;
	s1 =	sadd.s32 s1, s30  }
0xbb: {  	s0 =	sor.u32 s3, s0;
	s1 =	sshll.u32 s1, $0x11  }
0xbc: {  	s0 =	sor.u32 s1, s0  }
0xbd: {  	s0 =	sadd.s32 $0x8F2B, s0  }
0xbe: {  	[sflag:s0] =	ssyncadd.remote.s32 $0x1  }
0xbf: {  	_ =	sfence.sel $0xFFFF  }
0xc0: {  	[dreg:$0x0] =	wrdreg $0xFFFFFFFF;
	(pc) =	sbr.abs _section_cstart, $3  }
0xc1: {  	[dreg:$0x1] =	wrdreg $0xFFFFFFFF  }
0xc2: {  	_ =	task.clear_ibuf [dreg:s7], $0x2FFFF;
	_ =	strace $0x9FFFFFFF  }
0xc3: {  	(tm) =	ssettm $0x7FFFFFFF  }
tec
execute0_lowered:
.L_overlay_start_1:
0x0: {  	(tag) =	ssettag $0x1  }
0x1: {  	s1 =	rddreg [dreg:$0x0]  }
0x2: {  	s2 =	rddreg [dreg:$0x1]  }
0x3: {  	s3 =	rddreg [dreg:$0x2];
	s0 =	srdreg.scid  }
0x4: {  	s11 =	stileid.u32;
	s4 =	simm.s32 $0x0;
	s28 =	simm.s32 $0x7C00  }
0x5: {  	s29 =	simm.s32 $0x5;
	s30 =	simm.s32 $0x6;
	s6 =	smul.u32 $0x2800, s11  }
0x6: {  	s7 =	sand.u32 $0x1, s0;
	[smem:$0x7FF] =	sst s4;
	s25 =	smul.u32 $0x50000, s11  }
0x7: {  	s0 =	sadd.s32 $0x2000, s2;
	s5 =	sadd.s32 $0xBE00, s2;
	s8 =	smul.u32 $0x28000, s7  }
0x8: {  	s9 =	sshll.u32 s11, $0x1;
	s12 =	smul.u32 $0x4E20, s11;
	_ =	strace $0x8000004A  }
0x9: {  	s26 =	ssub.s32 $0x2, s7;
	s6 =	sadd.s32 s6, s8;
	s8 =	sshrl.u32 s25, $0x2  }
0xa: {  	s9 =	sor.u32 s7, s9;
	s10 =	sshrl.u32 s26, $0x1;
	s13 =	sadd.s32 s8, s3  }
0xb: {  	s2 =	sadd.s32 s6, s2;
	s8 =	sadd.s32 $0x1000, s13;
	[dreg:$0x14] =	wrdreg s13  }
0xc: {  	s6 =	ssub.s32 s26, s10;
	s10 =	sadd.s32 $0x2000, s13;
	[dreg:$0x15] =	wrdreg s8  }
0xd: {  	s7 =	smul.u32 $0x2710, s7;
	s14 =	sadd.s32 $0x3000, s13;
	[dreg:$0x16] =	wrdreg s10  }
0xe: {  	s9 =	smul.u32 $0x2710, s9;
	s15 =	sadd.s32 $0x4000, s13;
	[dreg:$0x17] =	wrdreg s14  }
0xf: {  	s7 =	sadd.s32 s7, s12;
	s16 =	sadd.s32 $0x5000, s13;
	[dreg:$0x18] =	wrdreg s15  }
0x10: {  	s9 =	sshrl.u32 s9, $0x3;
	s18 =	sadd.s32 $0x6000, s13;
	[dreg:$0x19] =	wrdreg s16  }
0x11: {  	s17 =	sadd.s32 $0x4B0, s9;
	s11 =	sadd.s32 $0x7000, s13;
	[dreg:$0x1a] =	wrdreg s18  }
0x12: {  	s22 =	sadd.s32 $0x230, s7;
	s19 =	sadd.s32 s0, s17;
	[smem:$0x7EF] =	sst s11  }
0x13: {  	s21 =	sadd.s32 $0x4BA, s9;
	s20 =	sadd.s32 s5, s17;
	[dreg:$0x1b] =	wrdreg s19  }
0x14: {  	s12 =	sadd.s32 $0x1E0, s7;
	s23 =	sadd.s32 s0, s21;
	[dreg:$0x1c] =	wrdreg s20  }
0x15: {  	s24 =	sshrl.u32 s22, $0x3;
	s8 =	sadd.s32 s5, s21;
	[dreg:$0x1d] =	wrdreg s23  }
0x16: {  	s26 =	sshrl.u32 s12, $0x3;
	s25 =	sadd.s32 s24, s5;
	[dreg:$0x1e] =	wrdreg s8  }
0x17: {  	s31 =	simm.s32 $0x7;
	s12 =	sadd.s32 s26, s5;
	[dreg:$0x4] =	wrdreg s25  }
0x18: {  	s22 =	sadd.s32 $0xF0, s7;
	s15 =	sadd.s32 s26, s0;
	[dreg:$0x6] =	wrdreg s12  }
0x19: {  	s14 =	sadd.s32 $0x190, s7;
	s8 =	sadd.s32 s24, s0;
	[dreg:$0x7] =	wrdreg s15  }
0x1a: {  	s16 =	sshrl.u32 s14, $0x3;
	s12 =	sadd.s32 $0x8000, s13;
	[dreg:$0x5] =	wrdreg s8  }
0x1b: {  	s18 =	sadd.s32 $0x140, s7;
	s17 =	sadd.s32 s16, s5;
	[smem:$0x7F0] =	sst s12  }
0x1c: {  	s20 =	sshrl.u32 s18, $0x3;
	s19 =	sadd.s32 s16, s0;
	[dreg:$0x8] =	wrdreg s17  }
0x1d: {  	s10 =	sadd.s32 $0x4C4, s9;
	s21 =	sadd.s32 s20, s5;
	[dreg:$0x9] =	wrdreg s19  }
0x1e: {  	s24 =	sshrl.u32 s22, $0x3;
	s23 =	sadd.s32 s20, s0;
	[dreg:$0xa] =	wrdreg s21  }
0x1f: {  	s26 =	sadd.s32 $0xA0, s7;
	s25 =	sadd.s32 s24, s5;
	[dreg:$0xb] =	wrdreg s23  }
0x20: {  	s15 =	sshrl.u32 s26, $0x3;
	s14 =	sadd.s32 s24, s0;
	[dreg:$0xc] =	wrdreg s25  }
0x21: {  	s11 =	simm.s32 $0x80;
	s16 =	sadd.s32 s15, s5;
	[dreg:$0xd] =	wrdreg s14  }
0x22: {  	s18 =	sadd.s32 s15, s0;
	s20 =	sadd.s32 s0, s10;
	[dreg:$0xe] =	wrdreg s16  }
0x23: {  	s10 =	sadd.s32 s5, s10;
	s24 =	sadd.s32 $0x4CE, s9;
	[dreg:$0x1f] =	wrdreg s20  }
0x24: {  	s9 =	sadd.s32 $0x4D8, s9;
	s15 =	smax.u32 s6, $0x1;
	[dreg:$0xf] =	wrdreg s18  }
0x25: {  	s12 =	simm.s32 $0x200;
	s6 =	simm.s32 $0xA;
	[smem:$0x7EA] =	sst s10  }
0x26: {  	s8 =	simm.s32 $0xC;
	s25 =	sadd.s32 s0, s24;
	[smem:$0x7F2] =	sst s15  }
0x27: {  	s17 =	sadd.s32 $0x50, s7;
	s26 =	sadd.s32 s5, s24;
	[smem:$0x7EB] =	sst s25  }
0x28: {  	s7 =	sshrl.u32 s7, $0x3;
	s10 =	sadd.s32 s0, s9;
	[smem:$0x7EC] =	sst s26  }
0x29: {  	s14 =	sadd.s32 $0x15C00, s2;
	s16 =	sadd.s32 $0x9000, s13;
	[smem:$0x7EE] =	sst s10  }
0x2a: {  	s18 =	sadd.s32 $0xB000, s13;
	s20 =	sadd.s32 $0xD000, s13;
	[smem:$0x7F1] =	sst s14  }
0x2b: {  	s24 =	sadd.s32 $0x11000, s13;
	s2 =	simm.s32 $0x9;
	[smem:$0x7F3] =	sst s16  }
0x2c: {  	s15 =	simm.s32 $0x200;
	s19 =	sshrl.u32 s17, $0x3;
	[smem:$0x7F5] =	sst s18  }
0x2d: {  	s23 =	sadd.s32 s7, s5;
	s17 =	sadd.s32 $0xA000, s13;
	[smem:$0x7F7] =	sst s20  }
0x2e: {  	[smem:$0x7FB] =	sst s24;
	s25 =	sadd.s32 $0x12000, s13;
	s26 =	sadd.s32 $0x13000, s13  }
0x2f: {  	s10 =	simm.s32 $0xD;
	s14 =	simm.s32 $0x280;
	[dreg:$0x12] =	wrdreg s23  }
0x30: {  	s16 =	simm.s32 $0x100;
	s18 =	simm.s32 $0x380;
	[smem:$0x7F4] =	sst s17  }
0x31: {  	s20 =	simm.s32 $0x50;
	s24 =	simm.s32 $0x3;
	[smem:$0x7FC] =	sst s25  }
0x32: {  	s21 =	sadd.s32 s19, s5;
	s22 =	sadd.s32 s19, s0;
	[smem:$0x7FD] =	sst s26  }
0x33: {  	s5 =	sadd.s32 s5, s9;
	s0 =	sadd.s32 s7, s0;
	[dreg:$0x10] =	wrdreg s21  }
0x34: {  	s19 =	sadd.s32 $0xC000, s13;
	s23 =	sadd.s32 $0x10000, s13;
	[dreg:$0x11] =	wrdreg s22  }
0x35: {  	s17 =	simm.s32 $0x180;
	s25 =	simm.s32 $0x5400;
	[smem:$0x7ED] =	sst s5  }
0x36: {  	s26 =	simm.s32 $0x4;
	s7 =	simm.s32 $0xB;
	[dreg:$0x13] =	wrdreg s0  }
0x37: {  	s9 =	simm.s32 $0x0;
	[smem:$0x7F6] =	sst s19;
	s21 =	sadd.s32 $0xE000, s13  }
0x38: {  	s22 =	sadd.s32 $0xF000, s13;
	[smem:$0x7FA] =	sst s23;
	s19 =	simm.s32 $0x1  }
0x39: {  	s23 =	simm.s32 $0x2C00;
	s0 =	simm.s32 $0x8;
	[smem:$0x7F8] =	sst s21  }
0x3a: {  	v0 =	vimm.f32 $0.0e+00;
	[smem:$0x7F9] =	sst s22;
	s21 =	simm.s32 $0x400;
	s22 =	simm.s32 $0x2  }
.LBB2_1:
0x3b: {  	[smem:$0x7E9] =	sst s9;
	s5 =	simm.s32 $0x0;
	s9 =	simm.s32 $0x200  }
.LBB2_2:
0x3c: {  	p0 =	sne.s32 s9, $0x3E00;
	[tilespmem:s5+$0xA470] =	vst v0  }
0x3d: {  	[tilespmem:s5+$0xA400] =	vst v0  }
0x3e: {  	[tilespmem:s5+$0xA410] =	vst v0  }
.Ltmp0:
0x3f: {  	[tilespmem:s5+$0xA420] =	vst v0;
	(pc) =	sbr.rel @p0 .LBB2_2-.Ltmp0, $4  }
0x40: {  	[tilespmem:s5+$0xA430] =	vst v0  }
0x41: {  	[tilespmem:s5+$0xA440] =	vst v0  }
0x42: {  	[tilespmem:s5+$0xA450] =	vst v0  }
0x43: {  	[tilespmem:s5+$0xA460] =	vst v0;
	s5 =	sshra.s32 s9, $0x2;
	s9 =	sadd.s32 $0x200, s9  }
0x44: {  	[tilespmem:s5+$0xA470] =	vst v0  }
0x45: {  	[tilespmem:s5+$0xA400] =	vst v0  }
0x46: {  	[tilespmem:s5+$0xA410] =	vst v0  }
0x47: {  	[tilespmem:s5+$0xA420] =	vst v0  }
0x48: {  	[tilespmem:s5+$0xA430] =	vst v0  }
0x49: {  	[tilespmem:s5+$0xA440] =	vst v0  }
0x4a: {  	[tilespmem:s5+$0xA450] =	vst v0  }
0x4b: {  	[tilespmem:s5+$0xA460] =	vst v0;
	s9 =	simm.s32 $0xA400  }
0x4c: {  	[spmem:s13] =	stream.linear.scatter [tilespmem:s9], [sflag:$0xD], $0x1000, $0x38;
	[tilespmem:$0x1F400] =	vst v63  }
0x4d: {  	_ =	swait.ge [sflag:s10], $0x1000  }
0x4e: {  	[sflag:s10] =	ssyncset.done $0x0  }
0x4f: {  	s13 =	rddreg [dreg:$0x15];
	[sflag:s10] =	ssyncadd.s32 $0xFFFFF000  }
0x50: {  	[spmem:s13] =	stream.linear.scatter [tilespmem:s9], [sflag:$0xD], $0x1000, $0x38;
	[tilespmem:$0x1F400] =	vst v63  }
0x51: {  	_ =	swait.ge [sflag:s10], $0x1000  }
0x52: {  	[sflag:s10] =	ssyncset.done $0x0  }
0x53: {  	s13 =	rddreg [dreg:$0x16];
	[sflag:s10] =	ssyncadd.s32 $0xFFFFF000  }
0x54: {  	[spmem:s13] =	stream.linear.scatter [tilespmem:s9], [sflag:$0xD], $0x1000, $0x38;
	[tilespmem:$0x1F400] =	vst v63  }
0x55: {  	_ =	swait.ge [sflag:s10], $0x1000  }
0x56: {  	[sflag:s10] =	ssyncset.done $0x0  }
0x57: {  	s13 =	rddreg [dreg:$0x17];
	[sflag:s10] =	ssyncadd.s32 $0xFFFFF000  }
0x58: {  	[spmem:s13] =	stream.linear.scatter [tilespmem:s9], [sflag:$0xD], $0x1000, $0x38;
	[tilespmem:$0x1F400] =	vst v63  }
0x59: {  	_ =	swait.ge [sflag:s10], $0x1000  }
0x5a: {  	[sflag:s10] =	ssyncset.done $0x0  }
0x5b: {  	s13 =	rddreg [dreg:$0x18];
	[sflag:s10] =	ssyncadd.s32 $0xFFFFF000  }
0x5c: {  	[spmem:s13] =	stream.linear.scatter [tilespmem:s9], [sflag:$0xD], $0x1000, $0x38;
	[tilespmem:$0x1F400] =	vst v63  }
0x5d: {  	_ =	swait.ge [sflag:s10], $0x1000  }
0x5e: {  	[sflag:s10] =	ssyncset.done $0x0  }
0x5f: {  	s13 =	rddreg [dreg:$0x19];
	[sflag:s10] =	ssyncadd.s32 $0xFFFFF000  }
0x60: {  	[spmem:s13] =	stream.linear.scatter [tilespmem:s9], [sflag:$0xD], $0x1000, $0x38;
	[tilespmem:$0x1F400] =	vst v63  }
0x61: {  	_ =	swait.ge [sflag:s10], $0x1000  }
0x62: {  	[sflag:s10] =	ssyncset.done $0x0  }
0x63: {  	s13 =	rddreg [dreg:$0x1a];
	[sflag:s10] =	ssyncadd.s32 $0xFFFFF000  }
0x64: {  	[spmem:s13] =	stream.linear.scatter [tilespmem:s9], [sflag:$0xD], $0x1000, $0x38;
	[tilespmem:$0x1F400] =	vst v63  }
0x65: {  	_ =	swait.ge [sflag:s10], $0x1000  }
0x66: {  	s13 =	sld [smem:$0x7EF]  }
0x67: {  	[sflag:s10] =	ssyncset.done $0x0  }
0x68: {  	[sflag:s10] =	ssyncadd.s32 $0xFFFFF000  }
0x69: {  	[spmem:s13] =	stream.linear.scatter [tilespmem:s9], [sflag:$0xD], $0x1000, $0x38;
	[tilespmem:$0x1F400] =	vst v63  }
0x6a: {  	_ =	swait.ge [sflag:s10], $0x1000  }
0x6b: {  	s13 =	sld [smem:$0x7F0]  }
0x6c: {  	[sflag:s10] =	ssyncset.done $0x0  }
0x6d: {  	[sflag:s10] =	ssyncadd.s32 $0xFFFFF000  }
0x6e: {  	[spmem:s13] =	stream.linear.scatter [tilespmem:s9], [sflag:$0xD], $0x1000, $0x38;
	[tilespmem:$0x1F400] =	vst v63  }
0x6f: {  	_ =	swait.ge [sflag:s10], $0x1000  }
0x70: {  	s13 =	sld [smem:$0x7F3]  }
0x71: {  	[sflag:s10] =	ssyncset.done $0x0  }
0x72: {  	[sflag:s10] =	ssyncadd.s32 $0xFFFFF000  }
0x73: {  	[spmem:s13] =	stream.linear.scatter [tilespmem:s9], [sflag:$0xD], $0x1000, $0x38;
	[tilespmem:$0x1F400] =	vst v63  }
0x74: {  	_ =	swait.ge [sflag:s10], $0x1000  }
0x75: {  	s13 =	sld [smem:$0x7F4]  }
0x76: {  	[sflag:s10] =	ssyncset.done $0x0  }
0x77: {  	[sflag:s10] =	ssyncadd.s32 $0xFFFFF000  }
0x78: {  	[spmem:s13] =	stream.linear.scatter [tilespmem:s9], [sflag:$0xD], $0x1000, $0x38;
	[tilespmem:$0x1F400] =	vst v63  }
0x79: {  	_ =	swait.ge [sflag:s10], $0x1000  }
0x7a: {  	s13 =	sld [smem:$0x7F5]  }
0x7b: {  	[sflag:s10] =	ssyncset.done $0x0  }
0x7c: {  	[sflag:s10] =	ssyncadd.s32 $0xFFFFF000  }
0x7d: {  	[spmem:s13] =	stream.linear.scatter [tilespmem:s9], [sflag:$0xD], $0x1000, $0x38;
	[tilespmem:$0x1F400] =	vst v63  }
0x7e: {  	_ =	swait.ge [sflag:s10], $0x1000  }
0x7f: {  	s13 =	sld [smem:$0x7F6]  }
0x80: {  	[sflag:s10] =	ssyncset.done $0x0  }
0x81: {  	[sflag:s10] =	ssyncadd.s32 $0xFFFFF000  }
0x82: {  	[spmem:s13] =	stream.linear.scatter [tilespmem:s9], [sflag:$0xD], $0x1000, $0x38;
	[tilespmem:$0x1F400] =	vst v63  }
0x83: {  	_ =	swait.ge [sflag:s10], $0x1000  }
0x84: {  	s13 =	sld [smem:$0x7F7]  }
0x85: {  	[sflag:s10] =	ssyncset.done $0x0  }
0x86: {  	[sflag:s10] =	ssyncadd.s32 $0xFFFFF000  }
0x87: {  	[spmem:s13] =	stream.linear.scatter [tilespmem:s9], [sflag:$0xD], $0x1000, $0x38;
	[tilespmem:$0x1F400] =	vst v63  }
0x88: {  	_ =	swait.ge [sflag:s10], $0x1000  }
0x89: {  	s13 =	sld [smem:$0x7F8]  }
0x8a: {  	[sflag:s10] =	ssyncset.done $0x0  }
0x8b: {  	[sflag:s10] =	ssyncadd.s32 $0xFFFFF000  }
0x8c: {  	[spmem:s13] =	stream.linear.scatter [tilespmem:s9], [sflag:$0xD], $0x1000, $0x38;
	[tilespmem:$0x1F400] =	vst v63  }
0x8d: {  	_ =	swait.ge [sflag:s10], $0x1000  }
0x8e: {  	s13 =	sld [smem:$0x7F9]  }
0x8f: {  	[sflag:s10] =	ssyncset.done $0x0  }
0x90: {  	[sflag:s10] =	ssyncadd.s32 $0xFFFFF000  }
0x91: {  	[spmem:s13] =	stream.linear.scatter [tilespmem:s9], [sflag:$0xD], $0x1000, $0x38;
	[tilespmem:$0x1F400] =	vst v63  }
0x92: {  	_ =	swait.ge [sflag:s10], $0x1000  }
0x93: {  	s13 =	sld [smem:$0x7FA]  }
0x94: {  	[sflag:s10] =	ssyncset.done $0x0  }
0x95: {  	[sflag:s10] =	ssyncadd.s32 $0xFFFFF000  }
0x96: {  	[spmem:s13] =	stream.linear.scatter [tilespmem:s9], [sflag:$0xD], $0x1000, $0x38;
	[tilespmem:$0x1F400] =	vst v63  }
0x97: {  	_ =	swait.ge [sflag:s10], $0x1000  }
0x98: {  	s13 =	sld [smem:$0x7FB]  }
0x99: {  	[sflag:s10] =	ssyncset.done $0x0  }
0x9a: {  	[sflag:s10] =	ssyncadd.s32 $0xFFFFF000  }
0x9b: {  	[spmem:s13] =	stream.linear.scatter [tilespmem:s9], [sflag:$0xD], $0x1000, $0x38;
	[tilespmem:$0x1F400] =	vst v63  }
0x9c: {  	_ =	swait.ge [sflag:s10], $0x1000  }
0x9d: {  	s13 =	sld [smem:$0x7FC]  }
0x9e: {  	[sflag:s10] =	ssyncset.done $0x0  }
0x9f: {  	[sflag:s10] =	ssyncadd.s32 $0xFFFFF000  }
0xa0: {  	[spmem:s13] =	stream.linear.scatter [tilespmem:s9], [sflag:$0xD], $0x1000, $0x38;
	[tilespmem:$0x1F400] =	vst v63  }
0xa1: {  	_ =	swait.ge [sflag:s10], $0x1000  }
0xa2: {  	s13 =	sld [smem:$0x7FD]  }
0xa3: {  	[sflag:s10] =	ssyncset.done $0x0  }
0xa4: {  	[sflag:s10] =	ssyncadd.s32 $0xFFFFF000  }
0xa5: {  	[spmem:s13] =	stream.linear.scatter [tilespmem:s9], [sflag:$0xD], $0x1000, $0x38;
	[tilespmem:$0x1F400] =	vst v63  }
0xa6: {  	_ =	swait.ge [sflag:s10], $0x1000  }
0xa7: {  	[sflag:s10] =	ssyncset.done $0x0  }
0xa8: {  	[sflag:s10] =	ssyncadd.s32 $0xFFFFF000  }
0xa9: {  	[bflag:$0x0] =	sbarrier.arrive $0xFFFF  }
0xaa: {  	s10 =	rddreg [dreg:$0x13]  }
0xab: {  	s13 =	rddreg [dreg:$0x12];
	s5 =	sadd.s32 $0x0, s10  }
0xac: {  	[tilespmem:s4], [sflag:$0x1] =	stream.linear.gather [hbm4b:s5+s4], $0x50, $0x38;
	[tilespmem:$0x1F400] =	vst v63  }
0xad: {  	s10 =	rddreg [dreg:$0x11];
	s13 =	sadd.s32 $0x0, s13  }
0xae: {  	[tilespmem:s12], [sflag:$0x1] =	stream.linear.gather [hbm4b:s13+s4], $0x50, $0x38;
	[tilespmem:$0x1F400] =	vst v63  }
0xaf: {  	s9 =	rddreg [dreg:$0x10];
	s13 =	sadd.s32 $0x0, s10  }
0xb0: {  	[tilespmem:s11], [sflag:$0x2] =	stream.linear.gather [hbm4b:s13+s4], $0x50, $0x38;
	[tilespmem:$0x1F400] =	vst v63  }
0xb1: {  	s10 =	rddreg [dreg:$0xf];
	s13 =	sadd.s32 $0x0, s9  }
0xb2: {  	[tilespmem:s14], [sflag:$0x2] =	stream.linear.gather [hbm4b:s13+s4], $0x50, $0x38;
	[tilespmem:$0x1F400] =	vst v63  }
0xb3: {  	s9 =	rddreg [dreg:$0xe];
	s13 =	sadd.s32 $0x0, s10  }
0xb4: {  	[tilespmem:s16], [sflag:$0x3] =	stream.linear.gather [hbm4b:s13+s4], $0x50, $0x38;
	[tilespmem:$0x1F400] =	vst v63  }
0xb5: {  	s5 =	sadd.s32 $0x0, s9;
	s10 =	rddreg [dreg:$0xd];
	s13 =	simm.s32 $0x300  }
0xb6: {  	[tilespmem:s13], [sflag:$0x3] =	stream.linear.gather [hbm4b:s5+s4], $0x50, $0x38;
	[tilespmem:$0x1F400] =	vst v63  }
0xb7: {  	s9 =	rddreg [dreg:$0xc];
	s10 =	sadd.s32 $0x0, s10  }
0xb8: {  	[tilespmem:s17], [sflag:$0x4] =	stream.linear.gather [hbm4b:s10+s4], $0x50, $0x38;
	[tilespmem:$0x1F400] =	vst v63  }
0xb9: {  	s10 =	sadd.s32 $0x0, s9  }
0xba: {  	[tilespmem:s18], [sflag:$0x4] =	stream.linear.gather [hbm4b:s10+s4], $0x50, $0x38;
	[tilespmem:$0x1F400] =	vst v63  }
0xbb: {  	_ =	swait.ge [sflag:s19], $0x50  }
0xbc: {  	[sflag:s19] =	ssyncset.done $0x0  }
0xbd: {  	[sflag:s19] =	ssyncadd.s32 $0xFFFFFFB0  }
0xbe: {  	_ =	swait.ge [sflag:s19], $0x50  }
0xbf: {  	[sflag:s19] =	ssyncset.done $0x0  }
0xc0: {  	[sflag:s19] =	ssyncadd.s32 $0xFFFFFFB0  }
0xc1: {  	[tilespmem:s21], [sflag:$0x5] =	stream.indirect.gather [hbm4b:s1+s20], $0x80, s4, s20, $0xb8;
	[tilespmem:$0x1F400] =	vst v63  }
0xc2: {  	_ =	swait.ge [sflag:s22], $0x50  }
0xc3: {  	[sflag:s22] =	ssyncset.done $0x0  }
0xc4: {  	[sflag:s22] =	ssyncadd.s32 $0xFFFFFFB0  }
0xc5: {  	_ =	swait.ge [sflag:s22], $0x50  }
0xc6: {  	[sflag:s22] =	ssyncset.done $0x0  }
0xc7: {  	[sflag:s22] =	ssyncadd.s32 $0xFFFFFFB0  }
0xc8: {  	[tilespmem:s23], [sflag:$0x6] =	stream.indirect.gather [hbm4b:s1+s20], $0x80, s11, s20, $0xb8;
	[tilespmem:$0x1F400] =	vst v63  }
0xc9: {  	_ =	swait.ge [sflag:s24], $0x50  }
0xca: {  	[sflag:s24] =	ssyncset.done $0x0  }
0xcb: {  	[sflag:s24] =	ssyncadd.s32 $0xFFFFFFB0  }
0xcc: {  	_ =	swait.ge [sflag:s24], $0x50  }
0xcd: {  	[sflag:s24] =	ssyncset.done $0x0  }
0xce: {  	[sflag:s24] =	ssyncadd.s32 $0xFFFFFFB0  }
0xcf: {  	[tilespmem:s25], [sflag:$0x7] =	stream.indirect.gather [hbm4b:s1+s20], $0x80, s16, s20, $0xb8;
	[tilespmem:$0x1F400] =	vst v63  }
0xd0: {  	_ =	swait.ge [sflag:s26], $0x50  }
0xd1: {  	[sflag:s26] =	ssyncset.done $0x0  }
0xd2: {  	[sflag:s26] =	ssyncadd.s32 $0xFFFFFFB0  }
0xd3: {  	_ =	swait.ge [sflag:s26], $0x50  }
0xd4: {  	[sflag:s26] =	ssyncset.done $0x0  }
0xd5: {  	[sflag:s26] =	ssyncadd.s32 $0xFFFFFFB0  }
0xd6: {  	[tilespmem:s28], [sflag:$0x8] =	stream.indirect.gather [hbm4b:s1+s20], $0x80, s17, s20, $0xb8;
	[tilespmem:$0x1F400] =	vst v63  }
0xd7: {  	_ =	swait.ge [sflag:s29], $0x2800  }
0xd8: {  	[sflag:s29] =	ssyncset.done $0x0  }
0xd9: {  	[sflag:s29] =	ssyncadd.s32 $0xFFFFD800  }
0xda: {  	[spmem:s3] =	stream.indirect.scatter.add.f32 [tilespmem:s21], [sflag:$0x9], $0x80, s12, s20, $0xb8;
	[tilespmem:$0x1F400] =	vst v63  }
0xdb: {  	_ =	swait.ge [sflag:s30], $0x2800  }
0xdc: {  	[sflag:s30] =	ssyncset.done $0x0  }
0xdd: {  	[sflag:s30] =	ssyncadd.s32 $0xFFFFD800  }
0xde: {  	[spmem:s3] =	stream.indirect.scatter.add.f32 [tilespmem:s23], [sflag:$0xA], $0x80, s14, s20, $0xb8;
	[tilespmem:$0x1F400] =	vst v63  }
0xdf: {  	_ =	swait.ge [sflag:s31], $0x2800  }
0xe0: {  	[sflag:s31] =	ssyncset.done $0x0  }
0xe1: {  	[sflag:s31] =	ssyncadd.s32 $0xFFFFD800  }
0xe2: {  	[spmem:s3] =	stream.indirect.scatter.add.f32 [tilespmem:s25], [sflag:$0xB], $0x80, s13, s20, $0xb8;
	[tilespmem:$0x1F400] =	vst v63  }
0xe3: {  	_ =	swait.ge [sflag:s0], $0x2800  }
0xe4: {  	[sflag:s0] =	ssyncset.done $0x0  }
0xe5: {  	[sflag:s0] =	ssyncadd.s32 $0xFFFFD800  }
0xe6: {  	[spmem:s3] =	stream.indirect.scatter.add.f32 [tilespmem:s28], [sflag:$0xC], $0x80, s18, s20, $0xb8;
	[tilespmem:$0x1F400] =	vst v63  }
0xe7: {  	_ =	swait.ge [sflag:s2], $0x2800  }
0xe8: {  	s9 =	rddreg [dreg:$0xb];
	[sflag:s2] =	ssyncset.done $0x0  }
0xe9: {  	s10 =	rddreg [dreg:$0xa];
	[sflag:s2] =	ssyncadd.s32 $0xFFFFD800;
	s5 =	sadd.s32 $0x0, s9  }
0xea: {  	[tilespmem:s4], [sflag:$0x1] =	stream.linear.gather [hbm4b:s5+s4], $0x50, $0x38;
	[tilespmem:$0x1F400] =	vst v63  }
0xeb: {  	s10 =	sadd.s32 $0x0, s10  }
0xec: {  	[tilespmem:s12], [sflag:$0x1] =	stream.linear.gather [hbm4b:s10+s4], $0x50, $0x38;
	[tilespmem:$0x1F400] =	vst v63  }
0xed: {  	_ =	swait.ge [sflag:s6], $0x2800  }
0xee: {  	s9 =	rddreg [dreg:$0x9];
	[sflag:s6] =	ssyncset.done $0x0  }
0xef: {  	s10 =	rddreg [dreg:$0x8];
	[sflag:s6] =	ssyncadd.s32 $0xFFFFD800;
	s5 =	sadd.s32 $0x0, s9  }
0xf0: {  	[tilespmem:s11], [sflag:$0x2] =	stream.linear.gather [hbm4b:s5+s4], $0x50, $0x38;
	[tilespmem:$0x1F400] =	vst v63  }
0xf1: {  	s10 =	sadd.s32 $0x0, s10  }
0xf2: {  	[tilespmem:s14], [sflag:$0x2] =	stream.linear.gather [hbm4b:s10+s4], $0x50, $0x38;
	[tilespmem:$0x1F400] =	vst v63  }
0xf3: {  	_ =	swait.ge [sflag:s7], $0x2800  }
0xf4: {  	s9 =	rddreg [dreg:$0x7];
	[sflag:s7] =	ssyncset.done $0x0  }
0xf5: {  	s10 =	rddreg [dreg:$0x6];
	[sflag:s7] =	ssyncadd.s32 $0xFFFFD800;
	s5 =	sadd.s32 $0x0, s9  }
0xf6: {  	[tilespmem:s16], [sflag:$0x3] =	stream.linear.gather [hbm4b:s5+s4], $0x50, $0x38;
	[tilespmem:$0x1F400] =	vst v63  }
0xf7: {  	s10 =	sadd.s32 $0x0, s10  }
0xf8: {  	[tilespmem:s13], [sflag:$0x3] =	stream.linear.gather [hbm4b:s10+s4], $0x50, $0x38;
	[tilespmem:$0x1F400] =	vst v63  }
0xf9: {  	_ =	swait.ge [sflag:s8], $0x2800  }
0xfa: {  	s9 =	rddreg [dreg:$0x5];
	[sflag:s8] =	ssyncset.done $0x0  }
0xfb: {  	s10 =	rddreg [dreg:$0x4];
	[sflag:s8] =	ssyncadd.s32 $0xFFFFD800;
	s5 =	sadd.s32 $0x0, s9  }
0xfc: {  	[tilespmem:s17], [sflag:$0x4] =	stream.linear.gather [hbm4b:s5+s4], $0x50, $0x38;
	[tilespmem:$0x1F400] =	vst v63  }
0xfd: {  	s10 =	sadd.s32 $0x0, s10  }
0xfe: {  	[tilespmem:s18], [sflag:$0x4] =	stream.linear.gather [hbm4b:s10+s4], $0x50, $0x38;
	[tilespmem:$0x1F400] =	vst v63  }
0xff: {  	_ =	swait.ge [sflag:s19], $0x50  }
0x100: {  	[sflag:s19] =	ssyncset.done $0x0  }
0x101: {  	[sflag:s19] =	ssyncadd.s32 $0xFFFFFFB0  }
0x102: {  	_ =	swait.ge [sflag:s19], $0x50  }
0x103: {  	[sflag:s19] =	ssyncset.done $0x0  }
0x104: {  	[sflag:s19] =	ssyncadd.s32 $0xFFFFFFB0  }
0x105: {  	[tilespmem:s21], [sflag:$0x5] =	stream.indirect.gather [hbm4b:s1+s20], $0x80, s4, s20, $0xb8;
	[tilespmem:$0x1F400] =	vst v63  }
0x106: {  	_ =	swait.ge [sflag:s22], $0x50  }
0x107: {  	[sflag:s22] =	ssyncset.done $0x0  }
0x108: {  	[sflag:s22] =	ssyncadd.s32 $0xFFFFFFB0  }
0x109: {  	_ =	swait.ge [sflag:s22], $0x50  }
0x10a: {  	[sflag:s22] =	ssyncset.done $0x0  }
0x10b: {  	[sflag:s22] =	ssyncadd.s32 $0xFFFFFFB0  }
0x10c: {  	[tilespmem:s23], [sflag:$0x6] =	stream.indirect.gather [hbm4b:s1+s20], $0x80, s11, s20, $0xb8;
	[tilespmem:$0x1F400] =	vst v63  }
0x10d: {  	_ =	swait.ge [sflag:s24], $0x50  }
0x10e: {  	[sflag:s24] =	ssyncset.done $0x0  }
0x10f: {  	[sflag:s24] =	ssyncadd.s32 $0xFFFFFFB0  }
0x110: {  	_ =	swait.ge [sflag:s24], $0x50  }
0x111: {  	[sflag:s24] =	ssyncset.done $0x0  }
0x112: {  	[sflag:s24] =	ssyncadd.s32 $0xFFFFFFB0  }
0x113: {  	[tilespmem:s25], [sflag:$0x7] =	stream.indirect.gather [hbm4b:s1+s20], $0x80, s16, s20, $0xb8;
	[tilespmem:$0x1F400] =	vst v63  }
0x114: {  	_ =	swait.ge [sflag:s26], $0x50  }
0x115: {  	[sflag:s26] =	ssyncset.done $0x0  }
0x116: {  	[sflag:s26] =	ssyncadd.s32 $0xFFFFFFB0  }
0x117: {  	_ =	swait.ge [sflag:s26], $0x50  }
0x118: {  	[sflag:s26] =	ssyncset.done $0x0  }
0x119: {  	[sflag:s26] =	ssyncadd.s32 $0xFFFFFFB0  }
0x11a: {  	[tilespmem:s28], [sflag:$0x8] =	stream.indirect.gather [hbm4b:s1+s20], $0x80, s17, s20, $0xb8;
	[tilespmem:$0x1F400] =	vst v63  }
0x11b: {  	_ =	swait.ge [sflag:s29], $0x2800  }
0x11c: {  	[sflag:s29] =	ssyncset.done $0x0  }
0x11d: {  	[sflag:s29] =	ssyncadd.s32 $0xFFFFD800  }
0x11e: {  	[spmem:s3] =	stream.indirect.scatter.add.f32 [tilespmem:s21], [sflag:$0x9], $0x80, s12, s20, $0xb8;
	[tilespmem:$0x1F400] =	vst v63  }
0x11f: {  	_ =	swait.ge [sflag:s30], $0x2800  }
0x120: {  	[sflag:s30] =	ssyncset.done $0x0  }
0x121: {  	[sflag:s30] =	ssyncadd.s32 $0xFFFFD800  }
0x122: {  	[spmem:s3] =	stream.indirect.scatter.add.f32 [tilespmem:s23], [sflag:$0xA], $0x80, s14, s20, $0xb8;
	[tilespmem:$0x1F400] =	vst v63  }
0x123: {  	_ =	swait.ge [sflag:s31], $0x2800  }
0x124: {  	[sflag:s31] =	ssyncset.done $0x0  }
0x125: {  	[sflag:s31] =	ssyncadd.s32 $0xFFFFD800  }
0x126: {  	[spmem:s3] =	stream.indirect.scatter.add.f32 [tilespmem:s25], [sflag:$0xB], $0x80, s13, s20, $0xb8;
	[tilespmem:$0x1F400] =	vst v63  }
0x127: {  	_ =	swait.ge [sflag:s0], $0x2800  }
0x128: {  	[sflag:s0] =	ssyncset.done $0x0  }
0x129: {  	[sflag:s0] =	ssyncadd.s32 $0xFFFFD800  }
0x12a: {  	[spmem:s3] =	stream.indirect.scatter.add.f32 [tilespmem:s28], [sflag:$0xC], $0x80, s18, s20, $0xb8;
	[tilespmem:$0x1F400] =	vst v63  }
0x12b: {  	_ =	swait.ge [sflag:s2], $0x2800  }
0x12c: {  	[sflag:s2] =	ssyncset.done $0x0  }
0x12d: {  	[sflag:s2] =	ssyncadd.s32 $0xFFFFD800  }
0x12e: {  	_ =	swait.ge [sflag:s6], $0x2800  }
0x12f: {  	[sflag:s6] =	ssyncset.done $0x0  }
0x130: {  	[sflag:s6] =	ssyncadd.s32 $0xFFFFD800  }
0x131: {  	_ =	swait.ge [sflag:s7], $0x2800  }
0x132: {  	[sflag:s7] =	ssyncset.done $0x0  }
0x133: {  	[sflag:s7] =	ssyncadd.s32 $0xFFFFD800  }
0x134: {  	s9 =	simm.s32 $0xA0;
	s5 =	simm.s32 $0x50;
	_ =	swait.ge [sflag:s8], $0x2800  }
0x135: {  	s12 =	simm.s32 $0x80;
	s11 =	rddreg [dreg:$0x13];
	[sflag:s8] =	ssyncset.done $0x0  }
.LBB2_4:
0x136: {  	[sflag:s8] =	ssyncadd.s32 $0xFFFFD800;
	s13 =	rddreg [dreg:$0x12];
	s11 =	sadd.s32 s5, s11  }
0x137: {  	[tilespmem:s4], [sflag:$0x1] =	stream.linear.gather [hbm4b:s11+s4], $0x50, $0x38;
	[tilespmem:$0x1F400] =	vst v63  }
0x138: {  	s14 =	rddreg [dreg:$0x11];
	s11 =	sadd.s32 s5, s13  }
0x139: {  	[tilespmem:s15], [sflag:$0x1] =	stream.linear.gather [hbm4b:s11+s4], $0x50, $0x38;
	[tilespmem:$0x1F400] =	vst v63  }
0x13a: {  	s13 =	rddreg [dreg:$0x10];
	s11 =	sadd.s32 s5, s14  }
0x13b: {  	[tilespmem:s12], [sflag:$0x2] =	stream.linear.gather [hbm4b:s11+s4], $0x50, $0x38;
	[tilespmem:$0x1F400] =	vst v63  }
0x13c: {  	s16 =	simm.s32 $0x280;
	s14 =	rddreg [dreg:$0xf];
	s11 =	sadd.s32 s5, s13  }
0x13d: {  	[tilespmem:s16], [sflag:$0x2] =	stream.linear.gather [hbm4b:s11+s4], $0x50, $0x38;
	[tilespmem:$0x1F400] =	vst v63  }
0x13e: {  	s13 =	rddreg [dreg:$0xe];
	s16 =	simm.s32 $0x100;
	s11 =	sadd.s32 s5, s14  }
0x13f: {  	[tilespmem:s16], [sflag:$0x3] =	stream.linear.gather [hbm4b:s11+s4], $0x50, $0x38;
	[tilespmem:$0x1F400] =	vst v63  }
0x140: {  	s17 =	simm.s32 $0x300;
	s14 =	rddreg [dreg:$0xd];
	s11 =	sadd.s32 s5, s13  }
0x141: {  	[tilespmem:s17], [sflag:$0x3] =	stream.linear.gather [hbm4b:s11+s4], $0x50, $0x38;
	[tilespmem:$0x1F400] =	vst v63  }
0x142: {  	s18 =	simm.s32 $0x180;
	s13 =	rddreg [dreg:$0xc];
	s11 =	sadd.s32 s5, s14  }
0x143: {  	[tilespmem:s18], [sflag:$0x4] =	stream.linear.gather [hbm4b:s11+s4], $0x50, $0x38;
	[tilespmem:$0x1F400] =	vst v63  }
0x144: {  	s23 =	simm.s32 $0x380;
	s13 =	sadd.s32 s5, s13  }
0x145: {  	[tilespmem:s23], [sflag:$0x4] =	stream.linear.gather [hbm4b:s13+s4], $0x50, $0x38;
	[tilespmem:$0x1F400] =	vst v63  }
0x146: {  	_ =	swait.ge [sflag:s19], $0x50  }
0x147: {  	[sflag:s19] =	ssyncset.done $0x0  }
0x148: {  	[sflag:s19] =	ssyncadd.s32 $0xFFFFFFB0  }
0x149: {  	_ =	swait.ge [sflag:s19], $0x50  }
0x14a: {  	[sflag:s19] =	ssyncset.done $0x0  }
0x14b: {  	[sflag:s19] =	ssyncadd.s32 $0xFFFFFFB0  }
0x14c: {  	[tilespmem:s21], [sflag:$0x5] =	stream.indirect.gather [hbm4b:s1+s20], $0x80, s4, s20, $0xb8;
	[tilespmem:$0x1F400] =	vst v63  }
0x14d: {  	_ =	swait.ge [sflag:s22], $0x50  }
0x14e: {  	[sflag:s22] =	ssyncset.done $0x0  }
0x14f: {  	[sflag:s22] =	ssyncadd.s32 $0xFFFFFFB0  }
0x150: {  	_ =	swait.ge [sflag:s22], $0x50  }
0x151: {  	[sflag:s22] =	ssyncset.done $0x0  }
0x152: {  	s23 =	simm.s32 $0x2C00;
	[sflag:s22] =	ssyncadd.s32 $0xFFFFFFB0  }
0x153: {  	[tilespmem:s23], [sflag:$0x6] =	stream.indirect.gather [hbm4b:s1+s20], $0x80, s12, s20, $0xb8;
	[tilespmem:$0x1F400] =	vst v63  }
0x154: {  	_ =	swait.ge [sflag:s24], $0x50  }
0x155: {  	[sflag:s24] =	ssyncset.done $0x0  }
0x156: {  	[sflag:s24] =	ssyncadd.s32 $0xFFFFFFB0  }
0x157: {  	_ =	swait.ge [sflag:s24], $0x50  }
0x158: {  	[sflag:s24] =	ssyncset.done $0x0  }
0x159: {  	[sflag:s24] =	ssyncadd.s32 $0xFFFFFFB0  }
0x15a: {  	[tilespmem:s25], [sflag:$0x7] =	stream.indirect.gather [hbm4b:s1+s20], $0x80, s16, s20, $0xb8;
	[tilespmem:$0x1F400] =	vst v63  }
0x15b: {  	_ =	swait.ge [sflag:s26], $0x50  }
0x15c: {  	[sflag:s26] =	ssyncset.done $0x0  }
0x15d: {  	[sflag:s26] =	ssyncadd.s32 $0xFFFFFFB0  }
0x15e: {  	_ =	swait.ge [sflag:s26], $0x50  }
0x15f: {  	[sflag:s26] =	ssyncset.done $0x0  }
0x160: {  	[sflag:s26] =	ssyncadd.s32 $0xFFFFFFB0  }
0x161: {  	[tilespmem:s28], [sflag:$0x8] =	stream.indirect.gather [hbm4b:s1+s20], $0x80, s18, s20, $0xb8;
	[tilespmem:$0x1F400] =	vst v63  }
0x162: {  	_ =	swait.ge [sflag:s29], $0x2800  }
0x163: {  	[sflag:s29] =	ssyncset.done $0x0  }
0x164: {  	[sflag:s29] =	ssyncadd.s32 $0xFFFFD800  }
0x165: {  	[spmem:s3] =	stream.indirect.scatter.add.f32 [tilespmem:s21], [sflag:$0x9], $0x80, s15, s20, $0xb8;
	[tilespmem:$0x1F400] =	vst v63  }
0x166: {  	_ =	swait.ge [sflag:s30], $0x2800  }
0x167: {  	[sflag:s30] =	ssyncset.done $0x0  }
0x168: {  	s14 =	simm.s32 $0x280;
	[sflag:s30] =	ssyncadd.s32 $0xFFFFD800  }
0x169: {  	[spmem:s3] =	stream.indirect.scatter.add.f32 [tilespmem:s23], [sflag:$0xA], $0x80, s14, s20, $0xb8;
	[tilespmem:$0x1F400] =	vst v63  }
0x16a: {  	_ =	swait.ge [sflag:s31], $0x2800  }
0x16b: {  	[sflag:s31] =	ssyncset.done $0x0  }
0x16c: {  	[sflag:s31] =	ssyncadd.s32 $0xFFFFD800  }
0x16d: {  	[spmem:s3] =	stream.indirect.scatter.add.f32 [tilespmem:s25], [sflag:$0xB], $0x80, s17, s20, $0xb8;
	[tilespmem:$0x1F400] =	vst v63  }
0x16e: {  	_ =	swait.ge [sflag:s0], $0x2800  }
0x16f: {  	[sflag:s0] =	ssyncset.done $0x0  }
0x170: {  	s18 =	simm.s32 $0x380;
	[sflag:s0] =	ssyncadd.s32 $0xFFFFD800  }
0x171: {  	[spmem:s3] =	stream.indirect.scatter.add.f32 [tilespmem:s28], [sflag:$0xC], $0x80, s18, s20, $0xb8;
	[tilespmem:$0x1F400] =	vst v63  }
0x172: {  	_ =	swait.ge [sflag:s2], $0x2800  }
0x173: {  	s11 =	rddreg [dreg:$0xb];
	[sflag:s2] =	ssyncset.done $0x0  }
0x174: {  	s13 =	rddreg [dreg:$0xa];
	[sflag:s2] =	ssyncadd.s32 $0xFFFFD800;
	s11 =	sadd.s32 s5, s11  }
0x175: {  	[tilespmem:s4], [sflag:$0x1] =	stream.linear.gather [hbm4b:s11+s4], $0x50, $0x38;
	[tilespmem:$0x1F400] =	vst v63  }
0x176: {  	s13 =	sadd.s32 s5, s13  }
0x177: {  	[tilespmem:s15], [sflag:$0x1] =	stream.linear.gather [hbm4b:s13+s4], $0x50, $0x38;
	[tilespmem:$0x1F400] =	vst v63  }
0x178: {  	_ =	swait.ge [sflag:s6], $0x2800  }
0x179: {  	s11 =	rddreg [dreg:$0x9];
	[sflag:s6] =	ssyncset.done $0x0  }
0x17a: {  	s13 =	rddreg [dreg:$0x8];
	[sflag:s6] =	ssyncadd.s32 $0xFFFFD800;
	s11 =	sadd.s32 s5, s11  }
0x17b: {  	[tilespmem:s12], [sflag:$0x2] =	stream.linear.gather [hbm4b:s11+s4], $0x50, $0x38;
	[tilespmem:$0x1F400] =	vst v63  }
0x17c: {  	s13 =	sadd.s32 s5, s13  }
0x17d: {  	[tilespmem:s14], [sflag:$0x2] =	stream.linear.gather [hbm4b:s13+s4], $0x50, $0x38;
	[tilespmem:$0x1F400] =	vst v63  }
0x17e: {  	_ =	swait.ge [sflag:s7], $0x2800  }
0x17f: {  	s11 =	rddreg [dreg:$0x7];
	[sflag:s7] =	ssyncset.done $0x0  }
0x180: {  	s13 =	rddreg [dreg:$0x6];
	[sflag:s7] =	ssyncadd.s32 $0xFFFFD800;
	s11 =	sadd.s32 s5, s11  }
0x181: {  	[tilespmem:s16], [sflag:$0x3] =	stream.linear.gather [hbm4b:s11+s4], $0x50, $0x38;
	[tilespmem:$0x1F400] =	vst v63  }
0x182: {  	s13 =	sadd.s32 s5, s13  }
0x183: {  	[tilespmem:s17], [sflag:$0x3] =	stream.linear.gather [hbm4b:s13+s4], $0x50, $0x38;
	[tilespmem:$0x1F400] =	vst v63  }
0x184: {  	_ =	swait.ge [sflag:s8], $0x2800  }
0x185: {  	s17 =	simm.s32 $0x180;
	s11 =	rddreg [dreg:$0x5];
	[sflag:s8] =	ssyncset.done $0x0  }
0x186: {  	s13 =	rddreg [dreg:$0x4];
	[sflag:s8] =	ssyncadd.s32 $0xFFFFD800;
	s11 =	sadd.s32 s5, s11  }
0x187: {  	[tilespmem:s17], [sflag:$0x4] =	stream.linear.gather [hbm4b:s11+s4], $0x50, $0x38;
	[tilespmem:$0x1F400] =	vst v63  }
0x188: {  	s11 =	sadd.s32 s5, s13  }
0x189: {  	[tilespmem:s18], [sflag:$0x4] =	stream.linear.gather [hbm4b:s11+s4], $0x50, $0x38;
	[tilespmem:$0x1F400] =	vst v63  }
0x18a: {  	_ =	swait.ge [sflag:s19], $0x50  }
0x18b: {  	[sflag:s19] =	ssyncset.done $0x0  }
0x18c: {  	[sflag:s19] =	ssyncadd.s32 $0xFFFFFFB0  }
0x18d: {  	_ =	swait.ge [sflag:s19], $0x50  }
0x18e: {  	[sflag:s19] =	ssyncset.done $0x0  }
0x18f: {  	[sflag:s19] =	ssyncadd.s32 $0xFFFFFFB0  }
0x190: {  	[tilespmem:s21], [sflag:$0x5] =	stream.indirect.gather [hbm4b:s1+s20], $0x80, s4, s20, $0xb8;
	[tilespmem:$0x1F400] =	vst v63  }
0x191: {  	_ =	swait.ge [sflag:s22], $0x50  }
0x192: {  	[sflag:s22] =	ssyncset.done $0x0  }
0x193: {  	[sflag:s22] =	ssyncadd.s32 $0xFFFFFFB0  }
0x194: {  	_ =	swait.ge [sflag:s22], $0x50  }
0x195: {  	[sflag:s22] =	ssyncset.done $0x0  }
0x196: {  	[sflag:s22] =	ssyncadd.s32 $0xFFFFFFB0  }
0x197: {  	[tilespmem:s23], [sflag:$0x6] =	stream.indirect.gather [hbm4b:s1+s20], $0x80, s12, s20, $0xb8;
	[tilespmem:$0x1F400] =	vst v63  }
0x198: {  	_ =	swait.ge [sflag:s24], $0x50  }
0x199: {  	[sflag:s24] =	ssyncset.done $0x0  }
0x19a: {  	[sflag:s24] =	ssyncadd.s32 $0xFFFFFFB0  }
0x19b: {  	_ =	swait.ge [sflag:s24], $0x50  }
0x19c: {  	[sflag:s24] =	ssyncset.done $0x0  }
0x19d: {  	[sflag:s24] =	ssyncadd.s32 $0xFFFFFFB0  }
0x19e: {  	[tilespmem:s25], [sflag:$0x7] =	stream.indirect.gather [hbm4b:s1+s20], $0x80, s16, s20, $0xb8;
	[tilespmem:$0x1F400] =	vst v63  }
0x19f: {  	_ =	swait.ge [sflag:s26], $0x50  }
0x1a0: {  	[sflag:s26] =	ssyncset.done $0x0  }
0x1a1: {  	[sflag:s26] =	ssyncadd.s32 $0xFFFFFFB0  }
0x1a2: {  	_ =	swait.ge [sflag:s26], $0x50  }
0x1a3: {  	[sflag:s26] =	ssyncset.done $0x0  }
0x1a4: {  	[sflag:s26] =	ssyncadd.s32 $0xFFFFFFB0  }
0x1a5: {  	[tilespmem:s28], [sflag:$0x8] =	stream.indirect.gather [hbm4b:s1+s20], $0x80, s17, s20, $0xb8;
	[tilespmem:$0x1F400] =	vst v63  }
0x1a6: {  	_ =	swait.ge [sflag:s29], $0x2800  }
0x1a7: {  	[sflag:s29] =	ssyncset.done $0x0  }
0x1a8: {  	[sflag:s29] =	ssyncadd.s32 $0xFFFFD800  }
0x1a9: {  	[spmem:s3] =	stream.indirect.scatter.add.f32 [tilespmem:s21], [sflag:$0x9], $0x80, s15, s20, $0xb8;
	[tilespmem:$0x1F400] =	vst v63  }
0x1aa: {  	_ =	swait.ge [sflag:s30], $0x2800  }
0x1ab: {  	[sflag:s30] =	ssyncset.done $0x0  }
0x1ac: {  	[sflag:s30] =	ssyncadd.s32 $0xFFFFD800  }
0x1ad: {  	[spmem:s3] =	stream.indirect.scatter.add.f32 [tilespmem:s23], [sflag:$0xA], $0x80, s14, s20, $0xb8;
	[tilespmem:$0x1F400] =	vst v63  }
0x1ae: {  	_ =	swait.ge [sflag:s31], $0x2800  }
0x1af: {  	[sflag:s31] =	ssyncset.done $0x0  }
0x1b0: {  	s13 =	simm.s32 $0x300;
	[sflag:s31] =	ssyncadd.s32 $0xFFFFD800  }
0x1b1: {  	[spmem:s3] =	stream.indirect.scatter.add.f32 [tilespmem:s25], [sflag:$0xB], $0x80, s13, s20, $0xb8;
	[tilespmem:$0x1F400] =	vst v63  }
0x1b2: {  	_ =	swait.ge [sflag:s0], $0x2800  }
0x1b3: {  	[sflag:s0] =	ssyncset.done $0x0  }
0x1b4: {  	[sflag:s0] =	ssyncadd.s32 $0xFFFFD800  }
0x1b5: {  	[spmem:s3] =	stream.indirect.scatter.add.f32 [tilespmem:s28], [sflag:$0xC], $0x80, s18, s20, $0xb8;
	[tilespmem:$0x1F400] =	vst v63  }
0x1b6: {  	_ =	swait.ge [sflag:s2], $0x2800  }
0x1b7: {  	[sflag:s2] =	ssyncset.done $0x0  }
0x1b8: {  	[sflag:s2] =	ssyncadd.s32 $0xFFFFD800  }
0x1b9: {  	_ =	swait.ge [sflag:s6], $0x2800  }
0x1ba: {  	[sflag:s6] =	ssyncset.done $0x0  }
0x1bb: {  	p0 =	sne.s32 s9, $0x460;
	[sflag:s6] =	ssyncadd.s32 $0xFFFFD800  }
.Ltmp1:
0x1bc: {  	_ =	swait.ge [sflag:s7], $0x2800;
	(pc) =	sbr.rel @p0 .LBB2_4-.Ltmp1, $4  }
0x1bd: {  	[sflag:s7] =	ssyncset.done $0x0  }
0x1be: {  	[sflag:s7] =	ssyncadd.s32 $0xFFFFD800  }
0x1bf: {  	s10 =	smov.u32 s9;
	s9 =	sadd.s32 $0x50, s9;
	_ =	swait.ge [sflag:s8], $0x2800  }
0x1c0: {  	s5 =	smov.u32 s10;
	s11 =	rddreg [dreg:$0x13];
	[sflag:s8] =	ssyncset.done $0x0  }
0x1c1: {  	s9 =	rddreg [dreg:$0x12];
	[sflag:s8] =	ssyncadd.s32 $0xFFFFD800;
	s10 =	sadd.s32 s5, s11  }
0x1c2: {  	[tilespmem:s4], [sflag:$0x1] =	stream.linear.gather [hbm4b:s10+s4], $0x50, $0x38;
	[tilespmem:$0x1F400] =	vst v63  }
0x1c3: {  	s10 =	rddreg [dreg:$0x11];
	s9 =	sadd.s32 s5, s9  }
0x1c4: {  	[tilespmem:s15], [sflag:$0x1] =	stream.linear.gather [hbm4b:s9+s4], $0x50, $0x38;
	[tilespmem:$0x1F400] =	vst v63  }
0x1c5: {  	s11 =	rddreg [dreg:$0x10];
	s10 =	sadd.s32 s5, s10  }
0x1c6: {  	[tilespmem:s12], [sflag:$0x2] =	stream.linear.gather [hbm4b:s10+s4], $0x50, $0x38;
	[tilespmem:$0x1F400] =	vst v63  }
0x1c7: {  	s9 =	sadd.s32 s5, s11;
	s10 =	rddreg [dreg:$0xf]  }
0x1c8: {  	[tilespmem:s14], [sflag:$0x2] =	stream.linear.gather [hbm4b:s9+s4], $0x50, $0x38;
	[tilespmem:$0x1F400] =	vst v63  }
0x1c9: {  	s11 =	rddreg [dreg:$0xe];
	s10 =	sadd.s32 s5, s10  }
0x1ca: {  	[tilespmem:s16], [sflag:$0x3] =	stream.linear.gather [hbm4b:s10+s4], $0x50, $0x38;
	[tilespmem:$0x1F400] =	vst v63  }
0x1cb: {  	s9 =	sadd.s32 s5, s11;
	s10 =	rddreg [dreg:$0xd]  }
0x1cc: {  	[tilespmem:s13], [sflag:$0x3] =	stream.linear.gather [hbm4b:s9+s4], $0x50, $0x38;
	[tilespmem:$0x1F400] =	vst v63  }
0x1cd: {  	s11 =	rddreg [dreg:$0xc];
	s10 =	sadd.s32 s5, s10  }
0x1ce: {  	[tilespmem:s17], [sflag:$0x4] =	stream.linear.gather [hbm4b:s10+s4], $0x50, $0x38;
	[tilespmem:$0x1F400] =	vst v63  }
0x1cf: {  	s9 =	sadd.s32 s5, s11  }
0x1d0: {  	[tilespmem:s18], [sflag:$0x4] =	stream.linear.gather [hbm4b:s9+s4], $0x50, $0x38;
	[tilespmem:$0x1F400] =	vst v63  }
0x1d1: {  	_ =	swait.ge [sflag:s19], $0x50  }
0x1d2: {  	[sflag:s19] =	ssyncset.done $0x0  }
0x1d3: {  	[sflag:s19] =	ssyncadd.s32 $0xFFFFFFB0  }
0x1d4: {  	_ =	swait.ge [sflag:s19], $0x50  }
0x1d5: {  	[sflag:s19] =	ssyncset.done $0x0  }
0x1d6: {  	[sflag:s19] =	ssyncadd.s32 $0xFFFFFFB0  }
0x1d7: {  	[tilespmem:s21], [sflag:$0x5] =	stream.indirect.gather [hbm4b:s1+s20], $0x80, s4, s20, $0xb8;
	[tilespmem:$0x1F400] =	vst v63  }
0x1d8: {  	_ =	swait.ge [sflag:s22], $0x50  }
0x1d9: {  	[sflag:s22] =	ssyncset.done $0x0  }
0x1da: {  	[sflag:s22] =	ssyncadd.s32 $0xFFFFFFB0  }
0x1db: {  	_ =	swait.ge [sflag:s22], $0x50  }
0x1dc: {  	[sflag:s22] =	ssyncset.done $0x0  }
0x1dd: {  	[sflag:s22] =	ssyncadd.s32 $0xFFFFFFB0  }
0x1de: {  	[tilespmem:s23], [sflag:$0x6] =	stream.indirect.gather [hbm4b:s1+s20], $0x80, s12, s20, $0xb8;
	[tilespmem:$0x1F400] =	vst v63  }
0x1df: {  	_ =	swait.ge [sflag:s24], $0x50  }
0x1e0: {  	[sflag:s24] =	ssyncset.done $0x0  }
0x1e1: {  	[sflag:s24] =	ssyncadd.s32 $0xFFFFFFB0  }
0x1e2: {  	_ =	swait.ge [sflag:s24], $0x50  }
0x1e3: {  	[sflag:s24] =	ssyncset.done $0x0  }
0x1e4: {  	[sflag:s24] =	ssyncadd.s32 $0xFFFFFFB0  }
0x1e5: {  	[tilespmem:s25], [sflag:$0x7] =	stream.indirect.gather [hbm4b:s1+s20], $0x80, s16, s20, $0xb8;
	[tilespmem:$0x1F400] =	vst v63  }
0x1e6: {  	_ =	swait.ge [sflag:s26], $0x50  }
0x1e7: {  	[sflag:s26] =	ssyncset.done $0x0  }
0x1e8: {  	[sflag:s26] =	ssyncadd.s32 $0xFFFFFFB0  }
0x1e9: {  	_ =	swait.ge [sflag:s26], $0x50  }
0x1ea: {  	[sflag:s26] =	ssyncset.done $0x0  }
0x1eb: {  	[sflag:s26] =	ssyncadd.s32 $0xFFFFFFB0  }
0x1ec: {  	[tilespmem:s28], [sflag:$0x8] =	stream.indirect.gather [hbm4b:s1+s20], $0x80, s17, s20, $0xb8;
	[tilespmem:$0x1F400] =	vst v63  }
0x1ed: {  	_ =	swait.ge [sflag:s29], $0x2800  }
0x1ee: {  	[sflag:s29] =	ssyncset.done $0x0  }
0x1ef: {  	[sflag:s29] =	ssyncadd.s32 $0xFFFFD800  }
0x1f0: {  	[spmem:s3] =	stream.indirect.scatter.add.f32 [tilespmem:s21], [sflag:$0x9], $0x80, s15, s20, $0xb8;
	[tilespmem:$0x1F400] =	vst v63  }
0x1f1: {  	_ =	swait.ge [sflag:s30], $0x2800  }
0x1f2: {  	[sflag:s30] =	ssyncset.done $0x0  }
0x1f3: {  	[sflag:s30] =	ssyncadd.s32 $0xFFFFD800  }
0x1f4: {  	[spmem:s3] =	stream.indirect.scatter.add.f32 [tilespmem:s23], [sflag:$0xA], $0x80, s14, s20, $0xb8;
	[tilespmem:$0x1F400] =	vst v63  }
0x1f5: {  	_ =	swait.ge [sflag:s31], $0x2800  }
0x1f6: {  	[sflag:s31] =	ssyncset.done $0x0  }
0x1f7: {  	[sflag:s31] =	ssyncadd.s32 $0xFFFFD800  }
0x1f8: {  	[spmem:s3] =	stream.indirect.scatter.add.f32 [tilespmem:s25], [sflag:$0xB], $0x80, s13, s20, $0xb8;
	[tilespmem:$0x1F400] =	vst v63  }
0x1f9: {  	_ =	swait.ge [sflag:s0], $0x2800  }
0x1fa: {  	[sflag:s0] =	ssyncset.done $0x0  }
0x1fb: {  	[sflag:s0] =	ssyncadd.s32 $0xFFFFD800  }
0x1fc: {  	[spmem:s3] =	stream.indirect.scatter.add.f32 [tilespmem:s28], [sflag:$0xC], $0x80, s18, s20, $0xb8;
	[tilespmem:$0x1F400] =	vst v63  }
0x1fd: {  	_ =	swait.ge [sflag:s2], $0x2800  }
0x1fe: {  	s10 =	rddreg [dreg:$0xb];
	[sflag:s2] =	ssyncset.done $0x0  }
0x1ff: {  	s11 =	rddreg [dreg:$0xa];
	[sflag:s2] =	ssyncadd.s32 $0xFFFFD800;
	s9 =	sadd.s32 s5, s10  }
0x200: {  	[tilespmem:s4], [sflag:$0x1] =	stream.linear.gather [hbm4b:s9+s4], $0x50, $0x38;
	[tilespmem:$0x1F400] =	vst v63  }
0x201: {  	s11 =	sadd.s32 s5, s11  }
0x202: {  	[tilespmem:s15], [sflag:$0x1] =	stream.linear.gather [hbm4b:s11+s4], $0x50, $0x38;
	[tilespmem:$0x1F400] =	vst v63  }
0x203: {  	_ =	swait.ge [sflag:s6], $0x2800  }
0x204: {  	s10 =	rddreg [dreg:$0x9];
	[sflag:s6] =	ssyncset.done $0x0  }
0x205: {  	s11 =	rddreg [dreg:$0x8];
	[sflag:s6] =	ssyncadd.s32 $0xFFFFD800;
	s9 =	sadd.s32 s5, s10  }
0x206: {  	[tilespmem:s12], [sflag:$0x2] =	stream.linear.gather [hbm4b:s9+s4], $0x50, $0x38;
	[tilespmem:$0x1F400] =	vst v63  }
0x207: {  	s11 =	sadd.s32 s5, s11  }
0x208: {  	[tilespmem:s14], [sflag:$0x2] =	stream.linear.gather [hbm4b:s11+s4], $0x50, $0x38;
	[tilespmem:$0x1F400] =	vst v63  }
0x209: {  	_ =	swait.ge [sflag:s7], $0x2800  }
0x20a: {  	s10 =	rddreg [dreg:$0x7];
	[sflag:s7] =	ssyncset.done $0x0  }
0x20b: {  	s11 =	rddreg [dreg:$0x6];
	[sflag:s7] =	ssyncadd.s32 $0xFFFFD800;
	s9 =	sadd.s32 s5, s10  }
0x20c: {  	[tilespmem:s16], [sflag:$0x3] =	stream.linear.gather [hbm4b:s9+s4], $0x50, $0x38;
	[tilespmem:$0x1F400] =	vst v63  }
0x20d: {  	s11 =	sadd.s32 s5, s11  }
0x20e: {  	[tilespmem:s13], [sflag:$0x3] =	stream.linear.gather [hbm4b:s11+s4], $0x50, $0x38;
	[tilespmem:$0x1F400] =	vst v63  }
0x20f: {  	_ =	swait.ge [sflag:s8], $0x2800  }
0x210: {  	s10 =	rddreg [dreg:$0x5];
	[sflag:s8] =	ssyncset.done $0x0  }
0x211: {  	s11 =	rddreg [dreg:$0x4];
	[sflag:s8] =	ssyncadd.s32 $0xFFFFD800;
	s9 =	sadd.s32 s5, s10  }
0x212: {  	[tilespmem:s17], [sflag:$0x4] =	stream.linear.gather [hbm4b:s9+s4], $0x50, $0x38;
	[tilespmem:$0x1F400] =	vst v63  }
0x213: {  	s9 =	sadd.s32 s5, s11  }
0x214: {  	[tilespmem:s18], [sflag:$0x4] =	stream.linear.gather [hbm4b:s9+s4], $0x50, $0x38;
	[tilespmem:$0x1F400] =	vst v63  }
0x215: {  	_ =	swait.ge [sflag:s19], $0x50  }
0x216: {  	[sflag:s19] =	ssyncset.done $0x0  }
0x217: {  	[sflag:s19] =	ssyncadd.s32 $0xFFFFFFB0  }
0x218: {  	_ =	swait.ge [sflag:s19], $0x50  }
0x219: {  	[sflag:s19] =	ssyncset.done $0x0  }
0x21a: {  	[sflag:s19] =	ssyncadd.s32 $0xFFFFFFB0  }
0x21b: {  	[tilespmem:s21], [sflag:$0x5] =	stream.indirect.gather [hbm4b:s1+s20], $0x80, s4, s20, $0xb8;
	[tilespmem:$0x1F400] =	vst v63  }
0x21c: {  	_ =	swait.ge [sflag:s22], $0x50  }
0x21d: {  	[sflag:s22] =	ssyncset.done $0x0  }
0x21e: {  	[sflag:s22] =	ssyncadd.s32 $0xFFFFFFB0  }
0x21f: {  	_ =	swait.ge [sflag:s22], $0x50  }
0x220: {  	[sflag:s22] =	ssyncset.done $0x0  }
0x221: {  	[sflag:s22] =	ssyncadd.s32 $0xFFFFFFB0  }
0x222: {  	[tilespmem:s23], [sflag:$0x6] =	stream.indirect.gather [hbm4b:s1+s20], $0x80, s12, s20, $0xb8;
	[tilespmem:$0x1F400] =	vst v63  }
0x223: {  	_ =	swait.ge [sflag:s24], $0x50  }
0x224: {  	[sflag:s24] =	ssyncset.done $0x0  }
0x225: {  	[sflag:s24] =	ssyncadd.s32 $0xFFFFFFB0  }
0x226: {  	_ =	swait.ge [sflag:s24], $0x50  }
0x227: {  	[sflag:s24] =	ssyncset.done $0x0  }
0x228: {  	[sflag:s24] =	ssyncadd.s32 $0xFFFFFFB0  }
0x229: {  	[tilespmem:s25], [sflag:$0x7] =	stream.indirect.gather [hbm4b:s1+s20], $0x80, s16, s20, $0xb8;
	[tilespmem:$0x1F400] =	vst v63  }
0x22a: {  	_ =	swait.ge [sflag:s26], $0x50  }
0x22b: {  	[sflag:s26] =	ssyncset.done $0x0  }
0x22c: {  	[sflag:s26] =	ssyncadd.s32 $0xFFFFFFB0  }
0x22d: {  	_ =	swait.ge [sflag:s26], $0x50  }
0x22e: {  	[sflag:s26] =	ssyncset.done $0x0  }
0x22f: {  	[sflag:s26] =	ssyncadd.s32 $0xFFFFFFB0  }
0x230: {  	[tilespmem:s28], [sflag:$0x8] =	stream.indirect.gather [hbm4b:s1+s20], $0x80, s17, s20, $0xb8;
	[tilespmem:$0x1F400] =	vst v63  }
0x231: {  	_ =	swait.ge [sflag:s29], $0x2800  }
0x232: {  	[sflag:s29] =	ssyncset.done $0x0  }
0x233: {  	[sflag:s29] =	ssyncadd.s32 $0xFFFFD800  }
0x234: {  	[spmem:s3] =	stream.indirect.scatter.add.f32 [tilespmem:s21], [sflag:$0x9], $0x80, s15, s20, $0xb8;
	[tilespmem:$0x1F400] =	vst v63  }
0x235: {  	_ =	swait.ge [sflag:s30], $0x2800  }
0x236: {  	[sflag:s30] =	ssyncset.done $0x0  }
0x237: {  	[sflag:s30] =	ssyncadd.s32 $0xFFFFD800  }
0x238: {  	[spmem:s3] =	stream.indirect.scatter.add.f32 [tilespmem:s23], [sflag:$0xA], $0x80, s14, s20, $0xb8;
	[tilespmem:$0x1F400] =	vst v63  }
0x239: {  	_ =	swait.ge [sflag:s31], $0x2800  }
0x23a: {  	[sflag:s31] =	ssyncset.done $0x0  }
0x23b: {  	[sflag:s31] =	ssyncadd.s32 $0xFFFFD800  }
0x23c: {  	[spmem:s3] =	stream.indirect.scatter.add.f32 [tilespmem:s25], [sflag:$0xB], $0x80, s13, s20, $0xb8;
	[tilespmem:$0x1F400] =	vst v63  }
0x23d: {  	_ =	swait.ge [sflag:s0], $0x2800  }
0x23e: {  	[sflag:s0] =	ssyncset.done $0x0  }
0x23f: {  	[sflag:s0] =	ssyncadd.s32 $0xFFFFD800  }
0x240: {  	[spmem:s3] =	stream.indirect.scatter.add.f32 [tilespmem:s28], [sflag:$0xC], $0x80, s18, s20, $0xb8;
	[tilespmem:$0x1F400] =	vst v63  }
0x241: {  	_ =	swait.ge [sflag:s2], $0x2800  }
0x242: {  	[sflag:s2] =	ssyncset.done $0x0  }
0x243: {  	[sflag:s2] =	ssyncadd.s32 $0xFFFFD800  }
0x244: {  	_ =	swait.ge [sflag:s6], $0x2800  }
0x245: {  	[sflag:s6] =	ssyncset.done $0x0  }
0x246: {  	[sflag:s6] =	ssyncadd.s32 $0xFFFFD800  }
0x247: {  	_ =	swait.ge [sflag:s7], $0x2800  }
0x248: {  	[sflag:s7] =	ssyncset.done $0x0  }
0x249: {  	[sflag:s7] =	ssyncadd.s32 $0xFFFFD800  }
0x24a: {  	_ =	swait.ge [sflag:s8], $0x2800  }
0x24b: {  	[sflag:s8] =	ssyncset.done $0x0  }
0x24c: {  	s10 =	rddreg [dreg:$0x1b];
	[sflag:s8] =	ssyncadd.s32 $0xFFFFD800  }
0x24d: {  	[tilespmem:s4], [sflag:$0x1] =	stream.linear.gather [hbm4b:s10+s4], $0x50, $0x38;
	[tilespmem:$0x1F400] =	vst v63  }
0x24e: {  	s11 =	rddreg [dreg:$0x1c]  }
0x24f: {  	[tilespmem:s15], [sflag:$0x1] =	stream.linear.gather [hbm4b:s11+s4], $0x50, $0x38;
	[tilespmem:$0x1F400] =	vst v63  }
0x250: {  	_ =	swait.ge [sflag:s19], $0x50  }
0x251: {  	[sflag:s19] =	ssyncset.done $0x0  }
0x252: {  	[sflag:s19] =	ssyncadd.s32 $0xFFFFFFB0  }
0x253: {  	_ =	swait.ge [sflag:s19], $0x50  }
0x254: {  	[sflag:s19] =	ssyncset.done $0x0  }
0x255: {  	[sflag:s19] =	ssyncadd.s32 $0xFFFFFFB0  }
0x256: {  	[tilespmem:s21], [sflag:$0x5] =	stream.indirect.gather [hbm4b:s1+s20], $0x80, s4, s20, $0xb8;
	[tilespmem:$0x1F400] =	vst v63  }
0x257: {  	_ =	swait.ge [sflag:s29], $0x2800  }
0x258: {  	[sflag:s29] =	ssyncset.done $0x0  }
0x259: {  	[sflag:s29] =	ssyncadd.s32 $0xFFFFD800  }
0x25a: {  	[spmem:s3] =	stream.indirect.scatter.add.f32 [tilespmem:s21], [sflag:$0x9], $0x80, s15, s20, $0xb8;
	[tilespmem:$0x1F400] =	vst v63  }
0x25b: {  	_ =	swait.ge [sflag:s2], $0x2800  }
0x25c: {  	[sflag:s2] =	ssyncset.done $0x0  }
0x25d: {  	s12 =	rddreg [dreg:$0x1d];
	[sflag:s2] =	ssyncadd.s32 $0xFFFFD800  }
0x25e: {  	[tilespmem:s4], [sflag:$0x1] =	stream.linear.gather [hbm4b:s12+s4], $0x50, $0x38;
	[tilespmem:$0x1F400] =	vst v63  }
0x25f: {  	s13 =	rddreg [dreg:$0x1e]  }
0x260: {  	[tilespmem:s15], [sflag:$0x1] =	stream.linear.gather [hbm4b:s13+s4], $0x50, $0x38;
	[tilespmem:$0x1F400] =	vst v63  }
0x261: {  	_ =	swait.ge [sflag:s19], $0x50  }
0x262: {  	[sflag:s19] =	ssyncset.done $0x0  }
0x263: {  	[sflag:s19] =	ssyncadd.s32 $0xFFFFFFB0  }
0x264: {  	_ =	swait.ge [sflag:s19], $0x50  }
0x265: {  	[sflag:s19] =	ssyncset.done $0x0  }
0x266: {  	[sflag:s19] =	ssyncadd.s32 $0xFFFFFFB0  }
0x267: {  	[tilespmem:s21], [sflag:$0x5] =	stream.indirect.gather [hbm4b:s1+s20], $0x80, s4, s20, $0xb8;
	[tilespmem:$0x1F400] =	vst v63  }
0x268: {  	_ =	swait.ge [sflag:s29], $0x2800  }
0x269: {  	[sflag:s29] =	ssyncset.done $0x0  }
0x26a: {  	[sflag:s29] =	ssyncadd.s32 $0xFFFFD800  }
0x26b: {  	[spmem:s3] =	stream.indirect.scatter.add.f32 [tilespmem:s21], [sflag:$0x9], $0x80, s15, s20, $0xb8;
	[tilespmem:$0x1F400] =	vst v63  }
0x26c: {  	_ =	swait.ge [sflag:s2], $0x2800  }
0x26d: {  	[sflag:s2] =	ssyncset.done $0x0;
	s9 =	rddreg [dreg:$0x1f]  }
0x26e: {  	s10 =	sld [smem:$0x7EA];
	[sflag:s2] =	ssyncadd.s32 $0xFFFFD800  }
0x26f: {  	[tilespmem:s4], [sflag:$0x1] =	stream.linear.gather [hbm4b:s9+s4], $0x50, $0x38;
	[tilespmem:$0x1F400] =	vst v63  }
0x270: {  	_ = 	snop  }
0x271: {  	[tilespmem:s15], [sflag:$0x1] =	stream.linear.gather [hbm4b:s10+s4], $0x50, $0x38;
	[tilespmem:$0x1F400] =	vst v63  }
0x272: {  	_ =	swait.ge [sflag:s19], $0x50  }
0x273: {  	[sflag:s19] =	ssyncset.done $0x0  }
0x274: {  	[sflag:s19] =	ssyncadd.s32 $0xFFFFFFB0  }
0x275: {  	_ =	swait.ge [sflag:s19], $0x50  }
0x276: {  	[sflag:s19] =	ssyncset.done $0x0  }
0x277: {  	[sflag:s19] =	ssyncadd.s32 $0xFFFFFFB0  }
0x278: {  	[tilespmem:s21], [sflag:$0x5] =	stream.indirect.gather [hbm4b:s1+s20], $0x80, s4, s20, $0xb8;
	[tilespmem:$0x1F400] =	vst v63  }
0x279: {  	_ =	swait.ge [sflag:s29], $0x2800  }
0x27a: {  	[sflag:s29] =	ssyncset.done $0x0  }
0x27b: {  	[sflag:s29] =	ssyncadd.s32 $0xFFFFD800  }
0x27c: {  	[spmem:s3] =	stream.indirect.scatter.add.f32 [tilespmem:s21], [sflag:$0x9], $0x80, s15, s20, $0xb8;
	[tilespmem:$0x1F400] =	vst v63  }
0x27d: {  	_ =	swait.ge [sflag:s2], $0x2800  }
0x27e: {  	s11 =	sld [smem:$0x7EB]  }
0x27f: {  	[sflag:s2] =	ssyncset.done $0x0  }
0x280: {  	s12 =	sld [smem:$0x7EC];
	[sflag:s2] =	ssyncadd.s32 $0xFFFFD800  }
0x281: {  	[tilespmem:s4], [sflag:$0x1] =	stream.linear.gather [hbm4b:s11+s4], $0x50, $0x38;
	[tilespmem:$0x1F400] =	vst v63  }
0x282: {  	_ = 	snop  }
0x283: {  	[tilespmem:s15], [sflag:$0x1] =	stream.linear.gather [hbm4b:s12+s4], $0x50, $0x38;
	[tilespmem:$0x1F400] =	vst v63  }
0x284: {  	_ =	swait.ge [sflag:s19], $0x50  }
0x285: {  	[sflag:s19] =	ssyncset.done $0x0  }
0x286: {  	[sflag:s19] =	ssyncadd.s32 $0xFFFFFFB0  }
0x287: {  	_ =	swait.ge [sflag:s19], $0x50  }
0x288: {  	[sflag:s19] =	ssyncset.done $0x0  }
0x289: {  	[sflag:s19] =	ssyncadd.s32 $0xFFFFFFB0  }
0x28a: {  	[tilespmem:s21], [sflag:$0x5] =	stream.indirect.gather [hbm4b:s1+s20], $0x80, s4, s20, $0xb8;
	[tilespmem:$0x1F400] =	vst v63  }
0x28b: {  	_ =	swait.ge [sflag:s29], $0x2800  }
0x28c: {  	[sflag:s29] =	ssyncset.done $0x0  }
0x28d: {  	[sflag:s29] =	ssyncadd.s32 $0xFFFFD800  }
0x28e: {  	[spmem:s3] =	stream.indirect.scatter.add.f32 [tilespmem:s21], [sflag:$0x9], $0x80, s15, s20, $0xb8;
	[tilespmem:$0x1F400] =	vst v63  }
0x28f: {  	_ =	swait.ge [sflag:s2], $0x2800  }
0x290: {  	s13 =	sld [smem:$0x7EE]  }
0x291: {  	[sflag:s2] =	ssyncset.done $0x0  }
0x292: {  	s9 =	sld [smem:$0x7ED];
	[sflag:s2] =	ssyncadd.s32 $0xFFFFD800  }
0x293: {  	[tilespmem:s4], [sflag:$0x1] =	stream.linear.gather [hbm4b:s13+s4], $0x50, $0x38;
	[tilespmem:$0x1F400] =	vst v63  }
0x294: {  	_ = 	snop  }
0x295: {  	[tilespmem:s15], [sflag:$0x1] =	stream.linear.gather [hbm4b:s9+s4], $0x50, $0x38;
	[tilespmem:$0x1F400] =	vst v63  }
0x296: {  	_ =	swait.ge [sflag:s19], $0x50  }
0x297: {  	[sflag:s19] =	ssyncset.done $0x0  }
0x298: {  	[sflag:s19] =	ssyncadd.s32 $0xFFFFFFB0  }
0x299: {  	_ =	swait.ge [sflag:s19], $0x50  }
0x29a: {  	[sflag:s19] =	ssyncset.done $0x0  }
0x29b: {  	[sflag:s19] =	ssyncadd.s32 $0xFFFFFFB0  }
0x29c: {  	[tilespmem:s21], [sflag:$0x5] =	stream.indirect.gather [hbm4b:s1+s20], $0x80, s4, s20, $0xb8;
	[tilespmem:$0x1F400] =	vst v63  }
0x29d: {  	_ =	swait.ge [sflag:s29], $0x2800  }
0x29e: {  	[sflag:s29] =	ssyncset.done $0x0  }
0x29f: {  	[sflag:s29] =	ssyncadd.s32 $0xFFFFD800  }
0x2a0: {  	[spmem:s3] =	stream.indirect.scatter.add.f32 [tilespmem:s21], [sflag:$0x9], $0x80, s15, s20, $0xb8;
	[tilespmem:$0x1F400] =	vst v63  }
0x2a1: {  	_ =	swait.ge [sflag:s2], $0x2800  }
0x2a2: {  	[sflag:s2] =	ssyncset.done $0x0  }
0x2a3: {  	[sflag:s2] =	ssyncadd.s32 $0xFFFFD800  }
0x2a4: {  	[bflag:$0x0] =	sbarrier.arrive $0xFFFF  }
0x2a5: {  	s10 =	stileid.u32;
	s12 =	sld [smem:$0x7F1]  }
0x2a6: {  	s5 =	sshll.u32 s10, $0x6;
	s13 =	rddreg [dreg:$0x14]  }
0x2a7: {  	s10 =	simm.s32 $0xD;
	s5 =	sor.u32 $0x1C0D, s5;
	s11 =	sshrl.u32 s13, $0x3  }
0x2a8: {  	[hbm:s12], [sflag:s5] =	dma.local [spmem:s11], $0x2800  }
0x2a9: {  	_ =	swait.ge [sflag:s10], $0x2800  }
0x2aa: {  	s11 =	sld [smem:$0x7E9]  }
0x2ab: {  	s12 =	sld [smem:$0x7F2];
	_ =	sdelay $0x1  }
0x2ac: {  	s9 =	sadd.s32 $0x1, s11  }
0x2ad: {  	p0 =	sne.s32 s9, s12  }
.Ltmp2:
0x2ae: {  	_ = 	snop;
	(pc) =	sbr.rel @p0 .LBB2_1-.Ltmp2, $3  }
0x2af: {  	_ =	sdelay $0x1  }
0x2b0: {  	[sflag:s10] =	ssyncset.done $0x0  }
0x2b1: {  	[sflag:s10] =	ssyncadd.s32 $0xFFFFD800;
	s11 =	simm.s32 $0x80;
	s12 =	simm.s32 $0x200  }
0x2b2: {  	_ =	sfence.sel $0x180000  }
0x2b3: {  	[bflag:$0x0] =	sbarrier.arrive $0xFFFF  }
0x2b4: {  	_ =	strace $0x9000004A  }
0x2b5: {  	s0 =	stileid.u32;
	[bflag:$0x2] =	sbarrier.arrive $0xFFFF  }
0x2b6: {  	p0 =	sne.s32 s0, $0x0;
	s0 =	rddreg [dreg:$0x3]  }
0x2b7: {  	s0 =	sadd.s32 @!p0 $0x100000, s0  }
0x2b8: {  	[sflag:s0] =	ssyncadd.tile.s32 @!p0 $0x1;
	_ =	shalt  }
.Lfunc_end2:
_tile_overlayer_lowered:
.L_overlay_start_2:
0x2b9: {  	(tag) =	ssettag $0x2  }
0x2ba: {  	s0 =	rddreg [dreg:$0x0];
	s2 =	stileid.u32  }
0x2bb: {  	s1 =	rddreg [dreg:$0x1];
	p0 =	sne.s32 s2, $0x0  }
0x2bc: {  	s3 =	rddreg [dreg:$0x2];
	[bflag:$0x3] =	sbarrier.arrive $0xFFFF;
	s2 =	simm.s32 @!p0 $0x1C0D  }
0x2bd: {  	[timem:s3], [sflag:s2] =	dma.local @!p0 [hbm:s0], s1  }
0x2be: {  	s0 =	simm.s32 @!p0 $0xD  }
0x2bf: {  	_ =	swait.ge @!p0 [sflag:s0], s1  }
0x2c0: {  	s1 =	ssub.s32 @!p0 $0x0, s1;
	[sflag:s0] =	ssyncset.done @!p0 $0x0  }
0x2c1: {  	[sflag:s0] =	ssyncadd.s32 @!p0 s1  }
0x2c2: {  	[bflag:$0x3] =	sbarrier.arrive $0xFFFF  }
0x2c3: {  	_ =	shalt  }

// kernel: kernel.15.cloned.1.call-start
scs
__scs_entry_jumppad:
0x0: {  	(pc) =	sbr.rel $0x88, $3  }
0x1: {  	(tag) =	ssettag $0x0;
	lr =	simm.s32 $0x1  }
0x2: {  	[smem:$0x3F9B] =	sst lr;
	_ =	strace $0xD0000000  }
0x3: {  	_ = 	snop  }
0x4: {  	_ = 	snop  }
0x5: {  	_ = 	snop  }
0x6: {  	_ = 	snop  }
0x7: {  	_ = 	snop  }
__scs_overlays_trampoline_lowered:
0x8: {  	[smem:$0x3FAA] =	sst s0  }
0x9: {  	[smem:$0x3FAB] =	sst s1  }
0xa: {  	[smem:$0x3FAC] =	sst s2  }
0xb: {  	[smem:$0x3FAD] =	sst s3  }
0xc: {  	[smem:$0x3FAE] =	sst s4  }
0xd: {  	[smem:$0x3FAF] =	sst s5  }
0xe: {  	[smem:$0x3FB0] =	sst s6  }
0xf: {  	[smem:$0x3FB1] =	sst s7  }
0x10: {  	[smem:$0x3FB2] =	sst s8  }
0x11: {  	[smem:$0x3FB3] =	sst s9;
	s0 =	simm.s32 @!p0 $0x0  }
0x12: {  	s1 =	sld [smem:$0x3F99];
	s0 =	simm.s32 @p0 $0x1  }
0x13: {  	[smem:$0x3FB4] =	sst s0;
	s0 =	simm.s32 @!p1 $0x0  }
0x14: {  	s2 =	sld [smem:$0x3F98];
	s0 =	simm.s32 @p1 $0x1  }
0x15: {  	[smem:$0x3FB5] =	sst s0;
	s0 =	simm.s32 @!p2 $0x0  }
0x16: {  	s3 =	sld [smem:$0x3FDB];
	s0 =	simm.s32 @p2 $0x1  }
0x17: {  	s4 =	simm.s32 $0x1BF5;
	[smem:$0x3FB7] =	sst s0  }
0x18: {  	s0 =	sld [smem:$0x3F9A];
	_ =	swait.ge [sflag:s4], $0x0  }
0x19: {  	s7 =	sld [smem:$0x3F9B]  }
0x1a: {  	s8 =	sadd.s32 $0xFFFFE003, lr  }
0x1b: {  	s9 =	sadd.s32 $0xFFFFFEF7, lr;
	s5 =	simm.s32 $0xFFFFFFFF;
	p2 =	slt.u32 s8, $0xFFFFF086  }
0x1c: {  	p1 =	slt.u32 s9, $0xF7A;
	s5 =	simm.s32 @!p2 $0x0  }
0x1d: {  	s5 =	simm.s32 @p1 $0x1;
	p0 =	seq.s32 s7, s2  }
0x1e: {  	s7 =	smul.u32 @!p0 $0xF7A, s2;
	p2 =	seq.s32 @!p0 s5, $0x0  }
0x1f: {  	s9 =	smul.u32 $0xF7A, s1;
	s8 =	simm.s32 @!p0 $0x1BF5;
	p2 =	por !p2, p0  }
0x20: {  	[sflag:s8] =	ssyncset.s32 @!p0 $0xFFFFF086;
	s6 =	sadd.s32 @!p0 s3, s7;
	s7 =	simm.s32 @!p0 $0x108  }
0x21: {  	s3 =	sadd.s32 s3, s9;
	s6 =	sadd.s32 @!p0 $0x88, s6;
	s7 =	simm.s32 @p2 $0x1082  }
0x22: {  	[simem:s7], [sflag:s8] =	dma.local @!p0 [hbm:s6], $0xF7A  }
0x23: {  	s9 =	sor.u32 $0xD0000000, s2;
	s6 =	simm.s32 $0x108;
	_ =	swait.ge @!p0 [sflag:s8], $0x0  }
0x24: {  	s3 =	sadd.s32 $0x88, s3;
	s6 =	simm.s32 @!p1 $0x1082;
	[sflag:s4] =	ssyncset.s32 $0xFFFFF086  }
0x25: {  	[simem:s6], [sflag:s4] =	dma.local [hbm:s3], $0xF7A  }
0x26: {  	[smem:$0x3F9B] =	sst s1;
	(tag) =	ssettag s2;
	_ =	strace s9  }
0x27: {  	s1 =	sld [smem:$0x3FAB]  }
0x28: {  	s2 =	sld [smem:$0x3FAC]  }
0x29: {  	s4 =	sld [smem:$0x3FAE]  }
0x2a: {  	p0 =	seq.s32 s5, $0x0;
	s5 =	sld [smem:$0x3FAF]  }
0x2b: {  	s6 =	sld [smem:$0x3FB0]  }
0x2c: {  	s7 =	sld [smem:$0x3FB1]  }
0x2d: {  	s3 =	simm.s32 $0x108;
	s8 =	sld [smem:$0x3FB2]  }
0x2e: {  	s3 =	simm.s32 @!p0 $0x1082;
	s9 =	sld [smem:$0x3FB3]  }
0x2f: {  	lr =	sadd.s32 s0, s3;
	s0 =	sld [smem:$0x3FAA]  }
0x30: {  	s3 =	sld [smem:$0x3FAD]  }
0x31: {  	[smem:$0x3FB6] =	sst s10  }
0x32: {  	s10 =	sld [smem:$0x3FB4];
	_ =	sdelay $0x3  }
0x33: {  	p0 =	seq.s32 s10, $0x1;
	s10 =	sld [smem:$0x3FB6];
	_ =	sdelay $0x3  }
0x34: {  	[smem:$0x3FB6] =	sst s10  }
0x35: {  	s10 =	sld [smem:$0x3FB5];
	_ =	sdelay $0x3  }
0x36: {  	p1 =	seq.s32 s10, $0x1;
	s10 =	sld [smem:$0x3FB6];
	_ =	sdelay $0x3  }
0x37: {  	[smem:$0x3FB6] =	sst s10  }
0x38: {  	s10 =	sld [smem:$0x3FB7]  }
0x39: {  	_ = 	snop;
	(pc) =	sbr.ind lr, $3  }
0x3a: {  	_ = 	snop  }
0x3b: {  	_ = 	snop  }
0x3c: {  	p2 =	seq.s32 s10, $0x1;
	s10 =	sld [smem:$0x3FB6]  }
0x3d: {  	_ =	shalt  }
0x3e: {  	_ =	shalt  }
0x3f: {  	_ =	shalt  }
0x40: {  	_ =	shalt  }
0x41: {  	_ =	shalt  }
0x42: {  	_ =	shalt  }
0x43: {  	_ =	shalt  }
0x44: {  	_ =	shalt  }
0x45: {  	_ =	shalt  }
0x46: {  	_ =	shalt  }
0x47: {  	_ =	shalt  }
0x48: {  	_ =	shalt  }
0x49: {  	_ =	shalt  }
0x4a: {  	_ =	shalt  }
0x4b: {  	_ =	shalt  }
0x4c: {  	_ =	shalt  }
0x4d: {  	_ =	shalt  }
0x4e: {  	_ =	shalt  }
0x4f: {  	_ =	shalt  }
0x50: {  	_ =	shalt  }
0x51: {  	_ =	shalt  }
0x52: {  	_ =	shalt  }
0x53: {  	_ =	shalt  }
0x54: {  	_ =	shalt  }
0x55: {  	_ =	shalt  }
0x56: {  	_ =	shalt  }
0x57: {  	_ =	shalt  }
0x58: {  	_ =	shalt  }
0x59: {  	_ =	shalt  }
0x5a: {  	_ =	shalt  }
0x5b: {  	_ =	shalt  }
0x5c: {  	_ =	shalt  }
0x5d: {  	_ =	shalt  }
0x5e: {  	_ =	shalt  }
0x5f: {  	_ =	shalt  }
0x60: {  	_ =	shalt  }
0x61: {  	_ =	shalt  }
0x62: {  	_ =	shalt  }
0x63: {  	_ =	shalt  }
0x64: {  	_ =	shalt  }
0x65: {  	_ =	shalt  }
0x66: {  	_ =	shalt  }
0x67: {  	_ =	shalt  }
0x68: {  	_ =	shalt  }
0x69: {  	_ =	shalt  }
0x6a: {  	_ =	shalt  }
0x6b: {  	_ =	shalt  }
0x6c: {  	_ =	shalt  }
0x6d: {  	_ =	shalt  }
0x6e: {  	_ =	shalt  }
0x6f: {  	_ =	shalt  }
0x70: {  	_ =	shalt  }
0x71: {  	_ =	shalt  }
0x72: {  	_ =	shalt  }
0x73: {  	_ =	shalt  }
0x74: {  	_ =	shalt  }
0x75: {  	_ =	shalt  }
0x76: {  	_ =	shalt  }
0x77: {  	_ =	shalt  }
0x78: {  	_ =	shalt  }
0x79: {  	_ =	shalt  }
0x7a: {  	_ =	shalt  }
0x7b: {  	_ =	shalt  }
0x7c: {  	_ =	shalt  }
0x7d: {  	_ =	shalt  }
0x7e: {  	_ =	shalt  }
0x7f: {  	_ =	shalt  }
0x80: {  	_ =	shalt  }
0x81: {  	_ =	shalt  }
0x82: {  	_ =	shalt  }
0x83: {  	_ =	shalt  }
0x84: {  	_ =	shalt  }
0x85: {  	_ =	shalt  }
0x86: {  	_ =	shalt  }
0x87: {  	_ =	shalt  }
.Lfunc_end0:
.L_simem_size_0:
called_computation.2_lowered:
.L_overlay_start_0:
0x88: {  	s2 =	sld [smem:$0x3FD9]  }
0x89: {  	s3 =	sld [smem:$0x3FFE];
	_ =	sdelay $0x1  }
0x8a: {  	s1 =	srdreg.scid  }
0x8b: {  	s0 =	sand.u32 $0x1, s1  }
0x8c: {  	s17 =	sshll.u32 s0, $0xA;
	s2 =	sadd.s32 s3, s2  }
0x8d: {  	s2 =	sadd.s32 s2, s17  }
0x8e: {  	[smem:$0x3FC2] =	sst s2  }
0x8f: {  	_ = 	snop  }
0x90: {  	s2 =	sld [smem:$0x3FD0];
	(tm) =	ssettm $0x1  }
0x91: {  	s18 =	sld [smem:$0x3FFB];
	_ =	sdelay $0x3  }
0x92: {  	_ =	strace s18  }
0x93: {  	s3 =	sld [smem:$0x3FFC];
	_ =	sdelay $0x3  }
0x94: {  	_ =	strace s3  }
0x95: {  	s3 =	sld [smem:$0x3FFD];
	_ =	sdelay $0x3  }
0x96: {  	_ =	strace s3  }
0x97: {  	_ =	strace $0x8FFFFFFF  }
0x98: {  	s19 =	sld [smem:$0x3FDB];
	_ =	sdelay $0x1  }
0x99: {  	s4 =	simm.s32 $_scs_section_size  }
0x9a: {  	s5 =	simm.s32 $_size__tile_overlayer_lowered;
	s6 =	simm.s32 $_tile_overlayer_lowered  }
0x9b: {  	s22 =	simm.s32 $0x1BFF;
	s21 =	sshll.u32 s6, $0x1;
	s3 =	sadd.s32 s4, s19  }
0x9c: {  	s7 =	simm.s32 $0x0;
	s20 =	sshll.u32 s5, $0x1;
	s5 =	sadd.s32 s21, s3  }
0x9d: {  	[timem:s7], [sflag:s22] =	dma.local [hbm:s5], s20  }
0x9e: {  	_ =	swait.ge [sflag:s22], s20  }
0x9f: {  	s4 =	ssub.s32 $0x0, s20;
	[sflag:s22] =	ssyncset.done $0x0  }
0xa0: {  	[sflag:s22] =	ssyncadd.s32 s4;
	_ =	sdelay $0x1  }
0xa1: {  	s23 =	simm.s32 $0x1B8B  }
0xa2: {  	_ =	swait.ge [sflag:s23], $0x1  }
0xa3: {  	[sflag:s23] =	ssyncset.done $0x0  }
0xa4: {  	s25 =	simm.s32 $0x1B8E;
	s24 =	sld [smem:$0x3FFE];
	[sflag:s23] =	ssyncadd.s32 $0xFFFFFFFF  }
0xa5: {  	s26 =	simm.s32 $execute0_lowered;
	[smem:$0x3FD2] =	sst s25  }
0xa6: {  	s5 =	sshll.u32 s26, $0x1;
	_ =	strace $0x8000004C;
	[dreg:$0x1] =	wrdreg $0xFFFFFFFF  }
0xa7: {  	s28 =	simm.s32 $_size_execute0_lowered;
	s3 =	sadd.s32 s3, s5;
	[dreg:$0x0] =	wrdreg $0x0  }
0xa8: {  	s5 =	sshll.u32 s28, $0x1;
	[dreg:$0x2] =	wrdreg s3  }
0xa9: {  	[dreg:$0x3] =	wrdreg s5  }
0xaa: {  	[dreg:$0x4] =	wrdreg $0xC0  }
0xab: {  	_ =	task [dreg:s7], $0x5FFFF  }
0xac: {  	[dreg:$0x1] =	wrdreg $0xFFFFFFFF  }
0xad: {  	[dreg:$0x0] =	wrdreg $0x60  }
0xae: {  	[dreg:$0x2] =	wrdreg s2  }
0xaf: {  	[dreg:$0x3] =	wrdreg s24  }
0xb0: {  	[dreg:$0x4] =	wrdreg $0xB4000  }
0xb1: {  	[dreg:$0x5] =	wrdreg $0x9  }
0xb2: {  	_ =	task.clear_ibuf [dreg:s7], $0x6FFFF;
	_ =	strace $0x9000004C  }
0xb3: {  	s29 =	simm.s32 $0x9;
	_ =	strace $0x8000004E  }
0xb4: {  	_ =	swait.ge [sflag:s29], $0x1  }
0xb5: {  	[sflag:s29] =	ssyncadd.s32 $0xFFFFFFFF  }
0xb6: {  	_ =	strace $0x9000004E  }
0xb7: {  	_ =	sfence  }
0xb8: {  	s30 =	sld [smem:$0x0];
	_ =	sdelay $0x2  }
0xb9: {  	s31 =	sshll.u32 s1, $0xD;
	s1 =	sshrl.u32 s1, $0x2  }
0xba: {  	s3 =	sand.u32 $0x4000, s31;
	s1 =	sadd.s32 s1, s30  }
0xbb: {  	s0 =	sor.u32 s3, s0;
	s1 =	sshll.u32 s1, $0x11  }
0xbc: {  	s0 =	sor.u32 s1, s0  }
0xbd: {  	s0 =	sadd.s32 $0x8F2B, s0  }
0xbe: {  	[sflag:s0] =	ssyncadd.remote.s32 $0x1  }
0xbf: {  	_ =	sfence.sel $0xFFFF  }
0xc0: {  	[dreg:$0x0] =	wrdreg $0xFFFFFFFF;
	(pc) =	sbr.abs _section_cstart, $3  }
0xc1: {  	[dreg:$0x1] =	wrdreg $0xFFFFFFFF  }
0xc2: {  	_ =	task.clear_ibuf [dreg:s7], $0x2FFFF;
	_ =	strace $0x9FFFFFFF  }
0xc3: {  	(tm) =	ssettm $0x7FFFFFFF  }
tec
execute0_lowered:
.L_overlay_start_1:
0x0: {  	(tag) =	ssettag $0x1  }
0x1: {  	s1 =	rddreg [dreg:$0x0]  }
0x2: {  	s2 =	rddreg [dreg:$0x1]  }
0x3: {  	s3 =	rddreg [dreg:$0x2];
	s0 =	srdreg.scid  }
0x4: {  	s11 =	stileid.u32;
	s4 =	simm.s32 $0x0;
	s28 =	simm.s32 $0x7C00  }
0x5: {  	s29 =	simm.s32 $0x5;
	s30 =	simm.s32 $0x6;
	s6 =	smul.u32 $0x2800, s11  }
0x6: {  	s7 =	sand.u32 $0x1, s0;
	[smem:$0x7FF] =	sst s4;
	s25 =	smul.u32 $0x50000, s11  }
0x7: {  	s0 =	sadd.s32 $0x2000, s2;
	s5 =	sadd.s32 $0xBE00, s2;
	s8 =	smul.u32 $0x28000, s7  }
0x8: {  	s9 =	sshll.u32 s11, $0x1;
	s12 =	smul.u32 $0x4E20, s11;
	_ =	strace $0x8000004D  }
0x9: {  	s26 =	ssub.s32 $0x2, s7;
	s6 =	sadd.s32 s6, s8;
	s8 =	sshrl.u32 s25, $0x2  }
0xa: {  	s9 =	sor.u32 s7, s9;
	s10 =	sshrl.u32 s26, $0x1;
	s13 =	sadd.s32 s8, s3  }
0xb: {  	s2 =	sadd.s32 s6, s2;
	s8 =	sadd.s32 $0x1000, s13;
	[dreg:$0x14] =	wrdreg s13  }
0xc: {  	s6 =	ssub.s32 s26, s10;
	s10 =	sadd.s32 $0x2000, s13;
	[dreg:$0x15] =	wrdreg s8  }
0xd: {  	s7 =	smul.u32 $0x2710, s7;
	s14 =	sadd.s32 $0x3000, s13;
	[dreg:$0x16] =	wrdreg s10  }
0xe: {  	s9 =	smul.u32 $0x2710, s9;
	s15 =	sadd.s32 $0x4000, s13;
	[dreg:$0x17] =	wrdreg s14  }
0xf: {  	s7 =	sadd.s32 s7, s12;
	s16 =	sadd.s32 $0x5000, s13;
	[dreg:$0x18] =	wrdreg s15  }
0x10: {  	s9 =	sshrl.u32 s9, $0x3;
	s18 =	sadd.s32 $0x6000, s13;
	[dreg:$0x19] =	wrdreg s16  }
0x11: {  	s17 =	sadd.s32 $0x4B0, s9;
	s11 =	sadd.s32 $0x7000, s13;
	[dreg:$0x1a] =	wrdreg s18  }
0x12: {  	s22 =	sadd.s32 $0x230, s7;
	s19 =	sadd.s32 s0, s17;
	[smem:$0x7EF] =	sst s11  }
0x13: {  	s21 =	sadd.s32 $0x4BA, s9;
	s20 =	sadd.s32 s5, s17;
	[dreg:$0x1b] =	wrdreg s19  }
0x14: {  	s12 =	sadd.s32 $0x1E0, s7;
	s23 =	sadd.s32 s0, s21;
	[dreg:$0x1c] =	wrdreg s20  }
0x15: {  	s24 =	sshrl.u32 s22, $0x3;
	s8 =	sadd.s32 s5, s21;
	[dreg:$0x1d] =	wrdreg s23  }
0x16: {  	s26 =	sshrl.u32 s12, $0x3;
	s25 =	sadd.s32 s24, s5;
	[dreg:$0x1e] =	wrdreg s8  }
0x17: {  	s31 =	simm.s32 $0x7;
	s12 =	sadd.s32 s26, s5;
	[dreg:$0x4] =	wrdreg s25  }
0x18: {  	s22 =	sadd.s32 $0xF0, s7;
	s15 =	sadd.s32 s26, s0;
	[dreg:$0x6] =	wrdreg s12  }
0x19: {  	s14 =	sadd.s32 $0x190, s7;
	s8 =	sadd.s32 s24, s0;
	[dreg:$0x7] =	wrdreg s15  }
0x1a: {  	s16 =	sshrl.u32 s14, $0x3;
	s12 =	sadd.s32 $0x8000, s13;
	[dreg:$0x5] =	wrdreg s8  }
0x1b: {  	s18 =	sadd.s32 $0x140, s7;
	s17 =	sadd.s32 s16, s5;
	[smem:$0x7F0] =	sst s12  }
0x1c: {  	s20 =	sshrl.u32 s18, $0x3;
	s19 =	sadd.s32 s16, s0;
	[dreg:$0x8] =	wrdreg s17  }
0x1d: {  	s10 =	sadd.s32 $0x4C4, s9;
	s21 =	sadd.s32 s20, s5;
	[dreg:$0x9] =	wrdreg s19  }
0x1e: {  	s24 =	sshrl.u32 s22, $0x3;
	s23 =	sadd.s32 s20, s0;
	[dreg:$0xa] =	wrdreg s21  }
0x1f: {  	s26 =	sadd.s32 $0xA0, s7;
	s25 =	sadd.s32 s24, s5;
	[dreg:$0xb] =	wrdreg s23  }
0x20: {  	s15 =	sshrl.u32 s26, $0x3;
	s14 =	sadd.s32 s24, s0;
	[dreg:$0xc] =	wrdreg s25  }
0x21: {  	s11 =	simm.s32 $0x80;
	s16 =	sadd.s32 s15, s5;
	[dreg:$0xd] =	wrdreg s14  }
0x22: {  	s18 =	sadd.s32 s15, s0;
	s20 =	sadd.s32 s0, s10;
	[dreg:$0xe] =	wrdreg s16  }
0x23: {  	s10 =	sadd.s32 s5, s10;
	s24 =	sadd.s32 $0x4CE, s9;
	[dreg:$0x1f] =	wrdreg s20  }
0x24: {  	s9 =	sadd.s32 $0x4D8, s9;
	s15 =	smax.u32 s6, $0x1;
	[dreg:$0xf] =	wrdreg s18  }
0x25: {  	s12 =	simm.s32 $0x200;
	s6 =	simm.s32 $0xA;
	[smem:$0x7EA] =	sst s10  }
0x26: {  	s8 =	simm.s32 $0xC;
	s25 =	sadd.s32 s0, s24;
	[smem:$0x7F2] =	sst s15  }
0x27: {  	s17 =	sadd.s32 $0x50, s7;
	s26 =	sadd.s32 s5, s24;
	[smem:$0x7EB] =	sst s25  }
0x28: {  	s7 =	sshrl.u32 s7, $0x3;
	s10 =	sadd.s32 s0, s9;
	[smem:$0x7EC] =	sst s26  }
0x29: {  	s14 =	sadd.s32 $0x15C00, s2;
	s16 =	sadd.s32 $0x9000, s13;
	[smem:$0x7EE] =	sst s10  }
0x2a: {  	s18 =	sadd.s32 $0xB000, s13;
	s20 =	sadd.s32 $0xD000, s13;
	[smem:$0x7F1] =	sst s14  }
0x2b: {  	s24 =	sadd.s32 $0x11000, s13;
	s2 =	simm.s32 $0x9;
	[smem:$0x7F3] =	sst s16  }
0x2c: {  	s15 =	simm.s32 $0x200;
	s19 =	sshrl.u32 s17, $0x3;
	[smem:$0x7F5] =	sst s18  }
0x2d: {  	s23 =	sadd.s32 s7, s5;
	s17 =	sadd.s32 $0xA000, s13;
	[smem:$0x7F7] =	sst s20  }
0x2e: {  	[smem:$0x7FB] =	sst s24;
	s25 =	sadd.s32 $0x12000, s13;
	s26 =	sadd.s32 $0x13000, s13  }
0x2f: {  	s10 =	simm.s32 $0xD;
	s14 =	simm.s32 $0x280;
	[dreg:$0x12] =	wrdreg s23  }
0x30: {  	s16 =	simm.s32 $0x100;
	s18 =	simm.s32 $0x380;
	[smem:$0x7F4] =	sst s17  }
0x31: {  	s20 =	simm.s32 $0x50;
	s24 =	simm.s32 $0x3;
	[smem:$0x7FC] =	sst s25  }
0x32: {  	s21 =	sadd.s32 s19, s5;
	s22 =	sadd.s32 s19, s0;
	[smem:$0x7FD] =	sst s26  }
0x33: {  	s5 =	sadd.s32 s5, s9;
	s0 =	sadd.s32 s7, s0;
	[dreg:$0x10] =	wrdreg s21  }
0x34: {  	s19 =	sadd.s32 $0xC000, s13;
	s23 =	sadd.s32 $0x10000, s13;
	[dreg:$0x11] =	wrdreg s22  }
0x35: {  	s17 =	simm.s32 $0x180;
	s25 =	simm.s32 $0x5400;
	[smem:$0x7ED] =	sst s5  }
0x36: {  	s26 =	simm.s32 $0x4;
	s7 =	simm.s32 $0xB;
	[dreg:$0x13] =	wrdreg s0  }
0x37: {  	s9 =	simm.s32 $0x0;
	[smem:$0x7F6] =	sst s19;
	s21 =	sadd.s32 $0xE000, s13  }
0x38: {  	s22 =	sadd.s32 $0xF000, s13;
	[smem:$0x7FA] =	sst s23;
	s19 =	simm.s32 $0x1  }
0x39: {  	s23 =	simm.s32 $0x2C00;
	s0 =	simm.s32 $0x8;
	[smem:$0x7F8] =	sst s21  }
0x3a: {  	v0 =	vimm.f32 $0.0e+00;
	[smem:$0x7F9] =	sst s22;
	s21 =	simm.s32 $0x400;
	s22 =	simm.s32 $0x2  }
.LBB2_1:
0x3b: {  	[smem:$0x7E9] =	sst s9;
	s5 =	simm.s32 $0x0;
	s9 =	simm.s32 $0x200  }
.LBB2_2:
0x3c: {  	p0 =	sne.s32 s9, $0x3E00;
	[tilespmem:s5+$0xA470] =	vst v0  }
0x3d: {  	[tilespmem:s5+$0xA400] =	vst v0  }
0x3e: {  	[tilespmem:s5+$0xA410] =	vst v0  }
.Ltmp0:
0x3f: {  	[tilespmem:s5+$0xA420] =	vst v0;
	(pc) =	sbr.rel @p0 .LBB2_2-.Ltmp0, $4  }
0x40: {  	[tilespmem:s5+$0xA430] =	vst v0  }
0x41: {  	[tilespmem:s5+$0xA440] =	vst v0  }
0x42: {  	[tilespmem:s5+$0xA450] =	vst v0  }
0x43: {  	[tilespmem:s5+$0xA460] =	vst v0;
	s5 =	sshra.s32 s9, $0x2;
	s9 =	sadd.s32 $0x200, s9  }
0x44: {  	[tilespmem:s5+$0xA470] =	vst v0  }
0x45: {  	[tilespmem:s5+$0xA400] =	vst v0  }
0x46: {  	[tilespmem:s5+$0xA410] =	vst v0  }
0x47: {  	[tilespmem:s5+$0xA420] =	vst v0  }
0x48: {  	[tilespmem:s5+$0xA430] =	vst v0  }
0x49: {  	[tilespmem:s5+$0xA440] =	vst v0  }
0x4a: {  	[tilespmem:s5+$0xA450] =	vst v0  }
0x4b: {  	[tilespmem:s5+$0xA460] =	vst v0;
	s9 =	simm.s32 $0xA400  }
0x4c: {  	[spmem:s13] =	stream.linear.scatter [tilespmem:s9], [sflag:$0xD], $0x1000, $0x38;
	[tilespmem:$0x1F400] =	vst v63  }
0x4d: {  	_ =	swait.ge [sflag:s10], $0x1000  }
0x4e: {  	[sflag:s10] =	ssyncset.done $0x0  }
0x4f: {  	s13 =	rddreg [dreg:$0x15];
	[sflag:s10] =	ssyncadd.s32 $0xFFFFF000  }
0x50: {  	[spmem:s13] =	stream.linear.scatter [tilespmem:s9], [sflag:$0xD], $0x1000, $0x38;
	[tilespmem:$0x1F400] =	vst v63  }
0x51: {  	_ =	swait.ge [sflag:s10], $0x1000  }
0x52: {  	[sflag:s10] =	ssyncset.done $0x0  }
0x53: {  	s13 =	rddreg [dreg:$0x16];
	[sflag:s10] =	ssyncadd.s32 $0xFFFFF000  }
0x54: {  	[spmem:s13] =	stream.linear.scatter [tilespmem:s9], [sflag:$0xD], $0x1000, $0x38;
	[tilespmem:$0x1F400] =	vst v63  }
0x55: {  	_ =	swait.ge [sflag:s10], $0x1000  }
0x56: {  	[sflag:s10] =	ssyncset.done $0x0  }
0x57: {  	s13 =	rddreg [dreg:$0x17];
	[sflag:s10] =	ssyncadd.s32 $0xFFFFF000  }
0x58: {  	[spmem:s13] =	stream.linear.scatter [tilespmem:s9], [sflag:$0xD], $0x1000, $0x38;
	[tilespmem:$0x1F400] =	vst v63  }
0x59: {  	_ =	swait.ge [sflag:s10], $0x1000  }
0x5a: {  	[sflag:s10] =	ssyncset.done $0x0  }
0x5b: {  	s13 =	rddreg [dreg:$0x18];
	[sflag:s10] =	ssyncadd.s32 $0xFFFFF000  }
0x5c: {  	[spmem:s13] =	stream.linear.scatter [tilespmem:s9], [sflag:$0xD], $0x1000, $0x38;
	[tilespmem:$0x1F400] =	vst v63  }
0x5d: {  	_ =	swait.ge [sflag:s10], $0x1000  }
0x5e: {  	[sflag:s10] =	ssyncset.done $0x0  }
0x5f: {  	s13 =	rddreg [dreg:$0x19];
	[sflag:s10] =	ssyncadd.s32 $0xFFFFF000  }
0x60: {  	[spmem:s13] =	stream.linear.scatter [tilespmem:s9], [sflag:$0xD], $0x1000, $0x38;
	[tilespmem:$0x1F400] =	vst v63  }
0x61: {  	_ =	swait.ge [sflag:s10], $0x1000  }
0x62: {  	[sflag:s10] =	ssyncset.done $0x0  }
0x63: {  	s13 =	rddreg [dreg:$0x1a];
	[sflag:s10] =	ssyncadd.s32 $0xFFFFF000  }
0x64: {  	[spmem:s13] =	stream.linear.scatter [tilespmem:s9], [sflag:$0xD], $0x1000, $0x38;
	[tilespmem:$0x1F400] =	vst v63  }
0x65: {  	_ =	swait.ge [sflag:s10], $0x1000  }
0x66: {  	s13 =	sld [smem:$0x7EF]  }
0x67: {  	[sflag:s10] =	ssyncset.done $0x0  }
0x68: {  	[sflag:s10] =	ssyncadd.s32 $0xFFFFF000  }
0x69: {  	[spmem:s13] =	stream.linear.scatter [tilespmem:s9], [sflag:$0xD], $0x1000, $0x38;
	[tilespmem:$0x1F400] =	vst v63  }
0x6a: {  	_ =	swait.ge [sflag:s10], $0x1000  }
0x6b: {  	s13 =	sld [smem:$0x7F0]  }
0x6c: {  	[sflag:s10] =	ssyncset.done $0x0  }
0x6d: {  	[sflag:s10] =	ssyncadd.s32 $0xFFFFF000  }
0x6e: {  	[spmem:s13] =	stream.linear.scatter [tilespmem:s9], [sflag:$0xD], $0x1000, $0x38;
	[tilespmem:$0x1F400] =	vst v63  }
0x6f: {  	_ =	swait.ge [sflag:s10], $0x1000  }
0x70: {  	s13 =	sld [smem:$0x7F3]  }
0x71: {  	[sflag:s10] =	ssyncset.done $0x0  }
0x72: {  	[sflag:s10] =	ssyncadd.s32 $0xFFFFF000  }
0x73: {  	[spmem:s13] =	stream.linear.scatter [tilespmem:s9], [sflag:$0xD], $0x1000, $0x38;
	[tilespmem:$0x1F400] =	vst v63  }
0x74: {  	_ =	swait.ge [sflag:s10], $0x1000  }
0x75: {  	s13 =	sld [smem:$0x7F4]  }
0x76: {  	[sflag:s10] =	ssyncset.done $0x0  }
0x77: {  	[sflag:s10] =	ssyncadd.s32 $0xFFFFF000  }
0x78: {  	[spmem:s13] =	stream.linear.scatter [tilespmem:s9], [sflag:$0xD], $0x1000, $0x38;
	[tilespmem:$0x1F400] =	vst v63  }
0x79: {  	_ =	swait.ge [sflag:s10], $0x1000  }
0x7a: {  	s13 =	sld [smem:$0x7F5]  }
0x7b: {  	[sflag:s10] =	ssyncset.done $0x0  }
0x7c: {  	[sflag:s10] =	ssyncadd.s32 $0xFFFFF000  }
0x7d: {  	[spmem:s13] =	stream.linear.scatter [tilespmem:s9], [sflag:$0xD], $0x1000, $0x38;
	[tilespmem:$0x1F400] =	vst v63  }
0x7e: {  	_ =	swait.ge [sflag:s10], $0x1000  }
0x7f: {  	s13 =	sld [smem:$0x7F6]  }
0x80: {  	[sflag:s10] =	ssyncset.done $0x0  }
0x81: {  	[sflag:s10] =	ssyncadd.s32 $0xFFFFF000  }
0x82: {  	[spmem:s13] =	stream.linear.scatter [tilespmem:s9], [sflag:$0xD], $0x1000, $0x38;
	[tilespmem:$0x1F400] =	vst v63  }
0x83: {  	_ =	swait.ge [sflag:s10], $0x1000  }
0x84: {  	s13 =	sld [smem:$0x7F7]  }
0x85: {  	[sflag:s10] =	ssyncset.done $0x0  }
0x86: {  	[sflag:s10] =	ssyncadd.s32 $0xFFFFF000  }
0x87: {  	[spmem:s13] =	stream.linear.scatter [tilespmem:s9], [sflag:$0xD], $0x1000, $0x38;
	[tilespmem:$0x1F400] =	vst v63  }
0x88: {  	_ =	swait.ge [sflag:s10], $0x1000  }
0x89: {  	s13 =	sld [smem:$0x7F8]  }
0x8a: {  	[sflag:s10] =	ssyncset.done $0x0  }
0x8b: {  	[sflag:s10] =	ssyncadd.s32 $0xFFFFF000  }
0x8c: {  	[spmem:s13] =	stream.linear.scatter [tilespmem:s9], [sflag:$0xD], $0x1000, $0x38;
	[tilespmem:$0x1F400] =	vst v63  }
0x8d: {  	_ =	swait.ge [sflag:s10], $0x1000  }
0x8e: {  	s13 =	sld [smem:$0x7F9]  }
0x8f: {  	[sflag:s10] =	ssyncset.done $0x0  }
0x90: {  	[sflag:s10] =	ssyncadd.s32 $0xFFFFF000  }
0x91: {  	[spmem:s13] =	stream.linear.scatter [tilespmem:s9], [sflag:$0xD], $0x1000, $0x38;
	[tilespmem:$0x1F400] =	vst v63  }
0x92: {  	_ =	swait.ge [sflag:s10], $0x1000  }
0x93: {  	s13 =	sld [smem:$0x7FA]  }
0x94: {  	[sflag:s10] =	ssyncset.done $0x0  }
0x95: {  	[sflag:s10] =	ssyncadd.s32 $0xFFFFF000  }
0x96: {  	[spmem:s13] =	stream.linear.scatter [tilespmem:s9], [sflag:$0xD], $0x1000, $0x38;
	[tilespmem:$0x1F400] =	vst v63  }
0x97: {  	_ =	swait.ge [sflag:s10], $0x1000  }
0x98: {  	s13 =	sld [smem:$0x7FB]  }
0x99: {  	[sflag:s10] =	ssyncset.done $0x0  }
0x9a: {  	[sflag:s10] =	ssyncadd.s32 $0xFFFFF000  }
0x9b: {  	[spmem:s13] =	stream.linear.scatter [tilespmem:s9], [sflag:$0xD], $0x1000, $0x38;
	[tilespmem:$0x1F400] =	vst v63  }
0x9c: {  	_ =	swait.ge [sflag:s10], $0x1000  }
0x9d: {  	s13 =	sld [smem:$0x7FC]  }
0x9e: {  	[sflag:s10] =	ssyncset.done $0x0  }
0x9f: {  	[sflag:s10] =	ssyncadd.s32 $0xFFFFF000  }
0xa0: {  	[spmem:s13] =	stream.linear.scatter [tilespmem:s9], [sflag:$0xD], $0x1000, $0x38;
	[tilespmem:$0x1F400] =	vst v63  }
0xa1: {  	_ =	swait.ge [sflag:s10], $0x1000  }
0xa2: {  	s13 =	sld [smem:$0x7FD]  }
0xa3: {  	[sflag:s10] =	ssyncset.done $0x0  }
0xa4: {  	[sflag:s10] =	ssyncadd.s32 $0xFFFFF000  }
0xa5: {  	[spmem:s13] =	stream.linear.scatter [tilespmem:s9], [sflag:$0xD], $0x1000, $0x38;
	[tilespmem:$0x1F400] =	vst v63  }
0xa6: {  	_ =	swait.ge [sflag:s10], $0x1000  }
0xa7: {  	[sflag:s10] =	ssyncset.done $0x0  }
0xa8: {  	[sflag:s10] =	ssyncadd.s32 $0xFFFFF000  }
0xa9: {  	[bflag:$0x0] =	sbarrier.arrive $0xFFFF  }
0xaa: {  	s10 =	rddreg [dreg:$0x13]  }
0xab: {  	s13 =	rddreg [dreg:$0x12];
	s5 =	sadd.s32 $0x0, s10  }
0xac: {  	[tilespmem:s4], [sflag:$0x1] =	stream.linear.gather [hbm4b:s5+s4], $0x50, $0x38;
	[tilespmem:$0x1F400] =	vst v63  }
0xad: {  	s10 =	rddreg [dreg:$0x11];
	s13 =	sadd.s32 $0x0, s13  }
0xae: {  	[tilespmem:s12], [sflag:$0x1] =	stream.linear.gather [hbm4b:s13+s4], $0x50, $0x38;
	[tilespmem:$0x1F400] =	vst v63  }
0xaf: {  	s9 =	rddreg [dreg:$0x10];
	s13 =	sadd.s32 $0x0, s10  }
0xb0: {  	[tilespmem:s11], [sflag:$0x2] =	stream.linear.gather [hbm4b:s13+s4], $0x50, $0x38;
	[tilespmem:$0x1F400] =	vst v63  }
0xb1: {  	s10 =	rddreg [dreg:$0xf];
	s13 =	sadd.s32 $0x0, s9  }
0xb2: {  	[tilespmem:s14], [sflag:$0x2] =	stream.linear.gather [hbm4b:s13+s4], $0x50, $0x38;
	[tilespmem:$0x1F400] =	vst v63  }
0xb3: {  	s9 =	rddreg [dreg:$0xe];
	s13 =	sadd.s32 $0x0, s10  }
0xb4: {  	[tilespmem:s16], [sflag:$0x3] =	stream.linear.gather [hbm4b:s13+s4], $0x50, $0x38;
	[tilespmem:$0x1F400] =	vst v63  }
0xb5: {  	s5 =	sadd.s32 $0x0, s9;
	s10 =	rddreg [dreg:$0xd];
	s13 =	simm.s32 $0x300  }
0xb6: {  	[tilespmem:s13], [sflag:$0x3] =	stream.linear.gather [hbm4b:s5+s4], $0x50, $0x38;
	[tilespmem:$0x1F400] =	vst v63  }
0xb7: {  	s9 =	rddreg [dreg:$0xc];
	s10 =	sadd.s32 $0x0, s10  }
0xb8: {  	[tilespmem:s17], [sflag:$0x4] =	stream.linear.gather [hbm4b:s10+s4], $0x50, $0x38;
	[tilespmem:$0x1F400] =	vst v63  }
0xb9: {  	s10 =	sadd.s32 $0x0, s9  }
0xba: {  	[tilespmem:s18], [sflag:$0x4] =	stream.linear.gather [hbm4b:s10+s4], $0x50, $0x38;
	[tilespmem:$0x1F400] =	vst v63  }
0xbb: {  	_ =	swait.ge [sflag:s19], $0x50  }
0xbc: {  	[sflag:s19] =	ssyncset.done $0x0  }
0xbd: {  	[sflag:s19] =	ssyncadd.s32 $0xFFFFFFB0  }
0xbe: {  	_ =	swait.ge [sflag:s19], $0x50  }
0xbf: {  	[sflag:s19] =	ssyncset.done $0x0  }
0xc0: {  	[sflag:s19] =	ssyncadd.s32 $0xFFFFFFB0  }
0xc1: {  	[tilespmem:s21], [sflag:$0x5] =	stream.indirect.gather [hbm4b:s1+s20], $0x80, s4, s20, $0xb8;
	[tilespmem:$0x1F400] =	vst v63  }
0xc2: {  	_ =	swait.ge [sflag:s22], $0x50  }
0xc3: {  	[sflag:s22] =	ssyncset.done $0x0  }
0xc4: {  	[sflag:s22] =	ssyncadd.s32 $0xFFFFFFB0  }
0xc5: {  	_ =	swait.ge [sflag:s22], $0x50  }
0xc6: {  	[sflag:s22] =	ssyncset.done $0x0  }
0xc7: {  	[sflag:s22] =	ssyncadd.s32 $0xFFFFFFB0  }
0xc8: {  	[tilespmem:s23], [sflag:$0x6] =	stream.indirect.gather [hbm4b:s1+s20], $0x80, s11, s20, $0xb8;
	[tilespmem:$0x1F400] =	vst v63  }
0xc9: {  	_ =	swait.ge [sflag:s24], $0x50  }
0xca: {  	[sflag:s24] =	ssyncset.done $0x0  }
0xcb: {  	[sflag:s24] =	ssyncadd.s32 $0xFFFFFFB0  }
0xcc: {  	_ =	swait.ge [sflag:s24], $0x50  }
0xcd: {  	[sflag:s24] =	ssyncset.done $0x0  }
0xce: {  	[sflag:s24] =	ssyncadd.s32 $0xFFFFFFB0  }
0xcf: {  	[tilespmem:s25], [sflag:$0x7] =	stream.indirect.gather [hbm4b:s1+s20], $0x80, s16, s20, $0xb8;
	[tilespmem:$0x1F400] =	vst v63  }
0xd0: {  	_ =	swait.ge [sflag:s26], $0x50  }
0xd1: {  	[sflag:s26] =	ssyncset.done $0x0  }
0xd2: {  	[sflag:s26] =	ssyncadd.s32 $0xFFFFFFB0  }
0xd3: {  	_ =	swait.ge [sflag:s26], $0x50  }
0xd4: {  	[sflag:s26] =	ssyncset.done $0x0  }
0xd5: {  	[sflag:s26] =	ssyncadd.s32 $0xFFFFFFB0  }
0xd6: {  	[tilespmem:s28], [sflag:$0x8] =	stream.indirect.gather [hbm4b:s1+s20], $0x80, s17, s20, $0xb8;
	[tilespmem:$0x1F400] =	vst v63  }
0xd7: {  	_ =	swait.ge [sflag:s29], $0x2800  }
0xd8: {  	[sflag:s29] =	ssyncset.done $0x0  }
0xd9: {  	[sflag:s29] =	ssyncadd.s32 $0xFFFFD800  }
0xda: {  	[spmem:s3] =	stream.indirect.scatter.add.f32 [tilespmem:s21], [sflag:$0x9], $0x80, s12, s20, $0xb8;
	[tilespmem:$0x1F400] =	vst v63  }
0xdb: {  	_ =	swait.ge [sflag:s30], $0x2800  }
0xdc: {  	[sflag:s30] =	ssyncset.done $0x0  }
0xdd: {  	[sflag:s30] =	ssyncadd.s32 $0xFFFFD800  }
0xde: {  	[spmem:s3] =	stream.indirect.scatter.add.f32 [tilespmem:s23], [sflag:$0xA], $0x80, s14, s20, $0xb8;
	[tilespmem:$0x1F400] =	vst v63  }
0xdf: {  	_ =	swait.ge [sflag:s31], $0x2800  }
0xe0: {  	[sflag:s31] =	ssyncset.done $0x0  }
0xe1: {  	[sflag:s31] =	ssyncadd.s32 $0xFFFFD800  }
0xe2: {  	[spmem:s3] =	stream.indirect.scatter.add.f32 [tilespmem:s25], [sflag:$0xB], $0x80, s13, s20, $0xb8;
	[tilespmem:$0x1F400] =	vst v63  }
0xe3: {  	_ =	swait.ge [sflag:s0], $0x2800  }
0xe4: {  	[sflag:s0] =	ssyncset.done $0x0  }
0xe5: {  	[sflag:s0] =	ssyncadd.s32 $0xFFFFD800  }
0xe6: {  	[spmem:s3] =	stream.indirect.scatter.add.f32 [tilespmem:s28], [sflag:$0xC], $0x80, s18, s20, $0xb8;
	[tilespmem:$0x1F400] =	vst v63  }
0xe7: {  	_ =	swait.ge [sflag:s2], $0x2800  }
0xe8: {  	s9 =	rddreg [dreg:$0xb];
	[sflag:s2] =	ssyncset.done $0x0  }
0xe9: {  	s10 =	rddreg [dreg:$0xa];
	[sflag:s2] =	ssyncadd.s32 $0xFFFFD800;
	s5 =	sadd.s32 $0x0, s9  }
0xea: {  	[tilespmem:s4], [sflag:$0x1] =	stream.linear.gather [hbm4b:s5+s4], $0x50, $0x38;
	[tilespmem:$0x1F400] =	vst v63  }
0xeb: {  	s10 =	sadd.s32 $0x0, s10  }
0xec: {  	[tilespmem:s12], [sflag:$0x1] =	stream.linear.gather [hbm4b:s10+s4], $0x50, $0x38;
	[tilespmem:$0x1F400] =	vst v63  }
0xed: {  	_ =	swait.ge [sflag:s6], $0x2800  }
0xee: {  	s9 =	rddreg [dreg:$0x9];
	[sflag:s6] =	ssyncset.done $0x0  }
0xef: {  	s10 =	rddreg [dreg:$0x8];
	[sflag:s6] =	ssyncadd.s32 $0xFFFFD800;
	s5 =	sadd.s32 $0x0, s9  }
0xf0: {  	[tilespmem:s11], [sflag:$0x2] =	stream.linear.gather [hbm4b:s5+s4], $0x50, $0x38;
	[tilespmem:$0x1F400] =	vst v63  }
0xf1: {  	s10 =	sadd.s32 $0x0, s10  }
0xf2: {  	[tilespmem:s14], [sflag:$0x2] =	stream.linear.gather [hbm4b:s10+s4], $0x50, $0x38;
	[tilespmem:$0x1F400] =	vst v63  }
0xf3: {  	_ =	swait.ge [sflag:s7], $0x2800  }
0xf4: {  	s9 =	rddreg [dreg:$0x7];
	[sflag:s7] =	ssyncset.done $0x0  }
0xf5: {  	s10 =	rddreg [dreg:$0x6];
	[sflag:s7] =	ssyncadd.s32 $0xFFFFD800;
	s5 =	sadd.s32 $0x0, s9  }
0xf6: {  	[tilespmem:s16], [sflag:$0x3] =	stream.linear.gather [hbm4b:s5+s4], $0x50, $0x38;
	[tilespmem:$0x1F400] =	vst v63  }
0xf7: {  	s10 =	sadd.s32 $0x0, s10  }
0xf8: {  	[tilespmem:s13], [sflag:$0x3] =	stream.linear.gather [hbm4b:s10+s4], $0x50, $0x38;
	[tilespmem:$0x1F400] =	vst v63  }
0xf9: {  	_ =	swait.ge [sflag:s8], $0x2800  }
0xfa: {  	s9 =	rddreg [dreg:$0x5];
	[sflag:s8] =	ssyncset.done $0x0  }
0xfb: {  	s10 =	rddreg [dreg:$0x4];
	[sflag:s8] =	ssyncadd.s32 $0xFFFFD800;
	s5 =	sadd.s32 $0x0, s9  }
0xfc: {  	[tilespmem:s17], [sflag:$0x4] =	stream.linear.gather [hbm4b:s5+s4], $0x50, $0x38;
	[tilespmem:$0x1F400] =	vst v63  }
0xfd: {  	s10 =	sadd.s32 $0x0, s10  }
0xfe: {  	[tilespmem:s18], [sflag:$0x4] =	stream.linear.gather [hbm4b:s10+s4], $0x50, $0x38;
	[tilespmem:$0x1F400] =	vst v63  }
0xff: {  	_ =	swait.ge [sflag:s19], $0x50  }
0x100: {  	[sflag:s19] =	ssyncset.done $0x0  }
0x101: {  	[sflag:s19] =	ssyncadd.s32 $0xFFFFFFB0  }
0x102: {  	_ =	swait.ge [sflag:s19], $0x50  }
0x103: {  	[sflag:s19] =	ssyncset.done $0x0  }
0x104: {  	[sflag:s19] =	ssyncadd.s32 $0xFFFFFFB0  }
0x105: {  	[tilespmem:s21], [sflag:$0x5] =	stream.indirect.gather [hbm4b:s1+s20], $0x80, s4, s20, $0xb8;
	[tilespmem:$0x1F400] =	vst v63  }
0x106: {  	_ =	swait.ge [sflag:s22], $0x50  }
0x107: {  	[sflag:s22] =	ssyncset.done $0x0  }
0x108: {  	[sflag:s22] =	ssyncadd.s32 $0xFFFFFFB0  }
0x109: {  	_ =	swait.ge [sflag:s22], $0x50  }
0x10a: {  	[sflag:s22] =	ssyncset.done $0x0  }
0x10b: {  	[sflag:s22] =	ssyncadd.s32 $0xFFFFFFB0  }
0x10c: {  	[tilespmem:s23], [sflag:$0x6] =	stream.indirect.gather [hbm4b:s1+s20], $0x80, s11, s20, $0xb8;
	[tilespmem:$0x1F400] =	vst v63  }
0x10d: {  	_ =	swait.ge [sflag:s24], $0x50  }
0x10e: {  	[sflag:s24] =	ssyncset.done $0x0  }
0x10f: {  	[sflag:s24] =	ssyncadd.s32 $0xFFFFFFB0  }
0x110: {  	_ =	swait.ge [sflag:s24], $0x50  }
0x111: {  	[sflag:s24] =	ssyncset.done $0x0  }
0x112: {  	[sflag:s24] =	ssyncadd.s32 $0xFFFFFFB0  }
0x113: {  	[tilespmem:s25], [sflag:$0x7] =	stream.indirect.gather [hbm4b:s1+s20], $0x80, s16, s20, $0xb8;
	[tilespmem:$0x1F400] =	vst v63  }
0x114: {  	_ =	swait.ge [sflag:s26], $0x50  }
0x115: {  	[sflag:s26] =	ssyncset.done $0x0  }
0x116: {  	[sflag:s26] =	ssyncadd.s32 $0xFFFFFFB0  }
0x117: {  	_ =	swait.ge [sflag:s26], $0x50  }
0x118: {  	[sflag:s26] =	ssyncset.done $0x0  }
0x119: {  	[sflag:s26] =	ssyncadd.s32 $0xFFFFFFB0  }
0x11a: {  	[tilespmem:s28], [sflag:$0x8] =	stream.indirect.gather [hbm4b:s1+s20], $0x80, s17, s20, $0xb8;
	[tilespmem:$0x1F400] =	vst v63  }
0x11b: {  	_ =	swait.ge [sflag:s29], $0x2800  }
0x11c: {  	[sflag:s29] =	ssyncset.done $0x0  }
0x11d: {  	[sflag:s29] =	ssyncadd.s32 $0xFFFFD800  }
0x11e: {  	[spmem:s3] =	stream.indirect.scatter.add.f32 [tilespmem:s21], [sflag:$0x9], $0x80, s12, s20, $0xb8;
	[tilespmem:$0x1F400] =	vst v63  }
0x11f: {  	_ =	swait.ge [sflag:s30], $0x2800  }
0x120: {  	[sflag:s30] =	ssyncset.done $0x0  }
0x121: {  	[sflag:s30] =	ssyncadd.s32 $0xFFFFD800  }
0x122: {  	[spmem:s3] =	stream.indirect.scatter.add.f32 [tilespmem:s23], [sflag:$0xA], $0x80, s14, s20, $0xb8;
	[tilespmem:$0x1F400] =	vst v63  }
0x123: {  	_ =	swait.ge [sflag:s31], $0x2800  }
0x124: {  	[sflag:s31] =	ssyncset.done $0x0  }
0x125: {  	[sflag:s31] =	ssyncadd.s32 $0xFFFFD800  }
0x126: {  	[spmem:s3] =	stream.indirect.scatter.add.f32 [tilespmem:s25], [sflag:$0xB], $0x80, s13, s20, $0xb8;
	[tilespmem:$0x1F400] =	vst v63  }
0x127: {  	_ =	swait.ge [sflag:s0], $0x2800  }
0x128: {  	[sflag:s0] =	ssyncset.done $0x0  }
0x129: {  	[sflag:s0] =	ssyncadd.s32 $0xFFFFD800  }
0x12a: {  	[spmem:s3] =	stream.indirect.scatter.add.f32 [tilespmem:s28], [sflag:$0xC], $0x80, s18, s20, $0xb8;
	[tilespmem:$0x1F400] =	vst v63  }
0x12b: {  	_ =	swait.ge [sflag:s2], $0x2800  }
0x12c: {  	[sflag:s2] =	ssyncset.done $0x0  }
0x12d: {  	[sflag:s2] =	ssyncadd.s32 $0xFFFFD800  }
0x12e: {  	_ =	swait.ge [sflag:s6], $0x2800  }
0x12f: {  	[sflag:s6] =	ssyncset.done $0x0  }
0x130: {  	[sflag:s6] =	ssyncadd.s32 $0xFFFFD800  }
0x131: {  	_ =	swait.ge [sflag:s7], $0x2800  }
0x132: {  	[sflag:s7] =	ssyncset.done $0x0  }
0x133: {  	[sflag:s7] =	ssyncadd.s32 $0xFFFFD800  }
0x134: {  	s9 =	simm.s32 $0xA0;
	s5 =	simm.s32 $0x50;
	_ =	swait.ge [sflag:s8], $0x2800  }
0x135: {  	s12 =	simm.s32 $0x80;
	s11 =	rddreg [dreg:$0x13];
	[sflag:s8] =	ssyncset.done $0x0  }
.LBB2_4:
0x136: {  	[sflag:s8] =	ssyncadd.s32 $0xFFFFD800;
	s13 =	rddreg [dreg:$0x12];
	s11 =	sadd.s32 s5, s11  }
0x137: {  	[tilespmem:s4], [sflag:$0x1] =	stream.linear.gather [hbm4b:s11+s4], $0x50, $0x38;
	[tilespmem:$0x1F400] =	vst v63  }
0x138: {  	s14 =	rddreg [dreg:$0x11];
	s11 =	sadd.s32 s5, s13  }
0x139: {  	[tilespmem:s15], [sflag:$0x1] =	stream.linear.gather [hbm4b:s11+s4], $0x50, $0x38;
	[tilespmem:$0x1F400] =	vst v63  }
0x13a: {  	s13 =	rddreg [dreg:$0x10];
	s11 =	sadd.s32 s5, s14  }
0x13b: {  	[tilespmem:s12], [sflag:$0x2] =	stream.linear.gather [hbm4b:s11+s4], $0x50, $0x38;
	[tilespmem:$0x1F400] =	vst v63  }
0x13c: {  	s16 =	simm.s32 $0x280;
	s14 =	rddreg [dreg:$0xf];
	s11 =	sadd.s32 s5, s13  }
0x13d: {  	[tilespmem:s16], [sflag:$0x2] =	stream.linear.gather [hbm4b:s11+s4], $0x50, $0x38;
	[tilespmem:$0x1F400] =	vst v63  }
0x13e: {  	s13 =	rddreg [dreg:$0xe];
	s16 =	simm.s32 $0x100;
	s11 =	sadd.s32 s5, s14  }
0x13f: {  	[tilespmem:s16], [sflag:$0x3] =	stream.linear.gather [hbm4b:s11+s4], $0x50, $0x38;
	[tilespmem:$0x1F400] =	vst v63  }
0x140: {  	s17 =	simm.s32 $0x300;
	s14 =	rddreg [dreg:$0xd];
	s11 =	sadd.s32 s5, s13  }
0x141: {  	[tilespmem:s17], [sflag:$0x3] =	stream.linear.gather [hbm4b:s11+s4], $0x50, $0x38;
	[tilespmem:$0x1F400] =	vst v63  }
0x142: {  	s18 =	simm.s32 $0x180;
	s13 =	rddreg [dreg:$0xc];
	s11 =	sadd.s32 s5, s14  }
0x143: {  	[tilespmem:s18], [sflag:$0x4] =	stream.linear.gather [hbm4b:s11+s4], $0x50, $0x38;
	[tilespmem:$0x1F400] =	vst v63  }
0x144: {  	s23 =	simm.s32 $0x380;
	s13 =	sadd.s32 s5, s13  }
0x145: {  	[tilespmem:s23], [sflag:$0x4] =	stream.linear.gather [hbm4b:s13+s4], $0x50, $0x38;
	[tilespmem:$0x1F400] =	vst v63  }
0x146: {  	_ =	swait.ge [sflag:s19], $0x50  }
0x147: {  	[sflag:s19] =	ssyncset.done $0x0  }
0x148: {  	[sflag:s19] =	ssyncadd.s32 $0xFFFFFFB0  }
0x149: {  	_ =	swait.ge [sflag:s19], $0x50  }
0x14a: {  	[sflag:s19] =	ssyncset.done $0x0  }
0x14b: {  	[sflag:s19] =	ssyncadd.s32 $0xFFFFFFB0  }
0x14c: {  	[tilespmem:s21], [sflag:$0x5] =	stream.indirect.gather [hbm4b:s1+s20], $0x80, s4, s20, $0xb8;
	[tilespmem:$0x1F400] =	vst v63  }
0x14d: {  	_ =	swait.ge [sflag:s22], $0x50  }
0x14e: {  	[sflag:s22] =	ssyncset.done $0x0  }
0x14f: {  	[sflag:s22] =	ssyncadd.s32 $0xFFFFFFB0  }
0x150: {  	_ =	swait.ge [sflag:s22], $0x50  }
0x151: {  	[sflag:s22] =	ssyncset.done $0x0  }
0x152: {  	s23 =	simm.s32 $0x2C00;
	[sflag:s22] =	ssyncadd.s32 $0xFFFFFFB0  }
0x153: {  	[tilespmem:s23], [sflag:$0x6] =	stream.indirect.gather [hbm4b:s1+s20], $0x80, s12, s20, $0xb8;
	[tilespmem:$0x1F400] =	vst v63  }
0x154: {  	_ =	swait.ge [sflag:s24], $0x50  }
0x155: {  	[sflag:s24] =	ssyncset.done $0x0  }
0x156: {  	[sflag:s24] =	ssyncadd.s32 $0xFFFFFFB0  }
0x157: {  	_ =	swait.ge [sflag:s24], $0x50  }
0x158: {  	[sflag:s24] =	ssyncset.done $0x0  }
0x159: {  	[sflag:s24] =	ssyncadd.s32 $0xFFFFFFB0  }
0x15a: {  	[tilespmem:s25], [sflag:$0x7] =	stream.indirect.gather [hbm4b:s1+s20], $0x80, s16, s20, $0xb8;
	[tilespmem:$0x1F400] =	vst v63  }
0x15b: {  	_ =	swait.ge [sflag:s26], $0x50  }
0x15c: {  	[sflag:s26] =	ssyncset.done $0x0  }
0x15d: {  	[sflag:s26] =	ssyncadd.s32 $0xFFFFFFB0  }
0x15e: {  	_ =	swait.ge [sflag:s26], $0x50  }
0x15f: {  	[sflag:s26] =	ssyncset.done $0x0  }
0x160: {  	[sflag:s26] =	ssyncadd.s32 $0xFFFFFFB0  }
0x161: {  	[tilespmem:s28], [sflag:$0x8] =	stream.indirect.gather [hbm4b:s1+s20], $0x80, s18, s20, $0xb8;
	[tilespmem:$0x1F400] =	vst v63  }
0x162: {  	_ =	swait.ge [sflag:s29], $0x2800  }
0x163: {  	[sflag:s29] =	ssyncset.done $0x0  }
0x164: {  	[sflag:s29] =	ssyncadd.s32 $0xFFFFD800  }
0x165: {  	[spmem:s3] =	stream.indirect.scatter.add.f32 [tilespmem:s21], [sflag:$0x9], $0x80, s15, s20, $0xb8;
	[tilespmem:$0x1F400] =	vst v63  }
0x166: {  	_ =	swait.ge [sflag:s30], $0x2800  }
0x167: {  	[sflag:s30] =	ssyncset.done $0x0  }
0x168: {  	s14 =	simm.s32 $0x280;
	[sflag:s30] =	ssyncadd.s32 $0xFFFFD800  }
0x169: {  	[spmem:s3] =	stream.indirect.scatter.add.f32 [tilespmem:s23], [sflag:$0xA], $0x80, s14, s20, $0xb8;
	[tilespmem:$0x1F400] =	vst v63  }
0x16a: {  	_ =	swait.ge [sflag:s31], $0x2800  }
0x16b: {  	[sflag:s31] =	ssyncset.done $0x0  }
0x16c: {  	[sflag:s31] =	ssyncadd.s32 $0xFFFFD800  }
0x16d: {  	[spmem:s3] =	stream.indirect.scatter.add.f32 [tilespmem:s25], [sflag:$0xB], $0x80, s17, s20, $0xb8;
	[tilespmem:$0x1F400] =	vst v63  }
0x16e: {  	_ =	swait.ge [sflag:s0], $0x2800  }
0x16f: {  	[sflag:s0] =	ssyncset.done $0x0  }
0x170: {  	s18 =	simm.s32 $0x380;
	[sflag:s0] =	ssyncadd.s32 $0xFFFFD800  }
0x171: {  	[spmem:s3] =	stream.indirect.scatter.add.f32 [tilespmem:s28], [sflag:$0xC], $0x80, s18, s20, $0xb8;
	[tilespmem:$0x1F400] =	vst v63  }
0x172: {  	_ =	swait.ge [sflag:s2], $0x2800  }
0x173: {  	s11 =	rddreg [dreg:$0xb];
	[sflag:s2] =	ssyncset.done $0x0  }
0x174: {  	s13 =	rddreg [dreg:$0xa];
	[sflag:s2] =	ssyncadd.s32 $0xFFFFD800;
	s11 =	sadd.s32 s5, s11  }
0x175: {  	[tilespmem:s4], [sflag:$0x1] =	stream.linear.gather [hbm4b:s11+s4], $0x50, $0x38;
	[tilespmem:$0x1F400] =	vst v63  }
0x176: {  	s13 =	sadd.s32 s5, s13  }
0x177: {  	[tilespmem:s15], [sflag:$0x1] =	stream.linear.gather [hbm4b:s13+s4], $0x50, $0x38;
	[tilespmem:$0x1F400] =	vst v63  }
0x178: {  	_ =	swait.ge [sflag:s6], $0x2800  }
0x179: {  	s11 =	rddreg [dreg:$0x9];
	[sflag:s6] =	ssyncset.done $0x0  }
0x17a: {  	s13 =	rddreg [dreg:$0x8];
	[sflag:s6] =	ssyncadd.s32 $0xFFFFD800;
	s11 =	sadd.s32 s5, s11  }
0x17b: {  	[tilespmem:s12], [sflag:$0x2] =	stream.linear.gather [hbm4b:s11+s4], $0x50, $0x38;
	[tilespmem:$0x1F400] =	vst v63  }
0x17c: {  	s13 =	sadd.s32 s5, s13  }
0x17d: {  	[tilespmem:s14], [sflag:$0x2] =	stream.linear.gather [hbm4b:s13+s4], $0x50, $0x38;
	[tilespmem:$0x1F400] =	vst v63  }
0x17e: {  	_ =	swait.ge [sflag:s7], $0x2800  }
0x17f: {  	s11 =	rddreg [dreg:$0x7];
	[sflag:s7] =	ssyncset.done $0x0  }
0x180: {  	s13 =	rddreg [dreg:$0x6];
	[sflag:s7] =	ssyncadd.s32 $0xFFFFD800;
	s11 =	sadd.s32 s5, s11  }
0x181: {  	[tilespmem:s16], [sflag:$0x3] =	stream.linear.gather [hbm4b:s11+s4], $0x50, $0x38;
	[tilespmem:$0x1F400] =	vst v63  }
0x182: {  	s13 =	sadd.s32 s5, s13  }
0x183: {  	[tilespmem:s17], [sflag:$0x3] =	stream.linear.gather [hbm4b:s13+s4], $0x50, $0x38;
	[tilespmem:$0x1F400] =	vst v63  }
0x184: {  	_ =	swait.ge [sflag:s8], $0x2800  }
0x185: {  	s17 =	simm.s32 $0x180;
	s11 =	rddreg [dreg:$0x5];
	[sflag:s8] =	ssyncset.done $0x0  }
0x186: {  	s13 =	rddreg [dreg:$0x4];
	[sflag:s8] =	ssyncadd.s32 $0xFFFFD800;
	s11 =	sadd.s32 s5, s11  }
0x187: {  	[tilespmem:s17], [sflag:$0x4] =	stream.linear.gather [hbm4b:s11+s4], $0x50, $0x38;
	[tilespmem:$0x1F400] =	vst v63  }
0x188: {  	s11 =	sadd.s32 s5, s13  }
0x189: {  	[tilespmem:s18], [sflag:$0x4] =	stream.linear.gather [hbm4b:s11+s4], $0x50, $0x38;
	[tilespmem:$0x1F400] =	vst v63  }
0x18a: {  	_ =	swait.ge [sflag:s19], $0x50  }
0x18b: {  	[sflag:s19] =	ssyncset.done $0x0  }
0x18c: {  	[sflag:s19] =	ssyncadd.s32 $0xFFFFFFB0  }
0x18d: {  	_ =	swait.ge [sflag:s19], $0x50  }
0x18e: {  	[sflag:s19] =	ssyncset.done $0x0  }
0x18f: {  	[sflag:s19] =	ssyncadd.s32 $0xFFFFFFB0  }
0x190: {  	[tilespmem:s21], [sflag:$0x5] =	stream.indirect.gather [hbm4b:s1+s20], $0x80, s4, s20, $0xb8;
	[tilespmem:$0x1F400] =	vst v63  }
0x191: {  	_ =	swait.ge [sflag:s22], $0x50  }
0x192: {  	[sflag:s22] =	ssyncset.done $0x0  }
0x193: {  	[sflag:s22] =	ssyncadd.s32 $0xFFFFFFB0  }
0x194: {  	_ =	swait.ge [sflag:s22], $0x50  }
0x195: {  	[sflag:s22] =	ssyncset.done $0x0  }
0x196: {  	[sflag:s22] =	ssyncadd.s32 $0xFFFFFFB0  }
0x197: {  	[tilespmem:s23], [sflag:$0x6] =	stream.indirect.gather [hbm4b:s1+s20], $0x80, s12, s20, $0xb8;
	[tilespmem:$0x1F400] =	vst v63  }
0x198: {  	_ =	swait.ge [sflag:s24], $0x50  }
0x199: {  	[sflag:s24] =	ssyncset.done $0x0  }
0x19a: {  	[sflag:s24] =	ssyncadd.s32 $0xFFFFFFB0  }
0x19b: {  	_ =	swait.ge [sflag:s24], $0x50  }
0x19c: {  	[sflag:s24] =	ssyncset.done $0x0  }
0x19d: {  	[sflag:s24] =	ssyncadd.s32 $0xFFFFFFB0  }
0x19e: {  	[tilespmem:s25], [sflag:$0x7] =	stream.indirect.gather [hbm4b:s1+s20], $0x80, s16, s20, $0xb8;
	[tilespmem:$0x1F400] =	vst v63  }
0x19f: {  	_ =	swait.ge [sflag:s26], $0x50  }
0x1a0: {  	[sflag:s26] =	ssyncset.done $0x0  }
0x1a1: {  	[sflag:s26] =	ssyncadd.s32 $0xFFFFFFB0  }
0x1a2: {  	_ =	swait.ge [sflag:s26], $0x50  }
0x1a3: {  	[sflag:s26] =	ssyncset.done $0x0  }
0x1a4: {  	[sflag:s26] =	ssyncadd.s32 $0xFFFFFFB0  }
0x1a5: {  	[tilespmem:s28], [sflag:$0x8] =	stream.indirect.gather [hbm4b:s1+s20], $0x80, s17, s20, $0xb8;
	[tilespmem:$0x1F400] =	vst v63  }
0x1a6: {  	_ =	swait.ge [sflag:s29], $0x2800  }
0x1a7: {  	[sflag:s29] =	ssyncset.done $0x0  }
0x1a8: {  	[sflag:s29] =	ssyncadd.s32 $0xFFFFD800  }
0x1a9: {  	[spmem:s3] =	stream.indirect.scatter.add.f32 [tilespmem:s21], [sflag:$0x9], $0x80, s15, s20, $0xb8;
	[tilespmem:$0x1F400] =	vst v63  }
0x1aa: {  	_ =	swait.ge [sflag:s30], $0x2800  }
0x1ab: {  	[sflag:s30] =	ssyncset.done $0x0  }
0x1ac: {  	[sflag:s30] =	ssyncadd.s32 $0xFFFFD800  }
0x1ad: {  	[spmem:s3] =	stream.indirect.scatter.add.f32 [tilespmem:s23], [sflag:$0xA], $0x80, s14, s20, $0xb8;
	[tilespmem:$0x1F400] =	vst v63  }
0x1ae: {  	_ =	swait.ge [sflag:s31], $0x2800  }
0x1af: {  	[sflag:s31] =	ssyncset.done $0x0  }
0x1b0: {  	s13 =	simm.s32 $0x300;
	[sflag:s31] =	ssyncadd.s32 $0xFFFFD800  }
0x1b1: {  	[spmem:s3] =	stream.indirect.scatter.add.f32 [tilespmem:s25], [sflag:$0xB], $0x80, s13, s20, $0xb8;
	[tilespmem:$0x1F400] =	vst v63  }
0x1b2: {  	_ =	swait.ge [sflag:s0], $0x2800  }
0x1b3: {  	[sflag:s0] =	ssyncset.done $0x0  }
0x1b4: {  	[sflag:s0] =	ssyncadd.s32 $0xFFFFD800  }
0x1b5: {  	[spmem:s3] =	stream.indirect.scatter.add.f32 [tilespmem:s28], [sflag:$0xC], $0x80, s18, s20, $0xb8;
	[tilespmem:$0x1F400] =	vst v63  }
0x1b6: {  	_ =	swait.ge [sflag:s2], $0x2800  }
0x1b7: {  	[sflag:s2] =	ssyncset.done $0x0  }
0x1b8: {  	[sflag:s2] =	ssyncadd.s32 $0xFFFFD800  }
0x1b9: {  	_ =	swait.ge [sflag:s6], $0x2800  }
0x1ba: {  	[sflag:s6] =	ssyncset.done $0x0  }
0x1bb: {  	p0 =	sne.s32 s9, $0x460;
	[sflag:s6] =	ssyncadd.s32 $0xFFFFD800  }
.Ltmp1:
0x1bc: {  	_ =	swait.ge [sflag:s7], $0x2800;
	(pc) =	sbr.rel @p0 .LBB2_4-.Ltmp1, $4  }
0x1bd: {  	[sflag:s7] =	ssyncset.done $0x0  }
0x1be: {  	[sflag:s7] =	ssyncadd.s32 $0xFFFFD800  }
0x1bf: {  	s10 =	smov.u32 s9;
	s9 =	sadd.s32 $0x50, s9;
	_ =	swait.ge [sflag:s8], $0x2800  }
0x1c0: {  	s5 =	smov.u32 s10;
	s11 =	rddreg [dreg:$0x13];
	[sflag:s8] =	ssyncset.done $0x0  }
0x1c1: {  	s9 =	rddreg [dreg:$0x12];
	[sflag:s8] =	ssyncadd.s32 $0xFFFFD800;
	s10 =	sadd.s32 s5, s11  }
0x1c2: {  	[tilespmem:s4], [sflag:$0x1] =	stream.linear.gather [hbm4b:s10+s4], $0x50, $0x38;
	[tilespmem:$0x1F400] =	vst v63  }
0x1c3: {  	s10 =	rddreg [dreg:$0x11];
	s9 =	sadd.s32 s5, s9  }
0x1c4: {  	[tilespmem:s15], [sflag:$0x1] =	stream.linear.gather [hbm4b:s9+s4], $0x50, $0x38;
	[tilespmem:$0x1F400] =	vst v63  }
0x1c5: {  	s11 =	rddreg [dreg:$0x10];
	s10 =	sadd.s32 s5, s10  }
0x1c6: {  	[tilespmem:s12], [sflag:$0x2] =	stream.linear.gather [hbm4b:s10+s4], $0x50, $0x38;
	[tilespmem:$0x1F400] =	vst v63  }
0x1c7: {  	s9 =	sadd.s32 s5, s11;
	s10 =	rddreg [dreg:$0xf]  }
0x1c8: {  	[tilespmem:s14], [sflag:$0x2] =	stream.linear.gather [hbm4b:s9+s4], $0x50, $0x38;
	[tilespmem:$0x1F400] =	vst v63  }
0x1c9: {  	s11 =	rddreg [dreg:$0xe];
	s10 =	sadd.s32 s5, s10  }
0x1ca: {  	[tilespmem:s16], [sflag:$0x3] =	stream.linear.gather [hbm4b:s10+s4], $0x50, $0x38;
	[tilespmem:$0x1F400] =	vst v63  }
0x1cb: {  	s9 =	sadd.s32 s5, s11;
	s10 =	rddreg [dreg:$0xd]  }
0x1cc: {  	[tilespmem:s13], [sflag:$0x3] =	stream.linear.gather [hbm4b:s9+s4], $0x50, $0x38;
	[tilespmem:$0x1F400] =	vst v63  }
0x1cd: {  	s11 =	rddreg [dreg:$0xc];
	s10 =	sadd.s32 s5, s10  }
0x1ce: {  	[tilespmem:s17], [sflag:$0x4] =	stream.linear.gather [hbm4b:s10+s4], $0x50, $0x38;
	[tilespmem:$0x1F400] =	vst v63  }
0x1cf: {  	s9 =	sadd.s32 s5, s11  }
0x1d0: {  	[tilespmem:s18], [sflag:$0x4] =	stream.linear.gather [hbm4b:s9+s4], $0x50, $0x38;
	[tilespmem:$0x1F400] =	vst v63  }
0x1d1: {  	_ =	swait.ge [sflag:s19], $0x50  }
0x1d2: {  	[sflag:s19] =	ssyncset.done $0x0  }
0x1d3: {  	[sflag:s19] =	ssyncadd.s32 $0xFFFFFFB0  }
0x1d4: {  	_ =	swait.ge [sflag:s19], $0x50  }
0x1d5: {  	[sflag:s19] =	ssyncset.done $0x0  }
0x1d6: {  	[sflag:s19] =	ssyncadd.s32 $0xFFFFFFB0  }
0x1d7: {  	[tilespmem:s21], [sflag:$0x5] =	stream.indirect.gather [hbm4b:s1+s20], $0x80, s4, s20, $0xb8;
	[tilespmem:$0x1F400] =	vst v63  }
0x1d8: {  	_ =	swait.ge [sflag:s22], $0x50  }
0x1d9: {  	[sflag:s22] =	ssyncset.done $0x0  }
0x1da: {  	[sflag:s22] =	ssyncadd.s32 $0xFFFFFFB0  }
0x1db: {  	_ =	swait.ge [sflag:s22], $0x50  }
0x1dc: {  	[sflag:s22] =	ssyncset.done $0x0  }
0x1dd: {  	[sflag:s22] =	ssyncadd.s32 $0xFFFFFFB0  }
0x1de: {  	[tilespmem:s23], [sflag:$0x6] =	stream.indirect.gather [hbm4b:s1+s20], $0x80, s12, s20, $0xb8;
	[tilespmem:$0x1F400] =	vst v63  }
0x1df: {  	_ =	swait.ge [sflag:s24], $0x50  }
0x1e0: {  	[sflag:s24] =	ssyncset.done $0x0  }
0x1e1: {  	[sflag:s24] =	ssyncadd.s32 $0xFFFFFFB0  }
0x1e2: {  	_ =	swait.ge [sflag:s24], $0x50  }
0x1e3: {  	[sflag:s24] =	ssyncset.done $0x0  }
0x1e4: {  	[sflag:s24] =	ssyncadd.s32 $0xFFFFFFB0  }
0x1e5: {  	[tilespmem:s25], [sflag:$0x7] =	stream.indirect.gather [hbm4b:s1+s20], $0x80, s16, s20, $0xb8;
	[tilespmem:$0x1F400] =	vst v63  }
0x1e6: {  	_ =	swait.ge [sflag:s26], $0x50  }
0x1e7: {  	[sflag:s26] =	ssyncset.done $0x0  }
0x1e8: {  	[sflag:s26] =	ssyncadd.s32 $0xFFFFFFB0  }
0x1e9: {  	_ =	swait.ge [sflag:s26], $0x50  }
0x1ea: {  	[sflag:s26] =	ssyncset.done $0x0  }
0x1eb: {  	[sflag:s26] =	ssyncadd.s32 $0xFFFFFFB0  }
0x1ec: {  	[tilespmem:s28], [sflag:$0x8] =	stream.indirect.gather [hbm4b:s1+s20], $0x80, s17, s20, $0xb8;
	[tilespmem:$0x1F400] =	vst v63  }
0x1ed: {  	_ =	swait.ge [sflag:s29], $0x2800  }
0x1ee: {  	[sflag:s29] =	ssyncset.done $0x0  }
0x1ef: {  	[sflag:s29] =	ssyncadd.s32 $0xFFFFD800  }
0x1f0: {  	[spmem:s3] =	stream.indirect.scatter.add.f32 [tilespmem:s21], [sflag:$0x9], $0x80, s15, s20, $0xb8;
	[tilespmem:$0x1F400] =	vst v63  }
0x1f1: {  	_ =	swait.ge [sflag:s30], $0x2800  }
0x1f2: {  	[sflag:s30] =	ssyncset.done $0x0  }
0x1f3: {  	[sflag:s30] =	ssyncadd.s32 $0xFFFFD800  }
0x1f4: {  	[spmem:s3] =	stream.indirect.scatter.add.f32 [tilespmem:s23], [sflag:$0xA], $0x80, s14, s20, $0xb8;
	[tilespmem:$0x1F400] =	vst v63  }
0x1f5: {  	_ =	swait.ge [sflag:s31], $0x2800  }
0x1f6: {  	[sflag:s31] =	ssyncset.done $0x0  }
0x1f7: {  	[sflag:s31] =	ssyncadd.s32 $0xFFFFD800  }
0x1f8: {  	[spmem:s3] =	stream.indirect.scatter.add.f32 [tilespmem:s25], [sflag:$0xB], $0x80, s13, s20, $0xb8;
	[tilespmem:$0x1F400] =	vst v63  }
0x1f9: {  	_ =	swait.ge [sflag:s0], $0x2800  }
0x1fa: {  	[sflag:s0] =	ssyncset.done $0x0  }
0x1fb: {  	[sflag:s0] =	ssyncadd.s32 $0xFFFFD800  }
0x1fc: {  	[spmem:s3] =	stream.indirect.scatter.add.f32 [tilespmem:s28], [sflag:$0xC], $0x80, s18, s20, $0xb8;
	[tilespmem:$0x1F400] =	vst v63  }
0x1fd: {  	_ =	swait.ge [sflag:s2], $0x2800  }
0x1fe: {  	s10 =	rddreg [dreg:$0xb];
	[sflag:s2] =	ssyncset.done $0x0  }
0x1ff: {  	s11 =	rddreg [dreg:$0xa];
	[sflag:s2] =	ssyncadd.s32 $0xFFFFD800;
	s9 =	sadd.s32 s5, s10  }
0x200: {  	[tilespmem:s4], [sflag:$0x1] =	stream.linear.gather [hbm4b:s9+s4], $0x50, $0x38;
	[tilespmem:$0x1F400] =	vst v63  }
0x201: {  	s11 =	sadd.s32 s5, s11  }
0x202: {  	[tilespmem:s15], [sflag:$0x1] =	stream.linear.gather [hbm4b:s11+s4], $0x50, $0x38;
	[tilespmem:$0x1F400] =	vst v63  }
0x203: {  	_ =	swait.ge [sflag:s6], $0x2800  }
0x204: {  	s10 =	rddreg [dreg:$0x9];
	[sflag:s6] =	ssyncset.done $0x0  }
0x205: {  	s11 =	rddreg [dreg:$0x8];
	[sflag:s6] =	ssyncadd.s32 $0xFFFFD800;
	s9 =	sadd.s32 s5, s10  }
0x206: {  	[tilespmem:s12], [sflag:$0x2] =	stream.linear.gather [hbm4b:s9+s4], $0x50, $0x38;
	[tilespmem:$0x1F400] =	vst v63  }
0x207: {  	s11 =	sadd.s32 s5, s11  }
0x208: {  	[tilespmem:s14], [sflag:$0x2] =	stream.linear.gather [hbm4b:s11+s4], $0x50, $0x38;
	[tilespmem:$0x1F400] =	vst v63  }
0x209: {  	_ =	swait.ge [sflag:s7], $0x2800  }
0x20a: {  	s10 =	rddreg [dreg:$0x7];
	[sflag:s7] =	ssyncset.done $0x0  }
0x20b: {  	s11 =	rddreg [dreg:$0x6];
	[sflag:s7] =	ssyncadd.s32 $0xFFFFD800;
	s9 =	sadd.s32 s5, s10  }
0x20c: {  	[tilespmem:s16], [sflag:$0x3] =	stream.linear.gather [hbm4b:s9+s4], $0x50, $0x38;
	[tilespmem:$0x1F400] =	vst v63  }
0x20d: {  	s11 =	sadd.s32 s5, s11  }
0x20e: {  	[tilespmem:s13], [sflag:$0x3] =	stream.linear.gather [hbm4b:s11+s4], $0x50, $0x38;
	[tilespmem:$0x1F400] =	vst v63  }
0x20f: {  	_ =	swait.ge [sflag:s8], $0x2800  }
0x210: {  	s10 =	rddreg [dreg:$0x5];
	[sflag:s8] =	ssyncset.done $0x0  }
0x211: {  	s11 =	rddreg [dreg:$0x4];
	[sflag:s8] =	ssyncadd.s32 $0xFFFFD800;
	s9 =	sadd.s32 s5, s10  }
0x212: {  	[tilespmem:s17], [sflag:$0x4] =	stream.linear.gather [hbm4b:s9+s4], $0x50, $0x38;
	[tilespmem:$0x1F400] =	vst v63  }
0x213: {  	s9 =	sadd.s32 s5, s11  }
0x214: {  	[tilespmem:s18], [sflag:$0x4] =	stream.linear.gather [hbm4b:s9+s4], $0x50, $0x38;
	[tilespmem:$0x1F400] =	vst v63  }
0x215: {  	_ =	swait.ge [sflag:s19], $0x50  }
0x216: {  	[sflag:s19] =	ssyncset.done $0x0  }
0x217: {  	[sflag:s19] =	ssyncadd.s32 $0xFFFFFFB0  }
0x218: {  	_ =	swait.ge [sflag:s19], $0x50  }
0x219: {  	[sflag:s19] =	ssyncset.done $0x0  }
0x21a: {  	[sflag:s19] =	ssyncadd.s32 $0xFFFFFFB0  }
0x21b: {  	[tilespmem:s21], [sflag:$0x5] =	stream.indirect.gather [hbm4b:s1+s20], $0x80, s4, s20, $0xb8;
	[tilespmem:$0x1F400] =	vst v63  }
0x21c: {  	_ =	swait.ge [sflag:s22], $0x50  }
0x21d: {  	[sflag:s22] =	ssyncset.done $0x0  }
0x21e: {  	[sflag:s22] =	ssyncadd.s32 $0xFFFFFFB0  }
0x21f: {  	_ =	swait.ge [sflag:s22], $0x50  }
0x220: {  	[sflag:s22] =	ssyncset.done $0x0  }
0x221: {  	[sflag:s22] =	ssyncadd.s32 $0xFFFFFFB0  }
0x222: {  	[tilespmem:s23], [sflag:$0x6] =	stream.indirect.gather [hbm4b:s1+s20], $0x80, s12, s20, $0xb8;
	[tilespmem:$0x1F400] =	vst v63  }
0x223: {  	_ =	swait.ge [sflag:s24], $0x50  }
0x224: {  	[sflag:s24] =	ssyncset.done $0x0  }
0x225: {  	[sflag:s24] =	ssyncadd.s32 $0xFFFFFFB0  }
0x226: {  	_ =	swait.ge [sflag:s24], $0x50  }
0x227: {  	[sflag:s24] =	ssyncset.done $0x0  }
0x228: {  	[sflag:s24] =	ssyncadd.s32 $0xFFFFFFB0  }
0x229: {  	[tilespmem:s25], [sflag:$0x7] =	stream.indirect.gather [hbm4b:s1+s20], $0x80, s16, s20, $0xb8;
	[tilespmem:$0x1F400] =	vst v63  }
0x22a: {  	_ =	swait.ge [sflag:s26], $0x50  }
0x22b: {  	[sflag:s26] =	ssyncset.done $0x0  }
0x22c: {  	[sflag:s26] =	ssyncadd.s32 $0xFFFFFFB0  }
0x22d: {  	_ =	swait.ge [sflag:s26], $0x50  }
0x22e: {  	[sflag:s26] =	ssyncset.done $0x0  }
0x22f: {  	[sflag:s26] =	ssyncadd.s32 $0xFFFFFFB0  }
0x230: {  	[tilespmem:s28], [sflag:$0x8] =	stream.indirect.gather [hbm4b:s1+s20], $0x80, s17, s20, $0xb8;
	[tilespmem:$0x1F400] =	vst v63  }
0x231: {  	_ =	swait.ge [sflag:s29], $0x2800  }
0x232: {  	[sflag:s29] =	ssyncset.done $0x0  }
0x233: {  	[sflag:s29] =	ssyncadd.s32 $0xFFFFD800  }
0x234: {  	[spmem:s3] =	stream.indirect.scatter.add.f32 [tilespmem:s21], [sflag:$0x9], $0x80, s15, s20, $0xb8;
	[tilespmem:$0x1F400] =	vst v63  }
0x235: {  	_ =	swait.ge [sflag:s30], $0x2800  }
0x236: {  	[sflag:s30] =	ssyncset.done $0x0  }
0x237: {  	[sflag:s30] =	ssyncadd.s32 $0xFFFFD800  }
0x238: {  	[spmem:s3] =	stream.indirect.scatter.add.f32 [tilespmem:s23], [sflag:$0xA], $0x80, s14, s20, $0xb8;
	[tilespmem:$0x1F400] =	vst v63  }
0x239: {  	_ =	swait.ge [sflag:s31], $0x2800  }
0x23a: {  	[sflag:s31] =	ssyncset.done $0x0  }
0x23b: {  	[sflag:s31] =	ssyncadd.s32 $0xFFFFD800  }
0x23c: {  	[spmem:s3] =	stream.indirect.scatter.add.f32 [tilespmem:s25], [sflag:$0xB], $0x80, s13, s20, $0xb8;
	[tilespmem:$0x1F400] =	vst v63  }
0x23d: {  	_ =	swait.ge [sflag:s0], $0x2800  }
0x23e: {  	[sflag:s0] =	ssyncset.done $0x0  }
0x23f: {  	[sflag:s0] =	ssyncadd.s32 $0xFFFFD800  }
0x240: {  	[spmem:s3] =	stream.indirect.scatter.add.f32 [tilespmem:s28], [sflag:$0xC], $0x80, s18, s20, $0xb8;
	[tilespmem:$0x1F400] =	vst v63  }
0x241: {  	_ =	swait.ge [sflag:s2], $0x2800  }
0x242: {  	[sflag:s2] =	ssyncset.done $0x0  }
0x243: {  	[sflag:s2] =	ssyncadd.s32 $0xFFFFD800  }
0x244: {  	_ =	swait.ge [sflag:s6], $0x2800  }
0x245: {  	[sflag:s6] =	ssyncset.done $0x0  }
0x246: {  	[sflag:s6] =	ssyncadd.s32 $0xFFFFD800  }
0x247: {  	_ =	swait.ge [sflag:s7], $0x2800  }
0x248: {  	[sflag:s7] =	ssyncset.done $0x0  }
0x249: {  	[sflag:s7] =	ssyncadd.s32 $0xFFFFD800  }
0x24a: {  	_ =	swait.ge [sflag:s8], $0x2800  }
0x24b: {  	[sflag:s8] =	ssyncset.done $0x0  }
0x24c: {  	s10 =	rddreg [dreg:$0x1b];
	[sflag:s8] =	ssyncadd.s32 $0xFFFFD800  }
0x24d: {  	[tilespmem:s4], [sflag:$0x1] =	stream.linear.gather [hbm4b:s10+s4], $0x50, $0x38;
	[tilespmem:$0x1F400] =	vst v63  }
0x24e: {  	s11 =	rddreg [dreg:$0x1c]  }
0x24f: {  	[tilespmem:s15], [sflag:$0x1] =	stream.linear.gather [hbm4b:s11+s4], $0x50, $0x38;
	[tilespmem:$0x1F400] =	vst v63  }
0x250: {  	_ =	swait.ge [sflag:s19], $0x50  }
0x251: {  	[sflag:s19] =	ssyncset.done $0x0  }
0x252: {  	[sflag:s19] =	ssyncadd.s32 $0xFFFFFFB0  }
0x253: {  	_ =	swait.ge [sflag:s19], $0x50  }
0x254: {  	[sflag:s19] =	ssyncset.done $0x0  }
0x255: {  	[sflag:s19] =	ssyncadd.s32 $0xFFFFFFB0  }
0x256: {  	[tilespmem:s21], [sflag:$0x5] =	stream.indirect.gather [hbm4b:s1+s20], $0x80, s4, s20, $0xb8;
	[tilespmem:$0x1F400] =	vst v63  }
0x257: {  	_ =	swait.ge [sflag:s29], $0x2800  }
0x258: {  	[sflag:s29] =	ssyncset.done $0x0  }
0x259: {  	[sflag:s29] =	ssyncadd.s32 $0xFFFFD800  }
0x25a: {  	[spmem:s3] =	stream.indirect.scatter.add.f32 [tilespmem:s21], [sflag:$0x9], $0x80, s15, s20, $0xb8;
	[tilespmem:$0x1F400] =	vst v63  }
0x25b: {  	_ =	swait.ge [sflag:s2], $0x2800  }
0x25c: {  	[sflag:s2] =	ssyncset.done $0x0  }
0x25d: {  	s12 =	rddreg [dreg:$0x1d];
	[sflag:s2] =	ssyncadd.s32 $0xFFFFD800  }
0x25e: {  	[tilespmem:s4], [sflag:$0x1] =	stream.linear.gather [hbm4b:s12+s4], $0x50, $0x38;
	[tilespmem:$0x1F400] =	vst v63  }
0x25f: {  	s13 =	rddreg [dreg:$0x1e]  }
0x260: {  	[tilespmem:s15], [sflag:$0x1] =	stream.linear.gather [hbm4b:s13+s4], $0x50, $0x38;
	[tilespmem:$0x1F400] =	vst v63  }
0x261: {  	_ =	swait.ge [sflag:s19], $0x50  }
0x262: {  	[sflag:s19] =	ssyncset.done $0x0  }
0x263: {  	[sflag:s19] =	ssyncadd.s32 $0xFFFFFFB0  }
0x264: {  	_ =	swait.ge [sflag:s19], $0x50  }
0x265: {  	[sflag:s19] =	ssyncset.done $0x0  }
0x266: {  	[sflag:s19] =	ssyncadd.s32 $0xFFFFFFB0  }
0x267: {  	[tilespmem:s21], [sflag:$0x5] =	stream.indirect.gather [hbm4b:s1+s20], $0x80, s4, s20, $0xb8;
	[tilespmem:$0x1F400] =	vst v63  }
0x268: {  	_ =	swait.ge [sflag:s29], $0x2800  }
0x269: {  	[sflag:s29] =	ssyncset.done $0x0  }
0x26a: {  	[sflag:s29] =	ssyncadd.s32 $0xFFFFD800  }
0x26b: {  	[spmem:s3] =	stream.indirect.scatter.add.f32 [tilespmem:s21], [sflag:$0x9], $0x80, s15, s20, $0xb8;
	[tilespmem:$0x1F400] =	vst v63  }
0x26c: {  	_ =	swait.ge [sflag:s2], $0x2800  }
0x26d: {  	[sflag:s2] =	ssyncset.done $0x0;
	s9 =	rddreg [dreg:$0x1f]  }
0x26e: {  	s10 =	sld [smem:$0x7EA];
	[sflag:s2] =	ssyncadd.s32 $0xFFFFD800  }
0x26f: {  	[tilespmem:s4], [sflag:$0x1] =	stream.linear.gather [hbm4b:s9+s4], $0x50, $0x38;
	[tilespmem:$0x1F400] =	vst v63  }
0x270: {  	_ = 	snop  }
0x271: {  	[tilespmem:s15], [sflag:$0x1] =	stream.linear.gather [hbm4b:s10+s4], $0x50, $0x38;
	[tilespmem:$0x1F400] =	vst v63  }
0x272: {  	_ =	swait.ge [sflag:s19], $0x50  }
0x273: {  	[sflag:s19] =	ssyncset.done $0x0  }
0x274: {  	[sflag:s19] =	ssyncadd.s32 $0xFFFFFFB0  }
0x275: {  	_ =	swait.ge [sflag:s19], $0x50  }
0x276: {  	[sflag:s19] =	ssyncset.done $0x0  }
0x277: {  	[sflag:s19] =	ssyncadd.s32 $0xFFFFFFB0  }
0x278: {  	[tilespmem:s21], [sflag:$0x5] =	stream.indirect.gather [hbm4b:s1+s20], $0x80, s4, s20, $0xb8;
	[tilespmem:$0x1F400] =	vst v63  }
0x279: {  	_ =	swait.ge [sflag:s29], $0x2800  }
0x27a: {  	[sflag:s29] =	ssyncset.done $0x0  }
0x27b: {  	[sflag:s29] =	ssyncadd.s32 $0xFFFFD800  }
0x27c: {  	[spmem:s3] =	stream.indirect.scatter.add.f32 [tilespmem:s21], [sflag:$0x9], $0x80, s15, s20, $0xb8;
	[tilespmem:$0x1F400] =	vst v63  }
0x27d: {  	_ =	swait.ge [sflag:s2], $0x2800  }
0x27e: {  	s11 =	sld [smem:$0x7EB]  }
0x27f: {  	[sflag:s2] =	ssyncset.done $0x0  }
0x280: {  	s12 =	sld [smem:$0x7EC];
	[sflag:s2] =	ssyncadd.s32 $0xFFFFD800  }
0x281: {  	[tilespmem:s4], [sflag:$0x1] =	stream.linear.gather [hbm4b:s11+s4], $0x50, $0x38;
	[tilespmem:$0x1F400] =	vst v63  }
0x282: {  	_ = 	snop  }
0x283: {  	[tilespmem:s15], [sflag:$0x1] =	stream.linear.gather [hbm4b:s12+s4], $0x50, $0x38;
	[tilespmem:$0x1F400] =	vst v63  }
0x284: {  	_ =	swait.ge [sflag:s19], $0x50  }
0x285: {  	[sflag:s19] =	ssyncset.done $0x0  }
0x286: {  	[sflag:s19] =	ssyncadd.s32 $0xFFFFFFB0  }
0x287: {  	_ =	swait.ge [sflag:s19], $0x50  }
0x288: {  	[sflag:s19] =	ssyncset.done $0x0  }
0x289: {  	[sflag:s19] =	ssyncadd.s32 $0xFFFFFFB0  }
0x28a: {  	[tilespmem:s21], [sflag:$0x5] =	stream.indirect.gather [hbm4b:s1+s20], $0x80, s4, s20, $0xb8;
	[tilespmem:$0x1F400] =	vst v63  }
0x28b: {  	_ =	swait.ge [sflag:s29], $0x2800  }
0x28c: {  	[sflag:s29] =	ssyncset.done $0x0  }
0x28d: {  	[sflag:s29] =	ssyncadd.s32 $0xFFFFD800  }
0x28e: {  	[spmem:s3] =	stream.indirect.scatter.add.f32 [tilespmem:s21], [sflag:$0x9], $0x80, s15, s20, $0xb8;
	[tilespmem:$0x1F400] =	vst v63  }
0x28f: {  	_ =	swait.ge [sflag:s2], $0x2800  }
0x290: {  	s13 =	sld [smem:$0x7EE]  }
0x291: {  	[sflag:s2] =	ssyncset.done $0x0  }
0x292: {  	s9 =	sld [smem:$0x7ED];
	[sflag:s2] =	ssyncadd.s32 $0xFFFFD800  }
0x293: {  	[tilespmem:s4], [sflag:$0x1] =	stream.linear.gather [hbm4b:s13+s4], $0x50, $0x38;
	[tilespmem:$0x1F400] =	vst v63  }
0x294: {  	_ = 	snop  }
0x295: {  	[tilespmem:s15], [sflag:$0x1] =	stream.linear.gather [hbm4b:s9+s4], $0x50, $0x38;
	[tilespmem:$0x1F400] =	vst v63  }
0x296: {  	_ =	swait.ge [sflag:s19], $0x50  }
0x297: {  	[sflag:s19] =	ssyncset.done $0x0  }
0x298: {  	[sflag:s19] =	ssyncadd.s32 $0xFFFFFFB0  }
0x299: {  	_ =	swait.ge [sflag:s19], $0x50  }
0x29a: {  	[sflag:s19] =	ssyncset.done $0x0  }
0x29b: {  	[sflag:s19] =	ssyncadd.s32 $0xFFFFFFB0  }
0x29c: {  	[tilespmem:s21], [sflag:$0x5] =	stream.indirect.gather [hbm4b:s1+s20], $0x80, s4, s20, $0xb8;
	[tilespmem:$0x1F400] =	vst v63  }
0x29d: {  	_ =	swait.ge [sflag:s29], $0x2800  }
0x29e: {  	[sflag:s29] =	ssyncset.done $0x0  }
0x29f: {  	[sflag:s29] =	ssyncadd.s32 $0xFFFFD800  }
0x2a0: {  	[spmem:s3] =	stream.indirect.scatter.add.f32 [tilespmem:s21], [sflag:$0x9], $0x80, s15, s20, $0xb8;
	[tilespmem:$0x1F400] =	vst v63  }
0x2a1: {  	_ =	swait.ge [sflag:s2], $0x2800  }
0x2a2: {  	[sflag:s2] =	ssyncset.done $0x0  }
0x2a3: {  	[sflag:s2] =	ssyncadd.s32 $0xFFFFD800  }
0x2a4: {  	[bflag:$0x0] =	sbarrier.arrive $0xFFFF  }
0x2a5: {  	s10 =	stileid.u32;
	s12 =	sld [smem:$0x7F1]  }
0x2a6: {  	s5 =	sshll.u32 s10, $0x6;
	s13 =	rddreg [dreg:$0x14]  }
0x2a7: {  	s10 =	simm.s32 $0xD;
	s5 =	sor.u32 $0x1C0D, s5;
	s11 =	sshrl.u32 s13, $0x3  }
0x2a8: {  	[hbm:s12], [sflag:s5] =	dma.local [spmem:s11], $0x2800  }
0x2a9: {  	_ =	swait.ge [sflag:s10], $0x2800  }
0x2aa: {  	s11 =	sld [smem:$0x7E9]  }
0x2ab: {  	s12 =	sld [smem:$0x7F2];
	_ =	sdelay $0x1  }
0x2ac: {  	s9 =	sadd.s32 $0x1, s11  }
0x2ad: {  	p0 =	sne.s32 s9, s12  }
.Ltmp2:
0x2ae: {  	_ = 	snop;
	(pc) =	sbr.rel @p0 .LBB2_1-.Ltmp2, $3  }
0x2af: {  	_ =	sdelay $0x1  }
0x2b0: {  	[sflag:s10] =	ssyncset.done $0x0  }
0x2b1: {  	[sflag:s10] =	ssyncadd.s32 $0xFFFFD800;
	s11 =	simm.s32 $0x80;
	s12 =	simm.s32 $0x200  }
0x2b2: {  	_ =	sfence.sel $0x180000  }
0x2b3: {  	[bflag:$0x0] =	sbarrier.arrive $0xFFFF  }
0x2b4: {  	_ =	strace $0x9000004D  }
0x2b5: {  	s0 =	stileid.u32;
	[bflag:$0x2] =	sbarrier.arrive $0xFFFF  }
0x2b6: {  	p0 =	sne.s32 s0, $0x0;
	s0 =	rddreg [dreg:$0x3]  }
0x2b7: {  	s0 =	sadd.s32 @!p0 $0x100000, s0  }
0x2b8: {  	[sflag:s0] =	ssyncadd.tile.s32 @!p0 $0x1;
	_ =	shalt  }
.Lfunc_end2:
_tile_overlayer_lowered:
.L_overlay_start_2:
0x2b9: {  	(tag) =	ssettag $0x2  }
0x2ba: {  	s0 =	rddreg [dreg:$0x0];
	s2 =	stileid.u32  }
0x2bb: {  	s1 =	rddreg [dreg:$0x1];
	p0 =	sne.s32 s2, $0x0  }
0x2bc: {  	s3 =	rddreg [dreg:$0x2];
	[bflag:$0x3] =	sbarrier.arrive $0xFFFF;
	s2 =	simm.s32 @!p0 $0x1C0D  }
0x2bd: {  	[timem:s3], [sflag:s2] =	dma.local @!p0 [hbm:s0], s1  }
0x2be: {  	s0 =	simm.s32 @!p0 $0xD  }
0x2bf: {  	_ =	swait.ge @!p0 [sflag:s0], s1  }
0x2c0: {  	s1 =	ssub.s32 @!p0 $0x0, s1;
	[sflag:s0] =	ssyncset.done @!p0 $0x0  }
0x2c1: {  	[sflag:s0] =	ssyncadd.s32 @!p0 s1  }
0x2c2: {  	[bflag:$0x3] =	sbarrier.arrive $0xFFFF  }
0x2c3: {  	_ =	shalt  }

// kernel: kernel.9.cloned.1.call-start
scs
__scs_entry_jumppad:
0x0: {  	(pc) =	sbr.rel $0x88, $3  }
0x1: {  	(tag) =	ssettag $0x0;
	lr =	simm.s32 $0x1  }
0x2: {  	[smem:$0x3F9B] =	sst lr;
	_ =	strace $0xD0000000  }
0x3: {  	_ = 	snop  }
0x4: {  	_ = 	snop  }
0x5: {  	_ = 	snop  }
0x6: {  	_ = 	snop  }
0x7: {  	_ = 	snop  }
__scs_overlays_trampoline_lowered:
0x8: {  	[smem:$0x3FAA] =	sst s0  }
0x9: {  	[smem:$0x3FAB] =	sst s1  }
0xa: {  	[smem:$0x3FAC] =	sst s2  }
0xb: {  	[smem:$0x3FAD] =	sst s3  }
0xc: {  	[smem:$0x3FAE] =	sst s4  }
0xd: {  	[smem:$0x3FAF] =	sst s5  }
0xe: {  	[smem:$0x3FB0] =	sst s6  }
0xf: {  	[smem:$0x3FB1] =	sst s7  }
0x10: {  	[smem:$0x3FB2] =	sst s8  }
0x11: {  	[smem:$0x3FB3] =	sst s9;
	s0 =	simm.s32 @!p0 $0x0  }
0x12: {  	s1 =	sld [smem:$0x3F99];
	s0 =	simm.s32 @p0 $0x1  }
0x13: {  	[smem:$0x3FB4] =	sst s0;
	s0 =	simm.s32 @!p1 $0x0  }
0x14: {  	s2 =	sld [smem:$0x3F98];
	s0 =	simm.s32 @p1 $0x1  }
0x15: {  	[smem:$0x3FB5] =	sst s0;
	s0 =	simm.s32 @!p2 $0x0  }
0x16: {  	s3 =	sld [smem:$0x3FDB];
	s0 =	simm.s32 @p2 $0x1  }
0x17: {  	s4 =	simm.s32 $0x1BF5;
	[smem:$0x3FB7] =	sst s0  }
0x18: {  	s0 =	sld [smem:$0x3F9A];
	_ =	swait.ge [sflag:s4], $0x0  }
0x19: {  	s7 =	sld [smem:$0x3F9B]  }
0x1a: {  	s8 =	sadd.s32 $0xFFFFE003, lr  }
0x1b: {  	s9 =	sadd.s32 $0xFFFFFEF7, lr;
	s5 =	simm.s32 $0xFFFFFFFF;
	p2 =	slt.u32 s8, $0xFFFFF086  }
0x1c: {  	p1 =	slt.u32 s9, $0xF7A;
	s5 =	simm.s32 @!p2 $0x0  }
0x1d: {  	s5 =	simm.s32 @p1 $0x1;
	p0 =	seq.s32 s7, s2  }
0x1e: {  	s7 =	smul.u32 @!p0 $0xF7A, s2;
	p2 =	seq.s32 @!p0 s5, $0x0  }
0x1f: {  	s9 =	smul.u32 $0xF7A, s1;
	s8 =	simm.s32 @!p0 $0x1BF5;
	p2 =	por !p2, p0  }
0x20: {  	[sflag:s8] =	ssyncset.s32 @!p0 $0xFFFFF086;
	s6 =	sadd.s32 @!p0 s3, s7;
	s7 =	simm.s32 @!p0 $0x108  }
0x21: {  	s3 =	sadd.s32 s3, s9;
	s6 =	sadd.s32 @!p0 $0x88, s6;
	s7 =	simm.s32 @p2 $0x1082  }
0x22: {  	[simem:s7], [sflag:s8] =	dma.local @!p0 [hbm:s6], $0xF7A  }
0x23: {  	s9 =	sor.u32 $0xD0000000, s2;
	s6 =	simm.s32 $0x108;
	_ =	swait.ge @!p0 [sflag:s8], $0x0  }
0x24: {  	s3 =	sadd.s32 $0x88, s3;
	s6 =	simm.s32 @!p1 $0x1082;
	[sflag:s4] =	ssyncset.s32 $0xFFFFF086  }
0x25: {  	[simem:s6], [sflag:s4] =	dma.local [hbm:s3], $0xF7A  }
0x26: {  	[smem:$0x3F9B] =	sst s1;
	(tag) =	ssettag s2;
	_ =	strace s9  }
0x27: {  	s1 =	sld [smem:$0x3FAB]  }
0x28: {  	s2 =	sld [smem:$0x3FAC]  }
0x29: {  	s4 =	sld [smem:$0x3FAE]  }
0x2a: {  	p0 =	seq.s32 s5, $0x0;
	s5 =	sld [smem:$0x3FAF]  }
0x2b: {  	s6 =	sld [smem:$0x3FB0]  }
0x2c: {  	s7 =	sld [smem:$0x3FB1]  }
0x2d: {  	s3 =	simm.s32 $0x108;
	s8 =	sld [smem:$0x3FB2]  }
0x2e: {  	s3 =	simm.s32 @!p0 $0x1082;
	s9 =	sld [smem:$0x3FB3]  }
0x2f: {  	lr =	sadd.s32 s0, s3;
	s0 =	sld [smem:$0x3FAA]  }
0x30: {  	s3 =	sld [smem:$0x3FAD]  }
0x31: {  	[smem:$0x3FB6] =	sst s10  }
0x32: {  	s10 =	sld [smem:$0x3FB4];
	_ =	sdelay $0x3  }
0x33: {  	p0 =	seq.s32 s10, $0x1;
	s10 =	sld [smem:$0x3FB6];
	_ =	sdelay $0x3  }
0x34: {  	[smem:$0x3FB6] =	sst s10  }
0x35: {  	s10 =	sld [smem:$0x3FB5];
	_ =	sdelay $0x3  }
0x36: {  	p1 =	seq.s32 s10, $0x1;
	s10 =	sld [smem:$0x3FB6];
	_ =	sdelay $0x3  }
0x37: {  	[smem:$0x3FB6] =	sst s10  }
0x38: {  	s10 =	sld [smem:$0x3FB7]  }
0x39: {  	_ = 	snop;
	(pc) =	sbr.ind lr, $3  }
0x3a: {  	_ = 	snop  }
0x3b: {  	_ = 	snop  }
0x3c: {  	p2 =	seq.s32 s10, $0x1;
	s10 =	sld [smem:$0x3FB6]  }
0x3d: {  	_ =	shalt  }
0x3e: {  	_ =	shalt  }
0x3f: {  	_ =	shalt  }
0x40: {  	_ =	shalt  }
0x41: {  	_ =	shalt  }
0x42: {  	_ =	shalt  }
0x43: {  	_ =	shalt  }
0x44: {  	_ =	shalt  }
0x45: {  	_ =	shalt  }
0x46: {  	_ =	shalt  }
0x47: {  	_ =	shalt  }
0x48: {  	_ =	shalt  }
0x49: {  	_ =	shalt  }
0x4a: {  	_ =	shalt  }
0x4b: {  	_ =	shalt  }
0x4c: {  	_ =	shalt  }
0x4d: {  	_ =	shalt  }
0x4e: {  	_ =	shalt  }
0x4f: {  	_ =	shalt  }
0x50: {  	_ =	shalt  }
0x51: {  	_ =	shalt  }
0x52: {  	_ =	shalt  }
0x53: {  	_ =	shalt  }
0x54: {  	_ =	shalt  }
0x55: {  	_ =	shalt  }
0x56: {  	_ =	shalt  }
0x57: {  	_ =	shalt  }
0x58: {  	_ =	shalt  }
0x59: {  	_ =	shalt  }
0x5a: {  	_ =	shalt  }
0x5b: {  	_ =	shalt  }
0x5c: {  	_ =	shalt  }
0x5d: {  	_ =	shalt  }
0x5e: {  	_ =	shalt  }
0x5f: {  	_ =	shalt  }
0x60: {  	_ =	shalt  }
0x61: {  	_ =	shalt  }
0x62: {  	_ =	shalt  }
0x63: {  	_ =	shalt  }
0x64: {  	_ =	shalt  }
0x65: {  	_ =	shalt  }
0x66: {  	_ =	shalt  }
0x67: {  	_ =	shalt  }
0x68: {  	_ =	shalt  }
0x69: {  	_ =	shalt  }
0x6a: {  	_ =	shalt  }
0x6b: {  	_ =	shalt  }
0x6c: {  	_ =	shalt  }
0x6d: {  	_ =	shalt  }
0x6e: {  	_ =	shalt  }
0x6f: {  	_ =	shalt  }
0x70: {  	_ =	shalt  }
0x71: {  	_ =	shalt  }
0x72: {  	_ =	shalt  }
0x73: {  	_ =	shalt  }
0x74: {  	_ =	shalt  }
0x75: {  	_ =	shalt  }
0x76: {  	_ =	shalt  }
0x77: {  	_ =	shalt  }
0x78: {  	_ =	shalt  }
0x79: {  	_ =	shalt  }
0x7a: {  	_ =	shalt  }
0x7b: {  	_ =	shalt  }
0x7c: {  	_ =	shalt  }
0x7d: {  	_ =	shalt  }
0x7e: {  	_ =	shalt  }
0x7f: {  	_ =	shalt  }
0x80: {  	_ =	shalt  }
0x81: {  	_ =	shalt  }
0x82: {  	_ =	shalt  }
0x83: {  	_ =	shalt  }
0x84: {  	_ =	shalt  }
0x85: {  	_ =	shalt  }
0x86: {  	_ =	shalt  }
0x87: {  	_ =	shalt  }
.Lfunc_end0:
.L_simem_size_0:
called_computation_lowered:
.L_overlay_start_0:
0x88: {  	s2 =	sld [smem:$0x3FD9]  }
0x89: {  	s3 =	sld [smem:$0x3FFE];
	_ =	sdelay $0x1  }
0x8a: {  	s1 =	srdreg.scid  }
0x8b: {  	s0 =	sand.u32 $0x1, s1  }
0x8c: {  	s17 =	sshll.u32 s0, $0xA;
	s2 =	sadd.s32 s3, s2  }
0x8d: {  	s2 =	sadd.s32 s2, s17  }
0x8e: {  	[smem:$0x3FC2] =	sst s2  }
0x8f: {  	_ = 	snop  }
0x90: {  	s2 =	sld [smem:$0x3FD0];
	(tm) =	ssettm $0x1  }
0x91: {  	s18 =	sld [smem:$0x3FFB];
	_ =	sdelay $0x3  }
0x92: {  	_ =	strace s18  }
0x93: {  	s3 =	sld [smem:$0x3FFC];
	_ =	sdelay $0x3  }
0x94: {  	_ =	strace s3  }
0x95: {  	s3 =	sld [smem:$0x3FFD];
	_ =	sdelay $0x3  }
0x96: {  	_ =	strace s3  }
0x97: {  	_ =	strace $0x8FFFFFFF  }
0x98: {  	s19 =	sld [smem:$0x3FDB];
	_ =	sdelay $0x1  }
0x99: {  	s4 =	simm.s32 $_scs_section_size  }
0x9a: {  	s5 =	simm.s32 $_size__tile_overlayer_lowered;
	s6 =	simm.s32 $_tile_overlayer_lowered  }
0x9b: {  	s22 =	simm.s32 $0x1BFF;
	s21 =	sshll.u32 s6, $0x1;
	s3 =	sadd.s32 s4, s19  }
0x9c: {  	s7 =	simm.s32 $0x0;
	s20 =	sshll.u32 s5, $0x1;
	s5 =	sadd.s32 s21, s3  }
0x9d: {  	[timem:s7], [sflag:s22] =	dma.local [hbm:s5], s20  }
0x9e: {  	_ =	swait.ge [sflag:s22], s20  }
0x9f: {  	s4 =	ssub.s32 $0x0, s20;
	[sflag:s22] =	ssyncset.done $0x0  }
0xa0: {  	[sflag:s22] =	ssyncadd.s32 s4;
	_ =	sdelay $0x1  }
0xa1: {  	s23 =	simm.s32 $0x1B8B  }
0xa2: {  	_ =	swait.ge [sflag:s23], $0x1  }
0xa3: {  	[sflag:s23] =	ssyncset.done $0x0  }
0xa4: {  	s25 =	simm.s32 $0x1B8E;
	s24 =	sld [smem:$0x3FFE];
	[sflag:s23] =	ssyncadd.s32 $0xFFFFFFFF  }
0xa5: {  	s26 =	simm.s32 $execute0_lowered;
	[smem:$0x3FD2] =	sst s25  }
0xa6: {  	s5 =	sshll.u32 s26, $0x1;
	_ =	strace $0x80000046;
	[dreg:$0x1] =	wrdreg $0xFFFFFFFF  }
0xa7: {  	s28 =	simm.s32 $_size_execute0_lowered;
	s3 =	sadd.s32 s3, s5;
	[dreg:$0x0] =	wrdreg $0x0  }
0xa8: {  	s5 =	sshll.u32 s28, $0x1;
	[dreg:$0x2] =	wrdreg s3  }
0xa9: {  	[dreg:$0x3] =	wrdreg s5  }
0xaa: {  	[dreg:$0x4] =	wrdreg $0xC0  }
0xab: {  	_ =	task [dreg:s7], $0x5FFFF  }
0xac: {  	[dreg:$0x1] =	wrdreg $0xFFFFFFFF  }
0xad: {  	[dreg:$0x0] =	wrdreg $0x60  }
0xae: {  	[dreg:$0x2] =	wrdreg s24  }
0xaf: {  	[dreg:$0x3] =	wrdreg s2  }
0xb0: {  	[dreg:$0x4] =	wrdreg $0x3A000  }
0xb1: {  	[dreg:$0x5] =	wrdreg $0x9  }
0xb2: {  	_ =	task.clear_ibuf [dreg:s7], $0x6FFFF;
	_ =	strace $0x90000046  }
0xb3: {  	s29 =	simm.s32 $0x9;
	_ =	strace $0x80000048  }
0xb4: {  	_ =	swait.ge [sflag:s29], $0x1  }
0xb5: {  	[sflag:s29] =	ssyncadd.s32 $0xFFFFFFFF  }
0xb6: {  	_ =	strace $0x90000048  }
0xb7: {  	_ =	sfence  }
0xb8: {  	s30 =	sld [smem:$0x0];
	_ =	sdelay $0x2  }
0xb9: {  	s31 =	sshll.u32 s1, $0xD;
	s1 =	sshrl.u32 s1, $0x2  }
0xba: {  	s3 =	sand.u32 $0x4000, s31;
	s1 =	sadd.s32 s1, s30  }
0xbb: {  	s0 =	sor.u32 s3, s0;
	s1 =	sshll.u32 s1, $0x11  }
0xbc: {  	s0 =	sor.u32 s1, s0  }
0xbd: {  	s0 =	sadd.s32 $0x8F2B, s0  }
0xbe: {  	[sflag:s0] =	ssyncadd.remote.s32 $0x1  }
0xbf: {  	_ =	sfence.sel $0xFFFF  }
0xc0: {  	[dreg:$0x0] =	wrdreg $0xFFFFFFFF;
	(pc) =	sbr.abs _section_cstart, $3  }
0xc1: {  	[dreg:$0x1] =	wrdreg $0xFFFFFFFF  }
0xc2: {  	_ =	task.clear_ibuf [dreg:s7], $0x2FFFF;
	_ =	strace $0x9FFFFFFF  }
0xc3: {  	(tm) =	ssettm $0x7FFFFFFF  }
tec
execute0_lowered:
.L_overlay_start_1:
0x0: {  	(tag) =	ssettag $0x1  }
0x1: {  	s0 =	rddreg [dreg:$0x0]  }
0x2: {  	s3 =	rddreg [dreg:$0x2];
	s4 =	simm.s32 $0x0;
	s1 =	srdreg.scid  }
0x3: {  	s9 =	stileid.u32;
	s28 =	simm.s32 $0x2;
	s29 =	simm.s32 $0x3  }
0x4: {  	s30 =	simm.s32 $0x4;
	s31 =	simm.s32 $0x5;
	s2 =	smul.u32 $0x2800, s9  }
0x5: {  	[smem:$0x7FF] =	sst s4;
	s1 =	sand.u32 $0x1, s1;
	s18 =	smul.u32 $0x50000, s9  }
0x6: {  	s7 =	sadd.s32 $0xBE00, s0;
	s16 =	sshll.u32 s9, $0x1;
	s9 =	smul.u32 $0x4E20, s9  }
0x7: {  	s6 =	sadd.s32 $0x15C00, s0;
	_ =	strace $0x80000047;
	s5 =	smul.u32 $0x28000, s1  }
0x8: {  	[dreg:$0x5] =	wrdreg s6;
	s17 =	sor.u32 s1, s16;
	s19 =	ssub.s32 $0x2, s1  }
0x9: {  	s1 =	smul.u32 $0x2710, s1;
	s8 =	sshrl.u32 s19, $0x1;
	s6 =	sshrl.u32 s18, $0x2  }
0xa: {  	s2 =	sadd.s32 s2, s5;
	s5 =	smul.u32 $0x2710, s17;
	s6 =	sadd.s32 s6, s3  }
0xb: {  	s1 =	sadd.s32 s1, s9;
	s0 =	sadd.s32 s2, s0;
	s2 =	ssub.s32 s19, s8  }
0xc: {  	s20 =	sadd.s32 $0x1000, s6;
	s21 =	sadd.s32 $0x2000, s6;
	s22 =	sadd.s32 $0x3000, s6  }
0xd: {  	s23 =	sadd.s32 $0x4000, s6;
	s24 =	sadd.s32 $0x5000, s6;
	[dreg:$0x6] =	wrdreg s20  }
0xe: {  	s25 =	sadd.s32 $0x230, s1;
	s12 =	sadd.s32 $0x1E0, s1;
	[dreg:$0x7] =	wrdreg s21  }
0xf: {  	s14 =	sadd.s32 $0x190, s1;
	s17 =	sadd.s32 $0x140, s1;
	[dreg:$0x8] =	wrdreg s22  }
0x10: {  	s19 =	sadd.s32 $0xF0, s1;
	s9 =	sadd.s32 $0x9000, s6;
	[dreg:$0x9] =	wrdreg s23  }
0x11: {  	s5 =	sshrl.u32 s5, $0x3;
	[dreg:$0xa] =	wrdreg s24;
	s8 =	sshrl.u32 s25, $0x3  }
0x12: {  	s13 =	sshrl.u32 s12, $0x3;
	s16 =	sshrl.u32 s14, $0x3;
	s18 =	sshrl.u32 s17, $0x3  }
0x13: {  	s20 =	sshrl.u32 s19, $0x3;
	s21 =	sadd.s32 $0xA0, s1;
	s23 =	sadd.s32 $0x50, s1  }
0x14: {  	s1 =	sshrl.u32 s1, $0x3;
	s0 =	sadd.s32 $0x15E00, s0;
	[dreg:$0x15] =	wrdreg s9  }
0x15: {  	s2 =	smax.u32 s2, $0x1;
	s12 =	sadd.s32 $0xC000, s6;
	[dreg:$0x10] =	wrdreg s0  }
0x16: {  	s14 =	sadd.s32 $0xE000, s6;
	s5 =	sadd.s32 s7, s5;
	[dreg:$0x11] =	wrdreg s2  }
0x17: {  	s8 =	sadd.s32 s8, s7;
	s15 =	sadd.s32 s13, s7;
	[dreg:$0x18] =	wrdreg s12  }
0x18: {  	s16 =	sadd.s32 s16, s7;
	s17 =	sadd.s32 s18, s7;
	[dreg:$0x1a] =	wrdreg s14  }
0x19: {  	s18 =	sadd.s32 s20, s7;
	s13 =	sadd.s32 $0xD000, s6;
	[dreg:$0x4] =	wrdreg s8  }
0x1a: {  	s24 =	sshrl.u32 s23, $0x3;
	s23 =	sadd.s32 $0x10000, s6;
	[dreg:$0x19] =	wrdreg s13  }
0x1b: {  	s22 =	sshrl.u32 s21, $0x3;
	s26 =	sadd.s32 $0x4B0, s5;
	[dreg:$0x1c] =	wrdreg s23  }
0x1c: {  	s21 =	sadd.s32 s1, s7;
	s10 =	sadd.s32 $0x4BA, s5;
	[dreg:$0xb] =	wrdreg s26  }
0x1d: {  	s12 =	simm.s32 $0x200;
	s11 =	sadd.s32 $0x4C4, s5;
	[dreg:$0xc] =	wrdreg s10  }
0x1e: {  	s19 =	sadd.s32 s22, s7;
	s25 =	sadd.s32 $0x4CE, s5;
	[dreg:$0xd] =	wrdreg s11  }
0x1f: {  	s20 =	sadd.s32 s24, s7;
	s7 =	sadd.s32 $0x7000, s6;
	[dreg:$0xe] =	wrdreg s25  }
0x20: {  	s14 =	simm.s32 $0x2A00;
	s8 =	sadd.s32 $0x8000, s6;
	[dreg:$0x13] =	wrdreg s7  }
0x21: {  	s0 =	simm.s32 $0x6;
	s22 =	sadd.s32 $0xF000, s6;
	[dreg:$0x14] =	wrdreg s8  }
0x22: {  	s1 =	simm.s32 $0x7;
	s24 =	sadd.s32 $0x11000, s6;
	[dreg:$0x1b] =	wrdreg s22  }
0x23: {  	s2 =	simm.s32 $0x8;
	s26 =	sadd.s32 $0x4D8, s5;
	[dreg:$0x1d] =	wrdreg s24  }
0x24: {  	s13 =	simm.s32 $0x9;
	s5 =	sadd.s32 $0x6000, s6;
	[dreg:$0xf] =	wrdreg s26  }
0x25: {  	s23 =	simm.s32 $0x100;
	s10 =	sadd.s32 $0xA000, s6;
	[dreg:$0x12] =	wrdreg s5  }
0x26: {  	s11 =	sadd.s32 $0xB000, s6;
	s25 =	sadd.s32 $0x12000, s6;
	[dreg:$0x16] =	wrdreg s10  }
0x27: {  	s22 =	simm.s32 $0x80;
	s24 =	simm.s32 $0x180;
	[dreg:$0x17] =	wrdreg s11  }
0x28: {  	[dreg:$0x1e] =	wrdreg s25;
	s26 =	sadd.s32 $0x13000, s6;
	s25 =	simm.s32 $0x1  }
0x29: {  	s5 =	simm.s32 $0x0;
	[dreg:$0x1f] =	wrdreg s26;
	s26 =	simm.s32 $0x50  }
.LBB2_1:
0x2a: {  	s7 =	rddreg [dreg:$0x1]  }
0x2b: {  	[tilespmem:s12], [sflag:$0x9] =	stream.linear.gather [hbm4b:s7+s4], $0x2800, $0x38;
	[tilespmem:$0x17A00] =	vst v63  }
0x2c: {  	_ =	swait.ge [sflag:s13], $0x2800  }
0x2d: {  	[sflag:s13] =	ssyncset.done $0x0  }
0x2e: {  	s8 =	rddreg [dreg:$0x5];
	[sflag:s13] =	ssyncadd.s32 $0xFFFFD800  }
0x2f: {  	[tilespmem:s14], [sflag:$0x9] =	stream.linear.gather [hbm4b:s8+s4], $0x1000, $0x38;
	[tilespmem:$0x17A00] =	vst v63  }
0x30: {  	_ =	swait.ge [sflag:s13], $0x1000  }
0x31: {  	[sflag:s13] =	ssyncset.done $0x0  }
0x32: {  	[sflag:s13] =	ssyncadd.s32 $0xFFFFF000  }
0x33: {  	[spmem:s6] =	stream.linear.scatter [tilespmem:s14], [sflag:$0x9], $0x1000, $0x38;
	[tilespmem:$0x17A00] =	vst v63  }
0x34: {  	_ =	swait.ge [sflag:s13], $0x1000  }
0x35: {  	[sflag:s13] =	ssyncset.done $0x0  }
0x36: {  	s9 =	rddreg [dreg:$0x6];
	[sflag:s13] =	ssyncadd.s32 $0xFFFFF000  }
0x37: {  	[spmem:s9] =	stream.linear.scatter [tilespmem:s14], [sflag:$0x9], $0x1000, $0x38;
	[tilespmem:$0x17A00] =	vst v63  }
0x38: {  	_ =	swait.ge [sflag:s13], $0x1000  }
0x39: {  	[sflag:s13] =	ssyncset.done $0x0  }
0x3a: {  	s10 =	rddreg [dreg:$0x7];
	[sflag:s13] =	ssyncadd.s32 $0xFFFFF000  }
0x3b: {  	[spmem:s10] =	stream.linear.scatter [tilespmem:s14], [sflag:$0x9], $0x1000, $0x38;
	[tilespmem:$0x17A00] =	vst v63  }
0x3c: {  	_ =	swait.ge [sflag:s13], $0x1000  }
0x3d: {  	[sflag:s13] =	ssyncset.done $0x0  }
0x3e: {  	s11 =	rddreg [dreg:$0x8];
	[sflag:s13] =	ssyncadd.s32 $0xFFFFF000  }
0x3f: {  	[spmem:s11] =	stream.linear.scatter [tilespmem:s14], [sflag:$0x9], $0x1000, $0x38;
	[tilespmem:$0x17A00] =	vst v63  }
0x40: {  	_ =	swait.ge [sflag:s13], $0x1000  }
0x41: {  	[sflag:s13] =	ssyncset.done $0x0  }
0x42: {  	s8 =	rddreg [dreg:$0x9];
	[sflag:s13] =	ssyncadd.s32 $0xFFFFF000  }
0x43: {  	[spmem:s8] =	stream.linear.scatter [tilespmem:s14], [sflag:$0x9], $0x1000, $0x38;
	[tilespmem:$0x17A00] =	vst v63  }
0x44: {  	_ =	swait.ge [sflag:s13], $0x1000  }
0x45: {  	[sflag:s13] =	ssyncset.done $0x0  }
0x46: {  	s9 =	rddreg [dreg:$0xa];
	[sflag:s13] =	ssyncadd.s32 $0xFFFFF000  }
0x47: {  	[spmem:s9] =	stream.linear.scatter [tilespmem:s14], [sflag:$0x9], $0x1000, $0x38;
	[tilespmem:$0x17A00] =	vst v63  }
0x48: {  	_ =	swait.ge [sflag:s13], $0x1000  }
0x49: {  	[sflag:s13] =	ssyncset.done $0x0  }
0x4a: {  	s10 =	rddreg [dreg:$0x12];
	[sflag:s13] =	ssyncadd.s32 $0xFFFFF000  }
0x4b: {  	[spmem:s10] =	stream.linear.scatter [tilespmem:s14], [sflag:$0x9], $0x1000, $0x38;
	[tilespmem:$0x17A00] =	vst v63  }
0x4c: {  	_ =	swait.ge [sflag:s13], $0x1000  }
0x4d: {  	[sflag:s13] =	ssyncset.done $0x0  }
0x4e: {  	s11 =	rddreg [dreg:$0x13];
	[sflag:s13] =	ssyncadd.s32 $0xFFFFF000  }
0x4f: {  	[spmem:s11] =	stream.linear.scatter [tilespmem:s14], [sflag:$0x9], $0x1000, $0x38;
	[tilespmem:$0x17A00] =	vst v63  }
0x50: {  	_ =	swait.ge [sflag:s13], $0x1000  }
0x51: {  	[sflag:s13] =	ssyncset.done $0x0  }
0x52: {  	s8 =	rddreg [dreg:$0x14];
	[sflag:s13] =	ssyncadd.s32 $0xFFFFF000  }
0x53: {  	[spmem:s8] =	stream.linear.scatter [tilespmem:s14], [sflag:$0x9], $0x1000, $0x38;
	[tilespmem:$0x17A00] =	vst v63  }
0x54: {  	_ =	swait.ge [sflag:s13], $0x1000  }
0x55: {  	[sflag:s13] =	ssyncset.done $0x0  }
0x56: {  	s9 =	rddreg [dreg:$0x15];
	[sflag:s13] =	ssyncadd.s32 $0xFFFFF000  }
0x57: {  	[spmem:s9] =	stream.linear.scatter [tilespmem:s14], [sflag:$0x9], $0x1000, $0x38;
	[tilespmem:$0x17A00] =	vst v63  }
0x58: {  	_ =	swait.ge [sflag:s13], $0x1000  }
0x59: {  	[sflag:s13] =	ssyncset.done $0x0  }
0x5a: {  	s10 =	rddreg [dreg:$0x16];
	[sflag:s13] =	ssyncadd.s32 $0xFFFFF000  }
0x5b: {  	[spmem:s10] =	stream.linear.scatter [tilespmem:s14], [sflag:$0x9], $0x1000, $0x38;
	[tilespmem:$0x17A00] =	vst v63  }
0x5c: {  	_ =	swait.ge [sflag:s13], $0x1000  }
0x5d: {  	[sflag:s13] =	ssyncset.done $0x0  }
0x5e: {  	s11 =	rddreg [dreg:$0x17];
	[sflag:s13] =	ssyncadd.s32 $0xFFFFF000  }
0x5f: {  	[spmem:s11] =	stream.linear.scatter [tilespmem:s14], [sflag:$0x9], $0x1000, $0x38;
	[tilespmem:$0x17A00] =	vst v63  }
0x60: {  	_ =	swait.ge [sflag:s13], $0x1000  }
0x61: {  	[sflag:s13] =	ssyncset.done $0x0  }
0x62: {  	s8 =	rddreg [dreg:$0x18];
	[sflag:s13] =	ssyncadd.s32 $0xFFFFF000  }
0x63: {  	[spmem:s8] =	stream.linear.scatter [tilespmem:s14], [sflag:$0x9], $0x1000, $0x38;
	[tilespmem:$0x17A00] =	vst v63  }
0x64: {  	_ =	swait.ge [sflag:s13], $0x1000  }
0x65: {  	[sflag:s13] =	ssyncset.done $0x0  }
0x66: {  	s9 =	rddreg [dreg:$0x19];
	[sflag:s13] =	ssyncadd.s32 $0xFFFFF000  }
0x67: {  	[spmem:s9] =	stream.linear.scatter [tilespmem:s14], [sflag:$0x9], $0x1000, $0x38;
	[tilespmem:$0x17A00] =	vst v63  }
0x68: {  	_ =	swait.ge [sflag:s13], $0x1000  }
0x69: {  	[sflag:s13] =	ssyncset.done $0x0  }
0x6a: {  	s10 =	rddreg [dreg:$0x1a];
	[sflag:s13] =	ssyncadd.s32 $0xFFFFF000  }
0x6b: {  	[spmem:s10] =	stream.linear.scatter [tilespmem:s14], [sflag:$0x9], $0x1000, $0x38;
	[tilespmem:$0x17A00] =	vst v63  }
0x6c: {  	_ =	swait.ge [sflag:s13], $0x1000  }
0x6d: {  	[sflag:s13] =	ssyncset.done $0x0  }
0x6e: {  	s11 =	rddreg [dreg:$0x1b];
	[sflag:s13] =	ssyncadd.s32 $0xFFFFF000  }
0x6f: {  	[spmem:s11] =	stream.linear.scatter [tilespmem:s14], [sflag:$0x9], $0x1000, $0x38;
	[tilespmem:$0x17A00] =	vst v63  }
0x70: {  	_ =	swait.ge [sflag:s13], $0x1000  }
0x71: {  	[sflag:s13] =	ssyncset.done $0x0  }
0x72: {  	s8 =	rddreg [dreg:$0x1c];
	[sflag:s13] =	ssyncadd.s32 $0xFFFFF000  }
0x73: {  	[spmem:s8] =	stream.linear.scatter [tilespmem:s14], [sflag:$0x9], $0x1000, $0x38;
	[tilespmem:$0x17A00] =	vst v63  }
0x74: {  	_ =	swait.ge [sflag:s13], $0x1000  }
0x75: {  	[sflag:s13] =	ssyncset.done $0x0  }
0x76: {  	s9 =	rddreg [dreg:$0x1d];
	[sflag:s13] =	ssyncadd.s32 $0xFFFFF000  }
0x77: {  	[spmem:s9] =	stream.linear.scatter [tilespmem:s14], [sflag:$0x9], $0x1000, $0x38;
	[tilespmem:$0x17A00] =	vst v63  }
0x78: {  	_ =	swait.ge [sflag:s13], $0x1000  }
0x79: {  	[sflag:s13] =	ssyncset.done $0x0  }
0x7a: {  	s10 =	rddreg [dreg:$0x1e];
	[sflag:s13] =	ssyncadd.s32 $0xFFFFF000  }
0x7b: {  	[spmem:s10] =	stream.linear.scatter [tilespmem:s14], [sflag:$0x9], $0x1000, $0x38;
	[tilespmem:$0x17A00] =	vst v63  }
0x7c: {  	_ =	swait.ge [sflag:s13], $0x1000  }
0x7d: {  	[sflag:s13] =	ssyncset.done $0x0  }
0x7e: {  	s11 =	rddreg [dreg:$0x1f];
	[sflag:s13] =	ssyncadd.s32 $0xFFFFF000  }
0x7f: {  	[spmem:s11] =	stream.linear.scatter [tilespmem:s14], [sflag:$0x9], $0x1000, $0x38;
	[tilespmem:$0x17A00] =	vst v63  }
0x80: {  	_ =	swait.ge [sflag:s13], $0x1000  }
0x81: {  	[sflag:s13] =	ssyncset.done $0x0  }
0x82: {  	[sflag:s13] =	ssyncadd.s32 $0xFFFFF000  }
0x83: {  	s8 =	sadd.s32 $0x0, s21;
	[bflag:$0x0] =	sbarrier.arrive $0xFFFF  }
0x84: {  	[tilespmem:s4], [sflag:$0x1] =	stream.linear.gather [hbm4b:s8+s4], $0x50, $0x38;
	[tilespmem:$0x17A00] =	vst v63  }
0x85: {  	s9 =	sadd.s32 $0x0, s20  }
0x86: {  	[tilespmem:s22], [sflag:$0x2] =	stream.linear.gather [hbm4b:s9+s4], $0x50, $0x38;
	[tilespmem:$0x17A00] =	vst v63  }
0x87: {  	s10 =	sadd.s32 $0x0, s19  }
0x88: {  	[tilespmem:s23], [sflag:$0x3] =	stream.linear.gather [hbm4b:s10+s4], $0x50, $0x38;
	[tilespmem:$0x17A00] =	vst v63  }
0x89: {  	s11 =	sadd.s32 $0x0, s18  }
0x8a: {  	[tilespmem:s24], [sflag:$0x4] =	stream.linear.gather [hbm4b:s11+s4], $0x50, $0x38;
	[tilespmem:$0x17A00] =	vst v63  }
0x8b: {  	_ =	swait.ge [sflag:s25], $0x50  }
0x8c: {  	[sflag:s25] =	ssyncset.done $0x0  }
0x8d: {  	[sflag:s25] =	ssyncadd.s32 $0xFFFFFFB0  }
0x8e: {  	[spmem:s3] =	stream.indirect.scatter.add.f32 [tilespmem:s12], [sflag:$0x5], $0x80, s4, s26, $0xb8;
	[tilespmem:$0x17A00] =	vst v63  }
0x8f: {  	_ =	swait.ge [sflag:s28], $0x50  }
0x90: {  	[sflag:s28] =	ssyncset.done $0x0  }
0x91: {  	[sflag:s28] =	ssyncadd.s32 $0xFFFFFFB0  }
0x92: {  	[spmem:s3] =	stream.indirect.scatter.add.f32 [tilespmem:s12], [sflag:$0x6], $0x80, s22, s26, $0xb8;
	[tilespmem:$0x17A00] =	vst v63  }
0x93: {  	_ =	swait.ge [sflag:s29], $0x50  }
0x94: {  	[sflag:s29] =	ssyncset.done $0x0  }
0x95: {  	[sflag:s29] =	ssyncadd.s32 $0xFFFFFFB0  }
0x96: {  	[spmem:s3] =	stream.indirect.scatter.add.f32 [tilespmem:s12], [sflag:$0x7], $0x80, s23, s26, $0xb8;
	[tilespmem:$0x17A00] =	vst v63  }
0x97: {  	_ =	swait.ge [sflag:s30], $0x50  }
0x98: {  	[sflag:s30] =	ssyncset.done $0x0  }
0x99: {  	[sflag:s30] =	ssyncadd.s32 $0xFFFFFFB0  }
0x9a: {  	[spmem:s3] =	stream.indirect.scatter.add.f32 [tilespmem:s12], [sflag:$0x8], $0x80, s24, s26, $0xb8;
	[tilespmem:$0x17A00] =	vst v63  }
0x9b: {  	_ =	swait.ge [sflag:s31], $0x2800  }
0x9c: {  	[sflag:s31] =	ssyncset.done $0x0  }
0x9d: {  	s8 =	sadd.s32 $0x0, s17;
	[sflag:s31] =	ssyncadd.s32 $0xFFFFD800  }
0x9e: {  	[tilespmem:s4], [sflag:$0x1] =	stream.linear.gather [hbm4b:s8+s4], $0x50, $0x38;
	[tilespmem:$0x17A00] =	vst v63  }
0x9f: {  	_ =	swait.ge [sflag:s0], $0x2800  }
0xa0: {  	[sflag:s0] =	ssyncset.done $0x0  }
0xa1: {  	s9 =	sadd.s32 $0x0, s16;
	[sflag:s0] =	ssyncadd.s32 $0xFFFFD800  }
0xa2: {  	[tilespmem:s22], [sflag:$0x2] =	stream.linear.gather [hbm4b:s9+s4], $0x50, $0x38;
	[tilespmem:$0x17A00] =	vst v63  }
0xa3: {  	_ =	swait.ge [sflag:s1], $0x2800  }
0xa4: {  	[sflag:s1] =	ssyncset.done $0x0  }
0xa5: {  	s10 =	sadd.s32 $0x0, s15;
	[sflag:s1] =	ssyncadd.s32 $0xFFFFD800  }
0xa6: {  	[tilespmem:s23], [sflag:$0x3] =	stream.linear.gather [hbm4b:s10+s4], $0x50, $0x38;
	[tilespmem:$0x17A00] =	vst v63  }
0xa7: {  	_ =	swait.ge [sflag:s2], $0x2800  }
0xa8: {  	s11 =	rddreg [dreg:$0x4];
	[sflag:s2] =	ssyncset.done $0x0  }
0xa9: {  	[sflag:s2] =	ssyncadd.s32 $0xFFFFD800;
	s7 =	sadd.s32 $0x0, s11  }
0xaa: {  	[tilespmem:s24], [sflag:$0x4] =	stream.linear.gather [hbm4b:s7+s4], $0x50, $0x38;
	[tilespmem:$0x17A00] =	vst v63  }
0xab: {  	_ =	swait.ge [sflag:s25], $0x50  }
0xac: {  	[sflag:s25] =	ssyncset.done $0x0  }
0xad: {  	[sflag:s25] =	ssyncadd.s32 $0xFFFFFFB0  }
0xae: {  	[spmem:s3] =	stream.indirect.scatter.add.f32 [tilespmem:s12], [sflag:$0x5], $0x80, s4, s26, $0xb8;
	[tilespmem:$0x17A00] =	vst v63  }
0xaf: {  	_ =	swait.ge [sflag:s28], $0x50  }
0xb0: {  	[sflag:s28] =	ssyncset.done $0x0  }
0xb1: {  	[sflag:s28] =	ssyncadd.s32 $0xFFFFFFB0  }
0xb2: {  	[spmem:s3] =	stream.indirect.scatter.add.f32 [tilespmem:s12], [sflag:$0x6], $0x80, s22, s26, $0xb8;
	[tilespmem:$0x17A00] =	vst v63  }
0xb3: {  	_ =	swait.ge [sflag:s29], $0x50  }
0xb4: {  	[sflag:s29] =	ssyncset.done $0x0  }
0xb5: {  	[sflag:s29] =	ssyncadd.s32 $0xFFFFFFB0  }
0xb6: {  	[spmem:s3] =	stream.indirect.scatter.add.f32 [tilespmem:s12], [sflag:$0x7], $0x80, s23, s26, $0xb8;
	[tilespmem:$0x17A00] =	vst v63  }
0xb7: {  	_ =	swait.ge [sflag:s30], $0x50  }
0xb8: {  	[sflag:s30] =	ssyncset.done $0x0  }
0xb9: {  	[sflag:s30] =	ssyncadd.s32 $0xFFFFFFB0  }
0xba: {  	[spmem:s3] =	stream.indirect.scatter.add.f32 [tilespmem:s12], [sflag:$0x8], $0x80, s24, s26, $0xb8;
	[tilespmem:$0x17A00] =	vst v63  }
0xbb: {  	_ =	swait.ge [sflag:s31], $0x2800  }
0xbc: {  	[sflag:s31] =	ssyncset.done $0x0  }
0xbd: {  	[sflag:s31] =	ssyncadd.s32 $0xFFFFD800  }
0xbe: {  	_ =	swait.ge [sflag:s0], $0x2800  }
0xbf: {  	[sflag:s0] =	ssyncset.done $0x0  }
0xc0: {  	[sflag:s0] =	ssyncadd.s32 $0xFFFFD800  }
0xc1: {  	_ =	swait.ge [sflag:s1], $0x2800  }
0xc2: {  	[sflag:s1] =	ssyncset.done $0x0  }
0xc3: {  	[sflag:s1] =	ssyncadd.s32 $0xFFFFD800  }
0xc4: {  	_ =	swait.ge [sflag:s2], $0x2800  }
0xc5: {  	s8 =	simm.s32 $0xA0;
	s7 =	simm.s32 $0x50;
	[sflag:s2] =	ssyncset.done $0x0  }
.LBB2_2:
0xc6: {  	s11 =	sadd.s32 s7, s21;
	[sflag:s2] =	ssyncadd.s32 $0xFFFFD800  }
0xc7: {  	[tilespmem:s4], [sflag:$0x1] =	stream.linear.gather [hbm4b:s11+s4], $0x50, $0x38;
	[tilespmem:$0x17A00] =	vst v63  }
0xc8: {  	s11 =	sadd.s32 s7, s20  }
0xc9: {  	[tilespmem:s22], [sflag:$0x2] =	stream.linear.gather [hbm4b:s11+s4], $0x50, $0x38;
	[tilespmem:$0x17A00] =	vst v63  }
0xca: {  	s11 =	sadd.s32 s7, s19  }
0xcb: {  	[tilespmem:s23], [sflag:$0x3] =	stream.linear.gather [hbm4b:s11+s4], $0x50, $0x38;
	[tilespmem:$0x17A00] =	vst v63  }
0xcc: {  	s11 =	sadd.s32 s7, s18  }
0xcd: {  	[tilespmem:s24], [sflag:$0x4] =	stream.linear.gather [hbm4b:s11+s4], $0x50, $0x38;
	[tilespmem:$0x17A00] =	vst v63  }
0xce: {  	_ =	swait.ge [sflag:s25], $0x50  }
0xcf: {  	[sflag:s25] =	ssyncset.done $0x0  }
0xd0: {  	[sflag:s25] =	ssyncadd.s32 $0xFFFFFFB0  }
0xd1: {  	[spmem:s3] =	stream.indirect.scatter.add.f32 [tilespmem:s12], [sflag:$0x5], $0x80, s4, s26, $0xb8;
	[tilespmem:$0x17A00] =	vst v63  }
0xd2: {  	_ =	swait.ge [sflag:s28], $0x50  }
0xd3: {  	[sflag:s28] =	ssyncset.done $0x0  }
0xd4: {  	[sflag:s28] =	ssyncadd.s32 $0xFFFFFFB0  }
0xd5: {  	[spmem:s3] =	stream.indirect.scatter.add.f32 [tilespmem:s12], [sflag:$0x6], $0x80, s22, s26, $0xb8;
	[tilespmem:$0x17A00] =	vst v63  }
0xd6: {  	_ =	swait.ge [sflag:s29], $0x50  }
0xd7: {  	[sflag:s29] =	ssyncset.done $0x0  }
0xd8: {  	[sflag:s29] =	ssyncadd.s32 $0xFFFFFFB0  }
0xd9: {  	[spmem:s3] =	stream.indirect.scatter.add.f32 [tilespmem:s12], [sflag:$0x7], $0x80, s23, s26, $0xb8;
	[tilespmem:$0x17A00] =	vst v63  }
0xda: {  	_ =	swait.ge [sflag:s30], $0x50  }
0xdb: {  	[sflag:s30] =	ssyncset.done $0x0  }
0xdc: {  	[sflag:s30] =	ssyncadd.s32 $0xFFFFFFB0  }
0xdd: {  	[spmem:s3] =	stream.indirect.scatter.add.f32 [tilespmem:s12], [sflag:$0x8], $0x80, s24, s26, $0xb8;
	[tilespmem:$0x17A00] =	vst v63  }
0xde: {  	_ =	swait.ge [sflag:s31], $0x2800  }
0xdf: {  	[sflag:s31] =	ssyncset.done $0x0  }
0xe0: {  	s11 =	sadd.s32 s7, s17;
	[sflag:s31] =	ssyncadd.s32 $0xFFFFD800  }
0xe1: {  	[tilespmem:s4], [sflag:$0x1] =	stream.linear.gather [hbm4b:s11+s4], $0x50, $0x38;
	[tilespmem:$0x17A00] =	vst v63  }
0xe2: {  	_ =	swait.ge [sflag:s0], $0x2800  }
0xe3: {  	[sflag:s0] =	ssyncset.done $0x0  }
0xe4: {  	s11 =	sadd.s32 s7, s16;
	[sflag:s0] =	ssyncadd.s32 $0xFFFFD800  }
0xe5: {  	[tilespmem:s22], [sflag:$0x2] =	stream.linear.gather [hbm4b:s11+s4], $0x50, $0x38;
	[tilespmem:$0x17A00] =	vst v63  }
0xe6: {  	_ =	swait.ge [sflag:s1], $0x2800  }
0xe7: {  	[sflag:s1] =	ssyncset.done $0x0  }
0xe8: {  	s11 =	sadd.s32 s7, s15;
	[sflag:s1] =	ssyncadd.s32 $0xFFFFD800  }
0xe9: {  	[tilespmem:s23], [sflag:$0x3] =	stream.linear.gather [hbm4b:s11+s4], $0x50, $0x38;
	[tilespmem:$0x17A00] =	vst v63  }
0xea: {  	s9 =	smov.u32 s8;
	_ =	swait.ge [sflag:s2], $0x2800  }
0xeb: {  	s10 =	sadd.s32 $0x50, s8;
	s11 =	rddreg [dreg:$0x4];
	[sflag:s2] =	ssyncset.done $0x0  }
0xec: {  	p0 =	sne.s32 s8, $0x460;
	[sflag:s2] =	ssyncadd.s32 $0xFFFFD800;
	s8 =	sadd.s32 s7, s11  }
0xed: {  	[tilespmem:s24], [sflag:$0x4] =	stream.linear.gather [hbm4b:s8+s4], $0x50, $0x38;
	[tilespmem:$0x17A00] =	vst v63  }
0xee: {  	_ =	swait.ge [sflag:s25], $0x50  }
0xef: {  	[sflag:s25] =	ssyncset.done $0x0  }
0xf0: {  	[sflag:s25] =	ssyncadd.s32 $0xFFFFFFB0  }
0xf1: {  	[spmem:s3] =	stream.indirect.scatter.add.f32 [tilespmem:s12], [sflag:$0x5], $0x80, s4, s26, $0xb8;
	[tilespmem:$0x17A00] =	vst v63  }
0xf2: {  	_ =	swait.ge [sflag:s28], $0x50  }
0xf3: {  	[sflag:s28] =	ssyncset.done $0x0  }
0xf4: {  	[sflag:s28] =	ssyncadd.s32 $0xFFFFFFB0  }
0xf5: {  	[spmem:s3] =	stream.indirect.scatter.add.f32 [tilespmem:s12], [sflag:$0x6], $0x80, s22, s26, $0xb8;
	[tilespmem:$0x17A00] =	vst v63  }
0xf6: {  	_ =	swait.ge [sflag:s29], $0x50  }
0xf7: {  	[sflag:s29] =	ssyncset.done $0x0  }
0xf8: {  	[sflag:s29] =	ssyncadd.s32 $0xFFFFFFB0  }
0xf9: {  	[spmem:s3] =	stream.indirect.scatter.add.f32 [tilespmem:s12], [sflag:$0x7], $0x80, s23, s26, $0xb8;
	[tilespmem:$0x17A00] =	vst v63  }
0xfa: {  	_ =	swait.ge [sflag:s30], $0x50  }
0xfb: {  	[sflag:s30] =	ssyncset.done $0x0  }
0xfc: {  	[sflag:s30] =	ssyncadd.s32 $0xFFFFFFB0  }
0xfd: {  	[spmem:s3] =	stream.indirect.scatter.add.f32 [tilespmem:s12], [sflag:$0x8], $0x80, s24, s26, $0xb8;
	[tilespmem:$0x17A00] =	vst v63  }
0xfe: {  	_ =	swait.ge [sflag:s31], $0x2800  }
0xff: {  	[sflag:s31] =	ssyncset.done $0x0  }
0x100: {  	[sflag:s31] =	ssyncadd.s32 $0xFFFFD800  }
0x101: {  	_ =	swait.ge [sflag:s0], $0x2800  }
0x102: {  	[sflag:s0] =	ssyncset.done $0x0  }
0x103: {  	[sflag:s0] =	ssyncadd.s32 $0xFFFFD800  }
.Ltmp0:
0x104: {  	_ =	swait.ge [sflag:s1], $0x2800;
	(pc) =	sbr.rel @p0 .LBB2_2-.Ltmp0, $4  }
0x105: {  	[sflag:s1] =	ssyncset.done $0x0  }
0x106: {  	[sflag:s1] =	ssyncadd.s32 $0xFFFFD800  }
0x107: {  	_ =	swait.ge [sflag:s2], $0x2800  }
0x108: {  	s7 =	smov.u32 s9;
	s8 =	smov.u32 s10;
	[sflag:s2] =	ssyncset.done $0x0  }
0x109: {  	s8 =	sadd.s32 s7, s21;
	[sflag:s2] =	ssyncadd.s32 $0xFFFFD800  }
0x10a: {  	[tilespmem:s4], [sflag:$0x1] =	stream.linear.gather [hbm4b:s8+s4], $0x50, $0x38;
	[tilespmem:$0x17A00] =	vst v63  }
0x10b: {  	s10 =	sadd.s32 s7, s20  }
0x10c: {  	[tilespmem:s22], [sflag:$0x2] =	stream.linear.gather [hbm4b:s10+s4], $0x50, $0x38;
	[tilespmem:$0x17A00] =	vst v63  }
0x10d: {  	s11 =	sadd.s32 s7, s19  }
0x10e: {  	[tilespmem:s23], [sflag:$0x3] =	stream.linear.gather [hbm4b:s11+s4], $0x50, $0x38;
	[tilespmem:$0x17A00] =	vst v63  }
0x10f: {  	s9 =	sadd.s32 s7, s18  }
0x110: {  	[tilespmem:s24], [sflag:$0x4] =	stream.linear.gather [hbm4b:s9+s4], $0x50, $0x38;
	[tilespmem:$0x17A00] =	vst v63  }
0x111: {  	_ =	swait.ge [sflag:s25], $0x50  }
0x112: {  	[sflag:s25] =	ssyncset.done $0x0  }
0x113: {  	[sflag:s25] =	ssyncadd.s32 $0xFFFFFFB0  }
0x114: {  	[spmem:s3] =	stream.indirect.scatter.add.f32 [tilespmem:s12], [sflag:$0x5], $0x80, s4, s26, $0xb8;
	[tilespmem:$0x17A00] =	vst v63  }
0x115: {  	_ =	swait.ge [sflag:s28], $0x50  }
0x116: {  	[sflag:s28] =	ssyncset.done $0x0  }
0x117: {  	[sflag:s28] =	ssyncadd.s32 $0xFFFFFFB0  }
0x118: {  	[spmem:s3] =	stream.indirect.scatter.add.f32 [tilespmem:s12], [sflag:$0x6], $0x80, s22, s26, $0xb8;
	[tilespmem:$0x17A00] =	vst v63  }
0x119: {  	_ =	swait.ge [sflag:s29], $0x50  }
0x11a: {  	[sflag:s29] =	ssyncset.done $0x0  }
0x11b: {  	[sflag:s29] =	ssyncadd.s32 $0xFFFFFFB0  }
0x11c: {  	[spmem:s3] =	stream.indirect.scatter.add.f32 [tilespmem:s12], [sflag:$0x7], $0x80, s23, s26, $0xb8;
	[tilespmem:$0x17A00] =	vst v63  }
0x11d: {  	_ =	swait.ge [sflag:s30], $0x50  }
0x11e: {  	[sflag:s30] =	ssyncset.done $0x0  }
0x11f: {  	[sflag:s30] =	ssyncadd.s32 $0xFFFFFFB0  }
0x120: {  	[spmem:s3] =	stream.indirect.scatter.add.f32 [tilespmem:s12], [sflag:$0x8], $0x80, s24, s26, $0xb8;
	[tilespmem:$0x17A00] =	vst v63  }
0x121: {  	_ =	swait.ge [sflag:s31], $0x2800  }
0x122: {  	[sflag:s31] =	ssyncset.done $0x0  }
0x123: {  	s10 =	sadd.s32 s7, s17;
	[sflag:s31] =	ssyncadd.s32 $0xFFFFD800  }
0x124: {  	[tilespmem:s4], [sflag:$0x1] =	stream.linear.gather [hbm4b:s10+s4], $0x50, $0x38;
	[tilespmem:$0x17A00] =	vst v63  }
0x125: {  	_ =	swait.ge [sflag:s0], $0x2800  }
0x126: {  	[sflag:s0] =	ssyncset.done $0x0  }
0x127: {  	s11 =	sadd.s32 s7, s16;
	[sflag:s0] =	ssyncadd.s32 $0xFFFFD800  }
0x128: {  	[tilespmem:s22], [sflag:$0x2] =	stream.linear.gather [hbm4b:s11+s4], $0x50, $0x38;
	[tilespmem:$0x17A00] =	vst v63  }
0x129: {  	_ =	swait.ge [sflag:s1], $0x2800  }
0x12a: {  	[sflag:s1] =	ssyncset.done $0x0  }
0x12b: {  	s9 =	sadd.s32 s7, s15;
	[sflag:s1] =	ssyncadd.s32 $0xFFFFD800  }
0x12c: {  	[tilespmem:s23], [sflag:$0x3] =	stream.linear.gather [hbm4b:s9+s4], $0x50, $0x38;
	[tilespmem:$0x17A00] =	vst v63  }
0x12d: {  	_ =	swait.ge [sflag:s2], $0x2800  }
0x12e: {  	s10 =	rddreg [dreg:$0x4];
	[sflag:s2] =	ssyncset.done $0x0  }
0x12f: {  	[sflag:s2] =	ssyncadd.s32 $0xFFFFD800;
	s11 =	sadd.s32 s7, s10  }
0x130: {  	[tilespmem:s24], [sflag:$0x4] =	stream.linear.gather [hbm4b:s11+s4], $0x50, $0x38;
	[tilespmem:$0x17A00] =	vst v63  }
0x131: {  	_ =	swait.ge [sflag:s25], $0x50  }
0x132: {  	[sflag:s25] =	ssyncset.done $0x0  }
0x133: {  	[sflag:s25] =	ssyncadd.s32 $0xFFFFFFB0  }
0x134: {  	[spmem:s3] =	stream.indirect.scatter.add.f32 [tilespmem:s12], [sflag:$0x5], $0x80, s4, s26, $0xb8;
	[tilespmem:$0x17A00] =	vst v63  }
0x135: {  	_ =	swait.ge [sflag:s28], $0x50  }
0x136: {  	[sflag:s28] =	ssyncset.done $0x0  }
0x137: {  	[sflag:s28] =	ssyncadd.s32 $0xFFFFFFB0  }
0x138: {  	[spmem:s3] =	stream.indirect.scatter.add.f32 [tilespmem:s12], [sflag:$0x6], $0x80, s22, s26, $0xb8;
	[tilespmem:$0x17A00] =	vst v63  }
0x139: {  	_ =	swait.ge [sflag:s29], $0x50  }
0x13a: {  	[sflag:s29] =	ssyncset.done $0x0  }
0x13b: {  	[sflag:s29] =	ssyncadd.s32 $0xFFFFFFB0  }
0x13c: {  	[spmem:s3] =	stream.indirect.scatter.add.f32 [tilespmem:s12], [sflag:$0x7], $0x80, s23, s26, $0xb8;
	[tilespmem:$0x17A00] =	vst v63  }
0x13d: {  	_ =	swait.ge [sflag:s30], $0x50  }
0x13e: {  	[sflag:s30] =	ssyncset.done $0x0  }
0x13f: {  	[sflag:s30] =	ssyncadd.s32 $0xFFFFFFB0  }
0x140: {  	[spmem:s3] =	stream.indirect.scatter.add.f32 [tilespmem:s12], [sflag:$0x8], $0x80, s24, s26, $0xb8;
	[tilespmem:$0x17A00] =	vst v63  }
0x141: {  	_ =	swait.ge [sflag:s31], $0x2800  }
0x142: {  	[sflag:s31] =	ssyncset.done $0x0  }
0x143: {  	[sflag:s31] =	ssyncadd.s32 $0xFFFFD800  }
0x144: {  	_ =	swait.ge [sflag:s0], $0x2800  }
0x145: {  	[sflag:s0] =	ssyncset.done $0x0  }
0x146: {  	[sflag:s0] =	ssyncadd.s32 $0xFFFFD800  }
0x147: {  	_ =	swait.ge [sflag:s1], $0x2800  }
0x148: {  	[sflag:s1] =	ssyncset.done $0x0  }
0x149: {  	[sflag:s1] =	ssyncadd.s32 $0xFFFFD800  }
0x14a: {  	_ =	swait.ge [sflag:s2], $0x2800  }
0x14b: {  	[sflag:s2] =	ssyncset.done $0x0  }
0x14c: {  	s8 =	rddreg [dreg:$0xb];
	[sflag:s2] =	ssyncadd.s32 $0xFFFFD800  }
0x14d: {  	[tilespmem:s4], [sflag:$0x1] =	stream.linear.gather [hbm4b:s8+s4], $0x50, $0x38;
	[tilespmem:$0x17A00] =	vst v63  }
0x14e: {  	_ =	swait.ge [sflag:s25], $0x50  }
0x14f: {  	[sflag:s25] =	ssyncset.done $0x0  }
0x150: {  	[sflag:s25] =	ssyncadd.s32 $0xFFFFFFB0  }
0x151: {  	[spmem:s3] =	stream.indirect.scatter.add.f32 [tilespmem:s12], [sflag:$0x5], $0x80, s4, s26, $0xb8;
	[tilespmem:$0x17A00] =	vst v63  }
0x152: {  	_ =	swait.ge [sflag:s31], $0x2800  }
0x153: {  	[sflag:s31] =	ssyncset.done $0x0  }
0x154: {  	s9 =	rddreg [dreg:$0xc];
	[sflag:s31] =	ssyncadd.s32 $0xFFFFD800  }
0x155: {  	[tilespmem:s4], [sflag:$0x1] =	stream.linear.gather [hbm4b:s9+s4], $0x50, $0x38;
	[tilespmem:$0x17A00] =	vst v63  }
0x156: {  	_ =	swait.ge [sflag:s25], $0x50  }
0x157: {  	[sflag:s25] =	ssyncset.done $0x0  }
0x158: {  	[sflag:s25] =	ssyncadd.s32 $0xFFFFFFB0  }
0x159: {  	[spmem:s3] =	stream.indirect.scatter.add.f32 [tilespmem:s12], [sflag:$0x5], $0x80, s4, s26, $0xb8;
	[tilespmem:$0x17A00] =	vst v63  }
0x15a: {  	_ =	swait.ge [sflag:s31], $0x2800  }
0x15b: {  	[sflag:s31] =	ssyncset.done $0x0  }
0x15c: {  	s10 =	rddreg [dreg:$0xd];
	[sflag:s31] =	ssyncadd.s32 $0xFFFFD800  }
0x15d: {  	[tilespmem:s4], [sflag:$0x1] =	stream.linear.gather [hbm4b:s10+s4], $0x50, $0x38;
	[tilespmem:$0x17A00] =	vst v63  }
0x15e: {  	_ =	swait.ge [sflag:s25], $0x50  }
0x15f: {  	[sflag:s25] =	ssyncset.done $0x0  }
0x160: {  	[sflag:s25] =	ssyncadd.s32 $0xFFFFFFB0  }
0x161: {  	[spmem:s3] =	stream.indirect.scatter.add.f32 [tilespmem:s12], [sflag:$0x5], $0x80, s4, s26, $0xb8;
	[tilespmem:$0x17A00] =	vst v63  }
0x162: {  	_ =	swait.ge [sflag:s31], $0x2800  }
0x163: {  	[sflag:s31] =	ssyncset.done $0x0  }
0x164: {  	s11 =	rddreg [dreg:$0xe];
	[sflag:s31] =	ssyncadd.s32 $0xFFFFD800  }
0x165: {  	[tilespmem:s4], [sflag:$0x1] =	stream.linear.gather [hbm4b:s11+s4], $0x50, $0x38;
	[tilespmem:$0x17A00] =	vst v63  }
0x166: {  	_ =	swait.ge [sflag:s25], $0x50  }
0x167: {  	[sflag:s25] =	ssyncset.done $0x0  }
0x168: {  	[sflag:s25] =	ssyncadd.s32 $0xFFFFFFB0  }
0x169: {  	[spmem:s3] =	stream.indirect.scatter.add.f32 [tilespmem:s12], [sflag:$0x5], $0x80, s4, s26, $0xb8;
	[tilespmem:$0x17A00] =	vst v63  }
0x16a: {  	_ =	swait.ge [sflag:s31], $0x2800  }
0x16b: {  	[sflag:s31] =	ssyncset.done $0x0  }
0x16c: {  	s8 =	rddreg [dreg:$0xf];
	[sflag:s31] =	ssyncadd.s32 $0xFFFFD800  }
0x16d: {  	[tilespmem:s4], [sflag:$0x1] =	stream.linear.gather [hbm4b:s8+s4], $0x50, $0x38;
	[tilespmem:$0x17A00] =	vst v63  }
0x16e: {  	_ =	swait.ge [sflag:s25], $0x50  }
0x16f: {  	[sflag:s25] =	ssyncset.done $0x0  }
0x170: {  	[sflag:s25] =	ssyncadd.s32 $0xFFFFFFB0  }
0x171: {  	[spmem:s3] =	stream.indirect.scatter.add.f32 [tilespmem:s12], [sflag:$0x5], $0x80, s4, s26, $0xb8;
	[tilespmem:$0x17A00] =	vst v63  }
0x172: {  	_ =	swait.ge [sflag:s31], $0x2800  }
0x173: {  	[sflag:s31] =	ssyncset.done $0x0  }
0x174: {  	s9 =	stileid.u32;
	[sflag:s31] =	ssyncadd.s32 $0xFFFFD800  }
0x175: {  	s7 =	sshll.u32 s9, $0x6;
	[bflag:$0x0] =	sbarrier.arrive $0xFFFF  }
0x176: {  	s7 =	sor.u32 $0x1C09, s7;
	s10 =	sshrl.u32 s6, $0x3;
	s9 =	rddreg [dreg:$0x10]  }
0x177: {  	[hbm:s9], [sflag:s7] =	dma.local [spmem:s10], $0x2800  }
0x178: {  	_ =	swait.ge [sflag:s13], $0x2800  }
0x179: {  	s5 =	sadd.s32 $0x1, s5;
	s11 =	rddreg [dreg:$0x11]  }
0x17a: {  	p0 =	sne.s32 s5, s11  }
.Ltmp1:
0x17b: {  	_ = 	snop;
	(pc) =	sbr.rel @p0 .LBB2_1-.Ltmp1, $3  }
0x17c: {  	_ =	sdelay $0x1  }
0x17d: {  	[sflag:s13] =	ssyncset.done $0x0  }
0x17e: {  	[sflag:s13] =	ssyncadd.s32 $0xFFFFD800  }
0x17f: {  	_ =	sfence.sel $0x180000  }
0x180: {  	[bflag:$0x0] =	sbarrier.arrive $0xFFFF  }
0x181: {  	_ =	strace $0x90000047  }
0x182: {  	s0 =	stileid.u32;
	[bflag:$0x2] =	sbarrier.arrive $0xFFFF  }
0x183: {  	p0 =	sne.s32 s0, $0x0;
	s0 =	rddreg [dreg:$0x3]  }
0x184: {  	s0 =	sadd.s32 @!p0 $0x100000, s0  }
0x185: {  	[sflag:s0] =	ssyncadd.tile.s32 @!p0 $0x1;
	_ =	shalt  }
.Lfunc_end2:
_tile_overlayer_lowered:
.L_overlay_start_2:
0x186: {  	(tag) =	ssettag $0x2  }
0x187: {  	s0 =	rddreg [dreg:$0x0];
	s2 =	stileid.u32  }
0x188: {  	s1 =	rddreg [dreg:$0x1];
	p0 =	sne.s32 s2, $0x0  }
0x189: {  	s3 =	rddreg [dreg:$0x2];
	[bflag:$0x3] =	sbarrier.arrive $0xFFFF;
	s2 =	simm.s32 @!p0 $0x1C09  }
0x18a: {  	[timem:s3], [sflag:s2] =	dma.local @!p0 [hbm:s0], s1  }
0x18b: {  	s0 =	simm.s32 @!p0 $0x9  }
0x18c: {  	_ =	swait.ge @!p0 [sflag:s0], s1  }
0x18d: {  	s1 =	ssub.s32 @!p0 $0x0, s1;
	[sflag:s0] =	ssyncset.done @!p0 $0x0  }
0x18e: {  	[sflag:s0] =	ssyncadd.s32 @!p0 s1  }
0x18f: {  	[bflag:$0x3] =	sbarrier.arrive $0xFFFF  }
0x190: {  	_ =	shalt  }

</sc_bundles>
